<compile_context>
chip_gen: v7x
topology: tpu7x:2x2x1
jax: 0.10.2.dev20260603
libtpu: 0.0.44.dev20260713+nightly
codegen_flags: <defaults>
</compile_context>

<pallas_src>
import functools

import jax
import jax.numpy as jnp
from jax import lax
from jax.experimental import pallas as pl
from jax.experimental.pallas import tpu as pltpu
from jax.experimental.pallas import tpu_sc as plsc


def _lookup_kernel(NI, NJ, D, CH):
    info = plsc.get_sparse_core_info()
    NC, NS = info.num_cores, info.num_subcores
    NW = NC * NS
    NB_I = NI // CH
    per_w = NB_I // NW
    n_sub = per_w * NJ
    W = CH * NJ
    PITCH = CH + 1
    assert NI % CH == 0 and NB_I % NW == 0 and n_sub % 4 == 0 and D % 16 == 0
    mesh = plsc.VectorSubcoreMesh(core_axis_name="c", subcore_axis_name="s")

    @functools.partial(
        pl.kernel,
        out_type=jax.ShapeDtypeStruct((NJ, D // 8, NB_I, 8, CH), jnp.float32),
        mesh=mesh,
        scratch_types=[
            pltpu.VMEM((W,), jnp.int32),
            pltpu.VMEM((CH,), jnp.int32),
            pltpu.VMEM((CH,), jnp.int32),
            pltpu.VMEM((CH,), jnp.int32),
            pltpu.VMEM((CH,), jnp.int32),
            pltpu.VMEM((4, CH, D), jnp.float32),
            pltpu.VMEM((2, D, PITCH), jnp.float32),
            pltpu.SemaphoreType.DMA,
            pltpu.SemaphoreType.DMA,
            pltpu.SemaphoreType.DMA,
            pltpu.SemaphoreType.DMA,
            pltpu.SemaphoreType.DMA,
            pltpu.SemaphoreType.DMA,
        ],
        compiler_params=pltpu.CompilerParams(
            use_tc_tiling_on_sc=False, needs_layout_passes=False),
    )
    def k(idx1d, t64, out, win, p0, p1, p2, p3, grows, oblk,
          g0, g1, g2, g3, s0, s1):
        wid = lax.axis_index("s") * NC + lax.axis_index("c")
        prefs = (p0, p1, p2, p3)
        gsems = (g0, g1, g2, g3)
        ssems = (s0, s1)
        lanes = lax.iota(jnp.int32, 16)
        lanesj = lanes * NJ

        def decode(n):
            m = n // NJ
            j = n - m * NJ
            return j, wid + m * NW

        def prep(n, s):
            j, ib = decode(n)

            @pl.when(j == 0)
            def _():
                pltpu.sync_copy(idx1d.at[pl.ds(ib * W, W)], win)

            pref = prefs[s]
            for g in range(CH // 16):
                v = plsc.load_gather(win, [lanesj + (g * 16 * NJ + j)])
                pref[pl.ds(g * 16, 16)] = v
            pltpu.async_copy(t64.at[pref], grows.at[s], gsems[s])

        def gather_wait(s):
            pltpu.make_async_copy(
                t64.at[prefs[s]], grows.at[s], gsems[s]).wait()

        def transpose(s, so):
            gref = grows.at[s]
            oref = oblk.at[so]

            @pl.loop(0, CH // 4)
            def _(kq):
                k0 = kq * 4
                ksplat0 = jnp.full((16,), k0, jnp.int32)
                for r in range(4):
                    ksplat = ksplat0 + r
                    for c in range(D // 16):
                        v = gref[k0 + r, pl.ds(c * 16, 16)]
                        plsc.store_scatter(oref, [lanes + c * 16, ksplat], v)

        def store_start(n, s):
            j, ib = decode(n)
            for tr in range(D // 8):
                pltpu.make_async_copy(
                    oblk.at[s, pl.ds(8 * tr, 8), pl.ds(0, CH)],
                    out.at[j, tr, ib], ssems[s]).start()

        def store_wait(s):
            for tr in range(D // 8):
                pltpu.make_async_copy(
                    oblk.at[s, pl.ds(8 * tr, 8), pl.ds(0, CH)],
                    out.at[0, tr, 0], ssems[s]).wait()

        prep(0, 0)
        prep(1, 1)
        prep(2, 2)

        @pl.loop(0, n_sub // 4)
        def _(q):
            for r in range(4):
                n = 4 * q + r
                so = r & 1
                gather_wait(r)

                @pl.when(n >= 2)
                def _():
                    store_wait(so)

                transpose(r, so)
                store_start(n, so)

                @pl.when(n + 3 < n_sub)
                def _():
                    prep(n + 3, (r + 3) % 4)

        store_wait(0)
        store_wait(1)

    return k


@jax.jit
def kernel(data, table):
    NI, NJ = data.shape
    V, D = table.shape
    idx1d = data.reshape(NI * NJ)
    CH = 128
    out_t = _lookup_kernel(NI, NJ, D, CH)(idx1d, table)
    out_phys = out_t.transpose(0, 1, 3, 2, 4).reshape(NJ, D, NI)
    return out_phys.transpose(2, 0, 1)

# --- scband reference (transcript-rebuilt; emitter-appended) ---
"""Pipeline reference for scband-word2-vec-47528108098317 (READ-ONLY COPY).

The authoritative reference and input builder live on the scoring server;
editing this copy changes nothing except your own understanding.
"""

import jax, jax.numpy as jnp
import numpy as np

VOCAB = 1000000
EMBED = 64

def setup_inputs(seed: int = 0) -> dict:
    key = jax.random.key(seed)
    k1, k2 = jax.random.split(key)
    data = jax.random.randint(k1, (16384, 50), 0, VOCAB, dtype=jnp.int64 if jax.config.jax_enable_x64 else jnp.int32).astype(jnp.int32)
    # ent_vectors weight: row 0 zeros (padding_idx), rest uniform(-0.5/E, 0.5/E)
    rest = jax.random.uniform(k2, (VOCAB - 1, EMBED), minval=-0.5 / EMBED, maxval=0.5 / EMBED, dtype=jnp.float32)
    table = jnp.concatenate([jnp.zeros((1, EMBED), dtype=jnp.float32), rest], axis=0)
    return {"data": data, "table": table}

def reference(data, table):
    # Word2Vec.forward -> forward_i: embedding lookup with padding_idx=0
    t = table.at[0].set(0.0)
    return jnp.take(t, data, axis=0)

if __name__ == "__main__":
    import jax
    _d = setup_inputs()
    print(jax.jit(kernel)(*tuple(_d.values())))

</pallas_src>

<mosaic_0001>
#map = affine_map<(d0, d1) -> (0)>
#map1 = affine_map<(d0, d1) -> (0, 0)>
#map2 = affine_map<(d0, d1) -> (0, 0, 0, 0, 0)>
module attributes {stable_mosaic.version = 14 : i64} {
  func.func @k(%arg0: i32, %arg1: i32, %arg2: memref<819200xi32, #tpu.memory_space<hbm>>, %arg3: memref<1000000x64xf32, #tpu.memory_space<hbm>>, %arg4: memref<50x8x128x8x128xf32, #tpu.memory_space<hbm>>, %arg5: memref<6400xi32, #tpu.memory_space<vmem>>, %arg6: memref<128xi32, #tpu.memory_space<vmem>>, %arg7: memref<128xi32, #tpu.memory_space<vmem>>, %arg8: memref<128xi32, #tpu.memory_space<vmem>>, %arg9: memref<128xi32, #tpu.memory_space<vmem>>, %arg10: memref<4x128x64xf32, #tpu.memory_space<vmem>>, %arg11: memref<2x64x129xf32, #tpu.memory_space<vmem>>, %arg12: memref<!tpu.dma_semaphore, #tpu.memory_space<semaphore_mem>>, %arg13: memref<!tpu.dma_semaphore, #tpu.memory_space<semaphore_mem>>, %arg14: memref<!tpu.dma_semaphore, #tpu.memory_space<semaphore_mem>>, %arg15: memref<!tpu.dma_semaphore, #tpu.memory_space<semaphore_mem>>, %arg16: memref<!tpu.dma_semaphore, #tpu.memory_space<semaphore_mem>>, %arg17: memref<!tpu.dma_semaphore, #tpu.memory_space<semaphore_mem>>) attributes {dimension_semantics = [#tpu.dimension_semantics<core_parallel>, #tpu.dimension_semantics<subcore_parallel>], iteration_bounds = array<i64: 2, 16>, scalar_prefetch = 0 : i64, scratch_operands = 13 : i64, tpu.core_type = #tpu.core_type<sc_vector_subcore>, window_params = [{transform_indices = #map}, {transform_indices = #map1}, {transform_indices = #map2}]} {
    %mul3A = arith.constant 2 : i32
    %mul3A_0 = arith.muli %arg1, %mul3A : i32
    %add3A = arith.addi %mul3A_0, %arg0 : i32
    %iota3A = tpu.iota {dimensions = array<i32: 0>} : vector<16xi32>
    %mul3A_1 = arith.constant 50 : i32
    %mul3A_2 = vector.broadcast %mul3A_1 : i32 to vector<16xi32>
    %mul3A_3 = arith.muli %iota3A, %mul3A_2 : vector<16xi32>
    %add3A_4 = arith.constant 0 : i32
    %add3A_5 = arith.addi %add3A, %add3A_4 : i32
    %mul3A_6 = arith.constant 6400 : i32
    %mul3A_7 = arith.muli %add3A_5, %mul3A_6 : i32
    "tpu.region"() ({
      %run_scoped3A = tpu.sem_alloc : memref<!tpu.dma_semaphore, #tpu.memory_space<semaphore_mem>>
      %dma_start3A_500 = tpu.memref_slice %arg2[%mul3A_7] : memref<819200xi32, #tpu.memory_space<hbm>> -> memref<6400xi32, #tpu.memory_space<hbm>>
      %dma_start3A_501 = tpu.memref_slice %arg2[%mul3A_7] : memref<819200xi32, #tpu.memory_space<hbm>> -> memref<6400xi32, #tpu.memory_space<hbm>>
      tpu.enqueue_dma source(%dma_start3A_501 : memref<6400xi32, #tpu.memory_space<hbm>>) target(%arg5 : memref<6400xi32, #tpu.memory_space<vmem>>) target_semaphore(%run_scoped3A : memref<!tpu.dma_semaphore, #tpu.memory_space<semaphore_mem>>)
      %dma_wait3A_502 = tpu.memref_slice %arg2[%mul3A_7] : memref<819200xi32, #tpu.memory_space<hbm>> -> memref<6400xi32, #tpu.memory_space<hbm>>
      %dma_wait3A_503 = tpu.memref_slice %arg2[%mul3A_7] : memref<819200xi32, #tpu.memory_space<hbm>> -> memref<6400xi32, #tpu.memory_space<hbm>>
      tpu.wait_dma2 semaphore(%run_scoped3A : memref<!tpu.dma_semaphore, #tpu.memory_space<semaphore_mem>>) src(%dma_wait3A_503 : memref<6400xi32, #tpu.memory_space<hbm>>) dst(%arg5 : memref<6400xi32, #tpu.memory_space<vmem>>)
      tpu.yield
    }) : () -> ()
    %add3A_8 = arith.constant 0 : i32
    %add3A_9 = vector.broadcast %add3A_8 : i32 to vector<16xi32>
    %add3A_10 = arith.addi %mul3A_3, %add3A_9 : vector<16xi32>
    %gather3A = tpu.vector_load_idx %arg5[%add3A_10] : memref<6400xi32, #tpu.memory_space<vmem>>[vector<16xi32>], vector<16xi32>,
    %swap3A = arith.constant 0 : index
    %swap3A_11 = tpu.vector_load %arg6[%swap3A] {strides = array<i32>} : memref<128xi32, #tpu.memory_space<vmem>>, vector<16xi32>,
    tpu.vector_store %arg6[%swap3A], %gather3A {strides = array<i32>} : memref<128xi32, #tpu.memory_space<vmem>>, vector<16xi32>,
    %add3A_12 = arith.constant 800 : i32
    %add3A_13 = vector.broadcast %add3A_12 : i32 to vector<16xi32>
    %add3A_14 = arith.addi %mul3A_3, %add3A_13 : vector<16xi32>
    %gather3A_15 = tpu.vector_load_idx %arg5[%add3A_14] : memref<6400xi32, #tpu.memory_space<vmem>>[vector<16xi32>], vector<16xi32>,
    %swap3A_16 = arith.constant 16 : index
    %swap3A_17 = tpu.vector_load %arg6[%swap3A_16] {strides = array<i32>} : memref<128xi32, #tpu.memory_space<vmem>>, vector<16xi32>,
    tpu.vector_store %arg6[%swap3A_16], %gather3A_15 {strides = array<i32>} : memref<128xi32, #tpu.memory_space<vmem>>, vector<16xi32>,
    %add3A_18 = arith.constant 1600 : i32
    %add3A_19 = vector.broadcast %add3A_18 : i32 to vector<16xi32>
    %add3A_20 = arith.addi %mul3A_3, %add3A_19 : vector<16xi32>
    %gather3A_21 = tpu.vector_load_idx %arg5[%add3A_20] : memref<6400xi32, #tpu.memory_space<vmem>>[vector<16xi32>], vector<16xi32>,
    %swap3A_22 = arith.constant 32 : index
    %swap3A_23 = tpu.vector_load %arg6[%swap3A_22] {strides = array<i32>} : memref<128xi32, #tpu.memory_space<vmem>>, vector<16xi32>,
    tpu.vector_store %arg6[%swap3A_22], %gather3A_21 {strides = array<i32>} : memref<128xi32, #tpu.memory_space<vmem>>, vector<16xi32>,
    %add3A_24 = arith.constant 2400 : i32
    %add3A_25 = vector.broadcast %add3A_24 : i32 to vector<16xi32>
    %add3A_26 = arith.addi %mul3A_3, %add3A_25 : vector<16xi32>
    %gather3A_27 = tpu.vector_load_idx %arg5[%add3A_26] : memref<6400xi32, #tpu.memory_space<vmem>>[vector<16xi32>], vector<16xi32>,
    %swap3A_28 = arith.constant 48 : index
    %swap3A_29 = tpu.vector_load %arg6[%swap3A_28] {strides = array<i32>} : memref<128xi32, #tpu.memory_space<vmem>>, vector<16xi32>,
    tpu.vector_store %arg6[%swap3A_28], %gather3A_27 {strides = array<i32>} : memref<128xi32, #tpu.memory_space<vmem>>, vector<16xi32>,
    %add3A_30 = arith.constant 3200 : i32
    %add3A_31 = vector.broadcast %add3A_30 : i32 to vector<16xi32>
    %add3A_32 = arith.addi %mul3A_3, %add3A_31 : vector<16xi32>
    %gather3A_33 = tpu.vector_load_idx %arg5[%add3A_32] : memref<6400xi32, #tpu.memory_space<vmem>>[vector<16xi32>], vector<16xi32>,
    %swap3A_34 = arith.constant 64 : index
    %swap3A_35 = tpu.vector_load %arg6[%swap3A_34] {strides = array<i32>} : memref<128xi32, #tpu.memory_space<vmem>>, vector<16xi32>,
    tpu.vector_store %arg6[%swap3A_34], %gather3A_33 {strides = array<i32>} : memref<128xi32, #tpu.memory_space<vmem>>, vector<16xi32>,
    %add3A_36 = arith.constant 4000 : i32
    %add3A_37 = vector.broadcast %add3A_36 : i32 to vector<16xi32>
    %add3A_38 = arith.addi %mul3A_3, %add3A_37 : vector<16xi32>
    %gather3A_39 = tpu.vector_load_idx %arg5[%add3A_38] : memref<6400xi32, #tpu.memory_space<vmem>>[vector<16xi32>], vector<16xi32>,
    %swap3A_40 = arith.constant 80 : index
    %swap3A_41 = tpu.vector_load %arg6[%swap3A_40] {strides = array<i32>} : memref<128xi32, #tpu.memory_space<vmem>>, vector<16xi32>,
    tpu.vector_store %arg6[%swap3A_40], %gather3A_39 {strides = array<i32>} : memref<128xi32, #tpu.memory_space<vmem>>, vector<16xi32>,
    %add3A_42 = arith.constant 4800 : i32
    %add3A_43 = vector.broadcast %add3A_42 : i32 to vector<16xi32>
    %add3A_44 = arith.addi %mul3A_3, %add3A_43 : vector<16xi32>
    %gather3A_45 = tpu.vector_load_idx %arg5[%add3A_44] : memref<6400xi32, #tpu.memory_space<vmem>>[vector<16xi32>], vector<16xi32>,
    %swap3A_46 = arith.constant 96 : index
    %swap3A_47 = tpu.vector_load %arg6[%swap3A_46] {strides = array<i32>} : memref<128xi32, #tpu.memory_space<vmem>>, vector<16xi32>,
    tpu.vector_store %arg6[%swap3A_46], %gather3A_45 {strides = array<i32>} : memref<128xi32, #tpu.memory_space<vmem>>, vector<16xi32>,
    %add3A_48 = arith.constant 5600 : i32
    %add3A_49 = vector.broadcast %add3A_48 : i32 to vector<16xi32>
    %add3A_50 = arith.addi %mul3A_3, %add3A_49 : vector<16xi32>
    %gather3A_51 = tpu.vector_load_idx %arg5[%add3A_50] : memref<6400xi32, #tpu.memory_space<vmem>>[vector<16xi32>], vector<16xi32>,
    %swap3A_52 = arith.constant 112 : index
    %swap3A_53 = tpu.vector_load %arg6[%swap3A_52] {strides = array<i32>} : memref<128xi32, #tpu.memory_space<vmem>>, vector<16xi32>,
    tpu.vector_store %arg6[%swap3A_52], %gather3A_51 {strides = array<i32>} : memref<128xi32, #tpu.memory_space<vmem>>, vector<16xi32>,
    %dma_start3A = arith.constant 0 : i32
    %dma_start3A_54 = arith.constant 0 : i32
    %dma_start3A_55 = arith.constant 0 : i32
    %dma_start3A_56 = tpu.memref_slice %arg10[%dma_start3A, %dma_start3A_54, %dma_start3A_55] : memref<4x128x64xf32, #tpu.memory_space<vmem>> -> memref<1x128x64xf32, #tpu.memory_space<vmem>>
    %dma_start3A_57 = tpu.memref_squeeze %dma_start3A_56 : memref<1x128x64xf32, #tpu.memory_space<vmem>> -> memref<128x64xf32, #tpu.memory_space<vmem>>
    %dma_start3A_58 = arith.constant 0 : i32
    %dma_start3A_59 = arith.constant 0 : i32
    %dma_start3A_60 = tpu.memref_slice %arg3[%dma_start3A_58, %dma_start3A_59] : memref<1000000x64xf32, #tpu.memory_space<hbm>> -> memref<1000000x64xf32, #tpu.memory_space<hbm>>
    tpu.enqueue_indirect_dma source(%dma_start3A_60 : memref<1000000x64xf32, #tpu.memory_space<hbm>>) target(%dma_start3A_57 : memref<128x64xf32, #tpu.memory_space<vmem>>) offsets(%arg6 : memref<128xi32, #tpu.memory_space<vmem>>) semaphore(%arg12 : memref<!tpu.dma_semaphore, #tpu.memory_space<semaphore_mem>>)
    %add3A_61 = arith.constant 0 : i32
    %add3A_62 = arith.addi %add3A, %add3A_61 : i32
    %add3A_63 = arith.constant 1 : i32
    %add3A_64 = vector.broadcast %add3A_63 : i32 to vector<16xi32>
    %add3A_65 = arith.addi %mul3A_3, %add3A_64 : vector<16xi32>
    %gather3A_66 = tpu.vector_load_idx %arg5[%add3A_65] : memref<6400xi32, #tpu.memory_space<vmem>>[vector<16xi32>], vector<16xi32>,
    %swap3A_67 = arith.constant 0 : index
    %swap3A_68 = tpu.vector_load %arg7[%swap3A_67] {strides = array<i32>} : memref<128xi32, #tpu.memory_space<vmem>>, vector<16xi32>,
    tpu.vector_store %arg7[%swap3A_67], %gather3A_66 {strides = array<i32>} : memref<128xi32, #tpu.memory_space<vmem>>, vector<16xi32>,
    %add3A_69 = arith.constant 801 : i32
    %add3A_70 = vector.broadcast %add3A_69 : i32 to vector<16xi32>
    %add3A_71 = arith.addi %mul3A_3, %add3A_70 : vector<16xi32>
    %gather3A_72 = tpu.vector_load_idx %arg5[%add3A_71] : memref<6400xi32, #tpu.memory_space<vmem>>[vector<16xi32>], vector<16xi32>,
    %swap3A_73 = arith.constant 16 : index
    %swap3A_74 = tpu.vector_load %arg7[%swap3A_73] {strides = array<i32>} : memref<128xi32, #tpu.memory_space<vmem>>, vector<16xi32>,
    tpu.vector_store %arg7[%swap3A_73], %gather3A_72 {strides = array<i32>} : memref<128xi32, #tpu.memory_space<vmem>>, vector<16xi32>,
    %add3A_75 = arith.constant 1601 : i32
    %add3A_76 = vector.broadcast %add3A_75 : i32 to vector<16xi32>
    %add3A_77 = arith.addi %mul3A_3, %add3A_76 : vector<16xi32>
    %gather3A_78 = tpu.vector_load_idx %arg5[%add3A_77] : memref<6400xi32, #tpu.memory_space<vmem>>[vector<16xi32>], vector<16xi32>,
    %swap3A_79 = arith.constant 32 : index
    %swap3A_80 = tpu.vector_load %arg7[%swap3A_79] {strides = array<i32>} : memref<128xi32, #tpu.memory_space<vmem>>, vector<16xi32>,
    tpu.vector_store %arg7[%swap3A_79], %gather3A_78 {strides = array<i32>} : memref<128xi32, #tpu.memory_space<vmem>>, vector<16xi32>,
    %add3A_81 = arith.constant 2401 : i32
    %add3A_82 = vector.broadcast %add3A_81 : i32 to vector<16xi32>
    %add3A_83 = arith.addi %mul3A_3, %add3A_82 : vector<16xi32>
    %gather3A_84 = tpu.vector_load_idx %arg5[%add3A_83] : memref<6400xi32, #tpu.memory_space<vmem>>[vector<16xi32>], vector<16xi32>,
    %swap3A_85 = arith.constant 48 : index
    %swap3A_86 = tpu.vector_load %arg7[%swap3A_85] {strides = array<i32>} : memref<128xi32, #tpu.memory_space<vmem>>, vector<16xi32>,
    tpu.vector_store %arg7[%swap3A_85], %gather3A_84 {strides = array<i32>} : memref<128xi32, #tpu.memory_space<vmem>>, vector<16xi32>,
    %add3A_87 = arith.constant 3201 : i32
    %add3A_88 = vector.broadcast %add3A_87 : i32 to vector<16xi32>
    %add3A_89 = arith.addi %mul3A_3, %add3A_88 : vector<16xi32>
    %gather3A_90 = tpu.vector_load_idx %arg5[%add3A_89] : memref<6400xi32, #tpu.memory_space<vmem>>[vector<16xi32>], vector<16xi32>,
    %swap3A_91 = arith.constant 64 : index
    %swap3A_92 = tpu.vector_load %arg7[%swap3A_91] {strides = array<i32>} : memref<128xi32, #tpu.memory_space<vmem>>, vector<16xi32>,
    tpu.vector_store %arg7[%swap3A_91], %gather3A_90 {strides = array<i32>} : memref<128xi32, #tpu.memory_space<vmem>>, vector<16xi32>,
    %add3A_93 = arith.constant 4001 : i32
    %add3A_94 = vector.broadcast %add3A_93 : i32 to vector<16xi32>
    %add3A_95 = arith.addi %mul3A_3, %add3A_94 : vector<16xi32>
    %gather3A_96 = tpu.vector_load_idx %arg5[%add3A_95] : memref<6400xi32, #tpu.memory_space<vmem>>[vector<16xi32>], vector<16xi32>,
    %swap3A_97 = arith.constant 80 : index
    %swap3A_98 = tpu.vector_load %arg7[%swap3A_97] {strides = array<i32>} : memref<128xi32, #tpu.memory_space<vmem>>, vector<16xi32>,
    tpu.vector_store %arg7[%swap3A_97], %gather3A_96 {strides = array<i32>} : memref<128xi32, #tpu.memory_space<vmem>>, vector<16xi32>,
    %add3A_99 = arith.constant 4801 : i32
    %add3A_100 = vector.broadcast %add3A_99 : i32 to vector<16xi32>
    %add3A_101 = arith.addi %mul3A_3, %add3A_100 : vector<16xi32>
    %gather3A_102 = tpu.vector_load_idx %arg5[%add3A_101] : memref<6400xi32, #tpu.memory_space<vmem>>[vector<16xi32>], vector<16xi32>,
    %swap3A_103 = arith.constant 96 : index
    %swap3A_104 = tpu.vector_load %arg7[%swap3A_103] {strides = array<i32>} : memref<128xi32, #tpu.memory_space<vmem>>, vector<16xi32>,
    tpu.vector_store %arg7[%swap3A_103], %gather3A_102 {strides = array<i32>} : memref<128xi32, #tpu.memory_space<vmem>>, vector<16xi32>,
    %add3A_105 = arith.constant 5601 : i32
    %add3A_106 = vector.broadcast %add3A_105 : i32 to vector<16xi32>
    %add3A_107 = arith.addi %mul3A_3, %add3A_106 : vector<16xi32>
    %gather3A_108 = tpu.vector_load_idx %arg5[%add3A_107] : memref<6400xi32, #tpu.memory_space<vmem>>[vector<16xi32>], vector<16xi32>,
    %swap3A_109 = arith.constant 112 : index
    %swap3A_110 = tpu.vector_load %arg7[%swap3A_109] {strides = array<i32>} : memref<128xi32, #tpu.memory_space<vmem>>, vector<16xi32>,
    tpu.vector_store %arg7[%swap3A_109], %gather3A_108 {strides = array<i32>} : memref<128xi32, #tpu.memory_space<vmem>>, vector<16xi32>,
    %dma_start3A_111 = arith.constant 1 : i32
    %dma_start3A_112 = arith.constant 0 : i32
    %dma_start3A_113 = arith.constant 0 : i32
    %dma_start3A_114 = tpu.memref_slice %arg10[%dma_start3A_111, %dma_start3A_112, %dma_start3A_113] : memref<4x128x64xf32, #tpu.memory_space<vmem>> -> memref<1x128x64xf32, #tpu.memory_space<vmem>>
    %dma_start3A_115 = tpu.memref_squeeze %dma_start3A_114 : memref<1x128x64xf32, #tpu.memory_space<vmem>> -> memref<128x64xf32, #tpu.memory_space<vmem>>
    %dma_start3A_116 = arith.constant 0 : i32
    %dma_start3A_117 = arith.constant 0 : i32
    %dma_start3A_118 = tpu.memref_slice %arg3[%dma_start3A_116, %dma_start3A_117] : memref<1000000x64xf32, #tpu.memory_space<hbm>> -> memref<1000000x64xf32, #tpu.memory_space<hbm>>
    tpu.enqueue_indirect_dma source(%dma_start3A_118 : memref<1000000x64xf32, #tpu.memory_space<hbm>>) target(%dma_start3A_115 : memref<128x64xf32, #tpu.memory_space<vmem>>) offsets(%arg7 : memref<128xi32, #tpu.memory_space<vmem>>) semaphore(%arg13 : memref<!tpu.dma_semaphore, #tpu.memory_space<semaphore_mem>>)
    %add3A_119 = arith.constant 0 : i32
    %add3A_120 = arith.addi %add3A, %add3A_119 : i32
    %add3A_121 = arith.constant 2 : i32
    %add3A_122 = vector.broadcast %add3A_121 : i32 to vector<16xi32>
    %add3A_123 = arith.addi %mul3A_3, %add3A_122 : vector<16xi32>
    %gather3A_124 = tpu.vector_load_idx %arg5[%add3A_123] : memref<6400xi32, #tpu.memory_space<vmem>>[vector<16xi32>], vector<16xi32>,
    %swap3A_125 = arith.constant 0 : index
    %swap3A_126 = tpu.vector_load %arg8[%swap3A_125] {strides = array<i32>} : memref<128xi32, #tpu.memory_space<vmem>>, vector<16xi32>,
    tpu.vector_store %arg8[%swap3A_125], %gather3A_124 {strides = array<i32>} : memref<128xi32, #tpu.memory_space<vmem>>, vector<16xi32>,
    %add3A_127 = arith.constant 802 : i32
    %add3A_128 = vector.broadcast %add3A_127 : i32 to vector<16xi32>
    %add3A_129 = arith.addi %mul3A_3, %add3A_128 : vector<16xi32>
    %gather3A_130 = tpu.vector_load_idx %arg5[%add3A_129] : memref<6400xi32, #tpu.memory_space<vmem>>[vector<16xi32>], vector<16xi32>,
    %swap3A_131 = arith.constant 16 : index
    %swap3A_132 = tpu.vector_load %arg8[%swap3A_131] {strides = array<i32>} : memref<128xi32, #tpu.memory_space<vmem>>, vector<16xi32>,
    tpu.vector_store %arg8[%swap3A_131], %gather3A_130 {strides = array<i32>} : memref<128xi32, #tpu.memory_space<vmem>>, vector<16xi32>,
    %add3A_133 = arith.constant 1602 : i32
    %add3A_134 = vector.broadcast %add3A_133 : i32 to vector<16xi32>
    %add3A_135 = arith.addi %mul3A_3, %add3A_134 : vector<16xi32>
    %gather3A_136 = tpu.vector_load_idx %arg5[%add3A_135] : memref<6400xi32, #tpu.memory_space<vmem>>[vector<16xi32>], vector<16xi32>,
    %swap3A_137 = arith.constant 32 : index
    %swap3A_138 = tpu.vector_load %arg8[%swap3A_137] {strides = array<i32>} : memref<128xi32, #tpu.memory_space<vmem>>, vector<16xi32>,
    tpu.vector_store %arg8[%swap3A_137], %gather3A_136 {strides = array<i32>} : memref<128xi32, #tpu.memory_space<vmem>>, vector<16xi32>,
    %add3A_139 = arith.constant 2402 : i32
    %add3A_140 = vector.broadcast %add3A_139 : i32 to vector<16xi32>
    %add3A_141 = arith.addi %mul3A_3, %add3A_140 : vector<16xi32>
    %gather3A_142 = tpu.vector_load_idx %arg5[%add3A_141] : memref<6400xi32, #tpu.memory_space<vmem>>[vector<16xi32>], vector<16xi32>,
    %swap3A_143 = arith.constant 48 : index
    %swap3A_144 = tpu.vector_load %arg8[%swap3A_143] {strides = array<i32>} : memref<128xi32, #tpu.memory_space<vmem>>, vector<16xi32>,
    tpu.vector_store %arg8[%swap3A_143], %gather3A_142 {strides = array<i32>} : memref<128xi32, #tpu.memory_space<vmem>>, vector<16xi32>,
    %add3A_145 = arith.constant 3202 : i32
    %add3A_146 = vector.broadcast %add3A_145 : i32 to vector<16xi32>
    %add3A_147 = arith.addi %mul3A_3, %add3A_146 : vector<16xi32>
    %gather3A_148 = tpu.vector_load_idx %arg5[%add3A_147] : memref<6400xi32, #tpu.memory_space<vmem>>[vector<16xi32>], vector<16xi32>,
    %swap3A_149 = arith.constant 64 : index
    %swap3A_150 = tpu.vector_load %arg8[%swap3A_149] {strides = array<i32>} : memref<128xi32, #tpu.memory_space<vmem>>, vector<16xi32>,
    tpu.vector_store %arg8[%swap3A_149], %gather3A_148 {strides = array<i32>} : memref<128xi32, #tpu.memory_space<vmem>>, vector<16xi32>,
    %add3A_151 = arith.constant 4002 : i32
    %add3A_152 = vector.broadcast %add3A_151 : i32 to vector<16xi32>
    %add3A_153 = arith.addi %mul3A_3, %add3A_152 : vector<16xi32>
    %gather3A_154 = tpu.vector_load_idx %arg5[%add3A_153] : memref<6400xi32, #tpu.memory_space<vmem>>[vector<16xi32>], vector<16xi32>,
    %swap3A_155 = arith.constant 80 : index
    %swap3A_156 = tpu.vector_load %arg8[%swap3A_155] {strides = array<i32>} : memref<128xi32, #tpu.memory_space<vmem>>, vector<16xi32>,
    tpu.vector_store %arg8[%swap3A_155], %gather3A_154 {strides = array<i32>} : memref<128xi32, #tpu.memory_space<vmem>>, vector<16xi32>,
    %add3A_157 = arith.constant 4802 : i32
    %add3A_158 = vector.broadcast %add3A_157 : i32 to vector<16xi32>
    %add3A_159 = arith.addi %mul3A_3, %add3A_158 : vector<16xi32>
    %gather3A_160 = tpu.vector_load_idx %arg5[%add3A_159] : memref<6400xi32, #tpu.memory_space<vmem>>[vector<16xi32>], vector<16xi32>,
    %swap3A_161 = arith.constant 96 : index
    %swap3A_162 = tpu.vector_load %arg8[%swap3A_161] {strides = array<i32>} : memref<128xi32, #tpu.memory_space<vmem>>, vector<16xi32>,
    tpu.vector_store %arg8[%swap3A_161], %gather3A_160 {strides = array<i32>} : memref<128xi32, #tpu.memory_space<vmem>>, vector<16xi32>,
    %add3A_163 = arith.constant 5602 : i32
    %add3A_164 = vector.broadcast %add3A_163 : i32 to vector<16xi32>
    %add3A_165 = arith.addi %mul3A_3, %add3A_164 : vector<16xi32>
    %gather3A_166 = tpu.vector_load_idx %arg5[%add3A_165] : memref<6400xi32, #tpu.memory_space<vmem>>[vector<16xi32>], vector<16xi32>,
    %swap3A_167 = arith.constant 112 : index
    %swap3A_168 = tpu.vector_load %arg8[%swap3A_167] {strides = array<i32>} : memref<128xi32, #tpu.memory_space<vmem>>, vector<16xi32>,
    tpu.vector_store %arg8[%swap3A_167], %gather3A_166 {strides = array<i32>} : memref<128xi32, #tpu.memory_space<vmem>>, vector<16xi32>,
    %dma_start3A_169 = arith.constant 2 : i32
    %dma_start3A_170 = arith.constant 0 : i32
    %dma_start3A_171 = arith.constant 0 : i32
    %dma_start3A_172 = tpu.memref_slice %arg10[%dma_start3A_169, %dma_start3A_170, %dma_start3A_171] : memref<4x128x64xf32, #tpu.memory_space<vmem>> -> memref<1x128x64xf32, #tpu.memory_space<vmem>>
    %dma_start3A_173 = tpu.memref_squeeze %dma_start3A_172 : memref<1x128x64xf32, #tpu.memory_space<vmem>> -> memref<128x64xf32, #tpu.memory_space<vmem>>
    %dma_start3A_174 = arith.constant 0 : i32
    %dma_start3A_175 = arith.constant 0 : i32
    %dma_start3A_176 = tpu.memref_slice %arg3[%dma_start3A_174, %dma_start3A_175] : memref<1000000x64xf32, #tpu.memory_space<hbm>> -> memref<1000000x64xf32, #tpu.memory_space<hbm>>
    tpu.enqueue_indirect_dma source(%dma_start3A_176 : memref<1000000x64xf32, #tpu.memory_space<hbm>>) target(%dma_start3A_173 : memref<128x64xf32, #tpu.memory_space<vmem>>) offsets(%arg8 : memref<128xi32, #tpu.memory_space<vmem>>) semaphore(%arg14 : memref<!tpu.dma_semaphore, #tpu.memory_space<semaphore_mem>>)
    %scan3A = arith.constant 0 : i32
    %scan3A_177 = arith.constant 50 : i32
    %scan3A_178 = arith.addi %scan3A, %scan3A_177 : i32
    %scan3A_179 = arith.constant 1 : i32
    scf.for %scan3A_500 = %scan3A to %scan3A_178 step %scan3A_179  : i32 {
      %mul3A_501 = arith.constant 1 : i32
      %mul3A_502 = arith.muli %scan3A_500, %mul3A_501 : i32
      %add3A_503 = arith.constant 0 : i32
      %add3A_504 = arith.addi %add3A_503, %mul3A_502 : i32
      %mul3A_505 = arith.constant 4 : i32
      %mul3A_506 = arith.muli %mul3A_505, %add3A_504 : i32
      %add3A_507 = arith.constant 0 : i32
      %add3A_508 = arith.addi %mul3A_506, %add3A_507 : i32
      %dma_wait3A_509 = arith.constant 0 : i32
      %dma_wait3A_510 = arith.constant 0 : i32
      %dma_wait3A_511 = arith.constant 0 : i32
      %dma_wait3A_512 = tpu.memref_slice %arg10[%dma_wait3A_509, %dma_wait3A_510, %dma_wait3A_511] : memref<4x128x64xf32, #tpu.memory_space<vmem>> -> memref<1x128x64xf32, #tpu.memory_space<vmem>>
      %dma_wait3A_513 = tpu.memref_squeeze %dma_wait3A_512 : memref<1x128x64xf32, #tpu.memory_space<vmem>> -> memref<128x64xf32, #tpu.memory_space<vmem>>
      %dma_wait3A_514 = arith.constant 0 : i32
      %dma_wait3A_515 = arith.constant 0 : i32
      %dma_wait3A_516 = tpu.memref_slice %arg3[%dma_wait3A_514, %dma_wait3A_515] : memref<1000000x64xf32, #tpu.memory_space<hbm>> -> memref<1000000x64xf32, #tpu.memory_space<hbm>>
      tpu.wait_indirect_dma semaphore(%arg12 : memref<!tpu.dma_semaphore, #tpu.memory_space<semaphore_mem>>) src(%dma_wait3A_516 : memref<1000000x64xf32, #tpu.memory_space<hbm>>) dst(%dma_wait3A_513 : memref<128x64xf32, #tpu.memory_space<vmem>>)
      %ge3A = arith.constant 2 : i32
      %ge3A_517 = arith.cmpi sge, %add3A_508, %ge3A : i32
      %convert_element_type3A = arith.extui %ge3A_517 : i1 to i32
      %cond3A = arith.constant 0 : i32
      %cond3A_518 = arith.cmpi ne, %convert_element_type3A, %cond3A : i32
      scf.if %cond3A_518 {
        %dma_wait3A_1313 = arith.constant 0 : i32
        %dma_wait3A_1314 = arith.constant 0 : i32
        %dma_wait3A_1315 = arith.constant 0 : i32
        %dma_wait3A_1316 = arith.constant 0 : i32
        %dma_wait3A_1317 = arith.constant 0 : i32
        %dma_wait3A_1318 = arith.constant 0 : i32
        %dma_wait3A_1319 = tpu.memref_slice %arg11[%dma_wait3A_1313, %dma_wait3A_1317, %dma_wait3A_1318] : memref<2x64x129xf32, #tpu.memory_space<vmem>> -> memref<1x8x128xf32, #tpu.memory_space<vmem>>
        %dma_wait3A_1320 = tpu.memref_squeeze %dma_wait3A_1319 : memref<1x8x128xf32, #tpu.memory_space<vmem>> -> memref<8x128xf32, #tpu.memory_space<vmem>>
        %dma_wait3A_1321 = arith.constant 0 : i32
        %dma_wait3A_1322 = arith.constant 0 : i32
        %dma_wait3A_1323 = tpu.memref_slice %arg4[%dma_wait3A_1314, %dma_wait3A_1315, %dma_wait3A_1316, %dma_wait3A_1321, %dma_wait3A_1322] : memref<50x8x128x8x128xf32, #tpu.memory_space<hbm>> -> memref<1x1x1x8x128xf32, #tpu.memory_space<hbm>>
        %dma_wait3A_1324 = tpu.memref_squeeze %dma_wait3A_1323 : memref<1x1x1x8x128xf32, #tpu.memory_space<hbm>> -> memref<8x128xf32, #tpu.memory_space<hbm>>
        %dma_wait3A_1325 = arith.constant 0 : i32
        %dma_wait3A_1326 = arith.constant 0 : i32
        %dma_wait3A_1327 = tpu.memref_slice %arg4[%dma_wait3A_1314, %dma_wait3A_1315, %dma_wait3A_1316, %dma_wait3A_1325, %dma_wait3A_1326] : memref<50x8x128x8x128xf32, #tpu.memory_space<hbm>> -> memref<1x1x1x8x128xf32, #tpu.memory_space<hbm>>
        %dma_wait3A_1328 = tpu.memref_squeeze %dma_wait3A_1327 : memref<1x1x1x8x128xf32, #tpu.memory_space<hbm>> -> memref<8x128xf32, #tpu.memory_space<hbm>>
        %dma_wait3A_1329 = arith.constant 0 : i32
        %dma_wait3A_1330 = arith.constant 0 : i32
        %dma_wait3A_1331 = tpu.memref_slice %arg11[%dma_wait3A_1313, %dma_wait3A_1329, %dma_wait3A_1330] : memref<2x64x129xf32, #tpu.memory_space<vmem>> -> memref<1x8x128xf32, #tpu.memory_space<vmem>>
        %dma_wait3A_1332 = tpu.memref_squeeze %dma_wait3A_1331 : memref<1x8x128xf32, #tpu.memory_space<vmem>> -> memref<8x128xf32, #tpu.memory_space<vmem>>
        tpu.wait_dma2 semaphore(%arg16 : memref<!tpu.dma_semaphore, #tpu.memory_space<semaphore_mem>>) src(%dma_wait3A_1332 : memref<8x128xf32, #tpu.memory_space<vmem>>) dst(%dma_wait3A_1328 : memref<8x128xf32, #tpu.memory_space<hbm>>)
        %dma_wait3A_1333 = arith.constant 0 : i32
        %dma_wait3A_1334 = arith.constant 0 : i32
        %dma_wait3A_1335 = arith.constant 1 : i32
        %dma_wait3A_1336 = arith.constant 0 : i32
        %dma_wait3A_1337 = arith.constant 8 : i32
        %dma_wait3A_1338 = arith.constant 0 : i32
        %dma_wait3A_1339 = tpu.memref_slice %arg11[%dma_wait3A_1333, %dma_wait3A_1337, %dma_wait3A_1338] : memref<2x64x129xf32, #tpu.memory_space<vmem>> -> memref<1x8x128xf32, #tpu.memory_space<vmem>>
        %dma_wait3A_1340 = tpu.memref_squeeze %dma_wait3A_1339 : memref<1x8x128xf32, #tpu.memory_space<vmem>> -> memref<8x128xf32, #tpu.memory_space<vmem>>
        %dma_wait3A_1341 = arith.constant 0 : i32
        %dma_wait3A_1342 = arith.constant 0 : i32
        %dma_wait3A_1343 = tpu.memref_slice %arg4[%dma_wait3A_1334, %dma_wait3A_1335, %dma_wait3A_1336, %dma_wait3A_1341, %dma_wait3A_1342] : memref<50x8x128x8x128xf32, #tpu.memory_space<hbm>> -> memref<1x1x1x8x128xf32, #tpu.memory_space<hbm>>
        %dma_wait3A_1344 = tpu.memref_squeeze %dma_wait3A_1343 : memref<1x1x1x8x128xf32, #tpu.memory_space<hbm>> -> memref<8x128xf32, #tpu.memory_space<hbm>>
        %dma_wait3A_1345 = arith.constant 0 : i32
        %dma_wait3A_1346 = arith.constant 0 : i32
        %dma_wait3A_1347 = tpu.memref_slice %arg4[%dma_wait3A_1334, %dma_wait3A_1335, %dma_wait3A_1336, %dma_wait3A_1345, %dma_wait3A_1346] : memref<50x8x128x8x128xf32, #tpu.memory_space<hbm>> -> memref<1x1x1x8x128xf32, #tpu.memory_space<hbm>>
        %dma_wait3A_1348 = tpu.memref_squeeze %dma_wait3A_1347 : memref<1x1x1x8x128xf32, #tpu.memory_space<hbm>> -> memref<8x128xf32, #tpu.memory_space<hbm>>
        %dma_wait3A_1349 = arith.constant 8 : i32
        %dma_wait3A_1350 = arith.constant 0 : i32
        %dma_wait3A_1351 = tpu.memref_slice %arg11[%dma_wait3A_1333, %dma_wait3A_1349, %dma_wait3A_1350] : memref<2x64x129xf32, #tpu.memory_space<vmem>> -> memref<1x8x128xf32, #tpu.memory_space<vmem>>
        %dma_wait3A_1352 = tpu.memref_squeeze %dma_wait3A_1351 : memref<1x8x128xf32, #tpu.memory_space<vmem>> -> memref<8x128xf32, #tpu.memory_space<vmem>>
        tpu.wait_dma2 semaphore(%arg16 : memref<!tpu.dma_semaphore, #tpu.memory_space<semaphore_mem>>) src(%dma_wait3A_1352 : memref<8x128xf32, #tpu.memory_space<vmem>>) dst(%dma_wait3A_1348 : memref<8x128xf32, #tpu.memory_space<hbm>>)
        %dma_wait3A_1353 = arith.constant 0 : i32
        %dma_wait3A_1354 = arith.constant 0 : i32
        %dma_wait3A_1355 = arith.constant 2 : i32
        %dma_wait3A_1356 = arith.constant 0 : i32
        %dma_wait3A_1357 = arith.constant 16 : i32
        %dma_wait3A_1358 = arith.constant 0 : i32
        %dma_wait3A_1359 = tpu.memref_slice %arg11[%dma_wait3A_1353, %dma_wait3A_1357, %dma_wait3A_1358] : memref<2x64x129xf32, #tpu.memory_space<vmem>> -> memref<1x8x128xf32, #tpu.memory_space<vmem>>
        %dma_wait3A_1360 = tpu.memref_squeeze %dma_wait3A_1359 : memref<1x8x128xf32, #tpu.memory_space<vmem>> -> memref<8x128xf32, #tpu.memory_space<vmem>>
        %dma_wait3A_1361 = arith.constant 0 : i32
        %dma_wait3A_1362 = arith.constant 0 : i32
        %dma_wait3A_1363 = tpu.memref_slice %arg4[%dma_wait3A_1354, %dma_wait3A_1355, %dma_wait3A_1356, %dma_wait3A_1361, %dma_wait3A_1362] : memref<50x8x128x8x128xf32, #tpu.memory_space<hbm>> -> memref<1x1x1x8x128xf32, #tpu.memory_space<hbm>>
        %dma_wait3A_1364 = tpu.memref_squeeze %dma_wait3A_1363 : memref<1x1x1x8x128xf32, #tpu.memory_space<hbm>> -> memref<8x128xf32, #tpu.memory_space<hbm>>
        %dma_wait3A_1365 = arith.constant 0 : i32
        %dma_wait3A_1366 = arith.constant 0 : i32
        %dma_wait3A_1367 = tpu.memref_slice %arg4[%dma_wait3A_1354, %dma_wait3A_1355, %dma_wait3A_1356, %dma_wait3A_1365, %dma_wait3A_1366] : memref<50x8x128x8x128xf32, #tpu.memory_space<hbm>> -> memref<1x1x1x8x128xf32, #tpu.memory_space<hbm>>
        %dma_wait3A_1368 = tpu.memref_squeeze %dma_wait3A_1367 : memref<1x1x1x8x128xf32, #tpu.memory_space<hbm>> -> memref<8x128xf32, #tpu.memory_space<hbm>>
        %dma_wait3A_1369 = arith.constant 16 : i32
        %dma_wait3A_1370 = arith.constant 0 : i32
        %dma_wait3A_1371 = tpu.memref_slice %arg11[%dma_wait3A_1353, %dma_wait3A_1369, %dma_wait3A_1370] : memref<2x64x129xf32, #tpu.memory_space<vmem>> -> memref<1x8x128xf32, #tpu.memory_space<vmem>>
        %dma_wait3A_1372 = tpu.memref_squeeze %dma_wait3A_1371 : memref<1x8x128xf32, #tpu.memory_space<vmem>> -> memref<8x128xf32, #tpu.memory_space<vmem>>
        tpu.wait_dma2 semaphore(%arg16 : memref<!tpu.dma_semaphore, #tpu.memory_space<semaphore_mem>>) src(%dma_wait3A_1372 : memref<8x128xf32, #tpu.memory_space<vmem>>) dst(%dma_wait3A_1368 : memref<8x128xf32, #tpu.memory_space<hbm>>)
        %dma_wait3A_1373 = arith.constant 0 : i32
        %dma_wait3A_1374 = arith.constant 0 : i32
        %dma_wait3A_1375 = arith.constant 3 : i32
        %dma_wait3A_1376 = arith.constant 0 : i32
        %dma_wait3A_1377 = arith.constant 24 : i32
        %dma_wait3A_1378 = arith.constant 0 : i32
        %dma_wait3A_1379 = tpu.memref_slice %arg11[%dma_wait3A_1373, %dma_wait3A_1377, %dma_wait3A_1378] : memref<2x64x129xf32, #tpu.memory_space<vmem>> -> memref<1x8x128xf32, #tpu.memory_space<vmem>>
        %dma_wait3A_1380 = tpu.memref_squeeze %dma_wait3A_1379 : memref<1x8x128xf32, #tpu.memory_space<vmem>> -> memref<8x128xf32, #tpu.memory_space<vmem>>
        %dma_wait3A_1381 = arith.constant 0 : i32
        %dma_wait3A_1382 = arith.constant 0 : i32
        %dma_wait3A_1383 = tpu.memref_slice %arg4[%dma_wait3A_1374, %dma_wait3A_1375, %dma_wait3A_1376, %dma_wait3A_1381, %dma_wait3A_1382] : memref<50x8x128x8x128xf32, #tpu.memory_space<hbm>> -> memref<1x1x1x8x128xf32, #tpu.memory_space<hbm>>
        %dma_wait3A_1384 = tpu.memref_squeeze %dma_wait3A_1383 : memref<1x1x1x8x128xf32, #tpu.memory_space<hbm>> -> memref<8x128xf32, #tpu.memory_space<hbm>>
        %dma_wait3A_1385 = arith.constant 0 : i32
        %dma_wait3A_1386 = arith.constant 0 : i32
        %dma_wait3A_1387 = tpu.memref_slice %arg4[%dma_wait3A_1374, %dma_wait3A_1375, %dma_wait3A_1376, %dma_wait3A_1385, %dma_wait3A_1386] : memref<50x8x128x8x128xf32, #tpu.memory_space<hbm>> -> memref<1x1x1x8x128xf32, #tpu.memory_space<hbm>>
        %dma_wait3A_1388 = tpu.memref_squeeze %dma_wait3A_1387 : memref<1x1x1x8x128xf32, #tpu.memory_space<hbm>> -> memref<8x128xf32, #tpu.memory_space<hbm>>
        %dma_wait3A_1389 = arith.constant 24 : i32
        %dma_wait3A_1390 = arith.constant 0 : i32
        %dma_wait3A_1391 = tpu.memref_slice %arg11[%dma_wait3A_1373, %dma_wait3A_1389, %dma_wait3A_1390] : memref<2x64x129xf32, #tpu.memory_space<vmem>> -> memref<1x8x128xf32, #tpu.memory_space<vmem>>
        %dma_wait3A_1392 = tpu.memref_squeeze %dma_wait3A_1391 : memref<1x8x128xf32, #tpu.memory_space<vmem>> -> memref<8x128xf32, #tpu.memory_space<vmem>>
        tpu.wait_dma2 semaphore(%arg16 : memref<!tpu.dma_semaphore, #tpu.memory_space<semaphore_mem>>) src(%dma_wait3A_1392 : memref<8x128xf32, #tpu.memory_space<vmem>>) dst(%dma_wait3A_1388 : memref<8x128xf32, #tpu.memory_space<hbm>>)
        %dma_wait3A_1393 = arith.constant 0 : i32
        %dma_wait3A_1394 = arith.constant 0 : i32
        %dma_wait3A_1395 = arith.constant 4 : i32
        %dma_wait3A_1396 = arith.constant 0 : i32
        %dma_wait3A_1397 = arith.constant 32 : i32
        %dma_wait3A_1398 = arith.constant 0 : i32
        %dma_wait3A_1399 = tpu.memref_slice %arg11[%dma_wait3A_1393, %dma_wait3A_1397, %dma_wait3A_1398] : memref<2x64x129xf32, #tpu.memory_space<vmem>> -> memref<1x8x128xf32, #tpu.memory_space<vmem>>
        %dma_wait3A_1400 = tpu.memref_squeeze %dma_wait3A_1399 : memref<1x8x128xf32, #tpu.memory_space<vmem>> -> memref<8x128xf32, #tpu.memory_space<vmem>>
        %dma_wait3A_1401 = arith.constant 0 : i32
        %dma_wait3A_1402 = arith.constant 0 : i32
        %dma_wait3A_1403 = tpu.memref_slice %arg4[%dma_wait3A_1394, %dma_wait3A_1395, %dma_wait3A_1396, %dma_wait3A_1401, %dma_wait3A_1402] : memref<50x8x128x8x128xf32, #tpu.memory_space<hbm>> -> memref<1x1x1x8x128xf32, #tpu.memory_space<hbm>>
        %dma_wait3A_1404 = tpu.memref_squeeze %dma_wait3A_1403 : memref<1x1x1x8x128xf32, #tpu.memory_space<hbm>> -> memref<8x128xf32, #tpu.memory_space<hbm>>
        %dma_wait3A_1405 = arith.constant 0 : i32
        %dma_wait3A_1406 = arith.constant 0 : i32
        %dma_wait3A_1407 = tpu.memref_slice %arg4[%dma_wait3A_1394, %dma_wait3A_1395, %dma_wait3A_1396, %dma_wait3A_1405, %dma_wait3A_1406] : memref<50x8x128x8x128xf32, #tpu.memory_space<hbm>> -> memref<1x1x1x8x128xf32, #tpu.memory_space<hbm>>
        %dma_wait3A_1408 = tpu.memref_squeeze %dma_wait3A_1407 : memref<1x1x1x8x128xf32, #tpu.memory_space<hbm>> -> memref<8x128xf32, #tpu.memory_space<hbm>>
        %dma_wait3A_1409 = arith.constant 32 : i32
        %dma_wait3A_1410 = arith.constant 0 : i32
        %dma_wait3A_1411 = tpu.memref_slice %arg11[%dma_wait3A_1393, %dma_wait3A_1409, %dma_wait3A_1410] : memref<2x64x129xf32, #tpu.memory_space<vmem>> -> memref<1x8x128xf32, #tpu.memory_space<vmem>>
        %dma_wait3A_1412 = tpu.memref_squeeze %dma_wait3A_1411 : memref<1x8x128xf32, #tpu.memory_space<vmem>> -> memref<8x128xf32, #tpu.memory_space<vmem>>
        tpu.wait_dma2 semaphore(%arg16 : memref<!tpu.dma_semaphore, #tpu.memory_space<semaphore_mem>>) src(%dma_wait3A_1412 : memref<8x128xf32, #tpu.memory_space<vmem>>) dst(%dma_wait3A_1408 : memref<8x128xf32, #tpu.memory_space<hbm>>)
        %dma_wait3A_1413 = arith.constant 0 : i32
        %dma_wait3A_1414 = arith.constant 0 : i32
        %dma_wait3A_1415 = arith.constant 5 : i32
        %dma_wait3A_1416 = arith.constant 0 : i32
        %dma_wait3A_1417 = arith.constant 40 : i32
        %dma_wait3A_1418 = arith.constant 0 : i32
        %dma_wait3A_1419 = tpu.memref_slice %arg11[%dma_wait3A_1413, %dma_wait3A_1417, %dma_wait3A_1418] : memref<2x64x129xf32, #tpu.memory_space<vmem>> -> memref<1x8x128xf32, #tpu.memory_space<vmem>>
        %dma_wait3A_1420 = tpu.memref_squeeze %dma_wait3A_1419 : memref<1x8x128xf32, #tpu.memory_space<vmem>> -> memref<8x128xf32, #tpu.memory_space<vmem>>
        %dma_wait3A_1421 = arith.constant 0 : i32
        %dma_wait3A_1422 = arith.constant 0 : i32
        %dma_wait3A_1423 = tpu.memref_slice %arg4[%dma_wait3A_1414, %dma_wait3A_1415, %dma_wait3A_1416, %dma_wait3A_1421, %dma_wait3A_1422] : memref<50x8x128x8x128xf32, #tpu.memory_space<hbm>> -> memref<1x1x1x8x128xf32, #tpu.memory_space<hbm>>
        %dma_wait3A_1424 = tpu.memref_squeeze %dma_wait3A_1423 : memref<1x1x1x8x128xf32, #tpu.memory_space<hbm>> -> memref<8x128xf32, #tpu.memory_space<hbm>>
        %dma_wait3A_1425 = arith.constant 0 : i32
        %dma_wait3A_1426 = arith.constant 0 : i32
        %dma_wait3A_1427 = tpu.memref_slice %arg4[%dma_wait3A_1414, %dma_wait3A_1415, %dma_wait3A_1416, %dma_wait3A_1425, %dma_wait3A_1426] : memref<50x8x128x8x128xf32, #tpu.memory_space<hbm>> -> memref<1x1x1x8x128xf32, #tpu.memory_space<hbm>>
        %dma_wait3A_1428 = tpu.memref_squeeze %dma_wait3A_1427 : memref<1x1x1x8x128xf32, #tpu.memory_space<hbm>> -> memref<8x128xf32, #tpu.memory_space<hbm>>
        %dma_wait3A_1429 = arith.constant 40 : i32
        %dma_wait3A_1430 = arith.constant 0 : i32
        %dma_wait3A_1431 = tpu.memref_slice %arg11[%dma_wait3A_1413, %dma_wait3A_1429, %dma_wait3A_1430] : memref<2x64x129xf32, #tpu.memory_space<vmem>> -> memref<1x8x128xf32, #tpu.memory_space<vmem>>
        %dma_wait3A_1432 = tpu.memref_squeeze %dma_wait3A_1431 : memref<1x8x128xf32, #tpu.memory_space<vmem>> -> memref<8x128xf32, #tpu.memory_space<vmem>>
        tpu.wait_dma2 semaphore(%arg16 : memref<!tpu.dma_semaphore, #tpu.memory_space<semaphore_mem>>) src(%dma_wait3A_1432 : memref<8x128xf32, #tpu.memory_space<vmem>>) dst(%dma_wait3A_1428 : memref<8x128xf32, #tpu.memory_space<hbm>>)
        %dma_wait3A_1433 = arith.constant 0 : i32
        %dma_wait3A_1434 = arith.constant 0 : i32
        %dma_wait3A_1435 = arith.constant 6 : i32
        %dma_wait3A_1436 = arith.constant 0 : i32
        %dma_wait3A_1437 = arith.constant 48 : i32
        %dma_wait3A_1438 = arith.constant 0 : i32
        %dma_wait3A_1439 = tpu.memref_slice %arg11[%dma_wait3A_1433, %dma_wait3A_1437, %dma_wait3A_1438] : memref<2x64x129xf32, #tpu.memory_space<vmem>> -> memref<1x8x128xf32, #tpu.memory_space<vmem>>
        %dma_wait3A_1440 = tpu.memref_squeeze %dma_wait3A_1439 : memref<1x8x128xf32, #tpu.memory_space<vmem>> -> memref<8x128xf32, #tpu.memory_space<vmem>>
        %dma_wait3A_1441 = arith.constant 0 : i32
        %dma_wait3A_1442 = arith.constant 0 : i32
        %dma_wait3A_1443 = tpu.memref_slice %arg4[%dma_wait3A_1434, %dma_wait3A_1435, %dma_wait3A_1436, %dma_wait3A_1441, %dma_wait3A_1442] : memref<50x8x128x8x128xf32, #tpu.memory_space<hbm>> -> memref<1x1x1x8x128xf32, #tpu.memory_space<hbm>>
        %dma_wait3A_1444 = tpu.memref_squeeze %dma_wait3A_1443 : memref<1x1x1x8x128xf32, #tpu.memory_space<hbm>> -> memref<8x128xf32, #tpu.memory_space<hbm>>
        %dma_wait3A_1445 = arith.constant 0 : i32
        %dma_wait3A_1446 = arith.constant 0 : i32
        %dma_wait3A_1447 = tpu.memref_slice %arg4[%dma_wait3A_1434, %dma_wait3A_1435, %dma_wait3A_1436, %dma_wait3A_1445, %dma_wait3A_1446] : memref<50x8x128x8x128xf32, #tpu.memory_space<hbm>> -> memref<1x1x1x8x128xf32, #tpu.memory_space<hbm>>
        %dma_wait3A_1448 = tpu.memref_squeeze %dma_wait3A_1447 : memref<1x1x1x8x128xf32, #tpu.memory_space<hbm>> -> memref<8x128xf32, #tpu.memory_space<hbm>>
        %dma_wait3A_1449 = arith.constant 48 : i32
        %dma_wait3A_1450 = arith.constant 0 : i32
        %dma_wait3A_1451 = tpu.memref_slice %arg11[%dma_wait3A_1433, %dma_wait3A_1449, %dma_wait3A_1450] : memref<2x64x129xf32, #tpu.memory_space<vmem>> -> memref<1x8x128xf32, #tpu.memory_space<vmem>>
        %dma_wait3A_1452 = tpu.memref_squeeze %dma_wait3A_1451 : memref<1x8x128xf32, #tpu.memory_space<vmem>> -> memref<8x128xf32, #tpu.memory_space<vmem>>
        tpu.wait_dma2 semaphore(%arg16 : memref<!tpu.dma_semaphore, #tpu.memory_space<semaphore_mem>>) src(%dma_wait3A_1452 : memref<8x128xf32, #tpu.memory_space<vmem>>) dst(%dma_wait3A_1448 : memref<8x128xf32, #tpu.memory_space<hbm>>)
        %dma_wait3A_1453 = arith.constant 0 : i32
        %dma_wait3A_1454 = arith.constant 0 : i32
        %dma_wait3A_1455 = arith.constant 7 : i32
        %dma_wait3A_1456 = arith.constant 0 : i32
        %dma_wait3A_1457 = arith.constant 56 : i32
        %dma_wait3A_1458 = arith.constant 0 : i32
        %dma_wait3A_1459 = tpu.memref_slice %arg11[%dma_wait3A_1453, %dma_wait3A_1457, %dma_wait3A_1458] : memref<2x64x129xf32, #tpu.memory_space<vmem>> -> memref<1x8x128xf32, #tpu.memory_space<vmem>>
        %dma_wait3A_1460 = tpu.memref_squeeze %dma_wait3A_1459 : memref<1x8x128xf32, #tpu.memory_space<vmem>> -> memref<8x128xf32, #tpu.memory_space<vmem>>
        %dma_wait3A_1461 = arith.constant 0 : i32
        %dma_wait3A_1462 = arith.constant 0 : i32
        %dma_wait3A_1463 = tpu.memref_slice %arg4[%dma_wait3A_1454, %dma_wait3A_1455, %dma_wait3A_1456, %dma_wait3A_1461, %dma_wait3A_1462] : memref<50x8x128x8x128xf32, #tpu.memory_space<hbm>> -> memref<1x1x1x8x128xf32, #tpu.memory_space<hbm>>
        %dma_wait3A_1464 = tpu.memref_squeeze %dma_wait3A_1463 : memref<1x1x1x8x128xf32, #tpu.memory_space<hbm>> -> memref<8x128xf32, #tpu.memory_space<hbm>>
        %dma_wait3A_1465 = arith.constant 0 : i32
        %dma_wait3A_1466 = arith.constant 0 : i32
        %dma_wait3A_1467 = tpu.memref_slice %arg4[%dma_wait3A_1454, %dma_wait3A_1455, %dma_wait3A_1456, %dma_wait3A_1465, %dma_wait3A_1466] : memref<50x8x128x8x128xf32, #tpu.memory_space<hbm>> -> memref<1x1x1x8x128xf32, #tpu.memory_space<hbm>>
        %dma_wait3A_1468 = tpu.memref_squeeze %dma_wait3A_1467 : memref<1x1x1x8x128xf32, #tpu.memory_space<hbm>> -> memref<8x128xf32, #tpu.memory_space<hbm>>
        %dma_wait3A_1469 = arith.constant 56 : i32
        %dma_wait3A_1470 = arith.constant 0 : i32
        %dma_wait3A_1471 = tpu.memref_slice %arg11[%dma_wait3A_1453, %dma_wait3A_1469, %dma_wait3A_1470] : memref<2x64x129xf32, #tpu.memory_space<vmem>> -> memref<1x8x128xf32, #tpu.memory_space<vmem>>
        %dma_wait3A_1472 = tpu.memref_squeeze %dma_wait3A_1471 : memref<1x8x128xf32, #tpu.memory_space<vmem>> -> memref<8x128xf32, #tpu.memory_space<vmem>>
        tpu.wait_dma2 semaphore(%arg16 : memref<!tpu.dma_semaphore, #tpu.memory_space<semaphore_mem>>) src(%dma_wait3A_1472 : memref<8x128xf32, #tpu.memory_space<vmem>>) dst(%dma_wait3A_1468 : memref<8x128xf32, #tpu.memory_space<hbm>>)
      } else {
      }
      %scan3A_519 = arith.constant 0 : i32
      %scan3A_520 = arith.constant 0 : i32
      %scan3A_521 = arith.constant 0 : i32
      %scan3A_522 = arith.constant 32 : i32
      %scan3A_523 = arith.addi %scan3A_521, %scan3A_522 : i32
      %scan3A_524 = arith.constant 1 : i32
      scf.for %scan3A_1313 = %scan3A_521 to %scan3A_523 step %scan3A_524  : i32 {
        %mul3A_1314 = arith.constant 1 : i32
        %mul3A_1315 = arith.muli %scan3A_1313, %mul3A_1314 : i32
        %add3A_1316 = arith.constant 0 : i32
        %add3A_1317 = arith.addi %add3A_1316, %mul3A_1315 : i32
        %mul3A_1318 = arith.constant 4 : i32
        %mul3A_1319 = arith.muli %add3A_1317, %mul3A_1318 : i32
        %broadcast_in_dim3A = vector.broadcast %mul3A_1319 : i32 to vector<16xi32>
        %add3A_1320 = arith.constant 0 : i32
        %add3A_1321 = vector.broadcast %add3A_1320 : i32 to vector<16xi32>
        %add3A_1322 = arith.addi %broadcast_in_dim3A, %add3A_1321 : vector<16xi32>
        %add3A_1323 = arith.constant 0 : i32
        %add3A_1324 = arith.addi %mul3A_1319, %add3A_1323 : i32
        %get3A = arith.constant 0 : i32
        %get3A_1325 = arith.constant 0 : i32
        %get3A_1326 = tpu.memref_slice %arg10[%scan3A_519, %get3A, %get3A_1325] : memref<4x128x64xf32, #tpu.memory_space<vmem>> -> memref<1x128x64xf32, #tpu.memory_space<vmem>>
        %get3A_1327 = tpu.memref_squeeze %get3A_1326 : memref<1x128x64xf32, #tpu.memory_space<vmem>> -> memref<128x64xf32, #tpu.memory_space<vmem>>
        %get3A_1328 = arith.index_cast %add3A_1324 : i32 to index
        %get3A_1329 = arith.constant 0 : index
        %get3A_1330 = tpu.vector_load %get3A_1327[%get3A_1328, %get3A_1329] {strides = array<i32>} : memref<128x64xf32, #tpu.memory_space<vmem>>, vector<16xf32>,
        %add3A_1331 = arith.constant 0 : i32
        %add3A_1332 = vector.broadcast %add3A_1331 : i32 to vector<16xi32>
        %add3A_1333 = arith.addi %iota3A, %add3A_1332 : vector<16xi32>
        %scatter3A = arith.constant 0 : i32
        %scatter3A_1334 = arith.constant 0 : i32
        %scatter3A_1335 = tpu.memref_slice %arg11[%scan3A_520, %scatter3A, %scatter3A_1334] : memref<2x64x129xf32, #tpu.memory_space<vmem>> -> memref<1x64x129xf32, #tpu.memory_space<vmem>>
        %scatter3A_1336 = tpu.memref_squeeze %scatter3A_1335 : memref<1x64x129xf32, #tpu.memory_space<vmem>> -> memref<64x129xf32, #tpu.memory_space<vmem>>
        tpu.vector_store_idx %scatter3A_1336[%add3A_1333, %add3A_1322], %get3A_1330 : memref<64x129xf32, #tpu.memory_space<vmem>>[vector<16xi32>, vector<16xi32>], vector<16xf32>,
        %add3A_1337 = arith.constant 0 : i32
        %add3A_1338 = arith.addi %mul3A_1319, %add3A_1337 : i32
        %get3A_1339 = arith.constant 0 : i32
        %get3A_1340 = arith.constant 0 : i32
        %get3A_1341 = tpu.memref_slice %arg10[%scan3A_519, %get3A_1339, %get3A_1340] : memref<4x128x64xf32, #tpu.memory_space<vmem>> -> memref<1x128x64xf32, #tpu.memory_space<vmem>>
        %get3A_1342 = tpu.memref_squeeze %get3A_1341 : memref<1x128x64xf32, #tpu.memory_space<vmem>> -> memref<128x64xf32, #tpu.memory_space<vmem>>
        %get3A_1343 = arith.index_cast %add3A_1338 : i32 to index
        %get3A_1344 = arith.constant 16 : index
        %get3A_1345 = tpu.vector_load %get3A_1342[%get3A_1343, %get3A_1344] {strides = array<i32>} : memref<128x64xf32, #tpu.memory_space<vmem>>, vector<16xf32>,
        %add3A_1346 = arith.constant 16 : i32
        %add3A_1347 = vector.broadcast %add3A_1346 : i32 to vector<16xi32>
        %add3A_1348 = arith.addi %iota3A, %add3A_1347 : vector<16xi32>
        %scatter3A_1349 = arith.constant 0 : i32
        %scatter3A_1350 = arith.constant 0 : i32
        %scatter3A_1351 = tpu.memref_slice %arg11[%scan3A_520, %scatter3A_1349, %scatter3A_1350] : memref<2x64x129xf32, #tpu.memory_space<vmem>> -> memref<1x64x129xf32, #tpu.memory_space<vmem>>
        %scatter3A_1352 = tpu.memref_squeeze %scatter3A_1351 : memref<1x64x129xf32, #tpu.memory_space<vmem>> -> memref<64x129xf32, #tpu.memory_space<vmem>>
        tpu.vector_store_idx %scatter3A_1352[%add3A_1348, %add3A_1322], %get3A_1345 : memref<64x129xf32, #tpu.memory_space<vmem>>[vector<16xi32>, vector<16xi32>], vector<16xf32>,
        %add3A_1353 = arith.constant 0 : i32
        %add3A_1354 = arith.addi %mul3A_1319, %add3A_1353 : i32
        %get3A_1355 = arith.constant 0 : i32
        %get3A_1356 = arith.constant 0 : i32
        %get3A_1357 = tpu.memref_slice %arg10[%scan3A_519, %get3A_1355, %get3A_1356] : memref<4x128x64xf32, #tpu.memory_space<vmem>> -> memref<1x128x64xf32, #tpu.memory_space<vmem>>
        %get3A_1358 = tpu.memref_squeeze %get3A_1357 : memref<1x128x64xf32, #tpu.memory_space<vmem>> -> memref<128x64xf32, #tpu.memory_space<vmem>>
        %get3A_1359 = arith.index_cast %add3A_1354 : i32 to index
        %get3A_1360 = arith.constant 32 : index
        %get3A_1361 = tpu.vector_load %get3A_1358[%get3A_1359, %get3A_1360] {strides = array<i32>} : memref<128x64xf32, #tpu.memory_space<vmem>>, vector<16xf32>,
        %add3A_1362 = arith.constant 32 : i32
        %add3A_1363 = vector.broadcast %add3A_1362 : i32 to vector<16xi32>
        %add3A_1364 = arith.addi %iota3A, %add3A_1363 : vector<16xi32>
        %scatter3A_1365 = arith.constant 0 : i32
        %scatter3A_1366 = arith.constant 0 : i32
        %scatter3A_1367 = tpu.memref_slice %arg11[%scan3A_520, %scatter3A_1365, %scatter3A_1366] : memref<2x64x129xf32, #tpu.memory_space<vmem>> -> memref<1x64x129xf32, #tpu.memory_space<vmem>>
        %scatter3A_1368 = tpu.memref_squeeze %scatter3A_1367 : memref<1x64x129xf32, #tpu.memory_space<vmem>> -> memref<64x129xf32, #tpu.memory_space<vmem>>
        tpu.vector_store_idx %scatter3A_1368[%add3A_1364, %add3A_1322], %get3A_1361 : memref<64x129xf32, #tpu.memory_space<vmem>>[vector<16xi32>, vector<16xi32>], vector<16xf32>,
        %add3A_1369 = arith.constant 0 : i32
        %add3A_1370 = arith.addi %mul3A_1319, %add3A_1369 : i32
        %get3A_1371 = arith.constant 0 : i32
        %get3A_1372 = arith.constant 0 : i32
        %get3A_1373 = tpu.memref_slice %arg10[%scan3A_519, %get3A_1371, %get3A_1372] : memref<4x128x64xf32, #tpu.memory_space<vmem>> -> memref<1x128x64xf32, #tpu.memory_space<vmem>>
        %get3A_1374 = tpu.memref_squeeze %get3A_1373 : memref<1x128x64xf32, #tpu.memory_space<vmem>> -> memref<128x64xf32, #tpu.memory_space<vmem>>
        %get3A_1375 = arith.index_cast %add3A_1370 : i32 to index
        %get3A_1376 = arith.constant 48 : index
        %get3A_1377 = tpu.vector_load %get3A_1374[%get3A_1375, %get3A_1376] {strides = array<i32>} : memref<128x64xf32, #tpu.memory_space<vmem>>, vector<16xf32>,
        %add3A_1378 = arith.constant 48 : i32
        %add3A_1379 = vector.broadcast %add3A_1378 : i32 to vector<16xi32>
        %add3A_1380 = arith.addi %iota3A, %add3A_1379 : vector<16xi32>
        %scatter3A_1381 = arith.constant 0 : i32
        %scatter3A_1382 = arith.constant 0 : i32
        %scatter3A_1383 = tpu.memref_slice %arg11[%scan3A_520, %scatter3A_1381, %scatter3A_1382] : memref<2x64x129xf32, #tpu.memory_space<vmem>> -> memref<1x64x129xf32, #tpu.memory_space<vmem>>
        %scatter3A_1384 = tpu.memref_squeeze %scatter3A_1383 : memref<1x64x129xf32, #tpu.memory_space<vmem>> -> memref<64x129xf32, #tpu.memory_space<vmem>>
        tpu.vector_store_idx %scatter3A_1384[%add3A_1380, %add3A_1322], %get3A_1377 : memref<64x129xf32, #tpu.memory_space<vmem>>[vector<16xi32>, vector<16xi32>], vector<16xf32>,
        %add3A_1385 = arith.constant 1 : i32
        %add3A_1386 = vector.broadcast %add3A_1385 : i32 to vector<16xi32>
        %add3A_1387 = arith.addi %broadcast_in_dim3A, %add3A_1386 : vector<16xi32>
        %add3A_1388 = arith.constant 1 : i32
        %add3A_1389 = arith.addi %mul3A_1319, %add3A_1388 : i32
        %get3A_1390 = arith.constant 0 : i32
        %get3A_1391 = arith.constant 0 : i32
        %get3A_1392 = tpu.memref_slice %arg10[%scan3A_519, %get3A_1390, %get3A_1391] : memref<4x128x64xf32, #tpu.memory_space<vmem>> -> memref<1x128x64xf32, #tpu.memory_space<vmem>>
        %get3A_1393 = tpu.memref_squeeze %get3A_1392 : memref<1x128x64xf32, #tpu.memory_space<vmem>> -> memref<128x64xf32, #tpu.memory_space<vmem>>
        %get3A_1394 = arith.index_cast %add3A_1389 : i32 to index
        %get3A_1395 = arith.constant 0 : index
        %get3A_1396 = tpu.vector_load %get3A_1393[%get3A_1394, %get3A_1395] {strides = array<i32>} : memref<128x64xf32, #tpu.memory_space<vmem>>, vector<16xf32>,
        %add3A_1397 = arith.constant 0 : i32
        %add3A_1398 = vector.broadcast %add3A_1397 : i32 to vector<16xi32>
        %add3A_1399 = arith.addi %iota3A, %add3A_1398 : vector<16xi32>
        %scatter3A_1400 = arith.constant 0 : i32
        %scatter3A_1401 = arith.constant 0 : i32
        %scatter3A_1402 = tpu.memref_slice %arg11[%scan3A_520, %scatter3A_1400, %scatter3A_1401] : memref<2x64x129xf32, #tpu.memory_space<vmem>> -> memref<1x64x129xf32, #tpu.memory_space<vmem>>
        %scatter3A_1403 = tpu.memref_squeeze %scatter3A_1402 : memref<1x64x129xf32, #tpu.memory_space<vmem>> -> memref<64x129xf32, #tpu.memory_space<vmem>>
        tpu.vector_store_idx %scatter3A_1403[%add3A_1399, %add3A_1387], %get3A_1396 : memref<64x129xf32, #tpu.memory_space<vmem>>[vector<16xi32>, vector<16xi32>], vector<16xf32>,
        %add3A_1404 = arith.constant 1 : i32
        %add3A_1405 = arith.addi %mul3A_1319, %add3A_1404 : i32
        %get3A_1406 = arith.constant 0 : i32
        %get3A_1407 = arith.constant 0 : i32
        %get3A_1408 = tpu.memref_slice %arg10[%scan3A_519, %get3A_1406, %get3A_1407] : memref<4x128x64xf32, #tpu.memory_space<vmem>> -> memref<1x128x64xf32, #tpu.memory_space<vmem>>
        %get3A_1409 = tpu.memref_squeeze %get3A_1408 : memref<1x128x64xf32, #tpu.memory_space<vmem>> -> memref<128x64xf32, #tpu.memory_space<vmem>>
        %get3A_1410 = arith.index_cast %add3A_1405 : i32 to index
        %get3A_1411 = arith.constant 16 : index
        %get3A_1412 = tpu.vector_load %get3A_1409[%get3A_1410, %get3A_1411] {strides = array<i32>} : memref<128x64xf32, #tpu.memory_space<vmem>>, vector<16xf32>,
        %add3A_1413 = arith.constant 16 : i32
        %add3A_1414 = vector.broadcast %add3A_1413 : i32 to vector<16xi32>
        %add3A_1415 = arith.addi %iota3A, %add3A_1414 : vector<16xi32>
        %scatter3A_1416 = arith.constant 0 : i32
        %scatter3A_1417 = arith.constant 0 : i32
        %scatter3A_1418 = tpu.memref_slice %arg11[%scan3A_520, %scatter3A_1416, %scatter3A_1417] : memref<2x64x129xf32, #tpu.memory_space<vmem>> -> memref<1x64x129xf32, #tpu.memory_space<vmem>>
        %scatter3A_1419 = tpu.memref_squeeze %scatter3A_1418 : memref<1x64x129xf32, #tpu.memory_space<vmem>> -> memref<64x129xf32, #tpu.memory_space<vmem>>
        tpu.vector_store_idx %scatter3A_1419[%add3A_1415, %add3A_1387], %get3A_1412 : memref<64x129xf32, #tpu.memory_space<vmem>>[vector<16xi32>, vector<16xi32>], vector<16xf32>,
        %add3A_1420 = arith.constant 1 : i32
        %add3A_1421 = arith.addi %mul3A_1319, %add3A_1420 : i32
        %get3A_1422 = arith.constant 0 : i32
        %get3A_1423 = arith.constant 0 : i32
        %get3A_1424 = tpu.memref_slice %arg10[%scan3A_519, %get3A_1422, %get3A_1423] : memref<4x128x64xf32, #tpu.memory_space<vmem>> -> memref<1x128x64xf32, #tpu.memory_space<vmem>>
        %get3A_1425 = tpu.memref_squeeze %get3A_1424 : memref<1x128x64xf32, #tpu.memory_space<vmem>> -> memref<128x64xf32, #tpu.memory_space<vmem>>
        %get3A_1426 = arith.index_cast %add3A_1421 : i32 to index
        %get3A_1427 = arith.constant 32 : index
        %get3A_1428 = tpu.vector_load %get3A_1425[%get3A_1426, %get3A_1427] {strides = array<i32>} : memref<128x64xf32, #tpu.memory_space<vmem>>, vector<16xf32>,
        %add3A_1429 = arith.constant 32 : i32
        %add3A_1430 = vector.broadcast %add3A_1429 : i32 to vector<16xi32>
        %add3A_1431 = arith.addi %iota3A, %add3A_1430 : vector<16xi32>
        %scatter3A_1432 = arith.constant 0 : i32
        %scatter3A_1433 = arith.constant 0 : i32
        %scatter3A_1434 = tpu.memref_slice %arg11[%scan3A_520, %scatter3A_1432, %scatter3A_1433] : memref<2x64x129xf32, #tpu.memory_space<vmem>> -> memref<1x64x129xf32, #tpu.memory_space<vmem>>
        %scatter3A_1435 = tpu.memref_squeeze %scatter3A_1434 : memref<1x64x129xf32, #tpu.memory_space<vmem>> -> memref<64x129xf32, #tpu.memory_space<vmem>>
        tpu.vector_store_idx %scatter3A_1435[%add3A_1431, %add3A_1387], %get3A_1428 : memref<64x129xf32, #tpu.memory_space<vmem>>[vector<16xi32>, vector<16xi32>], vector<16xf32>,
        %add3A_1436 = arith.constant 1 : i32
        %add3A_1437 = arith.addi %mul3A_1319, %add3A_1436 : i32
        %get3A_1438 = arith.constant 0 : i32
        %get3A_1439 = arith.constant 0 : i32
        %get3A_1440 = tpu.memref_slice %arg10[%scan3A_519, %get3A_1438, %get3A_1439] : memref<4x128x64xf32, #tpu.memory_space<vmem>> -> memref<1x128x64xf32, #tpu.memory_space<vmem>>
        %get3A_1441 = tpu.memref_squeeze %get3A_1440 : memref<1x128x64xf32, #tpu.memory_space<vmem>> -> memref<128x64xf32, #tpu.memory_space<vmem>>
        %get3A_1442 = arith.index_cast %add3A_1437 : i32 to index
        %get3A_1443 = arith.constant 48 : index
        %get3A_1444 = tpu.vector_load %get3A_1441[%get3A_1442, %get3A_1443] {strides = array<i32>} : memref<128x64xf32, #tpu.memory_space<vmem>>, vector<16xf32>,
        %add3A_1445 = arith.constant 48 : i32
        %add3A_1446 = vector.broadcast %add3A_1445 : i32 to vector<16xi32>
        %add3A_1447 = arith.addi %iota3A, %add3A_1446 : vector<16xi32>
        %scatter3A_1448 = arith.constant 0 : i32
        %scatter3A_1449 = arith.constant 0 : i32
        %scatter3A_1450 = tpu.memref_slice %arg11[%scan3A_520, %scatter3A_1448, %scatter3A_1449] : memref<2x64x129xf32, #tpu.memory_space<vmem>> -> memref<1x64x129xf32, #tpu.memory_space<vmem>>
        %scatter3A_1451 = tpu.memref_squeeze %scatter3A_1450 : memref<1x64x129xf32, #tpu.memory_space<vmem>> -> memref<64x129xf32, #tpu.memory_space<vmem>>
        tpu.vector_store_idx %scatter3A_1451[%add3A_1447, %add3A_1387], %get3A_1444 : memref<64x129xf32, #tpu.memory_space<vmem>>[vector<16xi32>, vector<16xi32>], vector<16xf32>,
        %add3A_1452 = arith.constant 2 : i32
        %add3A_1453 = vector.broadcast %add3A_1452 : i32 to vector<16xi32>
        %add3A_1454 = arith.addi %broadcast_in_dim3A, %add3A_1453 : vector<16xi32>
        %add3A_1455 = arith.constant 2 : i32
        %add3A_1456 = arith.addi %mul3A_1319, %add3A_1455 : i32
        %get3A_1457 = arith.constant 0 : i32
        %get3A_1458 = arith.constant 0 : i32
        %get3A_1459 = tpu.memref_slice %arg10[%scan3A_519, %get3A_1457, %get3A_1458] : memref<4x128x64xf32, #tpu.memory_space<vmem>> -> memref<1x128x64xf32, #tpu.memory_space<vmem>>
        %get3A_1460 = tpu.memref_squeeze %get3A_1459 : memref<1x128x64xf32, #tpu.memory_space<vmem>> -> memref<128x64xf32, #tpu.memory_space<vmem>>
        %get3A_1461 = arith.index_cast %add3A_1456 : i32 to index
        %get3A_1462 = arith.constant 0 : index
        %get3A_1463 = tpu.vector_load %get3A_1460[%get3A_1461, %get3A_1462] {strides = array<i32>} : memref<128x64xf32, #tpu.memory_space<vmem>>, vector<16xf32>,
        %add3A_1464 = arith.constant 0 : i32
        %add3A_1465 = vector.broadcast %add3A_1464 : i32 to vector<16xi32>
        %add3A_1466 = arith.addi %iota3A, %add3A_1465 : vector<16xi32>
        %scatter3A_1467 = arith.constant 0 : i32
        %scatter3A_1468 = arith.constant 0 : i32
        %scatter3A_1469 = tpu.memref_slice %arg11[%scan3A_520, %scatter3A_1467, %scatter3A_1468] : memref<2x64x129xf32, #tpu.memory_space<vmem>> -> memref<1x64x129xf32, #tpu.memory_space<vmem>>
        %scatter3A_1470 = tpu.memref_squeeze %scatter3A_1469 : memref<1x64x129xf32, #tpu.memory_space<vmem>> -> memref<64x129xf32, #tpu.memory_space<vmem>>
        tpu.vector_store_idx %scatter3A_1470[%add3A_1466, %add3A_1454], %get3A_1463 : memref<64x129xf32, #tpu.memory_space<vmem>>[vector<16xi32>, vector<16xi32>], vector<16xf32>,
        %add3A_1471 = arith.constant 2 : i32
        %add3A_1472 = arith.addi %mul3A_1319, %add3A_1471 : i32
        %get3A_1473 = arith.constant 0 : i32
        %get3A_1474 = arith.constant 0 : i32
        %get3A_1475 = tpu.memref_slice %arg10[%scan3A_519, %get3A_1473, %get3A_1474] : memref<4x128x64xf32, #tpu.memory_space<vmem>> -> memref<1x128x64xf32, #tpu.memory_space<vmem>>
        %get3A_1476 = tpu.memref_squeeze %get3A_1475 : memref<1x128x64xf32, #tpu.memory_space<vmem>> -> memref<128x64xf32, #tpu.memory_space<vmem>>
        %get3A_1477 = arith.index_cast %add3A_1472 : i32 to index
        %get3A_1478 = arith.constant 16 : index
        %get3A_1479 = tpu.vector_load %get3A_1476[%get3A_1477, %get3A_1478] {strides = array<i32>} : memref<128x64xf32, #tpu.memory_space<vmem>>, vector<16xf32>,
        %add3A_1480 = arith.constant 16 : i32
        %add3A_1481 = vector.broadcast %add3A_1480 : i32 to vector<16xi32>
        %add3A_1482 = arith.addi %iota3A, %add3A_1481 : vector<16xi32>
        %scatter3A_1483 = arith.constant 0 : i32
        %scatter3A_1484 = arith.constant 0 : i32
        %scatter3A_1485 = tpu.memref_slice %arg11[%scan3A_520, %scatter3A_1483, %scatter3A_1484] : memref<2x64x129xf32, #tpu.memory_space<vmem>> -> memref<1x64x129xf32, #tpu.memory_space<vmem>>
        %scatter3A_1486 = tpu.memref_squeeze %scatter3A_1485 : memref<1x64x129xf32, #tpu.memory_space<vmem>> -> memref<64x129xf32, #tpu.memory_space<vmem>>
        tpu.vector_store_idx %scatter3A_1486[%add3A_1482, %add3A_1454], %get3A_1479 : memref<64x129xf32, #tpu.memory_space<vmem>>[vector<16xi32>, vector<16xi32>], vector<16xf32>,
        %add3A_1487 = arith.constant 2 : i32
        %add3A_1488 = arith.addi %mul3A_1319, %add3A_1487 : i32
        %get3A_1489 = arith.constant 0 : i32
        %get3A_1490 = arith.constant 0 : i32
        %get3A_1491 = tpu.memref_slice %arg10[%scan3A_519, %get3A_1489, %get3A_1490] : memref<4x128x64xf32, #tpu.memory_space<vmem>> -> memref<1x128x64xf32, #tpu.memory_space<vmem>>
        %get3A_1492 = tpu.memref_squeeze %get3A_1491 : memref<1x128x64xf32, #tpu.memory_space<vmem>> -> memref<128x64xf32, #tpu.memory_space<vmem>>
        %get3A_1493 = arith.index_cast %add3A_1488 : i32 to index
        %get3A_1494 = arith.constant 32 : index
        %get3A_1495 = tpu.vector_load %get3A_1492[%get3A_1493, %get3A_1494] {strides = array<i32>} : memref<128x64xf32, #tpu.memory_space<vmem>>, vector<16xf32>,
        %add3A_1496 = arith.constant 32 : i32
        %add3A_1497 = vector.broadcast %add3A_1496 : i32 to vector<16xi32>
        %add3A_1498 = arith.addi %iota3A, %add3A_1497 : vector<16xi32>
        %scatter3A_1499 = arith.constant 0 : i32
        %scatter3A_1500 = arith.constant 0 : i32
        %scatter3A_1501 = tpu.memref_slice %arg11[%scan3A_520, %scatter3A_1499, %scatter3A_1500] : memref<2x64x129xf32, #tpu.memory_space<vmem>> -> memref<1x64x129xf32, #tpu.memory_space<vmem>>
        %scatter3A_1502 = tpu.memref_squeeze %scatter3A_1501 : memref<1x64x129xf32, #tpu.memory_space<vmem>> -> memref<64x129xf32, #tpu.memory_space<vmem>>
        tpu.vector_store_idx %scatter3A_1502[%add3A_1498, %add3A_1454], %get3A_1495 : memref<64x129xf32, #tpu.memory_space<vmem>>[vector<16xi32>, vector<16xi32>], vector<16xf32>,
        %add3A_1503 = arith.constant 2 : i32
        %add3A_1504 = arith.addi %mul3A_1319, %add3A_1503 : i32
        %get3A_1505 = arith.constant 0 : i32
        %get3A_1506 = arith.constant 0 : i32
        %get3A_1507 = tpu.memref_slice %arg10[%scan3A_519, %get3A_1505, %get3A_1506] : memref<4x128x64xf32, #tpu.memory_space<vmem>> -> memref<1x128x64xf32, #tpu.memory_space<vmem>>
        %get3A_1508 = tpu.memref_squeeze %get3A_1507 : memref<1x128x64xf32, #tpu.memory_space<vmem>> -> memref<128x64xf32, #tpu.memory_space<vmem>>
        %get3A_1509 = arith.index_cast %add3A_1504 : i32 to index
        %get3A_1510 = arith.constant 48 : index
        %get3A_1511 = tpu.vector_load %get3A_1508[%get3A_1509, %get3A_1510] {strides = array<i32>} : memref<128x64xf32, #tpu.memory_space<vmem>>, vector<16xf32>,
        %add3A_1512 = arith.constant 48 : i32
        %add3A_1513 = vector.broadcast %add3A_1512 : i32 to vector<16xi32>
        %add3A_1514 = arith.addi %iota3A, %add3A_1513 : vector<16xi32>
        %scatter3A_1515 = arith.constant 0 : i32
        %scatter3A_1516 = arith.constant 0 : i32
        %scatter3A_1517 = tpu.memref_slice %arg11[%scan3A_520, %scatter3A_1515, %scatter3A_1516] : memref<2x64x129xf32, #tpu.memory_space<vmem>> -> memref<1x64x129xf32, #tpu.memory_space<vmem>>
        %scatter3A_1518 = tpu.memref_squeeze %scatter3A_1517 : memref<1x64x129xf32, #tpu.memory_space<vmem>> -> memref<64x129xf32, #tpu.memory_space<vmem>>
        tpu.vector_store_idx %scatter3A_1518[%add3A_1514, %add3A_1454], %get3A_1511 : memref<64x129xf32, #tpu.memory_space<vmem>>[vector<16xi32>, vector<16xi32>], vector<16xf32>,
        %add3A_1519 = arith.constant 3 : i32
        %add3A_1520 = vector.broadcast %add3A_1519 : i32 to vector<16xi32>
        %add3A_1521 = arith.addi %broadcast_in_dim3A, %add3A_1520 : vector<16xi32>
        %add3A_1522 = arith.constant 3 : i32
        %add3A_1523 = arith.addi %mul3A_1319, %add3A_1522 : i32
        %get3A_1524 = arith.constant 0 : i32
        %get3A_1525 = arith.constant 0 : i32
        %get3A_1526 = tpu.memref_slice %arg10[%scan3A_519, %get3A_1524, %get3A_1525] : memref<4x128x64xf32, #tpu.memory_space<vmem>> -> memref<1x128x64xf32, #tpu.memory_space<vmem>>
        %get3A_1527 = tpu.memref_squeeze %get3A_1526 : memref<1x128x64xf32, #tpu.memory_space<vmem>> -> memref<128x64xf32, #tpu.memory_space<vmem>>
        %get3A_1528 = arith.index_cast %add3A_1523 : i32 to index
        %get3A_1529 = arith.constant 0 : index
        %get3A_1530 = tpu.vector_load %get3A_1527[%get3A_1528, %get3A_1529] {strides = array<i32>} : memref<128x64xf32, #tpu.memory_space<vmem>>, vector<16xf32>,
        %add3A_1531 = arith.constant 0 : i32
        %add3A_1532 = vector.broadcast %add3A_1531 : i32 to vector<16xi32>
        %add3A_1533 = arith.addi %iota3A, %add3A_1532 : vector<16xi32>
        %scatter3A_1534 = arith.constant 0 : i32
        %scatter3A_1535 = arith.constant 0 : i32
        %scatter3A_1536 = tpu.memref_slice %arg11[%scan3A_520, %scatter3A_1534, %scatter3A_1535] : memref<2x64x129xf32, #tpu.memory_space<vmem>> -> memref<1x64x129xf32, #tpu.memory_space<vmem>>
        %scatter3A_1537 = tpu.memref_squeeze %scatter3A_1536 : memref<1x64x129xf32, #tpu.memory_space<vmem>> -> memref<64x129xf32, #tpu.memory_space<vmem>>
        tpu.vector_store_idx %scatter3A_1537[%add3A_1533, %add3A_1521], %get3A_1530 : memref<64x129xf32, #tpu.memory_space<vmem>>[vector<16xi32>, vector<16xi32>], vector<16xf32>,
        %add3A_1538 = arith.constant 3 : i32
        %add3A_1539 = arith.addi %mul3A_1319, %add3A_1538 : i32
        %get3A_1540 = arith.constant 0 : i32
        %get3A_1541 = arith.constant 0 : i32
        %get3A_1542 = tpu.memref_slice %arg10[%scan3A_519, %get3A_1540, %get3A_1541] : memref<4x128x64xf32, #tpu.memory_space<vmem>> -> memref<1x128x64xf32, #tpu.memory_space<vmem>>
        %get3A_1543 = tpu.memref_squeeze %get3A_1542 : memref<1x128x64xf32, #tpu.memory_space<vmem>> -> memref<128x64xf32, #tpu.memory_space<vmem>>
        %get3A_1544 = arith.index_cast %add3A_1539 : i32 to index
        %get3A_1545 = arith.constant 16 : index
        %get3A_1546 = tpu.vector_load %get3A_1543[%get3A_1544, %get3A_1545] {strides = array<i32>} : memref<128x64xf32, #tpu.memory_space<vmem>>, vector<16xf32>,
        %add3A_1547 = arith.constant 16 : i32
        %add3A_1548 = vector.broadcast %add3A_1547 : i32 to vector<16xi32>
        %add3A_1549 = arith.addi %iota3A, %add3A_1548 : vector<16xi32>
        %scatter3A_1550 = arith.constant 0 : i32
        %scatter3A_1551 = arith.constant 0 : i32
        %scatter3A_1552 = tpu.memref_slice %arg11[%scan3A_520, %scatter3A_1550, %scatter3A_1551] : memref<2x64x129xf32, #tpu.memory_space<vmem>> -> memref<1x64x129xf32, #tpu.memory_space<vmem>>
        %scatter3A_1553 = tpu.memref_squeeze %scatter3A_1552 : memref<1x64x129xf32, #tpu.memory_space<vmem>> -> memref<64x129xf32, #tpu.memory_space<vmem>>
        tpu.vector_store_idx %scatter3A_1553[%add3A_1549, %add3A_1521], %get3A_1546 : memref<64x129xf32, #tpu.memory_space<vmem>>[vector<16xi32>, vector<16xi32>], vector<16xf32>,
        %add3A_1554 = arith.constant 3 : i32
        %add3A_1555 = arith.addi %mul3A_1319, %add3A_1554 : i32
        %get3A_1556 = arith.constant 0 : i32
        %get3A_1557 = arith.constant 0 : i32
        %get3A_1558 = tpu.memref_slice %arg10[%scan3A_519, %get3A_1556, %get3A_1557] : memref<4x128x64xf32, #tpu.memory_space<vmem>> -> memref<1x128x64xf32, #tpu.memory_space<vmem>>
        %get3A_1559 = tpu.memref_squeeze %get3A_1558 : memref<1x128x64xf32, #tpu.memory_space<vmem>> -> memref<128x64xf32, #tpu.memory_space<vmem>>
        %get3A_1560 = arith.index_cast %add3A_1555 : i32 to index
        %get3A_1561 = arith.constant 32 : index
        %get3A_1562 = tpu.vector_load %get3A_1559[%get3A_1560, %get3A_1561] {strides = array<i32>} : memref<128x64xf32, #tpu.memory_space<vmem>>, vector<16xf32>,
        %add3A_1563 = arith.constant 32 : i32
        %add3A_1564 = vector.broadcast %add3A_1563 : i32 to vector<16xi32>
        %add3A_1565 = arith.addi %iota3A, %add3A_1564 : vector<16xi32>
        %scatter3A_1566 = arith.constant 0 : i32
        %scatter3A_1567 = arith.constant 0 : i32
        %scatter3A_1568 = tpu.memref_slice %arg11[%scan3A_520, %scatter3A_1566, %scatter3A_1567] : memref<2x64x129xf32, #tpu.memory_space<vmem>> -> memref<1x64x129xf32, #tpu.memory_space<vmem>>
        %scatter3A_1569 = tpu.memref_squeeze %scatter3A_1568 : memref<1x64x129xf32, #tpu.memory_space<vmem>> -> memref<64x129xf32, #tpu.memory_space<vmem>>
        tpu.vector_store_idx %scatter3A_1569[%add3A_1565, %add3A_1521], %get3A_1562 : memref<64x129xf32, #tpu.memory_space<vmem>>[vector<16xi32>, vector<16xi32>], vector<16xf32>,
        %add3A_1570 = arith.constant 3 : i32
        %add3A_1571 = arith.addi %mul3A_1319, %add3A_1570 : i32
        %get3A_1572 = arith.constant 0 : i32
        %get3A_1573 = arith.constant 0 : i32
        %get3A_1574 = tpu.memref_slice %arg10[%scan3A_519, %get3A_1572, %get3A_1573] : memref<4x128x64xf32, #tpu.memory_space<vmem>> -> memref<1x128x64xf32, #tpu.memory_space<vmem>>
        %get3A_1575 = tpu.memref_squeeze %get3A_1574 : memref<1x128x64xf32, #tpu.memory_space<vmem>> -> memref<128x64xf32, #tpu.memory_space<vmem>>
        %get3A_1576 = arith.index_cast %add3A_1571 : i32 to index
        %get3A_1577 = arith.constant 48 : index
        %get3A_1578 = tpu.vector_load %get3A_1575[%get3A_1576, %get3A_1577] {strides = array<i32>} : memref<128x64xf32, #tpu.memory_space<vmem>>, vector<16xf32>,
        %add3A_1579 = arith.constant 48 : i32
        %add3A_1580 = vector.broadcast %add3A_1579 : i32 to vector<16xi32>
        %add3A_1581 = arith.addi %iota3A, %add3A_1580 : vector<16xi32>
        %scatter3A_1582 = arith.constant 0 : i32
        %scatter3A_1583 = arith.constant 0 : i32
        %scatter3A_1584 = tpu.memref_slice %arg11[%scan3A_520, %scatter3A_1582, %scatter3A_1583] : memref<2x64x129xf32, #tpu.memory_space<vmem>> -> memref<1x64x129xf32, #tpu.memory_space<vmem>>
        %scatter3A_1585 = tpu.memref_squeeze %scatter3A_1584 : memref<1x64x129xf32, #tpu.memory_space<vmem>> -> memref<64x129xf32, #tpu.memory_space<vmem>>
        tpu.vector_store_idx %scatter3A_1585[%add3A_1581, %add3A_1521], %get3A_1578 : memref<64x129xf32, #tpu.memory_space<vmem>>[vector<16xi32>, vector<16xi32>], vector<16xf32>,
      }
      %scan3A_525 = arith.constant 32 : i32
      %jit3A = arith.constant 50 : i32
      %div3A = arith.divsi %add3A_508, %jit3A : i32
      %sign3A = arith.constant 0 : i32
      %sign3A_526 = arith.cmpi sgt, %add3A_508, %sign3A : i32
      %sign3A_527 = arith.extui %sign3A_526 : i1 to i32
      %sign3A_528 = arith.constant 0 : i32
      %sign3A_529 = arith.cmpi slt, %add3A_508, %sign3A_528 : i32
      %sign3A_530 = arith.extui %sign3A_529 : i1 to i32
      %sign3A_531 = arith.subi %sign3A_527, %sign3A_530 : i32
      %sign3A_532 = arith.constant 0 : i32
      %sign3A_533 = arith.cmpi sgt, %jit3A, %sign3A_532 : i32
      %sign3A_534 = arith.extui %sign3A_533 : i1 to i32
      %sign3A_535 = arith.constant 0 : i32
      %sign3A_536 = arith.cmpi slt, %jit3A, %sign3A_535 : i32
      %sign3A_537 = arith.extui %sign3A_536 : i1 to i32
      %sign3A_538 = arith.subi %sign3A_534, %sign3A_537 : i32
      %ne3A = arith.cmpi ne, %sign3A_531, %sign3A_538 : i32
      %rem3A = arith.remsi %add3A_508, %jit3A : i32
      %ne3A_539 = arith.constant 0 : i32
      %ne3A_540 = arith.cmpi ne, %rem3A, %ne3A_539 : i32
      %and3A = arith.andi %ne3A, %ne3A_540 : i1
      %sub3A = arith.constant 1 : i32
      %sub3A_541 = arith.subi %div3A, %sub3A : i32
      %select_n3A = arith.select %and3A, %sub3A_541, %div3A : i32
      %mul3A_542 = arith.constant 50 : i32
      %mul3A_543 = arith.muli %select_n3A, %mul3A_542 : i32
      %sub3A_544 = arith.subi %add3A_508, %mul3A_543 : i32
      %mul3A_545 = arith.constant 32 : i32
      %mul3A_546 = arith.muli %select_n3A, %mul3A_545 : i32
      %add3A_547 = arith.addi %add3A, %mul3A_546 : i32
      %dma_start3A_548 = arith.constant 0 : i32
      %dma_start3A_549 = arith.constant 0 : i32
      %dma_start3A_550 = arith.constant 0 : i32
      %dma_start3A_551 = arith.constant 0 : i32
      %dma_start3A_552 = tpu.memref_slice %arg11[%dma_start3A_548, %dma_start3A_550, %dma_start3A_551] : memref<2x64x129xf32, #tpu.memory_space<vmem>> -> memref<1x8x128xf32, #tpu.memory_space<vmem>>
      %dma_start3A_553 = tpu.memref_squeeze %dma_start3A_552 : memref<1x8x128xf32, #tpu.memory_space<vmem>> -> memref<8x128xf32, #tpu.memory_space<vmem>>
      %dma_start3A_554 = arith.constant 0 : i32
      %dma_start3A_555 = arith.constant 0 : i32
      %dma_start3A_556 = tpu.memref_slice %arg4[%sub3A_544, %dma_start3A_549, %add3A_547, %dma_start3A_554, %dma_start3A_555] : memref<50x8x128x8x128xf32, #tpu.memory_space<hbm>> -> memref<1x1x1x8x128xf32, #tpu.memory_space<hbm>>
      %dma_start3A_557 = tpu.memref_squeeze %dma_start3A_556 : memref<1x1x1x8x128xf32, #tpu.memory_space<hbm>> -> memref<8x128xf32, #tpu.memory_space<hbm>>
      %dma_start3A_558 = arith.constant 0 : i32
      %dma_start3A_559 = arith.constant 0 : i32
      %dma_start3A_560 = tpu.memref_slice %arg4[%sub3A_544, %dma_start3A_549, %add3A_547, %dma_start3A_558, %dma_start3A_559] : memref<50x8x128x8x128xf32, #tpu.memory_space<hbm>> -> memref<1x1x1x8x128xf32, #tpu.memory_space<hbm>>
      %dma_start3A_561 = tpu.memref_squeeze %dma_start3A_560 : memref<1x1x1x8x128xf32, #tpu.memory_space<hbm>> -> memref<8x128xf32, #tpu.memory_space<hbm>>
      %dma_start3A_562 = arith.constant 0 : i32
      %dma_start3A_563 = arith.constant 0 : i32
      %dma_start3A_564 = tpu.memref_slice %arg11[%dma_start3A_548, %dma_start3A_562, %dma_start3A_563] : memref<2x64x129xf32, #tpu.memory_space<vmem>> -> memref<1x8x128xf32, #tpu.memory_space<vmem>>
      %dma_start3A_565 = tpu.memref_squeeze %dma_start3A_564 : memref<1x8x128xf32, #tpu.memory_space<vmem>> -> memref<8x128xf32, #tpu.memory_space<vmem>>
      tpu.enqueue_dma source(%dma_start3A_565 : memref<8x128xf32, #tpu.memory_space<vmem>>) target(%dma_start3A_561 : memref<8x128xf32, #tpu.memory_space<hbm>>) target_semaphore(%arg16 : memref<!tpu.dma_semaphore, #tpu.memory_space<semaphore_mem>>)
      %dma_start3A_566 = arith.constant 0 : i32
      %dma_start3A_567 = arith.constant 1 : i32
      %dma_start3A_568 = arith.constant 8 : i32
      %dma_start3A_569 = arith.constant 0 : i32
      %dma_start3A_570 = tpu.memref_slice %arg11[%dma_start3A_566, %dma_start3A_568, %dma_start3A_569] : memref<2x64x129xf32, #tpu.memory_space<vmem>> -> memref<1x8x128xf32, #tpu.memory_space<vmem>>
      %dma_start3A_571 = tpu.memref_squeeze %dma_start3A_570 : memref<1x8x128xf32, #tpu.memory_space<vmem>> -> memref<8x128xf32, #tpu.memory_space<vmem>>
      %dma_start3A_572 = arith.constant 0 : i32
      %dma_start3A_573 = arith.constant 0 : i32
      %dma_start3A_574 = tpu.memref_slice %arg4[%sub3A_544, %dma_start3A_567, %add3A_547, %dma_start3A_572, %dma_start3A_573] : memref<50x8x128x8x128xf32, #tpu.memory_space<hbm>> -> memref<1x1x1x8x128xf32, #tpu.memory_space<hbm>>
      %dma_start3A_575 = tpu.memref_squeeze %dma_start3A_574 : memref<1x1x1x8x128xf32, #tpu.memory_space<hbm>> -> memref<8x128xf32, #tpu.memory_space<hbm>>
      %dma_start3A_576 = arith.constant 0 : i32
      %dma_start3A_577 = arith.constant 0 : i32
      %dma_start3A_578 = tpu.memref_slice %arg4[%sub3A_544, %dma_start3A_567, %add3A_547, %dma_start3A_576, %dma_start3A_577] : memref<50x8x128x8x128xf32, #tpu.memory_space<hbm>> -> memref<1x1x1x8x128xf32, #tpu.memory_space<hbm>>
      %dma_start3A_579 = tpu.memref_squeeze %dma_start3A_578 : memref<1x1x1x8x128xf32, #tpu.memory_space<hbm>> -> memref<8x128xf32, #tpu.memory_space<hbm>>
      %dma_start3A_580 = arith.constant 8 : i32
      %dma_start3A_581 = arith.constant 0 : i32
      %dma_start3A_582 = tpu.memref_slice %arg11[%dma_start3A_566, %dma_start3A_580, %dma_start3A_581] : memref<2x64x129xf32, #tpu.memory_space<vmem>> -> memref<1x8x128xf32, #tpu.memory_space<vmem>>
      %dma_start3A_583 = tpu.memref_squeeze %dma_start3A_582 : memref<1x8x128xf32, #tpu.memory_space<vmem>> -> memref<8x128xf32, #tpu.memory_space<vmem>>
      tpu.enqueue_dma source(%dma_start3A_583 : memref<8x128xf32, #tpu.memory_space<vmem>>) target(%dma_start3A_579 : memref<8x128xf32, #tpu.memory_space<hbm>>) target_semaphore(%arg16 : memref<!tpu.dma_semaphore, #tpu.memory_space<semaphore_mem>>)
      %dma_start3A_584 = arith.constant 0 : i32
      %dma_start3A_585 = arith.constant 2 : i32
      %dma_start3A_586 = arith.constant 16 : i32
      %dma_start3A_587 = arith.constant 0 : i32
      %dma_start3A_588 = tpu.memref_slice %arg11[%dma_start3A_584, %dma_start3A_586, %dma_start3A_587] : memref<2x64x129xf32, #tpu.memory_space<vmem>> -> memref<1x8x128xf32, #tpu.memory_space<vmem>>
      %dma_start3A_589 = tpu.memref_squeeze %dma_start3A_588 : memref<1x8x128xf32, #tpu.memory_space<vmem>> -> memref<8x128xf32, #tpu.memory_space<vmem>>
      %dma_start3A_590 = arith.constant 0 : i32
      %dma_start3A_591 = arith.constant 0 : i32
      %dma_start3A_592 = tpu.memref_slice %arg4[%sub3A_544, %dma_start3A_585, %add3A_547, %dma_start3A_590, %dma_start3A_591] : memref<50x8x128x8x128xf32, #tpu.memory_space<hbm>> -> memref<1x1x1x8x128xf32, #tpu.memory_space<hbm>>
      %dma_start3A_593 = tpu.memref_squeeze %dma_start3A_592 : memref<1x1x1x8x128xf32, #tpu.memory_space<hbm>> -> memref<8x128xf32, #tpu.memory_space<hbm>>
      %dma_start3A_594 = arith.constant 0 : i32
      %dma_start3A_595 = arith.constant 0 : i32
      %dma_start3A_596 = tpu.memref_slice %arg4[%sub3A_544, %dma_start3A_585, %add3A_547, %dma_start3A_594, %dma_start3A_595] : memref<50x8x128x8x128xf32, #tpu.memory_space<hbm>> -> memref<1x1x1x8x128xf32, #tpu.memory_space<hbm>>
      %dma_start3A_597 = tpu.memref_squeeze %dma_start3A_596 : memref<1x1x1x8x128xf32, #tpu.memory_space<hbm>> -> memref<8x128xf32, #tpu.memory_space<hbm>>
      %dma_start3A_598 = arith.constant 16 : i32
      %dma_start3A_599 = arith.constant 0 : i32
      %dma_start3A_600 = tpu.memref_slice %arg11[%dma_start3A_584, %dma_start3A_598, %dma_start3A_599] : memref<2x64x129xf32, #tpu.memory_space<vmem>> -> memref<1x8x128xf32, #tpu.memory_space<vmem>>
      %dma_start3A_601 = tpu.memref_squeeze %dma_start3A_600 : memref<1x8x128xf32, #tpu.memory_space<vmem>> -> memref<8x128xf32, #tpu.memory_space<vmem>>
      tpu.enqueue_dma source(%dma_start3A_601 : memref<8x128xf32, #tpu.memory_space<vmem>>) target(%dma_start3A_597 : memref<8x128xf32, #tpu.memory_space<hbm>>) target_semaphore(%arg16 : memref<!tpu.dma_semaphore, #tpu.memory_space<semaphore_mem>>)
      %dma_start3A_602 = arith.constant 0 : i32
      %dma_start3A_603 = arith.constant 3 : i32
      %dma_start3A_604 = arith.constant 24 : i32
      %dma_start3A_605 = arith.constant 0 : i32
      %dma_start3A_606 = tpu.memref_slice %arg11[%dma_start3A_602, %dma_start3A_604, %dma_start3A_605] : memref<2x64x129xf32, #tpu.memory_space<vmem>> -> memref<1x8x128xf32, #tpu.memory_space<vmem>>
      %dma_start3A_607 = tpu.memref_squeeze %dma_start3A_606 : memref<1x8x128xf32, #tpu.memory_space<vmem>> -> memref<8x128xf32, #tpu.memory_space<vmem>>
      %dma_start3A_608 = arith.constant 0 : i32
      %dma_start3A_609 = arith.constant 0 : i32
      %dma_start3A_610 = tpu.memref_slice %arg4[%sub3A_544, %dma_start3A_603, %add3A_547, %dma_start3A_608, %dma_start3A_609] : memref<50x8x128x8x128xf32, #tpu.memory_space<hbm>> -> memref<1x1x1x8x128xf32, #tpu.memory_space<hbm>>
      %dma_start3A_611 = tpu.memref_squeeze %dma_start3A_610 : memref<1x1x1x8x128xf32, #tpu.memory_space<hbm>> -> memref<8x128xf32, #tpu.memory_space<hbm>>
      %dma_start3A_612 = arith.constant 0 : i32
      %dma_start3A_613 = arith.constant 0 : i32
      %dma_start3A_614 = tpu.memref_slice %arg4[%sub3A_544, %dma_start3A_603, %add3A_547, %dma_start3A_612, %dma_start3A_613] : memref<50x8x128x8x128xf32, #tpu.memory_space<hbm>> -> memref<1x1x1x8x128xf32, #tpu.memory_space<hbm>>
      %dma_start3A_615 = tpu.memref_squeeze %dma_start3A_614 : memref<1x1x1x8x128xf32, #tpu.memory_space<hbm>> -> memref<8x128xf32, #tpu.memory_space<hbm>>
      %dma_start3A_616 = arith.constant 24 : i32
      %dma_start3A_617 = arith.constant 0 : i32
      %dma_start3A_618 = tpu.memref_slice %arg11[%dma_start3A_602, %dma_start3A_616, %dma_start3A_617] : memref<2x64x129xf32, #tpu.memory_space<vmem>> -> memref<1x8x128xf32, #tpu.memory_space<vmem>>
      %dma_start3A_619 = tpu.memref_squeeze %dma_start3A_618 : memref<1x8x128xf32, #tpu.memory_space<vmem>> -> memref<8x128xf32, #tpu.memory_space<vmem>>
      tpu.enqueue_dma source(%dma_start3A_619 : memref<8x128xf32, #tpu.memory_space<vmem>>) target(%dma_start3A_615 : memref<8x128xf32, #tpu.memory_space<hbm>>) target_semaphore(%arg16 : memref<!tpu.dma_semaphore, #tpu.memory_space<semaphore_mem>>)
      %dma_start3A_620 = arith.constant 0 : i32
      %dma_start3A_621 = arith.constant 4 : i32
      %dma_start3A_622 = arith.constant 32 : i32
      %dma_start3A_623 = arith.constant 0 : i32
      %dma_start3A_624 = tpu.memref_slice %arg11[%dma_start3A_620, %dma_start3A_622, %dma_start3A_623] : memref<2x64x129xf32, #tpu.memory_space<vmem>> -> memref<1x8x128xf32, #tpu.memory_space<vmem>>
      %dma_start3A_625 = tpu.memref_squeeze %dma_start3A_624 : memref<1x8x128xf32, #tpu.memory_space<vmem>> -> memref<8x128xf32, #tpu.memory_space<vmem>>
      %dma_start3A_626 = arith.constant 0 : i32
      %dma_start3A_627 = arith.constant 0 : i32
      %dma_start3A_628 = tpu.memref_slice %arg4[%sub3A_544, %dma_start3A_621, %add3A_547, %dma_start3A_626, %dma_start3A_627] : memref<50x8x128x8x128xf32, #tpu.memory_space<hbm>> -> memref<1x1x1x8x128xf32, #tpu.memory_space<hbm>>
      %dma_start3A_629 = tpu.memref_squeeze %dma_start3A_628 : memref<1x1x1x8x128xf32, #tpu.memory_space<hbm>> -> memref<8x128xf32, #tpu.memory_space<hbm>>
      %dma_start3A_630 = arith.constant 0 : i32
      %dma_start3A_631 = arith.constant 0 : i32
      %dma_start3A_632 = tpu.memref_slice %arg4[%sub3A_544, %dma_start3A_621, %add3A_547, %dma_start3A_630, %dma_start3A_631] : memref<50x8x128x8x128xf32, #tpu.memory_space<hbm>> -> memref<1x1x1x8x128xf32, #tpu.memory_space<hbm>>
      %dma_start3A_633 = tpu.memref_squeeze %dma_start3A_632 : memref<1x1x1x8x128xf32, #tpu.memory_space<hbm>> -> memref<8x128xf32, #tpu.memory_space<hbm>>
      %dma_start3A_634 = arith.constant 32 : i32
      %dma_start3A_635 = arith.constant 0 : i32
      %dma_start3A_636 = tpu.memref_slice %arg11[%dma_start3A_620, %dma_start3A_634, %dma_start3A_635] : memref<2x64x129xf32, #tpu.memory_space<vmem>> -> memref<1x8x128xf32, #tpu.memory_space<vmem>>
      %dma_start3A_637 = tpu.memref_squeeze %dma_start3A_636 : memref<1x8x128xf32, #tpu.memory_space<vmem>> -> memref<8x128xf32, #tpu.memory_space<vmem>>
      tpu.enqueue_dma source(%dma_start3A_637 : memref<8x128xf32, #tpu.memory_space<vmem>>) target(%dma_start3A_633 : memref<8x128xf32, #tpu.memory_space<hbm>>) target_semaphore(%arg16 : memref<!tpu.dma_semaphore, #tpu.memory_space<semaphore_mem>>)
      %dma_start3A_638 = arith.constant 0 : i32
      %dma_start3A_639 = arith.constant 5 : i32
      %dma_start3A_640 = arith.constant 40 : i32
      %dma_start3A_641 = arith.constant 0 : i32
      %dma_start3A_642 = tpu.memref_slice %arg11[%dma_start3A_638, %dma_start3A_640, %dma_start3A_641] : memref<2x64x129xf32, #tpu.memory_space<vmem>> -> memref<1x8x128xf32, #tpu.memory_space<vmem>>
      %dma_start3A_643 = tpu.memref_squeeze %dma_start3A_642 : memref<1x8x128xf32, #tpu.memory_space<vmem>> -> memref<8x128xf32, #tpu.memory_space<vmem>>
      %dma_start3A_644 = arith.constant 0 : i32
      %dma_start3A_645 = arith.constant 0 : i32
      %dma_start3A_646 = tpu.memref_slice %arg4[%sub3A_544, %dma_start3A_639, %add3A_547, %dma_start3A_644, %dma_start3A_645] : memref<50x8x128x8x128xf32, #tpu.memory_space<hbm>> -> memref<1x1x1x8x128xf32, #tpu.memory_space<hbm>>
      %dma_start3A_647 = tpu.memref_squeeze %dma_start3A_646 : memref<1x1x1x8x128xf32, #tpu.memory_space<hbm>> -> memref<8x128xf32, #tpu.memory_space<hbm>>
      %dma_start3A_648 = arith.constant 0 : i32
      %dma_start3A_649 = arith.constant 0 : i32
      %dma_start3A_650 = tpu.memref_slice %arg4[%sub3A_544, %dma_start3A_639, %add3A_547, %dma_start3A_648, %dma_start3A_649] : memref<50x8x128x8x128xf32, #tpu.memory_space<hbm>> -> memref<1x1x1x8x128xf32, #tpu.memory_space<hbm>>
      %dma_start3A_651 = tpu.memref_squeeze %dma_start3A_650 : memref<1x1x1x8x128xf32, #tpu.memory_space<hbm>> -> memref<8x128xf32, #tpu.memory_space<hbm>>
      %dma_start3A_652 = arith.constant 40 : i32
      %dma_start3A_653 = arith.constant 0 : i32
      %dma_start3A_654 = tpu.memref_slice %arg11[%dma_start3A_638, %dma_start3A_652, %dma_start3A_653] : memref<2x64x129xf32, #tpu.memory_space<vmem>> -> memref<1x8x128xf32, #tpu.memory_space<vmem>>
      %dma_start3A_655 = tpu.memref_squeeze %dma_start3A_654 : memref<1x8x128xf32, #tpu.memory_space<vmem>> -> memref<8x128xf32, #tpu.memory_space<vmem>>
      tpu.enqueue_dma source(%dma_start3A_655 : memref<8x128xf32, #tpu.memory_space<vmem>>) target(%dma_start3A_651 : memref<8x128xf32, #tpu.memory_space<hbm>>) target_semaphore(%arg16 : memref<!tpu.dma_semaphore, #tpu.memory_space<semaphore_mem>>)
      %dma_start3A_656 = arith.constant 0 : i32
      %dma_start3A_657 = arith.constant 6 : i32
      %dma_start3A_658 = arith.constant 48 : i32
      %dma_start3A_659 = arith.constant 0 : i32
      %dma_start3A_660 = tpu.memref_slice %arg11[%dma_start3A_656, %dma_start3A_658, %dma_start3A_659] : memref<2x64x129xf32, #tpu.memory_space<vmem>> -> memref<1x8x128xf32, #tpu.memory_space<vmem>>
      %dma_start3A_661 = tpu.memref_squeeze %dma_start3A_660 : memref<1x8x128xf32, #tpu.memory_space<vmem>> -> memref<8x128xf32, #tpu.memory_space<vmem>>
      %dma_start3A_662 = arith.constant 0 : i32
      %dma_start3A_663 = arith.constant 0 : i32
      %dma_start3A_664 = tpu.memref_slice %arg4[%sub3A_544, %dma_start3A_657, %add3A_547, %dma_start3A_662, %dma_start3A_663] : memref<50x8x128x8x128xf32, #tpu.memory_space<hbm>> -> memref<1x1x1x8x128xf32, #tpu.memory_space<hbm>>
      %dma_start3A_665 = tpu.memref_squeeze %dma_start3A_664 : memref<1x1x1x8x128xf32, #tpu.memory_space<hbm>> -> memref<8x128xf32, #tpu.memory_space<hbm>>
      %dma_start3A_666 = arith.constant 0 : i32
      %dma_start3A_667 = arith.constant 0 : i32
      %dma_start3A_668 = tpu.memref_slice %arg4[%sub3A_544, %dma_start3A_657, %add3A_547, %dma_start3A_666, %dma_start3A_667] : memref<50x8x128x8x128xf32, #tpu.memory_space<hbm>> -> memref<1x1x1x8x128xf32, #tpu.memory_space<hbm>>
      %dma_start3A_669 = tpu.memref_squeeze %dma_start3A_668 : memref<1x1x1x8x128xf32, #tpu.memory_space<hbm>> -> memref<8x128xf32, #tpu.memory_space<hbm>>
      %dma_start3A_670 = arith.constant 48 : i32
      %dma_start3A_671 = arith.constant 0 : i32
      %dma_start3A_672 = tpu.memref_slice %arg11[%dma_start3A_656, %dma_start3A_670, %dma_start3A_671] : memref<2x64x129xf32, #tpu.memory_space<vmem>> -> memref<1x8x128xf32, #tpu.memory_space<vmem>>
      %dma_start3A_673 = tpu.memref_squeeze %dma_start3A_672 : memref<1x8x128xf32, #tpu.memory_space<vmem>> -> memref<8x128xf32, #tpu.memory_space<vmem>>
      tpu.enqueue_dma source(%dma_start3A_673 : memref<8x128xf32, #tpu.memory_space<vmem>>) target(%dma_start3A_669 : memref<8x128xf32, #tpu.memory_space<hbm>>) target_semaphore(%arg16 : memref<!tpu.dma_semaphore, #tpu.memory_space<semaphore_mem>>)
      %dma_start3A_674 = arith.constant 0 : i32
      %dma_start3A_675 = arith.constant 7 : i32
      %dma_start3A_676 = arith.constant 56 : i32
      %dma_start3A_677 = arith.constant 0 : i32
      %dma_start3A_678 = tpu.memref_slice %arg11[%dma_start3A_674, %dma_start3A_676, %dma_start3A_677] : memref<2x64x129xf32, #tpu.memory_space<vmem>> -> memref<1x8x128xf32, #tpu.memory_space<vmem>>
      %dma_start3A_679 = tpu.memref_squeeze %dma_start3A_678 : memref<1x8x128xf32, #tpu.memory_space<vmem>> -> memref<8x128xf32, #tpu.memory_space<vmem>>
      %dma_start3A_680 = arith.constant 0 : i32
      %dma_start3A_681 = arith.constant 0 : i32
      %dma_start3A_682 = tpu.memref_slice %arg4[%sub3A_544, %dma_start3A_675, %add3A_547, %dma_start3A_680, %dma_start3A_681] : memref<50x8x128x8x128xf32, #tpu.memory_space<hbm>> -> memref<1x1x1x8x128xf32, #tpu.memory_space<hbm>>
      %dma_start3A_683 = tpu.memref_squeeze %dma_start3A_682 : memref<1x1x1x8x128xf32, #tpu.memory_space<hbm>> -> memref<8x128xf32, #tpu.memory_space<hbm>>
      %dma_start3A_684 = arith.constant 0 : i32
      %dma_start3A_685 = arith.constant 0 : i32
      %dma_start3A_686 = tpu.memref_slice %arg4[%sub3A_544, %dma_start3A_675, %add3A_547, %dma_start3A_684, %dma_start3A_685] : memref<50x8x128x8x128xf32, #tpu.memory_space<hbm>> -> memref<1x1x1x8x128xf32, #tpu.memory_space<hbm>>
      %dma_start3A_687 = tpu.memref_squeeze %dma_start3A_686 : memref<1x1x1x8x128xf32, #tpu.memory_space<hbm>> -> memref<8x128xf32, #tpu.memory_space<hbm>>
      %dma_start3A_688 = arith.constant 56 : i32
      %dma_start3A_689 = arith.constant 0 : i32
      %dma_start3A_690 = tpu.memref_slice %arg11[%dma_start3A_674, %dma_start3A_688, %dma_start3A_689] : memref<2x64x129xf32, #tpu.memory_space<vmem>> -> memref<1x8x128xf32, #tpu.memory_space<vmem>>
      %dma_start3A_691 = tpu.memref_squeeze %dma_start3A_690 : memref<1x8x128xf32, #tpu.memory_space<vmem>> -> memref<8x128xf32, #tpu.memory_space<vmem>>
      tpu.enqueue_dma source(%dma_start3A_691 : memref<8x128xf32, #tpu.memory_space<vmem>>) target(%dma_start3A_687 : memref<8x128xf32, #tpu.memory_space<hbm>>) target_semaphore(%arg16 : memref<!tpu.dma_semaphore, #tpu.memory_space<semaphore_mem>>)
      %add3A_692 = arith.constant 3 : i32
      %add3A_693 = arith.addi %add3A_508, %add3A_692 : i32
      %lt3A = arith.constant 200 : i32
      %lt3A_694 = arith.cmpi slt, %add3A_693, %lt3A : i32
      %convert_element_type3A_695 = arith.extui %lt3A_694 : i1 to i32
      %cond3A_696 = arith.constant 0 : i32
      %cond3A_697 = arith.cmpi ne, %convert_element_type3A_695, %cond3A_696 : i32
      scf.if %cond3A_697 {
        %add3A_1313 = arith.constant 3 : i32
        %add3A_1314 = arith.addi %add3A_508, %add3A_1313 : i32
        %jit3A_1315 = arith.constant 50 : i32
        %div3A_1316 = arith.divsi %add3A_1314, %jit3A_1315 : i32
        %sign3A_1317 = arith.constant 0 : i32
        %sign3A_1318 = arith.cmpi sgt, %add3A_1314, %sign3A_1317 : i32
        %sign3A_1319 = arith.extui %sign3A_1318 : i1 to i32
        %sign3A_1320 = arith.constant 0 : i32
        %sign3A_1321 = arith.cmpi slt, %add3A_1314, %sign3A_1320 : i32
        %sign3A_1322 = arith.extui %sign3A_1321 : i1 to i32
        %sign3A_1323 = arith.subi %sign3A_1319, %sign3A_1322 : i32
        %sign3A_1324 = arith.constant 0 : i32
        %sign3A_1325 = arith.cmpi sgt, %jit3A_1315, %sign3A_1324 : i32
        %sign3A_1326 = arith.extui %sign3A_1325 : i1 to i32
        %sign3A_1327 = arith.constant 0 : i32
        %sign3A_1328 = arith.cmpi slt, %jit3A_1315, %sign3A_1327 : i32
        %sign3A_1329 = arith.extui %sign3A_1328 : i1 to i32
        %sign3A_1330 = arith.subi %sign3A_1326, %sign3A_1329 : i32
        %ne3A_1331 = arith.cmpi ne, %sign3A_1323, %sign3A_1330 : i32
        %rem3A_1332 = arith.remsi %add3A_1314, %jit3A_1315 : i32
        %ne3A_1333 = arith.constant 0 : i32
        %ne3A_1334 = arith.cmpi ne, %rem3A_1332, %ne3A_1333 : i32
        %and3A_1335 = arith.andi %ne3A_1331, %ne3A_1334 : i1
        %sub3A_1336 = arith.constant 1 : i32
        %sub3A_1337 = arith.subi %div3A_1316, %sub3A_1336 : i32
        %select_n3A_1338 = arith.select %and3A_1335, %sub3A_1337, %div3A_1316 : i32
        %mul3A_1339 = arith.constant 50 : i32
        %mul3A_1340 = arith.muli %select_n3A_1338, %mul3A_1339 : i32
        %sub3A_1341 = arith.subi %add3A_1314, %mul3A_1340 : i32
        %mul3A_1342 = arith.constant 32 : i32
        %mul3A_1343 = arith.muli %select_n3A_1338, %mul3A_1342 : i32
        %add3A_1344 = arith.addi %add3A, %mul3A_1343 : i32
        %eq3A = arith.constant 0 : i32
        %eq3A_1345 = arith.cmpi eq, %sub3A_1341, %eq3A : i32
        %convert_element_type3A_1346 = arith.extui %eq3A_1345 : i1 to i32
        %cond3A_1347 = arith.constant 0 : i32
        %cond3A_1348 = arith.cmpi ne, %convert_element_type3A_1346, %cond3A_1347 : i32
        scf.if %cond3A_1348 {
          %mul3A_1413 = arith.constant 6400 : i32
          %mul3A_1414 = arith.muli %add3A_1344, %mul3A_1413 : i32
          "tpu.region"() ({
            %run_scoped3A = tpu.sem_alloc : memref<!tpu.dma_semaphore, #tpu.memory_space<semaphore_mem>>
            %dma_start3A_1415 = tpu.memref_slice %arg2[%mul3A_1414] : memref<819200xi32, #tpu.memory_space<hbm>> -> memref<6400xi32, #tpu.memory_space<hbm>>
            %dma_start3A_1416 = tpu.memref_slice %arg2[%mul3A_1414] : memref<819200xi32, #tpu.memory_space<hbm>> -> memref<6400xi32, #tpu.memory_space<hbm>>
            tpu.enqueue_dma source(%dma_start3A_1416 : memref<6400xi32, #tpu.memory_space<hbm>>) target(%arg5 : memref<6400xi32, #tpu.memory_space<vmem>>) target_semaphore(%run_scoped3A : memref<!tpu.dma_semaphore, #tpu.memory_space<semaphore_mem>>)
            %dma_wait3A_1417 = tpu.memref_slice %arg2[%mul3A_1414] : memref<819200xi32, #tpu.memory_space<hbm>> -> memref<6400xi32, #tpu.memory_space<hbm>>
            %dma_wait3A_1418 = tpu.memref_slice %arg2[%mul3A_1414] : memref<819200xi32, #tpu.memory_space<hbm>> -> memref<6400xi32, #tpu.memory_space<hbm>>
            tpu.wait_dma2 semaphore(%run_scoped3A : memref<!tpu.dma_semaphore, #tpu.memory_space<semaphore_mem>>) src(%dma_wait3A_1418 : memref<6400xi32, #tpu.memory_space<hbm>>) dst(%arg5 : memref<6400xi32, #tpu.memory_space<vmem>>)
            tpu.yield
          }) : () -> ()
        } else {
        }
        %add3A_1349 = arith.constant 0 : i32
        %add3A_1350 = arith.addi %add3A_1349, %sub3A_1341 : i32
        %add3A_1351 = vector.broadcast %add3A_1350 : i32 to vector<16xi32>
        %add3A_1352 = arith.addi %mul3A_3, %add3A_1351 : vector<16xi32>
        %gather3A_1353 = tpu.vector_load_idx %arg5[%add3A_1352] : memref<6400xi32, #tpu.memory_space<vmem>>[vector<16xi32>], vector<16xi32>,
        %swap3A_1354 = arith.constant 0 : index
        %swap3A_1355 = tpu.vector_load %arg9[%swap3A_1354] {strides = array<i32>} : memref<128xi32, #tpu.memory_space<vmem>>, vector<16xi32>,
        tpu.vector_store %arg9[%swap3A_1354], %gather3A_1353 {strides = array<i32>} : memref<128xi32, #tpu.memory_space<vmem>>, vector<16xi32>,
        %add3A_1356 = arith.constant 800 : i32
        %add3A_1357 = arith.addi %add3A_1356, %sub3A_1341 : i32
        %add3A_1358 = vector.broadcast %add3A_1357 : i32 to vector<16xi32>
        %add3A_1359 = arith.addi %mul3A_3, %add3A_1358 : vector<16xi32>
        %gather3A_1360 = tpu.vector_load_idx %arg5[%add3A_1359] : memref<6400xi32, #tpu.memory_space<vmem>>[vector<16xi32>], vector<16xi32>,
        %swap3A_1361 = arith.constant 16 : index
        %swap3A_1362 = tpu.vector_load %arg9[%swap3A_1361] {strides = array<i32>} : memref<128xi32, #tpu.memory_space<vmem>>, vector<16xi32>,
        tpu.vector_store %arg9[%swap3A_1361], %gather3A_1360 {strides = array<i32>} : memref<128xi32, #tpu.memory_space<vmem>>, vector<16xi32>,
        %add3A_1363 = arith.constant 1600 : i32
        %add3A_1364 = arith.addi %add3A_1363, %sub3A_1341 : i32
        %add3A_1365 = vector.broadcast %add3A_1364 : i32 to vector<16xi32>
        %add3A_1366 = arith.addi %mul3A_3, %add3A_1365 : vector<16xi32>
        %gather3A_1367 = tpu.vector_load_idx %arg5[%add3A_1366] : memref<6400xi32, #tpu.memory_space<vmem>>[vector<16xi32>], vector<16xi32>,
        %swap3A_1368 = arith.constant 32 : index
        %swap3A_1369 = tpu.vector_load %arg9[%swap3A_1368] {strides = array<i32>} : memref<128xi32, #tpu.memory_space<vmem>>, vector<16xi32>,
        tpu.vector_store %arg9[%swap3A_1368], %gather3A_1367 {strides = array<i32>} : memref<128xi32, #tpu.memory_space<vmem>>, vector<16xi32>,
        %add3A_1370 = arith.constant 2400 : i32
        %add3A_1371 = arith.addi %add3A_1370, %sub3A_1341 : i32
        %add3A_1372 = vector.broadcast %add3A_1371 : i32 to vector<16xi32>
        %add3A_1373 = arith.addi %mul3A_3, %add3A_1372 : vector<16xi32>
        %gather3A_1374 = tpu.vector_load_idx %arg5[%add3A_1373] : memref<6400xi32, #tpu.memory_space<vmem>>[vector<16xi32>], vector<16xi32>,
        %swap3A_1375 = arith.constant 48 : index
        %swap3A_1376 = tpu.vector_load %arg9[%swap3A_1375] {strides = array<i32>} : memref<128xi32, #tpu.memory_space<vmem>>, vector<16xi32>,
        tpu.vector_store %arg9[%swap3A_1375], %gather3A_1374 {strides = array<i32>} : memref<128xi32, #tpu.memory_space<vmem>>, vector<16xi32>,
        %add3A_1377 = arith.constant 3200 : i32
        %add3A_1378 = arith.addi %add3A_1377, %sub3A_1341 : i32
        %add3A_1379 = vector.broadcast %add3A_1378 : i32 to vector<16xi32>
        %add3A_1380 = arith.addi %mul3A_3, %add3A_1379 : vector<16xi32>
        %gather3A_1381 = tpu.vector_load_idx %arg5[%add3A_1380] : memref<6400xi32, #tpu.memory_space<vmem>>[vector<16xi32>], vector<16xi32>,
        %swap3A_1382 = arith.constant 64 : index
        %swap3A_1383 = tpu.vector_load %arg9[%swap3A_1382] {strides = array<i32>} : memref<128xi32, #tpu.memory_space<vmem>>, vector<16xi32>,
        tpu.vector_store %arg9[%swap3A_1382], %gather3A_1381 {strides = array<i32>} : memref<128xi32, #tpu.memory_space<vmem>>, vector<16xi32>,
        %add3A_1384 = arith.constant 4000 : i32
        %add3A_1385 = arith.addi %add3A_1384, %sub3A_1341 : i32
        %add3A_1386 = vector.broadcast %add3A_1385 : i32 to vector<16xi32>
        %add3A_1387 = arith.addi %mul3A_3, %add3A_1386 : vector<16xi32>
        %gather3A_1388 = tpu.vector_load_idx %arg5[%add3A_1387] : memref<6400xi32, #tpu.memory_space<vmem>>[vector<16xi32>], vector<16xi32>,
        %swap3A_1389 = arith.constant 80 : index
        %swap3A_1390 = tpu.vector_load %arg9[%swap3A_1389] {strides = array<i32>} : memref<128xi32, #tpu.memory_space<vmem>>, vector<16xi32>,
        tpu.vector_store %arg9[%swap3A_1389], %gather3A_1388 {strides = array<i32>} : memref<128xi32, #tpu.memory_space<vmem>>, vector<16xi32>,
        %add3A_1391 = arith.constant 4800 : i32
        %add3A_1392 = arith.addi %add3A_1391, %sub3A_1341 : i32
        %add3A_1393 = vector.broadcast %add3A_1392 : i32 to vector<16xi32>
        %add3A_1394 = arith.addi %mul3A_3, %add3A_1393 : vector<16xi32>
        %gather3A_1395 = tpu.vector_load_idx %arg5[%add3A_1394] : memref<6400xi32, #tpu.memory_space<vmem>>[vector<16xi32>], vector<16xi32>,
        %swap3A_1396 = arith.constant 96 : index
        %swap3A_1397 = tpu.vector_load %arg9[%swap3A_1396] {strides = array<i32>} : memref<128xi32, #tpu.memory_space<vmem>>, vector<16xi32>,
        tpu.vector_store %arg9[%swap3A_1396], %gather3A_1395 {strides = array<i32>} : memref<128xi32, #tpu.memory_space<vmem>>, vector<16xi32>,
        %add3A_1398 = arith.constant 5600 : i32
        %add3A_1399 = arith.addi %add3A_1398, %sub3A_1341 : i32
        %add3A_1400 = vector.broadcast %add3A_1399 : i32 to vector<16xi32>
        %add3A_1401 = arith.addi %mul3A_3, %add3A_1400 : vector<16xi32>
        %gather3A_1402 = tpu.vector_load_idx %arg5[%add3A_1401] : memref<6400xi32, #tpu.memory_space<vmem>>[vector<16xi32>], vector<16xi32>,
        %swap3A_1403 = arith.constant 112 : index
        %swap3A_1404 = tpu.vector_load %arg9[%swap3A_1403] {strides = array<i32>} : memref<128xi32, #tpu.memory_space<vmem>>, vector<16xi32>,
        tpu.vector_store %arg9[%swap3A_1403], %gather3A_1402 {strides = array<i32>} : memref<128xi32, #tpu.memory_space<vmem>>, vector<16xi32>,
        %dma_start3A_1405 = arith.constant 3 : i32
        %dma_start3A_1406 = arith.constant 0 : i32
        %dma_start3A_1407 = arith.constant 0 : i32
        %dma_start3A_1408 = tpu.memref_slice %arg10[%dma_start3A_1405, %dma_start3A_1406, %dma_start3A_1407] : memref<4x128x64xf32, #tpu.memory_space<vmem>> -> memref<1x128x64xf32, #tpu.memory_space<vmem>>
        %dma_start3A_1409 = tpu.memref_squeeze %dma_start3A_1408 : memref<1x128x64xf32, #tpu.memory_space<vmem>> -> memref<128x64xf32, #tpu.memory_space<vmem>>
        %dma_start3A_1410 = arith.constant 0 : i32
        %dma_start3A_1411 = arith.constant 0 : i32
        %dma_start3A_1412 = tpu.memref_slice %arg3[%dma_start3A_1410, %dma_start3A_1411] : memref<1000000x64xf32, #tpu.memory_space<hbm>> -> memref<1000000x64xf32, #tpu.memory_space<hbm>>
        tpu.enqueue_indirect_dma source(%dma_start3A_1412 : memref<1000000x64xf32, #tpu.memory_space<hbm>>) target(%dma_start3A_1409 : memref<128x64xf32, #tpu.memory_space<vmem>>) offsets(%arg9 : memref<128xi32, #tpu.memory_space<vmem>>) semaphore(%arg15 : memref<!tpu.dma_semaphore, #tpu.memory_space<semaphore_mem>>)
      } else {
      }
      %mul3A_698 = arith.constant 4 : i32
      %mul3A_699 = arith.muli %mul3A_698, %add3A_504 : i32
      %add3A_700 = arith.constant 1 : i32
      %add3A_701 = arith.addi %mul3A_699, %add3A_700 : i32
      %dma_wait3A_702 = arith.constant 1 : i32
      %dma_wait3A_703 = arith.constant 0 : i32
      %dma_wait3A_704 = arith.constant 0 : i32
      %dma_wait3A_705 = tpu.memref_slice %arg10[%dma_wait3A_702, %dma_wait3A_703, %dma_wait3A_704] : memref<4x128x64xf32, #tpu.memory_space<vmem>> -> memref<1x128x64xf32, #tpu.memory_space<vmem>>
      %dma_wait3A_706 = tpu.memref_squeeze %dma_wait3A_705 : memref<1x128x64xf32, #tpu.memory_space<vmem>> -> memref<128x64xf32, #tpu.memory_space<vmem>>
      %dma_wait3A_707 = arith.constant 0 : i32
      %dma_wait3A_708 = arith.constant 0 : i32
      %dma_wait3A_709 = tpu.memref_slice %arg3[%dma_wait3A_707, %dma_wait3A_708] : memref<1000000x64xf32, #tpu.memory_space<hbm>> -> memref<1000000x64xf32, #tpu.memory_space<hbm>>
      tpu.wait_indirect_dma semaphore(%arg13 : memref<!tpu.dma_semaphore, #tpu.memory_space<semaphore_mem>>) src(%dma_wait3A_709 : memref<1000000x64xf32, #tpu.memory_space<hbm>>) dst(%dma_wait3A_706 : memref<128x64xf32, #tpu.memory_space<vmem>>)
      %ge3A_710 = arith.constant 2 : i32
      %ge3A_711 = arith.cmpi sge, %add3A_701, %ge3A_710 : i32
      %convert_element_type3A_712 = arith.extui %ge3A_711 : i1 to i32
      %cond3A_713 = arith.constant 0 : i32
      %cond3A_714 = arith.cmpi ne, %convert_element_type3A_712, %cond3A_713 : i32
      scf.if %cond3A_714 {
        %dma_wait3A_1313 = arith.constant 1 : i32
        %dma_wait3A_1314 = arith.constant 0 : i32
        %dma_wait3A_1315 = arith.constant 0 : i32
        %dma_wait3A_1316 = arith.constant 0 : i32
        %dma_wait3A_1317 = arith.constant 0 : i32
        %dma_wait3A_1318 = arith.constant 0 : i32
        %dma_wait3A_1319 = tpu.memref_slice %arg11[%dma_wait3A_1313, %dma_wait3A_1317, %dma_wait3A_1318] : memref<2x64x129xf32, #tpu.memory_space<vmem>> -> memref<1x8x128xf32, #tpu.memory_space<vmem>>
        %dma_wait3A_1320 = tpu.memref_squeeze %dma_wait3A_1319 : memref<1x8x128xf32, #tpu.memory_space<vmem>> -> memref<8x128xf32, #tpu.memory_space<vmem>>
        %dma_wait3A_1321 = arith.constant 0 : i32
        %dma_wait3A_1322 = arith.constant 0 : i32
        %dma_wait3A_1323 = tpu.memref_slice %arg4[%dma_wait3A_1314, %dma_wait3A_1315, %dma_wait3A_1316, %dma_wait3A_1321, %dma_wait3A_1322] : memref<50x8x128x8x128xf32, #tpu.memory_space<hbm>> -> memref<1x1x1x8x128xf32, #tpu.memory_space<hbm>>
        %dma_wait3A_1324 = tpu.memref_squeeze %dma_wait3A_1323 : memref<1x1x1x8x128xf32, #tpu.memory_space<hbm>> -> memref<8x128xf32, #tpu.memory_space<hbm>>
        %dma_wait3A_1325 = arith.constant 0 : i32
        %dma_wait3A_1326 = arith.constant 0 : i32
        %dma_wait3A_1327 = tpu.memref_slice %arg4[%dma_wait3A_1314, %dma_wait3A_1315, %dma_wait3A_1316, %dma_wait3A_1325, %dma_wait3A_1326] : memref<50x8x128x8x128xf32, #tpu.memory_space<hbm>> -> memref<1x1x1x8x128xf32, #tpu.memory_space<hbm>>
        %dma_wait3A_1328 = tpu.memref_squeeze %dma_wait3A_1327 : memref<1x1x1x8x128xf32, #tpu.memory_space<hbm>> -> memref<8x128xf32, #tpu.memory_space<hbm>>
        %dma_wait3A_1329 = arith.constant 0 : i32
        %dma_wait3A_1330 = arith.constant 0 : i32
        %dma_wait3A_1331 = tpu.memref_slice %arg11[%dma_wait3A_1313, %dma_wait3A_1329, %dma_wait3A_1330] : memref<2x64x129xf32, #tpu.memory_space<vmem>> -> memref<1x8x128xf32, #tpu.memory_space<vmem>>
        %dma_wait3A_1332 = tpu.memref_squeeze %dma_wait3A_1331 : memref<1x8x128xf32, #tpu.memory_space<vmem>> -> memref<8x128xf32, #tpu.memory_space<vmem>>
        tpu.wait_dma2 semaphore(%arg17 : memref<!tpu.dma_semaphore, #tpu.memory_space<semaphore_mem>>) src(%dma_wait3A_1332 : memref<8x128xf32, #tpu.memory_space<vmem>>) dst(%dma_wait3A_1328 : memref<8x128xf32, #tpu.memory_space<hbm>>)
        %dma_wait3A_1333 = arith.constant 1 : i32
        %dma_wait3A_1334 = arith.constant 0 : i32
        %dma_wait3A_1335 = arith.constant 1 : i32
        %dma_wait3A_1336 = arith.constant 0 : i32
        %dma_wait3A_1337 = arith.constant 8 : i32
        %dma_wait3A_1338 = arith.constant 0 : i32
        %dma_wait3A_1339 = tpu.memref_slice %arg11[%dma_wait3A_1333, %dma_wait3A_1337, %dma_wait3A_1338] : memref<2x64x129xf32, #tpu.memory_space<vmem>> -> memref<1x8x128xf32, #tpu.memory_space<vmem>>
        %dma_wait3A_1340 = tpu.memref_squeeze %dma_wait3A_1339 : memref<1x8x128xf32, #tpu.memory_space<vmem>> -> memref<8x128xf32, #tpu.memory_space<vmem>>
        %dma_wait3A_1341 = arith.constant 0 : i32
        %dma_wait3A_1342 = arith.constant 0 : i32
        %dma_wait3A_1343 = tpu.memref_slice %arg4[%dma_wait3A_1334, %dma_wait3A_1335, %dma_wait3A_1336, %dma_wait3A_1341, %dma_wait3A_1342] : memref<50x8x128x8x128xf32, #tpu.memory_space<hbm>> -> memref<1x1x1x8x128xf32, #tpu.memory_space<hbm>>
        %dma_wait3A_1344 = tpu.memref_squeeze %dma_wait3A_1343 : memref<1x1x1x8x128xf32, #tpu.memory_space<hbm>> -> memref<8x128xf32, #tpu.memory_space<hbm>>
        %dma_wait3A_1345 = arith.constant 0 : i32
        %dma_wait3A_1346 = arith.constant 0 : i32
        %dma_wait3A_1347 = tpu.memref_slice %arg4[%dma_wait3A_1334, %dma_wait3A_1335, %dma_wait3A_1336, %dma_wait3A_1345, %dma_wait3A_1346] : memref<50x8x128x8x128xf32, #tpu.memory_space<hbm>> -> memref<1x1x1x8x128xf32, #tpu.memory_space<hbm>>
        %dma_wait3A_1348 = tpu.memref_squeeze %dma_wait3A_1347 : memref<1x1x1x8x128xf32, #tpu.memory_space<hbm>> -> memref<8x128xf32, #tpu.memory_space<hbm>>
        %dma_wait3A_1349 = arith.constant 8 : i32
        %dma_wait3A_1350 = arith.constant 0 : i32
        %dma_wait3A_1351 = tpu.memref_slice %arg11[%dma_wait3A_1333, %dma_wait3A_1349, %dma_wait3A_1350] : memref<2x64x129xf32, #tpu.memory_space<vmem>> -> memref<1x8x128xf32, #tpu.memory_space<vmem>>
        %dma_wait3A_1352 = tpu.memref_squeeze %dma_wait3A_1351 : memref<1x8x128xf32, #tpu.memory_space<vmem>> -> memref<8x128xf32, #tpu.memory_space<vmem>>
        tpu.wait_dma2 semaphore(%arg17 : memref<!tpu.dma_semaphore, #tpu.memory_space<semaphore_mem>>) src(%dma_wait3A_1352 : memref<8x128xf32, #tpu.memory_space<vmem>>) dst(%dma_wait3A_1348 : memref<8x128xf32, #tpu.memory_space<hbm>>)
        %dma_wait3A_1353 = arith.constant 1 : i32
        %dma_wait3A_1354 = arith.constant 0 : i32
        %dma_wait3A_1355 = arith.constant 2 : i32
        %dma_wait3A_1356 = arith.constant 0 : i32
        %dma_wait3A_1357 = arith.constant 16 : i32
        %dma_wait3A_1358 = arith.constant 0 : i32
        %dma_wait3A_1359 = tpu.memref_slice %arg11[%dma_wait3A_1353, %dma_wait3A_1357, %dma_wait3A_1358] : memref<2x64x129xf32, #tpu.memory_space<vmem>> -> memref<1x8x128xf32, #tpu.memory_space<vmem>>
        %dma_wait3A_1360 = tpu.memref_squeeze %dma_wait3A_1359 : memref<1x8x128xf32, #tpu.memory_space<vmem>> -> memref<8x128xf32, #tpu.memory_space<vmem>>
        %dma_wait3A_1361 = arith.constant 0 : i32
        %dma_wait3A_1362 = arith.constant 0 : i32
        %dma_wait3A_1363 = tpu.memref_slice %arg4[%dma_wait3A_1354, %dma_wait3A_1355, %dma_wait3A_1356, %dma_wait3A_1361, %dma_wait3A_1362] : memref<50x8x128x8x128xf32, #tpu.memory_space<hbm>> -> memref<1x1x1x8x128xf32, #tpu.memory_space<hbm>>
        %dma_wait3A_1364 = tpu.memref_squeeze %dma_wait3A_1363 : memref<1x1x1x8x128xf32, #tpu.memory_space<hbm>> -> memref<8x128xf32, #tpu.memory_space<hbm>>
        %dma_wait3A_1365 = arith.constant 0 : i32
        %dma_wait3A_1366 = arith.constant 0 : i32
        %dma_wait3A_1367 = tpu.memref_slice %arg4[%dma_wait3A_1354, %dma_wait3A_1355, %dma_wait3A_1356, %dma_wait3A_1365, %dma_wait3A_1366] : memref<50x8x128x8x128xf32, #tpu.memory_space<hbm>> -> memref<1x1x1x8x128xf32, #tpu.memory_space<hbm>>
        %dma_wait3A_1368 = tpu.memref_squeeze %dma_wait3A_1367 : memref<1x1x1x8x128xf32, #tpu.memory_space<hbm>> -> memref<8x128xf32, #tpu.memory_space<hbm>>
        %dma_wait3A_1369 = arith.constant 16 : i32
        %dma_wait3A_1370 = arith.constant 0 : i32
        %dma_wait3A_1371 = tpu.memref_slice %arg11[%dma_wait3A_1353, %dma_wait3A_1369, %dma_wait3A_1370] : memref<2x64x129xf32, #tpu.memory_space<vmem>> -> memref<1x8x128xf32, #tpu.memory_space<vmem>>
        %dma_wait3A_1372 = tpu.memref_squeeze %dma_wait3A_1371 : memref<1x8x128xf32, #tpu.memory_space<vmem>> -> memref<8x128xf32, #tpu.memory_space<vmem>>
        tpu.wait_dma2 semaphore(%arg17 : memref<!tpu.dma_semaphore, #tpu.memory_space<semaphore_mem>>) src(%dma_wait3A_1372 : memref<8x128xf32, #tpu.memory_space<vmem>>) dst(%dma_wait3A_1368 : memref<8x128xf32, #tpu.memory_space<hbm>>)
        %dma_wait3A_1373 = arith.constant 1 : i32
        %dma_wait3A_1374 = arith.constant 0 : i32
        %dma_wait3A_1375 = arith.constant 3 : i32
        %dma_wait3A_1376 = arith.constant 0 : i32
        %dma_wait3A_1377 = arith.constant 24 : i32
        %dma_wait3A_1378 = arith.constant 0 : i32
        %dma_wait3A_1379 = tpu.memref_slice %arg11[%dma_wait3A_1373, %dma_wait3A_1377, %dma_wait3A_1378] : memref<2x64x129xf32, #tpu.memory_space<vmem>> -> memref<1x8x128xf32, #tpu.memory_space<vmem>>
        %dma_wait3A_1380 = tpu.memref_squeeze %dma_wait3A_1379 : memref<1x8x128xf32, #tpu.memory_space<vmem>> -> memref<8x128xf32, #tpu.memory_space<vmem>>
        %dma_wait3A_1381 = arith.constant 0 : i32
        %dma_wait3A_1382 = arith.constant 0 : i32
        %dma_wait3A_1383 = tpu.memref_slice %arg4[%dma_wait3A_1374, %dma_wait3A_1375, %dma_wait3A_1376, %dma_wait3A_1381, %dma_wait3A_1382] : memref<50x8x128x8x128xf32, #tpu.memory_space<hbm>> -> memref<1x1x1x8x128xf32, #tpu.memory_space<hbm>>
        %dma_wait3A_1384 = tpu.memref_squeeze %dma_wait3A_1383 : memref<1x1x1x8x128xf32, #tpu.memory_space<hbm>> -> memref<8x128xf32, #tpu.memory_space<hbm>>
        %dma_wait3A_1385 = arith.constant 0 : i32
        %dma_wait3A_1386 = arith.constant 0 : i32
        %dma_wait3A_1387 = tpu.memref_slice %arg4[%dma_wait3A_1374, %dma_wait3A_1375, %dma_wait3A_1376, %dma_wait3A_1385, %dma_wait3A_1386] : memref<50x8x128x8x128xf32, #tpu.memory_space<hbm>> -> memref<1x1x1x8x128xf32, #tpu.memory_space<hbm>>
        %dma_wait3A_1388 = tpu.memref_squeeze %dma_wait3A_1387 : memref<1x1x1x8x128xf32, #tpu.memory_space<hbm>> -> memref<8x128xf32, #tpu.memory_space<hbm>>
        %dma_wait3A_1389 = arith.constant 24 : i32
        %dma_wait3A_1390 = arith.constant 0 : i32
        %dma_wait3A_1391 = tpu.memref_slice %arg11[%dma_wait3A_1373, %dma_wait3A_1389, %dma_wait3A_1390] : memref<2x64x129xf32, #tpu.memory_space<vmem>> -> memref<1x8x128xf32, #tpu.memory_space<vmem>>
        %dma_wait3A_1392 = tpu.memref_squeeze %dma_wait3A_1391 : memref<1x8x128xf32, #tpu.memory_space<vmem>> -> memref<8x128xf32, #tpu.memory_space<vmem>>
        tpu.wait_dma2 semaphore(%arg17 : memref<!tpu.dma_semaphore, #tpu.memory_space<semaphore_mem>>) src(%dma_wait3A_1392 : memref<8x128xf32, #tpu.memory_space<vmem>>) dst(%dma_wait3A_1388 : memref<8x128xf32, #tpu.memory_space<hbm>>)
        %dma_wait3A_1393 = arith.constant 1 : i32
        %dma_wait3A_1394 = arith.constant 0 : i32
        %dma_wait3A_1395 = arith.constant 4 : i32
        %dma_wait3A_1396 = arith.constant 0 : i32
        %dma_wait3A_1397 = arith.constant 32 : i32
        %dma_wait3A_1398 = arith.constant 0 : i32
        %dma_wait3A_1399 = tpu.memref_slice %arg11[%dma_wait3A_1393, %dma_wait3A_1397, %dma_wait3A_1398] : memref<2x64x129xf32, #tpu.memory_space<vmem>> -> memref<1x8x128xf32, #tpu.memory_space<vmem>>
        %dma_wait3A_1400 = tpu.memref_squeeze %dma_wait3A_1399 : memref<1x8x128xf32, #tpu.memory_space<vmem>> -> memref<8x128xf32, #tpu.memory_space<vmem>>
        %dma_wait3A_1401 = arith.constant 0 : i32
        %dma_wait3A_1402 = arith.constant 0 : i32
        %dma_wait3A_1403 = tpu.memref_slice %arg4[%dma_wait3A_1394, %dma_wait3A_1395, %dma_wait3A_1396, %dma_wait3A_1401, %dma_wait3A_1402] : memref<50x8x128x8x128xf32, #tpu.memory_space<hbm>> -> memref<1x1x1x8x128xf32, #tpu.memory_space<hbm>>
        %dma_wait3A_1404 = tpu.memref_squeeze %dma_wait3A_1403 : memref<1x1x1x8x128xf32, #tpu.memory_space<hbm>> -> memref<8x128xf32, #tpu.memory_space<hbm>>
        %dma_wait3A_1405 = arith.constant 0 : i32
        %dma_wait3A_1406 = arith.constant 0 : i32
        %dma_wait3A_1407 = tpu.memref_slice %arg4[%dma_wait3A_1394, %dma_wait3A_1395, %dma_wait3A_1396, %dma_wait3A_1405, %dma_wait3A_1406] : memref<50x8x128x8x128xf32, #tpu.memory_space<hbm>> -> memref<1x1x1x8x128xf32, #tpu.memory_space<hbm>>
        %dma_wait3A_1408 = tpu.memref_squeeze %dma_wait3A_1407 : memref<1x1x1x8x128xf32, #tpu.memory_space<hbm>> -> memref<8x128xf32, #tpu.memory_space<hbm>>
        %dma_wait3A_1409 = arith.constant 32 : i32
        %dma_wait3A_1410 = arith.constant 0 : i32
        %dma_wait3A_1411 = tpu.memref_slice %arg11[%dma_wait3A_1393, %dma_wait3A_1409, %dma_wait3A_1410] : memref<2x64x129xf32, #tpu.memory_space<vmem>> -> memref<1x8x128xf32, #tpu.memory_space<vmem>>
        %dma_wait3A_1412 = tpu.memref_squeeze %dma_wait3A_1411 : memref<1x8x128xf32, #tpu.memory_space<vmem>> -> memref<8x128xf32, #tpu.memory_space<vmem>>
        tpu.wait_dma2 semaphore(%arg17 : memref<!tpu.dma_semaphore, #tpu.memory_space<semaphore_mem>>) src(%dma_wait3A_1412 : memref<8x128xf32, #tpu.memory_space<vmem>>) dst(%dma_wait3A_1408 : memref<8x128xf32, #tpu.memory_space<hbm>>)
        %dma_wait3A_1413 = arith.constant 1 : i32
        %dma_wait3A_1414 = arith.constant 0 : i32
        %dma_wait3A_1415 = arith.constant 5 : i32
        %dma_wait3A_1416 = arith.constant 0 : i32
        %dma_wait3A_1417 = arith.constant 40 : i32
        %dma_wait3A_1418 = arith.constant 0 : i32
        %dma_wait3A_1419 = tpu.memref_slice %arg11[%dma_wait3A_1413, %dma_wait3A_1417, %dma_wait3A_1418] : memref<2x64x129xf32, #tpu.memory_space<vmem>> -> memref<1x8x128xf32, #tpu.memory_space<vmem>>
        %dma_wait3A_1420 = tpu.memref_squeeze %dma_wait3A_1419 : memref<1x8x128xf32, #tpu.memory_space<vmem>> -> memref<8x128xf32, #tpu.memory_space<vmem>>
        %dma_wait3A_1421 = arith.constant 0 : i32
        %dma_wait3A_1422 = arith.constant 0 : i32
        %dma_wait3A_1423 = tpu.memref_slice %arg4[%dma_wait3A_1414, %dma_wait3A_1415, %dma_wait3A_1416, %dma_wait3A_1421, %dma_wait3A_1422] : memref<50x8x128x8x128xf32, #tpu.memory_space<hbm>> -> memref<1x1x1x8x128xf32, #tpu.memory_space<hbm>>
        %dma_wait3A_1424 = tpu.memref_squeeze %dma_wait3A_1423 : memref<1x1x1x8x128xf32, #tpu.memory_space<hbm>> -> memref<8x128xf32, #tpu.memory_space<hbm>>
        %dma_wait3A_1425 = arith.constant 0 : i32
        %dma_wait3A_1426 = arith.constant 0 : i32
        %dma_wait3A_1427 = tpu.memref_slice %arg4[%dma_wait3A_1414, %dma_wait3A_1415, %dma_wait3A_1416, %dma_wait3A_1425, %dma_wait3A_1426] : memref<50x8x128x8x128xf32, #tpu.memory_space<hbm>> -> memref<1x1x1x8x128xf32, #tpu.memory_space<hbm>>
        %dma_wait3A_1428 = tpu.memref_squeeze %dma_wait3A_1427 : memref<1x1x1x8x128xf32, #tpu.memory_space<hbm>> -> memref<8x128xf32, #tpu.memory_space<hbm>>
        %dma_wait3A_1429 = arith.constant 40 : i32
        %dma_wait3A_1430 = arith.constant 0 : i32
        %dma_wait3A_1431 = tpu.memref_slice %arg11[%dma_wait3A_1413, %dma_wait3A_1429, %dma_wait3A_1430] : memref<2x64x129xf32, #tpu.memory_space<vmem>> -> memref<1x8x128xf32, #tpu.memory_space<vmem>>
        %dma_wait3A_1432 = tpu.memref_squeeze %dma_wait3A_1431 : memref<1x8x128xf32, #tpu.memory_space<vmem>> -> memref<8x128xf32, #tpu.memory_space<vmem>>
        tpu.wait_dma2 semaphore(%arg17 : memref<!tpu.dma_semaphore, #tpu.memory_space<semaphore_mem>>) src(%dma_wait3A_1432 : memref<8x128xf32, #tpu.memory_space<vmem>>) dst(%dma_wait3A_1428 : memref<8x128xf32, #tpu.memory_space<hbm>>)
        %dma_wait3A_1433 = arith.constant 1 : i32
        %dma_wait3A_1434 = arith.constant 0 : i32
        %dma_wait3A_1435 = arith.constant 6 : i32
        %dma_wait3A_1436 = arith.constant 0 : i32
        %dma_wait3A_1437 = arith.constant 48 : i32
        %dma_wait3A_1438 = arith.constant 0 : i32
        %dma_wait3A_1439 = tpu.memref_slice %arg11[%dma_wait3A_1433, %dma_wait3A_1437, %dma_wait3A_1438] : memref<2x64x129xf32, #tpu.memory_space<vmem>> -> memref<1x8x128xf32, #tpu.memory_space<vmem>>
        %dma_wait3A_1440 = tpu.memref_squeeze %dma_wait3A_1439 : memref<1x8x128xf32, #tpu.memory_space<vmem>> -> memref<8x128xf32, #tpu.memory_space<vmem>>
        %dma_wait3A_1441 = arith.constant 0 : i32
        %dma_wait3A_1442 = arith.constant 0 : i32
        %dma_wait3A_1443 = tpu.memref_slice %arg4[%dma_wait3A_1434, %dma_wait3A_1435, %dma_wait3A_1436, %dma_wait3A_1441, %dma_wait3A_1442] : memref<50x8x128x8x128xf32, #tpu.memory_space<hbm>> -> memref<1x1x1x8x128xf32, #tpu.memory_space<hbm>>
        %dma_wait3A_1444 = tpu.memref_squeeze %dma_wait3A_1443 : memref<1x1x1x8x128xf32, #tpu.memory_space<hbm>> -> memref<8x128xf32, #tpu.memory_space<hbm>>
        %dma_wait3A_1445 = arith.constant 0 : i32
        %dma_wait3A_1446 = arith.constant 0 : i32
        %dma_wait3A_1447 = tpu.memref_slice %arg4[%dma_wait3A_1434, %dma_wait3A_1435, %dma_wait3A_1436, %dma_wait3A_1445, %dma_wait3A_1446] : memref<50x8x128x8x128xf32, #tpu.memory_space<hbm>> -> memref<1x1x1x8x128xf32, #tpu.memory_space<hbm>>
        %dma_wait3A_1448 = tpu.memref_squeeze %dma_wait3A_1447 : memref<1x1x1x8x128xf32, #tpu.memory_space<hbm>> -> memref<8x128xf32, #tpu.memory_space<hbm>>
        %dma_wait3A_1449 = arith.constant 48 : i32
        %dma_wait3A_1450 = arith.constant 0 : i32
        %dma_wait3A_1451 = tpu.memref_slice %arg11[%dma_wait3A_1433, %dma_wait3A_1449, %dma_wait3A_1450] : memref<2x64x129xf32, #tpu.memory_space<vmem>> -> memref<1x8x128xf32, #tpu.memory_space<vmem>>
        %dma_wait3A_1452 = tpu.memref_squeeze %dma_wait3A_1451 : memref<1x8x128xf32, #tpu.memory_space<vmem>> -> memref<8x128xf32, #tpu.memory_space<vmem>>
        tpu.wait_dma2 semaphore(%arg17 : memref<!tpu.dma_semaphore, #tpu.memory_space<semaphore_mem>>) src(%dma_wait3A_1452 : memref<8x128xf32, #tpu.memory_space<vmem>>) dst(%dma_wait3A_1448 : memref<8x128xf32, #tpu.memory_space<hbm>>)
        %dma_wait3A_1453 = arith.constant 1 : i32
        %dma_wait3A_1454 = arith.constant 0 : i32
        %dma_wait3A_1455 = arith.constant 7 : i32
        %dma_wait3A_1456 = arith.constant 0 : i32
        %dma_wait3A_1457 = arith.constant 56 : i32
        %dma_wait3A_1458 = arith.constant 0 : i32
        %dma_wait3A_1459 = tpu.memref_slice %arg11[%dma_wait3A_1453, %dma_wait3A_1457, %dma_wait3A_1458] : memref<2x64x129xf32, #tpu.memory_space<vmem>> -> memref<1x8x128xf32, #tpu.memory_space<vmem>>
        %dma_wait3A_1460 = tpu.memref_squeeze %dma_wait3A_1459 : memref<1x8x128xf32, #tpu.memory_space<vmem>> -> memref<8x128xf32, #tpu.memory_space<vmem>>
        %dma_wait3A_1461 = arith.constant 0 : i32
        %dma_wait3A_1462 = arith.constant 0 : i32
        %dma_wait3A_1463 = tpu.memref_slice %arg4[%dma_wait3A_1454, %dma_wait3A_1455, %dma_wait3A_1456, %dma_wait3A_1461, %dma_wait3A_1462] : memref<50x8x128x8x128xf32, #tpu.memory_space<hbm>> -> memref<1x1x1x8x128xf32, #tpu.memory_space<hbm>>
        %dma_wait3A_1464 = tpu.memref_squeeze %dma_wait3A_1463 : memref<1x1x1x8x128xf32, #tpu.memory_space<hbm>> -> memref<8x128xf32, #tpu.memory_space<hbm>>
        %dma_wait3A_1465 = arith.constant 0 : i32
        %dma_wait3A_1466 = arith.constant 0 : i32
        %dma_wait3A_1467 = tpu.memref_slice %arg4[%dma_wait3A_1454, %dma_wait3A_1455, %dma_wait3A_1456, %dma_wait3A_1465, %dma_wait3A_1466] : memref<50x8x128x8x128xf32, #tpu.memory_space<hbm>> -> memref<1x1x1x8x128xf32, #tpu.memory_space<hbm>>
        %dma_wait3A_1468 = tpu.memref_squeeze %dma_wait3A_1467 : memref<1x1x1x8x128xf32, #tpu.memory_space<hbm>> -> memref<8x128xf32, #tpu.memory_space<hbm>>
        %dma_wait3A_1469 = arith.constant 56 : i32
        %dma_wait3A_1470 = arith.constant 0 : i32
        %dma_wait3A_1471 = tpu.memref_slice %arg11[%dma_wait3A_1453, %dma_wait3A_1469, %dma_wait3A_1470] : memref<2x64x129xf32, #tpu.memory_space<vmem>> -> memref<1x8x128xf32, #tpu.memory_space<vmem>>
        %dma_wait3A_1472 = tpu.memref_squeeze %dma_wait3A_1471 : memref<1x8x128xf32, #tpu.memory_space<vmem>> -> memref<8x128xf32, #tpu.memory_space<vmem>>
        tpu.wait_dma2 semaphore(%arg17 : memref<!tpu.dma_semaphore, #tpu.memory_space<semaphore_mem>>) src(%dma_wait3A_1472 : memref<8x128xf32, #tpu.memory_space<vmem>>) dst(%dma_wait3A_1468 : memref<8x128xf32, #tpu.memory_space<hbm>>)
      } else {
      }
      %scan3A_715 = arith.constant 1 : i32
      %scan3A_716 = arith.constant 1 : i32
      %scan3A_717 = arith.constant 0 : i32
      %scan3A_718 = arith.constant 32 : i32
      %scan3A_719 = arith.addi %scan3A_717, %scan3A_718 : i32
      %scan3A_720 = arith.constant 1 : i32
      scf.for %scan3A_1313 = %scan3A_717 to %scan3A_719 step %scan3A_720  : i32 {
        %mul3A_1314 = arith.constant 1 : i32
        %mul3A_1315 = arith.muli %scan3A_1313, %mul3A_1314 : i32
        %add3A_1316 = arith.constant 0 : i32
        %add3A_1317 = arith.addi %add3A_1316, %mul3A_1315 : i32
        %mul3A_1318 = arith.constant 4 : i32
        %mul3A_1319 = arith.muli %add3A_1317, %mul3A_1318 : i32
        %broadcast_in_dim3A = vector.broadcast %mul3A_1319 : i32 to vector<16xi32>
        %add3A_1320 = arith.constant 0 : i32
        %add3A_1321 = vector.broadcast %add3A_1320 : i32 to vector<16xi32>
        %add3A_1322 = arith.addi %broadcast_in_dim3A, %add3A_1321 : vector<16xi32>
        %add3A_1323 = arith.constant 0 : i32
        %add3A_1324 = arith.addi %mul3A_1319, %add3A_1323 : i32
        %get3A = arith.constant 0 : i32
        %get3A_1325 = arith.constant 0 : i32
        %get3A_1326 = tpu.memref_slice %arg10[%scan3A_715, %get3A, %get3A_1325] : memref<4x128x64xf32, #tpu.memory_space<vmem>> -> memref<1x128x64xf32, #tpu.memory_space<vmem>>
        %get3A_1327 = tpu.memref_squeeze %get3A_1326 : memref<1x128x64xf32, #tpu.memory_space<vmem>> -> memref<128x64xf32, #tpu.memory_space<vmem>>
        %get3A_1328 = arith.index_cast %add3A_1324 : i32 to index
        %get3A_1329 = arith.constant 0 : index
        %get3A_1330 = tpu.vector_load %get3A_1327[%get3A_1328, %get3A_1329] {strides = array<i32>} : memref<128x64xf32, #tpu.memory_space<vmem>>, vector<16xf32>,
        %add3A_1331 = arith.constant 0 : i32
        %add3A_1332 = vector.broadcast %add3A_1331 : i32 to vector<16xi32>
        %add3A_1333 = arith.addi %iota3A, %add3A_1332 : vector<16xi32>
        %scatter3A = arith.constant 0 : i32
        %scatter3A_1334 = arith.constant 0 : i32
        %scatter3A_1335 = tpu.memref_slice %arg11[%scan3A_716, %scatter3A, %scatter3A_1334] : memref<2x64x129xf32, #tpu.memory_space<vmem>> -> memref<1x64x129xf32, #tpu.memory_space<vmem>>
        %scatter3A_1336 = tpu.memref_squeeze %scatter3A_1335 : memref<1x64x129xf32, #tpu.memory_space<vmem>> -> memref<64x129xf32, #tpu.memory_space<vmem>>
        tpu.vector_store_idx %scatter3A_1336[%add3A_1333, %add3A_1322], %get3A_1330 : memref<64x129xf32, #tpu.memory_space<vmem>>[vector<16xi32>, vector<16xi32>], vector<16xf32>,
        %add3A_1337 = arith.constant 0 : i32
        %add3A_1338 = arith.addi %mul3A_1319, %add3A_1337 : i32
        %get3A_1339 = arith.constant 0 : i32
        %get3A_1340 = arith.constant 0 : i32
        %get3A_1341 = tpu.memref_slice %arg10[%scan3A_715, %get3A_1339, %get3A_1340] : memref<4x128x64xf32, #tpu.memory_space<vmem>> -> memref<1x128x64xf32, #tpu.memory_space<vmem>>
        %get3A_1342 = tpu.memref_squeeze %get3A_1341 : memref<1x128x64xf32, #tpu.memory_space<vmem>> -> memref<128x64xf32, #tpu.memory_space<vmem>>
        %get3A_1343 = arith.index_cast %add3A_1338 : i32 to index
        %get3A_1344 = arith.constant 16 : index
        %get3A_1345 = tpu.vector_load %get3A_1342[%get3A_1343, %get3A_1344] {strides = array<i32>} : memref<128x64xf32, #tpu.memory_space<vmem>>, vector<16xf32>,
        %add3A_1346 = arith.constant 16 : i32
        %add3A_1347 = vector.broadcast %add3A_1346 : i32 to vector<16xi32>
        %add3A_1348 = arith.addi %iota3A, %add3A_1347 : vector<16xi32>
        %scatter3A_1349 = arith.constant 0 : i32
        %scatter3A_1350 = arith.constant 0 : i32
        %scatter3A_1351 = tpu.memref_slice %arg11[%scan3A_716, %scatter3A_1349, %scatter3A_1350] : memref<2x64x129xf32, #tpu.memory_space<vmem>> -> memref<1x64x129xf32, #tpu.memory_space<vmem>>
        %scatter3A_1352 = tpu.memref_squeeze %scatter3A_1351 : memref<1x64x129xf32, #tpu.memory_space<vmem>> -> memref<64x129xf32, #tpu.memory_space<vmem>>
        tpu.vector_store_idx %scatter3A_1352[%add3A_1348, %add3A_1322], %get3A_1345 : memref<64x129xf32, #tpu.memory_space<vmem>>[vector<16xi32>, vector<16xi32>], vector<16xf32>,
        %add3A_1353 = arith.constant 0 : i32
        %add3A_1354 = arith.addi %mul3A_1319, %add3A_1353 : i32
        %get3A_1355 = arith.constant 0 : i32
        %get3A_1356 = arith.constant 0 : i32
        %get3A_1357 = tpu.memref_slice %arg10[%scan3A_715, %get3A_1355, %get3A_1356] : memref<4x128x64xf32, #tpu.memory_space<vmem>> -> memref<1x128x64xf32, #tpu.memory_space<vmem>>
        %get3A_1358 = tpu.memref_squeeze %get3A_1357 : memref<1x128x64xf32, #tpu.memory_space<vmem>> -> memref<128x64xf32, #tpu.memory_space<vmem>>
        %get3A_1359 = arith.index_cast %add3A_1354 : i32 to index
        %get3A_1360 = arith.constant 32 : index
        %get3A_1361 = tpu.vector_load %get3A_1358[%get3A_1359, %get3A_1360] {strides = array<i32>} : memref<128x64xf32, #tpu.memory_space<vmem>>, vector<16xf32>,
        %add3A_1362 = arith.constant 32 : i32
        %add3A_1363 = vector.broadcast %add3A_1362 : i32 to vector<16xi32>
        %add3A_1364 = arith.addi %iota3A, %add3A_1363 : vector<16xi32>
        %scatter3A_1365 = arith.constant 0 : i32
        %scatter3A_1366 = arith.constant 0 : i32
        %scatter3A_1367 = tpu.memref_slice %arg11[%scan3A_716, %scatter3A_1365, %scatter3A_1366] : memref<2x64x129xf32, #tpu.memory_space<vmem>> -> memref<1x64x129xf32, #tpu.memory_space<vmem>>
        %scatter3A_1368 = tpu.memref_squeeze %scatter3A_1367 : memref<1x64x129xf32, #tpu.memory_space<vmem>> -> memref<64x129xf32, #tpu.memory_space<vmem>>
        tpu.vector_store_idx %scatter3A_1368[%add3A_1364, %add3A_1322], %get3A_1361 : memref<64x129xf32, #tpu.memory_space<vmem>>[vector<16xi32>, vector<16xi32>], vector<16xf32>,
        %add3A_1369 = arith.constant 0 : i32
        %add3A_1370 = arith.addi %mul3A_1319, %add3A_1369 : i32
        %get3A_1371 = arith.constant 0 : i32
        %get3A_1372 = arith.constant 0 : i32
        %get3A_1373 = tpu.memref_slice %arg10[%scan3A_715, %get3A_1371, %get3A_1372] : memref<4x128x64xf32, #tpu.memory_space<vmem>> -> memref<1x128x64xf32, #tpu.memory_space<vmem>>
        %get3A_1374 = tpu.memref_squeeze %get3A_1373 : memref<1x128x64xf32, #tpu.memory_space<vmem>> -> memref<128x64xf32, #tpu.memory_space<vmem>>
        %get3A_1375 = arith.index_cast %add3A_1370 : i32 to index
        %get3A_1376 = arith.constant 48 : index
        %get3A_1377 = tpu.vector_load %get3A_1374[%get3A_1375, %get3A_1376] {strides = array<i32>} : memref<128x64xf32, #tpu.memory_space<vmem>>, vector<16xf32>,
        %add3A_1378 = arith.constant 48 : i32
        %add3A_1379 = vector.broadcast %add3A_1378 : i32 to vector<16xi32>
        %add3A_1380 = arith.addi %iota3A, %add3A_1379 : vector<16xi32>
        %scatter3A_1381 = arith.constant 0 : i32
        %scatter3A_1382 = arith.constant 0 : i32
        %scatter3A_1383 = tpu.memref_slice %arg11[%scan3A_716, %scatter3A_1381, %scatter3A_1382] : memref<2x64x129xf32, #tpu.memory_space<vmem>> -> memref<1x64x129xf32, #tpu.memory_space<vmem>>
        %scatter3A_1384 = tpu.memref_squeeze %scatter3A_1383 : memref<1x64x129xf32, #tpu.memory_space<vmem>> -> memref<64x129xf32, #tpu.memory_space<vmem>>
        tpu.vector_store_idx %scatter3A_1384[%add3A_1380, %add3A_1322], %get3A_1377 : memref<64x129xf32, #tpu.memory_space<vmem>>[vector<16xi32>, vector<16xi32>], vector<16xf32>,
        %add3A_1385 = arith.constant 1 : i32
        %add3A_1386 = vector.broadcast %add3A_1385 : i32 to vector<16xi32>
        %add3A_1387 = arith.addi %broadcast_in_dim3A, %add3A_1386 : vector<16xi32>
        %add3A_1388 = arith.constant 1 : i32
        %add3A_1389 = arith.addi %mul3A_1319, %add3A_1388 : i32
        %get3A_1390 = arith.constant 0 : i32
        %get3A_1391 = arith.constant 0 : i32
        %get3A_1392 = tpu.memref_slice %arg10[%scan3A_715, %get3A_1390, %get3A_1391] : memref<4x128x64xf32, #tpu.memory_space<vmem>> -> memref<1x128x64xf32, #tpu.memory_space<vmem>>
        %get3A_1393 = tpu.memref_squeeze %get3A_1392 : memref<1x128x64xf32, #tpu.memory_space<vmem>> -> memref<128x64xf32, #tpu.memory_space<vmem>>
        %get3A_1394 = arith.index_cast %add3A_1389 : i32 to index
        %get3A_1395 = arith.constant 0 : index
        %get3A_1396 = tpu.vector_load %get3A_1393[%get3A_1394, %get3A_1395] {strides = array<i32>} : memref<128x64xf32, #tpu.memory_space<vmem>>, vector<16xf32>,
        %add3A_1397 = arith.constant 0 : i32
        %add3A_1398 = vector.broadcast %add3A_1397 : i32 to vector<16xi32>
        %add3A_1399 = arith.addi %iota3A, %add3A_1398 : vector<16xi32>
        %scatter3A_1400 = arith.constant 0 : i32
        %scatter3A_1401 = arith.constant 0 : i32
        %scatter3A_1402 = tpu.memref_slice %arg11[%scan3A_716, %scatter3A_1400, %scatter3A_1401] : memref<2x64x129xf32, #tpu.memory_space<vmem>> -> memref<1x64x129xf32, #tpu.memory_space<vmem>>
        %scatter3A_1403 = tpu.memref_squeeze %scatter3A_1402 : memref<1x64x129xf32, #tpu.memory_space<vmem>> -> memref<64x129xf32, #tpu.memory_space<vmem>>
        tpu.vector_store_idx %scatter3A_1403[%add3A_1399, %add3A_1387], %get3A_1396 : memref<64x129xf32, #tpu.memory_space<vmem>>[vector<16xi32>, vector<16xi32>], vector<16xf32>,
        %add3A_1404 = arith.constant 1 : i32
        %add3A_1405 = arith.addi %mul3A_1319, %add3A_1404 : i32
        %get3A_1406 = arith.constant 0 : i32
        %get3A_1407 = arith.constant 0 : i32
        %get3A_1408 = tpu.memref_slice %arg10[%scan3A_715, %get3A_1406, %get3A_1407] : memref<4x128x64xf32, #tpu.memory_space<vmem>> -> memref<1x128x64xf32, #tpu.memory_space<vmem>>
        %get3A_1409 = tpu.memref_squeeze %get3A_1408 : memref<1x128x64xf32, #tpu.memory_space<vmem>> -> memref<128x64xf32, #tpu.memory_space<vmem>>
        %get3A_1410 = arith.index_cast %add3A_1405 : i32 to index
        %get3A_1411 = arith.constant 16 : index
        %get3A_1412 = tpu.vector_load %get3A_1409[%get3A_1410, %get3A_1411] {strides = array<i32>} : memref<128x64xf32, #tpu.memory_space<vmem>>, vector<16xf32>,
        %add3A_1413 = arith.constant 16 : i32
        %add3A_1414 = vector.broadcast %add3A_1413 : i32 to vector<16xi32>
        %add3A_1415 = arith.addi %iota3A, %add3A_1414 : vector<16xi32>
        %scatter3A_1416 = arith.constant 0 : i32
        %scatter3A_1417 = arith.constant 0 : i32
        %scatter3A_1418 = tpu.memref_slice %arg11[%scan3A_716, %scatter3A_1416, %scatter3A_1417] : memref<2x64x129xf32, #tpu.memory_space<vmem>> -> memref<1x64x129xf32, #tpu.memory_space<vmem>>
        %scatter3A_1419 = tpu.memref_squeeze %scatter3A_1418 : memref<1x64x129xf32, #tpu.memory_space<vmem>> -> memref<64x129xf32, #tpu.memory_space<vmem>>
        tpu.vector_store_idx %scatter3A_1419[%add3A_1415, %add3A_1387], %get3A_1412 : memref<64x129xf32, #tpu.memory_space<vmem>>[vector<16xi32>, vector<16xi32>], vector<16xf32>,
        %add3A_1420 = arith.constant 1 : i32
        %add3A_1421 = arith.addi %mul3A_1319, %add3A_1420 : i32
        %get3A_1422 = arith.constant 0 : i32
        %get3A_1423 = arith.constant 0 : i32
        %get3A_1424 = tpu.memref_slice %arg10[%scan3A_715, %get3A_1422, %get3A_1423] : memref<4x128x64xf32, #tpu.memory_space<vmem>> -> memref<1x128x64xf32, #tpu.memory_space<vmem>>
        %get3A_1425 = tpu.memref_squeeze %get3A_1424 : memref<1x128x64xf32, #tpu.memory_space<vmem>> -> memref<128x64xf32, #tpu.memory_space<vmem>>
        %get3A_1426 = arith.index_cast %add3A_1421 : i32 to index
        %get3A_1427 = arith.constant 32 : index
        %get3A_1428 = tpu.vector_load %get3A_1425[%get3A_1426, %get3A_1427] {strides = array<i32>} : memref<128x64xf32, #tpu.memory_space<vmem>>, vector<16xf32>,
        %add3A_1429 = arith.constant 32 : i32
        %add3A_1430 = vector.broadcast %add3A_1429 : i32 to vector<16xi32>
        %add3A_1431 = arith.addi %iota3A, %add3A_1430 : vector<16xi32>
        %scatter3A_1432 = arith.constant 0 : i32
        %scatter3A_1433 = arith.constant 0 : i32
        %scatter3A_1434 = tpu.memref_slice %arg11[%scan3A_716, %scatter3A_1432, %scatter3A_1433] : memref<2x64x129xf32, #tpu.memory_space<vmem>> -> memref<1x64x129xf32, #tpu.memory_space<vmem>>
        %scatter3A_1435 = tpu.memref_squeeze %scatter3A_1434 : memref<1x64x129xf32, #tpu.memory_space<vmem>> -> memref<64x129xf32, #tpu.memory_space<vmem>>
        tpu.vector_store_idx %scatter3A_1435[%add3A_1431, %add3A_1387], %get3A_1428 : memref<64x129xf32, #tpu.memory_space<vmem>>[vector<16xi32>, vector<16xi32>], vector<16xf32>,
        %add3A_1436 = arith.constant 1 : i32
        %add3A_1437 = arith.addi %mul3A_1319, %add3A_1436 : i32
        %get3A_1438 = arith.constant 0 : i32
        %get3A_1439 = arith.constant 0 : i32
        %get3A_1440 = tpu.memref_slice %arg10[%scan3A_715, %get3A_1438, %get3A_1439] : memref<4x128x64xf32, #tpu.memory_space<vmem>> -> memref<1x128x64xf32, #tpu.memory_space<vmem>>
        %get3A_1441 = tpu.memref_squeeze %get3A_1440 : memref<1x128x64xf32, #tpu.memory_space<vmem>> -> memref<128x64xf32, #tpu.memory_space<vmem>>
        %get3A_1442 = arith.index_cast %add3A_1437 : i32 to index
        %get3A_1443 = arith.constant 48 : index
        %get3A_1444 = tpu.vector_load %get3A_1441[%get3A_1442, %get3A_1443] {strides = array<i32>} : memref<128x64xf32, #tpu.memory_space<vmem>>, vector<16xf32>,
        %add3A_1445 = arith.constant 48 : i32
        %add3A_1446 = vector.broadcast %add3A_1445 : i32 to vector<16xi32>
        %add3A_1447 = arith.addi %iota3A, %add3A_1446 : vector<16xi32>
        %scatter3A_1448 = arith.constant 0 : i32
        %scatter3A_1449 = arith.constant 0 : i32
        %scatter3A_1450 = tpu.memref_slice %arg11[%scan3A_716, %scatter3A_1448, %scatter3A_1449] : memref<2x64x129xf32, #tpu.memory_space<vmem>> -> memref<1x64x129xf32, #tpu.memory_space<vmem>>
        %scatter3A_1451 = tpu.memref_squeeze %scatter3A_1450 : memref<1x64x129xf32, #tpu.memory_space<vmem>> -> memref<64x129xf32, #tpu.memory_space<vmem>>
        tpu.vector_store_idx %scatter3A_1451[%add3A_1447, %add3A_1387], %get3A_1444 : memref<64x129xf32, #tpu.memory_space<vmem>>[vector<16xi32>, vector<16xi32>], vector<16xf32>,
        %add3A_1452 = arith.constant 2 : i32
        %add3A_1453 = vector.broadcast %add3A_1452 : i32 to vector<16xi32>
        %add3A_1454 = arith.addi %broadcast_in_dim3A, %add3A_1453 : vector<16xi32>
        %add3A_1455 = arith.constant 2 : i32
        %add3A_1456 = arith.addi %mul3A_1319, %add3A_1455 : i32
        %get3A_1457 = arith.constant 0 : i32
        %get3A_1458 = arith.constant 0 : i32
        %get3A_1459 = tpu.memref_slice %arg10[%scan3A_715, %get3A_1457, %get3A_1458] : memref<4x128x64xf32, #tpu.memory_space<vmem>> -> memref<1x128x64xf32, #tpu.memory_space<vmem>>
        %get3A_1460 = tpu.memref_squeeze %get3A_1459 : memref<1x128x64xf32, #tpu.memory_space<vmem>> -> memref<128x64xf32, #tpu.memory_space<vmem>>
        %get3A_1461 = arith.index_cast %add3A_1456 : i32 to index
        %get3A_1462 = arith.constant 0 : index
        %get3A_1463 = tpu.vector_load %get3A_1460[%get3A_1461, %get3A_1462] {strides = array<i32>} : memref<128x64xf32, #tpu.memory_space<vmem>>, vector<16xf32>,
        %add3A_1464 = arith.constant 0 : i32
        %add3A_1465 = vector.broadcast %add3A_1464 : i32 to vector<16xi32>
        %add3A_1466 = arith.addi %iota3A, %add3A_1465 : vector<16xi32>
        %scatter3A_1467 = arith.constant 0 : i32
        %scatter3A_1468 = arith.constant 0 : i32
        %scatter3A_1469 = tpu.memref_slice %arg11[%scan3A_716, %scatter3A_1467, %scatter3A_1468] : memref<2x64x129xf32, #tpu.memory_space<vmem>> -> memref<1x64x129xf32, #tpu.memory_space<vmem>>
        %scatter3A_1470 = tpu.memref_squeeze %scatter3A_1469 : memref<1x64x129xf32, #tpu.memory_space<vmem>> -> memref<64x129xf32, #tpu.memory_space<vmem>>
        tpu.vector_store_idx %scatter3A_1470[%add3A_1466, %add3A_1454], %get3A_1463 : memref<64x129xf32, #tpu.memory_space<vmem>>[vector<16xi32>, vector<16xi32>], vector<16xf32>,
        %add3A_1471 = arith.constant 2 : i32
        %add3A_1472 = arith.addi %mul3A_1319, %add3A_1471 : i32
        %get3A_1473 = arith.constant 0 : i32
        %get3A_1474 = arith.constant 0 : i32
        %get3A_1475 = tpu.memref_slice %arg10[%scan3A_715, %get3A_1473, %get3A_1474] : memref<4x128x64xf32, #tpu.memory_space<vmem>> -> memref<1x128x64xf32, #tpu.memory_space<vmem>>
        %get3A_1476 = tpu.memref_squeeze %get3A_1475 : memref<1x128x64xf32, #tpu.memory_space<vmem>> -> memref<128x64xf32, #tpu.memory_space<vmem>>
        %get3A_1477 = arith.index_cast %add3A_1472 : i32 to index
        %get3A_1478 = arith.constant 16 : index
        %get3A_1479 = tpu.vector_load %get3A_1476[%get3A_1477, %get3A_1478] {strides = array<i32>} : memref<128x64xf32, #tpu.memory_space<vmem>>, vector<16xf32>,
        %add3A_1480 = arith.constant 16 : i32
        %add3A_1481 = vector.broadcast %add3A_1480 : i32 to vector<16xi32>
        %add3A_1482 = arith.addi %iota3A, %add3A_1481 : vector<16xi32>
        %scatter3A_1483 = arith.constant 0 : i32
        %scatter3A_1484 = arith.constant 0 : i32
        %scatter3A_1485 = tpu.memref_slice %arg11[%scan3A_716, %scatter3A_1483, %scatter3A_1484] : memref<2x64x129xf32, #tpu.memory_space<vmem>> -> memref<1x64x129xf32, #tpu.memory_space<vmem>>
        %scatter3A_1486 = tpu.memref_squeeze %scatter3A_1485 : memref<1x64x129xf32, #tpu.memory_space<vmem>> -> memref<64x129xf32, #tpu.memory_space<vmem>>
        tpu.vector_store_idx %scatter3A_1486[%add3A_1482, %add3A_1454], %get3A_1479 : memref<64x129xf32, #tpu.memory_space<vmem>>[vector<16xi32>, vector<16xi32>], vector<16xf32>,
        %add3A_1487 = arith.constant 2 : i32
        %add3A_1488 = arith.addi %mul3A_1319, %add3A_1487 : i32
        %get3A_1489 = arith.constant 0 : i32
        %get3A_1490 = arith.constant 0 : i32
        %get3A_1491 = tpu.memref_slice %arg10[%scan3A_715, %get3A_1489, %get3A_1490] : memref<4x128x64xf32, #tpu.memory_space<vmem>> -> memref<1x128x64xf32, #tpu.memory_space<vmem>>
        %get3A_1492 = tpu.memref_squeeze %get3A_1491 : memref<1x128x64xf32, #tpu.memory_space<vmem>> -> memref<128x64xf32, #tpu.memory_space<vmem>>
        %get3A_1493 = arith.index_cast %add3A_1488 : i32 to index
        %get3A_1494 = arith.constant 32 : index
        %get3A_1495 = tpu.vector_load %get3A_1492[%get3A_1493, %get3A_1494] {strides = array<i32>} : memref<128x64xf32, #tpu.memory_space<vmem>>, vector<16xf32>,
        %add3A_1496 = arith.constant 32 : i32
        %add3A_1497 = vector.broadcast %add3A_1496 : i32 to vector<16xi32>
        %add3A_1498 = arith.addi %iota3A, %add3A_1497 : vector<16xi32>
        %scatter3A_1499 = arith.constant 0 : i32
        %scatter3A_1500 = arith.constant 0 : i32
        %scatter3A_1501 = tpu.memref_slice %arg11[%scan3A_716, %scatter3A_1499, %scatter3A_1500] : memref<2x64x129xf32, #tpu.memory_space<vmem>> -> memref<1x64x129xf32, #tpu.memory_space<vmem>>
        %scatter3A_1502 = tpu.memref_squeeze %scatter3A_1501 : memref<1x64x129xf32, #tpu.memory_space<vmem>> -> memref<64x129xf32, #tpu.memory_space<vmem>>
        tpu.vector_store_idx %scatter3A_1502[%add3A_1498, %add3A_1454], %get3A_1495 : memref<64x129xf32, #tpu.memory_space<vmem>>[vector<16xi32>, vector<16xi32>], vector<16xf32>,
        %add3A_1503 = arith.constant 2 : i32
        %add3A_1504 = arith.addi %mul3A_1319, %add3A_1503 : i32
        %get3A_1505 = arith.constant 0 : i32
        %get3A_1506 = arith.constant 0 : i32
        %get3A_1507 = tpu.memref_slice %arg10[%scan3A_715, %get3A_1505, %get3A_1506] : memref<4x128x64xf32, #tpu.memory_space<vmem>> -> memref<1x128x64xf32, #tpu.memory_space<vmem>>
        %get3A_1508 = tpu.memref_squeeze %get3A_1507 : memref<1x128x64xf32, #tpu.memory_space<vmem>> -> memref<128x64xf32, #tpu.memory_space<vmem>>
        %get3A_1509 = arith.index_cast %add3A_1504 : i32 to index
        %get3A_1510 = arith.constant 48 : index
        %get3A_1511 = tpu.vector_load %get3A_1508[%get3A_1509, %get3A_1510] {strides = array<i32>} : memref<128x64xf32, #tpu.memory_space<vmem>>, vector<16xf32>,
        %add3A_1512 = arith.constant 48 : i32
        %add3A_1513 = vector.broadcast %add3A_1512 : i32 to vector<16xi32>
        %add3A_1514 = arith.addi %iota3A, %add3A_1513 : vector<16xi32>
        %scatter3A_1515 = arith.constant 0 : i32
        %scatter3A_1516 = arith.constant 0 : i32
        %scatter3A_1517 = tpu.memref_slice %arg11[%scan3A_716, %scatter3A_1515, %scatter3A_1516] : memref<2x64x129xf32, #tpu.memory_space<vmem>> -> memref<1x64x129xf32, #tpu.memory_space<vmem>>
        %scatter3A_1518 = tpu.memref_squeeze %scatter3A_1517 : memref<1x64x129xf32, #tpu.memory_space<vmem>> -> memref<64x129xf32, #tpu.memory_space<vmem>>
        tpu.vector_store_idx %scatter3A_1518[%add3A_1514, %add3A_1454], %get3A_1511 : memref<64x129xf32, #tpu.memory_space<vmem>>[vector<16xi32>, vector<16xi32>], vector<16xf32>,
        %add3A_1519 = arith.constant 3 : i32
        %add3A_1520 = vector.broadcast %add3A_1519 : i32 to vector<16xi32>
        %add3A_1521 = arith.addi %broadcast_in_dim3A, %add3A_1520 : vector<16xi32>
        %add3A_1522 = arith.constant 3 : i32
        %add3A_1523 = arith.addi %mul3A_1319, %add3A_1522 : i32
        %get3A_1524 = arith.constant 0 : i32
        %get3A_1525 = arith.constant 0 : i32
        %get3A_1526 = tpu.memref_slice %arg10[%scan3A_715, %get3A_1524, %get3A_1525] : memref<4x128x64xf32, #tpu.memory_space<vmem>> -> memref<1x128x64xf32, #tpu.memory_space<vmem>>
        %get3A_1527 = tpu.memref_squeeze %get3A_1526 : memref<1x128x64xf32, #tpu.memory_space<vmem>> -> memref<128x64xf32, #tpu.memory_space<vmem>>
        %get3A_1528 = arith.index_cast %add3A_1523 : i32 to index
        %get3A_1529 = arith.constant 0 : index
        %get3A_1530 = tpu.vector_load %get3A_1527[%get3A_1528, %get3A_1529] {strides = array<i32>} : memref<128x64xf32, #tpu.memory_space<vmem>>, vector<16xf32>,
        %add3A_1531 = arith.constant 0 : i32
        %add3A_1532 = vector.broadcast %add3A_1531 : i32 to vector<16xi32>
        %add3A_1533 = arith.addi %iota3A, %add3A_1532 : vector<16xi32>
        %scatter3A_1534 = arith.constant 0 : i32
        %scatter3A_1535 = arith.constant 0 : i32
        %scatter3A_1536 = tpu.memref_slice %arg11[%scan3A_716, %scatter3A_1534, %scatter3A_1535] : memref<2x64x129xf32, #tpu.memory_space<vmem>> -> memref<1x64x129xf32, #tpu.memory_space<vmem>>
        %scatter3A_1537 = tpu.memref_squeeze %scatter3A_1536 : memref<1x64x129xf32, #tpu.memory_space<vmem>> -> memref<64x129xf32, #tpu.memory_space<vmem>>
        tpu.vector_store_idx %scatter3A_1537[%add3A_1533, %add3A_1521], %get3A_1530 : memref<64x129xf32, #tpu.memory_space<vmem>>[vector<16xi32>, vector<16xi32>], vector<16xf32>,
        %add3A_1538 = arith.constant 3 : i32
        %add3A_1539 = arith.addi %mul3A_1319, %add3A_1538 : i32
        %get3A_1540 = arith.constant 0 : i32
        %get3A_1541 = arith.constant 0 : i32
        %get3A_1542 = tpu.memref_slice %arg10[%scan3A_715, %get3A_1540, %get3A_1541] : memref<4x128x64xf32, #tpu.memory_space<vmem>> -> memref<1x128x64xf32, #tpu.memory_space<vmem>>
        %get3A_1543 = tpu.memref_squeeze %get3A_1542 : memref<1x128x64xf32, #tpu.memory_space<vmem>> -> memref<128x64xf32, #tpu.memory_space<vmem>>
        %get3A_1544 = arith.index_cast %add3A_1539 : i32 to index
        %get3A_1545 = arith.constant 16 : index
        %get3A_1546 = tpu.vector_load %get3A_1543[%get3A_1544, %get3A_1545] {strides = array<i32>} : memref<128x64xf32, #tpu.memory_space<vmem>>, vector<16xf32>,
        %add3A_1547 = arith.constant 16 : i32
        %add3A_1548 = vector.broadcast %add3A_1547 : i32 to vector<16xi32>
        %add3A_1549 = arith.addi %iota3A, %add3A_1548 : vector<16xi32>
        %scatter3A_1550 = arith.constant 0 : i32
        %scatter3A_1551 = arith.constant 0 : i32
        %scatter3A_1552 = tpu.memref_slice %arg11[%scan3A_716, %scatter3A_1550, %scatter3A_1551] : memref<2x64x129xf32, #tpu.memory_space<vmem>> -> memref<1x64x129xf32, #tpu.memory_space<vmem>>
        %scatter3A_1553 = tpu.memref_squeeze %scatter3A_1552 : memref<1x64x129xf32, #tpu.memory_space<vmem>> -> memref<64x129xf32, #tpu.memory_space<vmem>>
        tpu.vector_store_idx %scatter3A_1553[%add3A_1549, %add3A_1521], %get3A_1546 : memref<64x129xf32, #tpu.memory_space<vmem>>[vector<16xi32>, vector<16xi32>], vector<16xf32>,
        %add3A_1554 = arith.constant 3 : i32
        %add3A_1555 = arith.addi %mul3A_1319, %add3A_1554 : i32
        %get3A_1556 = arith.constant 0 : i32
        %get3A_1557 = arith.constant 0 : i32
        %get3A_1558 = tpu.memref_slice %arg10[%scan3A_715, %get3A_1556, %get3A_1557] : memref<4x128x64xf32, #tpu.memory_space<vmem>> -> memref<1x128x64xf32, #tpu.memory_space<vmem>>
        %get3A_1559 = tpu.memref_squeeze %get3A_1558 : memref<1x128x64xf32, #tpu.memory_space<vmem>> -> memref<128x64xf32, #tpu.memory_space<vmem>>
        %get3A_1560 = arith.index_cast %add3A_1555 : i32 to index
        %get3A_1561 = arith.constant 32 : index
        %get3A_1562 = tpu.vector_load %get3A_1559[%get3A_1560, %get3A_1561] {strides = array<i32>} : memref<128x64xf32, #tpu.memory_space<vmem>>, vector<16xf32>,
        %add3A_1563 = arith.constant 32 : i32
        %add3A_1564 = vector.broadcast %add3A_1563 : i32 to vector<16xi32>
        %add3A_1565 = arith.addi %iota3A, %add3A_1564 : vector<16xi32>
        %scatter3A_1566 = arith.constant 0 : i32
        %scatter3A_1567 = arith.constant 0 : i32
        %scatter3A_1568 = tpu.memref_slice %arg11[%scan3A_716, %scatter3A_1566, %scatter3A_1567] : memref<2x64x129xf32, #tpu.memory_space<vmem>> -> memref<1x64x129xf32, #tpu.memory_space<vmem>>
        %scatter3A_1569 = tpu.memref_squeeze %scatter3A_1568 : memref<1x64x129xf32, #tpu.memory_space<vmem>> -> memref<64x129xf32, #tpu.memory_space<vmem>>
        tpu.vector_store_idx %scatter3A_1569[%add3A_1565, %add3A_1521], %get3A_1562 : memref<64x129xf32, #tpu.memory_space<vmem>>[vector<16xi32>, vector<16xi32>], vector<16xf32>,
        %add3A_1570 = arith.constant 3 : i32
        %add3A_1571 = arith.addi %mul3A_1319, %add3A_1570 : i32
        %get3A_1572 = arith.constant 0 : i32
        %get3A_1573 = arith.constant 0 : i32
        %get3A_1574 = tpu.memref_slice %arg10[%scan3A_715, %get3A_1572, %get3A_1573] : memref<4x128x64xf32, #tpu.memory_space<vmem>> -> memref<1x128x64xf32, #tpu.memory_space<vmem>>
        %get3A_1575 = tpu.memref_squeeze %get3A_1574 : memref<1x128x64xf32, #tpu.memory_space<vmem>> -> memref<128x64xf32, #tpu.memory_space<vmem>>
        %get3A_1576 = arith.index_cast %add3A_1571 : i32 to index
        %get3A_1577 = arith.constant 48 : index
        %get3A_1578 = tpu.vector_load %get3A_1575[%get3A_1576, %get3A_1577] {strides = array<i32>} : memref<128x64xf32, #tpu.memory_space<vmem>>, vector<16xf32>,
        %add3A_1579 = arith.constant 48 : i32
        %add3A_1580 = vector.broadcast %add3A_1579 : i32 to vector<16xi32>
        %add3A_1581 = arith.addi %iota3A, %add3A_1580 : vector<16xi32>
        %scatter3A_1582 = arith.constant 0 : i32
        %scatter3A_1583 = arith.constant 0 : i32
        %scatter3A_1584 = tpu.memref_slice %arg11[%scan3A_716, %scatter3A_1582, %scatter3A_1583] : memref<2x64x129xf32, #tpu.memory_space<vmem>> -> memref<1x64x129xf32, #tpu.memory_space<vmem>>
        %scatter3A_1585 = tpu.memref_squeeze %scatter3A_1584 : memref<1x64x129xf32, #tpu.memory_space<vmem>> -> memref<64x129xf32, #tpu.memory_space<vmem>>
        tpu.vector_store_idx %scatter3A_1585[%add3A_1581, %add3A_1521], %get3A_1578 : memref<64x129xf32, #tpu.memory_space<vmem>>[vector<16xi32>, vector<16xi32>], vector<16xf32>,
      }
      %scan3A_721 = arith.constant 32 : i32
      %jit3A_722 = arith.constant 50 : i32
      %div3A_723 = arith.divsi %add3A_701, %jit3A_722 : i32
      %sign3A_724 = arith.constant 0 : i32
      %sign3A_725 = arith.cmpi sgt, %add3A_701, %sign3A_724 : i32
      %sign3A_726 = arith.extui %sign3A_725 : i1 to i32
      %sign3A_727 = arith.constant 0 : i32
      %sign3A_728 = arith.cmpi slt, %add3A_701, %sign3A_727 : i32
      %sign3A_729 = arith.extui %sign3A_728 : i1 to i32
      %sign3A_730 = arith.subi %sign3A_726, %sign3A_729 : i32
      %sign3A_731 = arith.constant 0 : i32
      %sign3A_732 = arith.cmpi sgt, %jit3A_722, %sign3A_731 : i32
      %sign3A_733 = arith.extui %sign3A_732 : i1 to i32
      %sign3A_734 = arith.constant 0 : i32
      %sign3A_735 = arith.cmpi slt, %jit3A_722, %sign3A_734 : i32
      %sign3A_736 = arith.extui %sign3A_735 : i1 to i32
      %sign3A_737 = arith.subi %sign3A_733, %sign3A_736 : i32
      %ne3A_738 = arith.cmpi ne, %sign3A_730, %sign3A_737 : i32
      %rem3A_739 = arith.remsi %add3A_701, %jit3A_722 : i32
      %ne3A_740 = arith.constant 0 : i32
      %ne3A_741 = arith.cmpi ne, %rem3A_739, %ne3A_740 : i32
      %and3A_742 = arith.andi %ne3A_738, %ne3A_741 : i1
      %sub3A_743 = arith.constant 1 : i32
      %sub3A_744 = arith.subi %div3A_723, %sub3A_743 : i32
      %select_n3A_745 = arith.select %and3A_742, %sub3A_744, %div3A_723 : i32
      %mul3A_746 = arith.constant 50 : i32
      %mul3A_747 = arith.muli %select_n3A_745, %mul3A_746 : i32
      %sub3A_748 = arith.subi %add3A_701, %mul3A_747 : i32
      %mul3A_749 = arith.constant 32 : i32
      %mul3A_750 = arith.muli %select_n3A_745, %mul3A_749 : i32
      %add3A_751 = arith.addi %add3A, %mul3A_750 : i32
      %dma_start3A_752 = arith.constant 1 : i32
      %dma_start3A_753 = arith.constant 0 : i32
      %dma_start3A_754 = arith.constant 0 : i32
      %dma_start3A_755 = arith.constant 0 : i32
      %dma_start3A_756 = tpu.memref_slice %arg11[%dma_start3A_752, %dma_start3A_754, %dma_start3A_755] : memref<2x64x129xf32, #tpu.memory_space<vmem>> -> memref<1x8x128xf32, #tpu.memory_space<vmem>>
      %dma_start3A_757 = tpu.memref_squeeze %dma_start3A_756 : memref<1x8x128xf32, #tpu.memory_space<vmem>> -> memref<8x128xf32, #tpu.memory_space<vmem>>
      %dma_start3A_758 = arith.constant 0 : i32
      %dma_start3A_759 = arith.constant 0 : i32
      %dma_start3A_760 = tpu.memref_slice %arg4[%sub3A_748, %dma_start3A_753, %add3A_751, %dma_start3A_758, %dma_start3A_759] : memref<50x8x128x8x128xf32, #tpu.memory_space<hbm>> -> memref<1x1x1x8x128xf32, #tpu.memory_space<hbm>>
      %dma_start3A_761 = tpu.memref_squeeze %dma_start3A_760 : memref<1x1x1x8x128xf32, #tpu.memory_space<hbm>> -> memref<8x128xf32, #tpu.memory_space<hbm>>
      %dma_start3A_762 = arith.constant 0 : i32
      %dma_start3A_763 = arith.constant 0 : i32
      %dma_start3A_764 = tpu.memref_slice %arg4[%sub3A_748, %dma_start3A_753, %add3A_751, %dma_start3A_762, %dma_start3A_763] : memref<50x8x128x8x128xf32, #tpu.memory_space<hbm>> -> memref<1x1x1x8x128xf32, #tpu.memory_space<hbm>>
      %dma_start3A_765 = tpu.memref_squeeze %dma_start3A_764 : memref<1x1x1x8x128xf32, #tpu.memory_space<hbm>> -> memref<8x128xf32, #tpu.memory_space<hbm>>
      %dma_start3A_766 = arith.constant 0 : i32
      %dma_start3A_767 = arith.constant 0 : i32
      %dma_start3A_768 = tpu.memref_slice %arg11[%dma_start3A_752, %dma_start3A_766, %dma_start3A_767] : memref<2x64x129xf32, #tpu.memory_space<vmem>> -> memref<1x8x128xf32, #tpu.memory_space<vmem>>
      %dma_start3A_769 = tpu.memref_squeeze %dma_start3A_768 : memref<1x8x128xf32, #tpu.memory_space<vmem>> -> memref<8x128xf32, #tpu.memory_space<vmem>>
      tpu.enqueue_dma source(%dma_start3A_769 : memref<8x128xf32, #tpu.memory_space<vmem>>) target(%dma_start3A_765 : memref<8x128xf32, #tpu.memory_space<hbm>>) target_semaphore(%arg17 : memref<!tpu.dma_semaphore, #tpu.memory_space<semaphore_mem>>)
      %dma_start3A_770 = arith.constant 1 : i32
      %dma_start3A_771 = arith.constant 1 : i32
      %dma_start3A_772 = arith.constant 8 : i32
      %dma_start3A_773 = arith.constant 0 : i32
      %dma_start3A_774 = tpu.memref_slice %arg11[%dma_start3A_770, %dma_start3A_772, %dma_start3A_773] : memref<2x64x129xf32, #tpu.memory_space<vmem>> -> memref<1x8x128xf32, #tpu.memory_space<vmem>>
      %dma_start3A_775 = tpu.memref_squeeze %dma_start3A_774 : memref<1x8x128xf32, #tpu.memory_space<vmem>> -> memref<8x128xf32, #tpu.memory_space<vmem>>
      %dma_start3A_776 = arith.constant 0 : i32
      %dma_start3A_777 = arith.constant 0 : i32
      %dma_start3A_778 = tpu.memref_slice %arg4[%sub3A_748, %dma_start3A_771, %add3A_751, %dma_start3A_776, %dma_start3A_777] : memref<50x8x128x8x128xf32, #tpu.memory_space<hbm>> -> memref<1x1x1x8x128xf32, #tpu.memory_space<hbm>>
      %dma_start3A_779 = tpu.memref_squeeze %dma_start3A_778 : memref<1x1x1x8x128xf32, #tpu.memory_space<hbm>> -> memref<8x128xf32, #tpu.memory_space<hbm>>
      %dma_start3A_780 = arith.constant 0 : i32
      %dma_start3A_781 = arith.constant 0 : i32
      %dma_start3A_782 = tpu.memref_slice %arg4[%sub3A_748, %dma_start3A_771, %add3A_751, %dma_start3A_780, %dma_start3A_781] : memref<50x8x128x8x128xf32, #tpu.memory_space<hbm>> -> memref<1x1x1x8x128xf32, #tpu.memory_space<hbm>>
      %dma_start3A_783 = tpu.memref_squeeze %dma_start3A_782 : memref<1x1x1x8x128xf32, #tpu.memory_space<hbm>> -> memref<8x128xf32, #tpu.memory_space<hbm>>
      %dma_start3A_784 = arith.constant 8 : i32
      %dma_start3A_785 = arith.constant 0 : i32
      %dma_start3A_786 = tpu.memref_slice %arg11[%dma_start3A_770, %dma_start3A_784, %dma_start3A_785] : memref<2x64x129xf32, #tpu.memory_space<vmem>> -> memref<1x8x128xf32, #tpu.memory_space<vmem>>
      %dma_start3A_787 = tpu.memref_squeeze %dma_start3A_786 : memref<1x8x128xf32, #tpu.memory_space<vmem>> -> memref<8x128xf32, #tpu.memory_space<vmem>>
      tpu.enqueue_dma source(%dma_start3A_787 : memref<8x128xf32, #tpu.memory_space<vmem>>) target(%dma_start3A_783 : memref<8x128xf32, #tpu.memory_space<hbm>>) target_semaphore(%arg17 : memref<!tpu.dma_semaphore, #tpu.memory_space<semaphore_mem>>)
      %dma_start3A_788 = arith.constant 1 : i32
      %dma_start3A_789 = arith.constant 2 : i32
      %dma_start3A_790 = arith.constant 16 : i32
      %dma_start3A_791 = arith.constant 0 : i32
      %dma_start3A_792 = tpu.memref_slice %arg11[%dma_start3A_788, %dma_start3A_790, %dma_start3A_791] : memref<2x64x129xf32, #tpu.memory_space<vmem>> -> memref<1x8x128xf32, #tpu.memory_space<vmem>>
      %dma_start3A_793 = tpu.memref_squeeze %dma_start3A_792 : memref<1x8x128xf32, #tpu.memory_space<vmem>> -> memref<8x128xf32, #tpu.memory_space<vmem>>
      %dma_start3A_794 = arith.constant 0 : i32
      %dma_start3A_795 = arith.constant 0 : i32
      %dma_start3A_796 = tpu.memref_slice %arg4[%sub3A_748, %dma_start3A_789, %add3A_751, %dma_start3A_794, %dma_start3A_795] : memref<50x8x128x8x128xf32, #tpu.memory_space<hbm>> -> memref<1x1x1x8x128xf32, #tpu.memory_space<hbm>>
      %dma_start3A_797 = tpu.memref_squeeze %dma_start3A_796 : memref<1x1x1x8x128xf32, #tpu.memory_space<hbm>> -> memref<8x128xf32, #tpu.memory_space<hbm>>
      %dma_start3A_798 = arith.constant 0 : i32
      %dma_start3A_799 = arith.constant 0 : i32
      %dma_start3A_800 = tpu.memref_slice %arg4[%sub3A_748, %dma_start3A_789, %add3A_751, %dma_start3A_798, %dma_start3A_799] : memref<50x8x128x8x128xf32, #tpu.memory_space<hbm>> -> memref<1x1x1x8x128xf32, #tpu.memory_space<hbm>>
      %dma_start3A_801 = tpu.memref_squeeze %dma_start3A_800 : memref<1x1x1x8x128xf32, #tpu.memory_space<hbm>> -> memref<8x128xf32, #tpu.memory_space<hbm>>
      %dma_start3A_802 = arith.constant 16 : i32
      %dma_start3A_803 = arith.constant 0 : i32
      %dma_start3A_804 = tpu.memref_slice %arg11[%dma_start3A_788, %dma_start3A_802, %dma_start3A_803] : memref<2x64x129xf32, #tpu.memory_space<vmem>> -> memref<1x8x128xf32, #tpu.memory_space<vmem>>
      %dma_start3A_805 = tpu.memref_squeeze %dma_start3A_804 : memref<1x8x128xf32, #tpu.memory_space<vmem>> -> memref<8x128xf32, #tpu.memory_space<vmem>>
      tpu.enqueue_dma source(%dma_start3A_805 : memref<8x128xf32, #tpu.memory_space<vmem>>) target(%dma_start3A_801 : memref<8x128xf32, #tpu.memory_space<hbm>>) target_semaphore(%arg17 : memref<!tpu.dma_semaphore, #tpu.memory_space<semaphore_mem>>)
      %dma_start3A_806 = arith.constant 1 : i32
      %dma_start3A_807 = arith.constant 3 : i32
      %dma_start3A_808 = arith.constant 24 : i32
      %dma_start3A_809 = arith.constant 0 : i32
      %dma_start3A_810 = tpu.memref_slice %arg11[%dma_start3A_806, %dma_start3A_808, %dma_start3A_809] : memref<2x64x129xf32, #tpu.memory_space<vmem>> -> memref<1x8x128xf32, #tpu.memory_space<vmem>>
      %dma_start3A_811 = tpu.memref_squeeze %dma_start3A_810 : memref<1x8x128xf32, #tpu.memory_space<vmem>> -> memref<8x128xf32, #tpu.memory_space<vmem>>
      %dma_start3A_812 = arith.constant 0 : i32
      %dma_start3A_813 = arith.constant 0 : i32
      %dma_start3A_814 = tpu.memref_slice %arg4[%sub3A_748, %dma_start3A_807, %add3A_751, %dma_start3A_812, %dma_start3A_813] : memref<50x8x128x8x128xf32, #tpu.memory_space<hbm>> -> memref<1x1x1x8x128xf32, #tpu.memory_space<hbm>>
      %dma_start3A_815 = tpu.memref_squeeze %dma_start3A_814 : memref<1x1x1x8x128xf32, #tpu.memory_space<hbm>> -> memref<8x128xf32, #tpu.memory_space<hbm>>
      %dma_start3A_816 = arith.constant 0 : i32
      %dma_start3A_817 = arith.constant 0 : i32
      %dma_start3A_818 = tpu.memref_slice %arg4[%sub3A_748, %dma_start3A_807, %add3A_751, %dma_start3A_816, %dma_start3A_817] : memref<50x8x128x8x128xf32, #tpu.memory_space<hbm>> -> memref<1x1x1x8x128xf32, #tpu.memory_space<hbm>>
      %dma_start3A_819 = tpu.memref_squeeze %dma_start3A_818 : memref<1x1x1x8x128xf32, #tpu.memory_space<hbm>> -> memref<8x128xf32, #tpu.memory_space<hbm>>
      %dma_start3A_820 = arith.constant 24 : i32
      %dma_start3A_821 = arith.constant 0 : i32
      %dma_start3A_822 = tpu.memref_slice %arg11[%dma_start3A_806, %dma_start3A_820, %dma_start3A_821] : memref<2x64x129xf32, #tpu.memory_space<vmem>> -> memref<1x8x128xf32, #tpu.memory_space<vmem>>
      %dma_start3A_823 = tpu.memref_squeeze %dma_start3A_822 : memref<1x8x128xf32, #tpu.memory_space<vmem>> -> memref<8x128xf32, #tpu.memory_space<vmem>>
      tpu.enqueue_dma source(%dma_start3A_823 : memref<8x128xf32, #tpu.memory_space<vmem>>) target(%dma_start3A_819 : memref<8x128xf32, #tpu.memory_space<hbm>>) target_semaphore(%arg17 : memref<!tpu.dma_semaphore, #tpu.memory_space<semaphore_mem>>)
      %dma_start3A_824 = arith.constant 1 : i32
      %dma_start3A_825 = arith.constant 4 : i32
      %dma_start3A_826 = arith.constant 32 : i32
      %dma_start3A_827 = arith.constant 0 : i32
      %dma_start3A_828 = tpu.memref_slice %arg11[%dma_start3A_824, %dma_start3A_826, %dma_start3A_827] : memref<2x64x129xf32, #tpu.memory_space<vmem>> -> memref<1x8x128xf32, #tpu.memory_space<vmem>>
      %dma_start3A_829 = tpu.memref_squeeze %dma_start3A_828 : memref<1x8x128xf32, #tpu.memory_space<vmem>> -> memref<8x128xf32, #tpu.memory_space<vmem>>
      %dma_start3A_830 = arith.constant 0 : i32
      %dma_start3A_831 = arith.constant 0 : i32
      %dma_start3A_832 = tpu.memref_slice %arg4[%sub3A_748, %dma_start3A_825, %add3A_751, %dma_start3A_830, %dma_start3A_831] : memref<50x8x128x8x128xf32, #tpu.memory_space<hbm>> -> memref<1x1x1x8x128xf32, #tpu.memory_space<hbm>>
      %dma_start3A_833 = tpu.memref_squeeze %dma_start3A_832 : memref<1x1x1x8x128xf32, #tpu.memory_space<hbm>> -> memref<8x128xf32, #tpu.memory_space<hbm>>
      %dma_start3A_834 = arith.constant 0 : i32
      %dma_start3A_835 = arith.constant 0 : i32
      %dma_start3A_836 = tpu.memref_slice %arg4[%sub3A_748, %dma_start3A_825, %add3A_751, %dma_start3A_834, %dma_start3A_835] : memref<50x8x128x8x128xf32, #tpu.memory_space<hbm>> -> memref<1x1x1x8x128xf32, #tpu.memory_space<hbm>>
      %dma_start3A_837 = tpu.memref_squeeze %dma_start3A_836 : memref<1x1x1x8x128xf32, #tpu.memory_space<hbm>> -> memref<8x128xf32, #tpu.memory_space<hbm>>
      %dma_start3A_838 = arith.constant 32 : i32
      %dma_start3A_839 = arith.constant 0 : i32
      %dma_start3A_840 = tpu.memref_slice %arg11[%dma_start3A_824, %dma_start3A_838, %dma_start3A_839] : memref<2x64x129xf32, #tpu.memory_space<vmem>> -> memref<1x8x128xf32, #tpu.memory_space<vmem>>
      %dma_start3A_841 = tpu.memref_squeeze %dma_start3A_840 : memref<1x8x128xf32, #tpu.memory_space<vmem>> -> memref<8x128xf32, #tpu.memory_space<vmem>>
      tpu.enqueue_dma source(%dma_start3A_841 : memref<8x128xf32, #tpu.memory_space<vmem>>) target(%dma_start3A_837 : memref<8x128xf32, #tpu.memory_space<hbm>>) target_semaphore(%arg17 : memref<!tpu.dma_semaphore, #tpu.memory_space<semaphore_mem>>)
      %dma_start3A_842 = arith.constant 1 : i32
      %dma_start3A_843 = arith.constant 5 : i32
      %dma_start3A_844 = arith.constant 40 : i32
      %dma_start3A_845 = arith.constant 0 : i32
      %dma_start3A_846 = tpu.memref_slice %arg11[%dma_start3A_842, %dma_start3A_844, %dma_start3A_845] : memref<2x64x129xf32, #tpu.memory_space<vmem>> -> memref<1x8x128xf32, #tpu.memory_space<vmem>>
      %dma_start3A_847 = tpu.memref_squeeze %dma_start3A_846 : memref<1x8x128xf32, #tpu.memory_space<vmem>> -> memref<8x128xf32, #tpu.memory_space<vmem>>
      %dma_start3A_848 = arith.constant 0 : i32
      %dma_start3A_849 = arith.constant 0 : i32
      %dma_start3A_850 = tpu.memref_slice %arg4[%sub3A_748, %dma_start3A_843, %add3A_751, %dma_start3A_848, %dma_start3A_849] : memref<50x8x128x8x128xf32, #tpu.memory_space<hbm>> -> memref<1x1x1x8x128xf32, #tpu.memory_space<hbm>>
      %dma_start3A_851 = tpu.memref_squeeze %dma_start3A_850 : memref<1x1x1x8x128xf32, #tpu.memory_space<hbm>> -> memref<8x128xf32, #tpu.memory_space<hbm>>
      %dma_start3A_852 = arith.constant 0 : i32
      %dma_start3A_853 = arith.constant 0 : i32
      %dma_start3A_854 = tpu.memref_slice %arg4[%sub3A_748, %dma_start3A_843, %add3A_751, %dma_start3A_852, %dma_start3A_853] : memref<50x8x128x8x128xf32, #tpu.memory_space<hbm>> -> memref<1x1x1x8x128xf32, #tpu.memory_space<hbm>>
      %dma_start3A_855 = tpu.memref_squeeze %dma_start3A_854 : memref<1x1x1x8x128xf32, #tpu.memory_space<hbm>> -> memref<8x128xf32, #tpu.memory_space<hbm>>
      %dma_start3A_856 = arith.constant 40 : i32
      %dma_start3A_857 = arith.constant 0 : i32
      %dma_start3A_858 = tpu.memref_slice %arg11[%dma_start3A_842, %dma_start3A_856, %dma_start3A_857] : memref<2x64x129xf32, #tpu.memory_space<vmem>> -> memref<1x8x128xf32, #tpu.memory_space<vmem>>
      %dma_start3A_859 = tpu.memref_squeeze %dma_start3A_858 : memref<1x8x128xf32, #tpu.memory_space<vmem>> -> memref<8x128xf32, #tpu.memory_space<vmem>>
      tpu.enqueue_dma source(%dma_start3A_859 : memref<8x128xf32, #tpu.memory_space<vmem>>) target(%dma_start3A_855 : memref<8x128xf32, #tpu.memory_space<hbm>>) target_semaphore(%arg17 : memref<!tpu.dma_semaphore, #tpu.memory_space<semaphore_mem>>)
      %dma_start3A_860 = arith.constant 1 : i32
      %dma_start3A_861 = arith.constant 6 : i32
      %dma_start3A_862 = arith.constant 48 : i32
      %dma_start3A_863 = arith.constant 0 : i32
      %dma_start3A_864 = tpu.memref_slice %arg11[%dma_start3A_860, %dma_start3A_862, %dma_start3A_863] : memref<2x64x129xf32, #tpu.memory_space<vmem>> -> memref<1x8x128xf32, #tpu.memory_space<vmem>>
      %dma_start3A_865 = tpu.memref_squeeze %dma_start3A_864 : memref<1x8x128xf32, #tpu.memory_space<vmem>> -> memref<8x128xf32, #tpu.memory_space<vmem>>
      %dma_start3A_866 = arith.constant 0 : i32
      %dma_start3A_867 = arith.constant 0 : i32
      %dma_start3A_868 = tpu.memref_slice %arg4[%sub3A_748, %dma_start3A_861, %add3A_751, %dma_start3A_866, %dma_start3A_867] : memref<50x8x128x8x128xf32, #tpu.memory_space<hbm>> -> memref<1x1x1x8x128xf32, #tpu.memory_space<hbm>>
      %dma_start3A_869 = tpu.memref_squeeze %dma_start3A_868 : memref<1x1x1x8x128xf32, #tpu.memory_space<hbm>> -> memref<8x128xf32, #tpu.memory_space<hbm>>
      %dma_start3A_870 = arith.constant 0 : i32
      %dma_start3A_871 = arith.constant 0 : i32
      %dma_start3A_872 = tpu.memref_slice %arg4[%sub3A_748, %dma_start3A_861, %add3A_751, %dma_start3A_870, %dma_start3A_871] : memref<50x8x128x8x128xf32, #tpu.memory_space<hbm>> -> memref<1x1x1x8x128xf32, #tpu.memory_space<hbm>>
      %dma_start3A_873 = tpu.memref_squeeze %dma_start3A_872 : memref<1x1x1x8x128xf32, #tpu.memory_space<hbm>> -> memref<8x128xf32, #tpu.memory_space<hbm>>
      %dma_start3A_874 = arith.constant 48 : i32
      %dma_start3A_875 = arith.constant 0 : i32
      %dma_start3A_876 = tpu.memref_slice %arg11[%dma_start3A_860, %dma_start3A_874, %dma_start3A_875] : memref<2x64x129xf32, #tpu.memory_space<vmem>> -> memref<1x8x128xf32, #tpu.memory_space<vmem>>
      %dma_start3A_877 = tpu.memref_squeeze %dma_start3A_876 : memref<1x8x128xf32, #tpu.memory_space<vmem>> -> memref<8x128xf32, #tpu.memory_space<vmem>>
      tpu.enqueue_dma source(%dma_start3A_877 : memref<8x128xf32, #tpu.memory_space<vmem>>) target(%dma_start3A_873 : memref<8x128xf32, #tpu.memory_space<hbm>>) target_semaphore(%arg17 : memref<!tpu.dma_semaphore, #tpu.memory_space<semaphore_mem>>)
      %dma_start3A_878 = arith.constant 1 : i32
      %dma_start3A_879 = arith.constant 7 : i32
      %dma_start3A_880 = arith.constant 56 : i32
      %dma_start3A_881 = arith.constant 0 : i32
      %dma_start3A_882 = tpu.memref_slice %arg11[%dma_start3A_878, %dma_start3A_880, %dma_start3A_881] : memref<2x64x129xf32, #tpu.memory_space<vmem>> -> memref<1x8x128xf32, #tpu.memory_space<vmem>>
      %dma_start3A_883 = tpu.memref_squeeze %dma_start3A_882 : memref<1x8x128xf32, #tpu.memory_space<vmem>> -> memref<8x128xf32, #tpu.memory_space<vmem>>
      %dma_start3A_884 = arith.constant 0 : i32
      %dma_start3A_885 = arith.constant 0 : i32
      %dma_start3A_886 = tpu.memref_slice %arg4[%sub3A_748, %dma_start3A_879, %add3A_751, %dma_start3A_884, %dma_start3A_885] : memref<50x8x128x8x128xf32, #tpu.memory_space<hbm>> -> memref<1x1x1x8x128xf32, #tpu.memory_space<hbm>>
      %dma_start3A_887 = tpu.memref_squeeze %dma_start3A_886 : memref<1x1x1x8x128xf32, #tpu.memory_space<hbm>> -> memref<8x128xf32, #tpu.memory_space<hbm>>
      %dma_start3A_888 = arith.constant 0 : i32
      %dma_start3A_889 = arith.constant 0 : i32
      %dma_start3A_890 = tpu.memref_slice %arg4[%sub3A_748, %dma_start3A_879, %add3A_751, %dma_start3A_888, %dma_start3A_889] : memref<50x8x128x8x128xf32, #tpu.memory_space<hbm>> -> memref<1x1x1x8x128xf32, #tpu.memory_space<hbm>>
      %dma_start3A_891 = tpu.memref_squeeze %dma_start3A_890 : memref<1x1x1x8x128xf32, #tpu.memory_space<hbm>> -> memref<8x128xf32, #tpu.memory_space<hbm>>
      %dma_start3A_892 = arith.constant 56 : i32
      %dma_start3A_893 = arith.constant 0 : i32
      %dma_start3A_894 = tpu.memref_slice %arg11[%dma_start3A_878, %dma_start3A_892, %dma_start3A_893] : memref<2x64x129xf32, #tpu.memory_space<vmem>> -> memref<1x8x128xf32, #tpu.memory_space<vmem>>
      %dma_start3A_895 = tpu.memref_squeeze %dma_start3A_894 : memref<1x8x128xf32, #tpu.memory_space<vmem>> -> memref<8x128xf32, #tpu.memory_space<vmem>>
      tpu.enqueue_dma source(%dma_start3A_895 : memref<8x128xf32, #tpu.memory_space<vmem>>) target(%dma_start3A_891 : memref<8x128xf32, #tpu.memory_space<hbm>>) target_semaphore(%arg17 : memref<!tpu.dma_semaphore, #tpu.memory_space<semaphore_mem>>)
      %add3A_896 = arith.constant 3 : i32
      %add3A_897 = arith.addi %add3A_701, %add3A_896 : i32
      %lt3A_898 = arith.constant 200 : i32
      %lt3A_899 = arith.cmpi slt, %add3A_897, %lt3A_898 : i32
      %convert_element_type3A_900 = arith.extui %lt3A_899 : i1 to i32
      %cond3A_901 = arith.constant 0 : i32
      %cond3A_902 = arith.cmpi ne, %convert_element_type3A_900, %cond3A_901 : i32
      scf.if %cond3A_902 {
        %add3A_1313 = arith.constant 3 : i32
        %add3A_1314 = arith.addi %add3A_701, %add3A_1313 : i32
        %jit3A_1315 = arith.constant 50 : i32
        %div3A_1316 = arith.divsi %add3A_1314, %jit3A_1315 : i32
        %sign3A_1317 = arith.constant 0 : i32
        %sign3A_1318 = arith.cmpi sgt, %add3A_1314, %sign3A_1317 : i32
        %sign3A_1319 = arith.extui %sign3A_1318 : i1 to i32
        %sign3A_1320 = arith.constant 0 : i32
        %sign3A_1321 = arith.cmpi slt, %add3A_1314, %sign3A_1320 : i32
        %sign3A_1322 = arith.extui %sign3A_1321 : i1 to i32
        %sign3A_1323 = arith.subi %sign3A_1319, %sign3A_1322 : i32
        %sign3A_1324 = arith.constant 0 : i32
        %sign3A_1325 = arith.cmpi sgt, %jit3A_1315, %sign3A_1324 : i32
        %sign3A_1326 = arith.extui %sign3A_1325 : i1 to i32
        %sign3A_1327 = arith.constant 0 : i32
        %sign3A_1328 = arith.cmpi slt, %jit3A_1315, %sign3A_1327 : i32
        %sign3A_1329 = arith.extui %sign3A_1328 : i1 to i32
        %sign3A_1330 = arith.subi %sign3A_1326, %sign3A_1329 : i32
        %ne3A_1331 = arith.cmpi ne, %sign3A_1323, %sign3A_1330 : i32
        %rem3A_1332 = arith.remsi %add3A_1314, %jit3A_1315 : i32
        %ne3A_1333 = arith.constant 0 : i32
        %ne3A_1334 = arith.cmpi ne, %rem3A_1332, %ne3A_1333 : i32
        %and3A_1335 = arith.andi %ne3A_1331, %ne3A_1334 : i1
        %sub3A_1336 = arith.constant 1 : i32
        %sub3A_1337 = arith.subi %div3A_1316, %sub3A_1336 : i32
        %select_n3A_1338 = arith.select %and3A_1335, %sub3A_1337, %div3A_1316 : i32
        %mul3A_1339 = arith.constant 50 : i32
        %mul3A_1340 = arith.muli %select_n3A_1338, %mul3A_1339 : i32
        %sub3A_1341 = arith.subi %add3A_1314, %mul3A_1340 : i32
        %mul3A_1342 = arith.constant 32 : i32
        %mul3A_1343 = arith.muli %select_n3A_1338, %mul3A_1342 : i32
        %add3A_1344 = arith.addi %add3A, %mul3A_1343 : i32
        %eq3A = arith.constant 0 : i32
        %eq3A_1345 = arith.cmpi eq, %sub3A_1341, %eq3A : i32
        %convert_element_type3A_1346 = arith.extui %eq3A_1345 : i1 to i32
        %cond3A_1347 = arith.constant 0 : i32
        %cond3A_1348 = arith.cmpi ne, %convert_element_type3A_1346, %cond3A_1347 : i32
        scf.if %cond3A_1348 {
          %mul3A_1413 = arith.constant 6400 : i32
          %mul3A_1414 = arith.muli %add3A_1344, %mul3A_1413 : i32
          "tpu.region"() ({
            %run_scoped3A = tpu.sem_alloc : memref<!tpu.dma_semaphore, #tpu.memory_space<semaphore_mem>>
            %dma_start3A_1415 = tpu.memref_slice %arg2[%mul3A_1414] : memref<819200xi32, #tpu.memory_space<hbm>> -> memref<6400xi32, #tpu.memory_space<hbm>>
            %dma_start3A_1416 = tpu.memref_slice %arg2[%mul3A_1414] : memref<819200xi32, #tpu.memory_space<hbm>> -> memref<6400xi32, #tpu.memory_space<hbm>>
            tpu.enqueue_dma source(%dma_start3A_1416 : memref<6400xi32, #tpu.memory_space<hbm>>) target(%arg5 : memref<6400xi32, #tpu.memory_space<vmem>>) target_semaphore(%run_scoped3A : memref<!tpu.dma_semaphore, #tpu.memory_space<semaphore_mem>>)
            %dma_wait3A_1417 = tpu.memref_slice %arg2[%mul3A_1414] : memref<819200xi32, #tpu.memory_space<hbm>> -> memref<6400xi32, #tpu.memory_space<hbm>>
            %dma_wait3A_1418 = tpu.memref_slice %arg2[%mul3A_1414] : memref<819200xi32, #tpu.memory_space<hbm>> -> memref<6400xi32, #tpu.memory_space<hbm>>
            tpu.wait_dma2 semaphore(%run_scoped3A : memref<!tpu.dma_semaphore, #tpu.memory_space<semaphore_mem>>) src(%dma_wait3A_1418 : memref<6400xi32, #tpu.memory_space<hbm>>) dst(%arg5 : memref<6400xi32, #tpu.memory_space<vmem>>)
            tpu.yield
          }) : () -> ()
        } else {
        }
        %add3A_1349 = arith.constant 0 : i32
        %add3A_1350 = arith.addi %add3A_1349, %sub3A_1341 : i32
        %add3A_1351 = vector.broadcast %add3A_1350 : i32 to vector<16xi32>
        %add3A_1352 = arith.addi %mul3A_3, %add3A_1351 : vector<16xi32>
        %gather3A_1353 = tpu.vector_load_idx %arg5[%add3A_1352] : memref<6400xi32, #tpu.memory_space<vmem>>[vector<16xi32>], vector<16xi32>,
        %swap3A_1354 = arith.constant 0 : index
        %swap3A_1355 = tpu.vector_load %arg6[%swap3A_1354] {strides = array<i32>} : memref<128xi32, #tpu.memory_space<vmem>>, vector<16xi32>,
        tpu.vector_store %arg6[%swap3A_1354], %gather3A_1353 {strides = array<i32>} : memref<128xi32, #tpu.memory_space<vmem>>, vector<16xi32>,
        %add3A_1356 = arith.constant 800 : i32
        %add3A_1357 = arith.addi %add3A_1356, %sub3A_1341 : i32
        %add3A_1358 = vector.broadcast %add3A_1357 : i32 to vector<16xi32>
        %add3A_1359 = arith.addi %mul3A_3, %add3A_1358 : vector<16xi32>
        %gather3A_1360 = tpu.vector_load_idx %arg5[%add3A_1359] : memref<6400xi32, #tpu.memory_space<vmem>>[vector<16xi32>], vector<16xi32>,
        %swap3A_1361 = arith.constant 16 : index
        %swap3A_1362 = tpu.vector_load %arg6[%swap3A_1361] {strides = array<i32>} : memref<128xi32, #tpu.memory_space<vmem>>, vector<16xi32>,
        tpu.vector_store %arg6[%swap3A_1361], %gather3A_1360 {strides = array<i32>} : memref<128xi32, #tpu.memory_space<vmem>>, vector<16xi32>,
        %add3A_1363 = arith.constant 1600 : i32
        %add3A_1364 = arith.addi %add3A_1363, %sub3A_1341 : i32
        %add3A_1365 = vector.broadcast %add3A_1364 : i32 to vector<16xi32>
        %add3A_1366 = arith.addi %mul3A_3, %add3A_1365 : vector<16xi32>
        %gather3A_1367 = tpu.vector_load_idx %arg5[%add3A_1366] : memref<6400xi32, #tpu.memory_space<vmem>>[vector<16xi32>], vector<16xi32>,
        %swap3A_1368 = arith.constant 32 : index
        %swap3A_1369 = tpu.vector_load %arg6[%swap3A_1368] {strides = array<i32>} : memref<128xi32, #tpu.memory_space<vmem>>, vector<16xi32>,
        tpu.vector_store %arg6[%swap3A_1368], %gather3A_1367 {strides = array<i32>} : memref<128xi32, #tpu.memory_space<vmem>>, vector<16xi32>,
        %add3A_1370 = arith.constant 2400 : i32
        %add3A_1371 = arith.addi %add3A_1370, %sub3A_1341 : i32
        %add3A_1372 = vector.broadcast %add3A_1371 : i32 to vector<16xi32>
        %add3A_1373 = arith.addi %mul3A_3, %add3A_1372 : vector<16xi32>
        %gather3A_1374 = tpu.vector_load_idx %arg5[%add3A_1373] : memref<6400xi32, #tpu.memory_space<vmem>>[vector<16xi32>], vector<16xi32>,
        %swap3A_1375 = arith.constant 48 : index
        %swap3A_1376 = tpu.vector_load %arg6[%swap3A_1375] {strides = array<i32>} : memref<128xi32, #tpu.memory_space<vmem>>, vector<16xi32>,
        tpu.vector_store %arg6[%swap3A_1375], %gather3A_1374 {strides = array<i32>} : memref<128xi32, #tpu.memory_space<vmem>>, vector<16xi32>,
        %add3A_1377 = arith.constant 3200 : i32
        %add3A_1378 = arith.addi %add3A_1377, %sub3A_1341 : i32
        %add3A_1379 = vector.broadcast %add3A_1378 : i32 to vector<16xi32>
        %add3A_1380 = arith.addi %mul3A_3, %add3A_1379 : vector<16xi32>
        %gather3A_1381 = tpu.vector_load_idx %arg5[%add3A_1380] : memref<6400xi32, #tpu.memory_space<vmem>>[vector<16xi32>], vector<16xi32>,
        %swap3A_1382 = arith.constant 64 : index
        %swap3A_1383 = tpu.vector_load %arg6[%swap3A_1382] {strides = array<i32>} : memref<128xi32, #tpu.memory_space<vmem>>, vector<16xi32>,
        tpu.vector_store %arg6[%swap3A_1382], %gather3A_1381 {strides = array<i32>} : memref<128xi32, #tpu.memory_space<vmem>>, vector<16xi32>,
        %add3A_1384 = arith.constant 4000 : i32
        %add3A_1385 = arith.addi %add3A_1384, %sub3A_1341 : i32
        %add3A_1386 = vector.broadcast %add3A_1385 : i32 to vector<16xi32>
        %add3A_1387 = arith.addi %mul3A_3, %add3A_1386 : vector<16xi32>
        %gather3A_1388 = tpu.vector_load_idx %arg5[%add3A_1387] : memref<6400xi32, #tpu.memory_space<vmem>>[vector<16xi32>], vector<16xi32>,
        %swap3A_1389 = arith.constant 80 : index
        %swap3A_1390 = tpu.vector_load %arg6[%swap3A_1389] {strides = array<i32>} : memref<128xi32, #tpu.memory_space<vmem>>, vector<16xi32>,
        tpu.vector_store %arg6[%swap3A_1389], %gather3A_1388 {strides = array<i32>} : memref<128xi32, #tpu.memory_space<vmem>>, vector<16xi32>,
        %add3A_1391 = arith.constant 4800 : i32
        %add3A_1392 = arith.addi %add3A_1391, %sub3A_1341 : i32
        %add3A_1393 = vector.broadcast %add3A_1392 : i32 to vector<16xi32>
        %add3A_1394 = arith.addi %mul3A_3, %add3A_1393 : vector<16xi32>
        %gather3A_1395 = tpu.vector_load_idx %arg5[%add3A_1394] : memref<6400xi32, #tpu.memory_space<vmem>>[vector<16xi32>], vector<16xi32>,
        %swap3A_1396 = arith.constant 96 : index
        %swap3A_1397 = tpu.vector_load %arg6[%swap3A_1396] {strides = array<i32>} : memref<128xi32, #tpu.memory_space<vmem>>, vector<16xi32>,
        tpu.vector_store %arg6[%swap3A_1396], %gather3A_1395 {strides = array<i32>} : memref<128xi32, #tpu.memory_space<vmem>>, vector<16xi32>,
        %add3A_1398 = arith.constant 5600 : i32
        %add3A_1399 = arith.addi %add3A_1398, %sub3A_1341 : i32
        %add3A_1400 = vector.broadcast %add3A_1399 : i32 to vector<16xi32>
        %add3A_1401 = arith.addi %mul3A_3, %add3A_1400 : vector<16xi32>
        %gather3A_1402 = tpu.vector_load_idx %arg5[%add3A_1401] : memref<6400xi32, #tpu.memory_space<vmem>>[vector<16xi32>], vector<16xi32>,
        %swap3A_1403 = arith.constant 112 : index
        %swap3A_1404 = tpu.vector_load %arg6[%swap3A_1403] {strides = array<i32>} : memref<128xi32, #tpu.memory_space<vmem>>, vector<16xi32>,
        tpu.vector_store %arg6[%swap3A_1403], %gather3A_1402 {strides = array<i32>} : memref<128xi32, #tpu.memory_space<vmem>>, vector<16xi32>,
        %dma_start3A_1405 = arith.constant 0 : i32
        %dma_start3A_1406 = arith.constant 0 : i32
        %dma_start3A_1407 = arith.constant 0 : i32
        %dma_start3A_1408 = tpu.memref_slice %arg10[%dma_start3A_1405, %dma_start3A_1406, %dma_start3A_1407] : memref<4x128x64xf32, #tpu.memory_space<vmem>> -> memref<1x128x64xf32, #tpu.memory_space<vmem>>
        %dma_start3A_1409 = tpu.memref_squeeze %dma_start3A_1408 : memref<1x128x64xf32, #tpu.memory_space<vmem>> -> memref<128x64xf32, #tpu.memory_space<vmem>>
        %dma_start3A_1410 = arith.constant 0 : i32
        %dma_start3A_1411 = arith.constant 0 : i32
        %dma_start3A_1412 = tpu.memref_slice %arg3[%dma_start3A_1410, %dma_start3A_1411] : memref<1000000x64xf32, #tpu.memory_space<hbm>> -> memref<1000000x64xf32, #tpu.memory_space<hbm>>
        tpu.enqueue_indirect_dma source(%dma_start3A_1412 : memref<1000000x64xf32, #tpu.memory_space<hbm>>) target(%dma_start3A_1409 : memref<128x64xf32, #tpu.memory_space<vmem>>) offsets(%arg6 : memref<128xi32, #tpu.memory_space<vmem>>) semaphore(%arg12 : memref<!tpu.dma_semaphore, #tpu.memory_space<semaphore_mem>>)
      } else {
      }
      %mul3A_903 = arith.constant 4 : i32
      %mul3A_904 = arith.muli %mul3A_903, %add3A_504 : i32
      %add3A_905 = arith.constant 2 : i32
      %add3A_906 = arith.addi %mul3A_904, %add3A_905 : i32
      %dma_wait3A_907 = arith.constant 2 : i32
      %dma_wait3A_908 = arith.constant 0 : i32
      %dma_wait3A_909 = arith.constant 0 : i32
      %dma_wait3A_910 = tpu.memref_slice %arg10[%dma_wait3A_907, %dma_wait3A_908, %dma_wait3A_909] : memref<4x128x64xf32, #tpu.memory_space<vmem>> -> memref<1x128x64xf32, #tpu.memory_space<vmem>>
      %dma_wait3A_911 = tpu.memref_squeeze %dma_wait3A_910 : memref<1x128x64xf32, #tpu.memory_space<vmem>> -> memref<128x64xf32, #tpu.memory_space<vmem>>
      %dma_wait3A_912 = arith.constant 0 : i32
      %dma_wait3A_913 = arith.constant 0 : i32
      %dma_wait3A_914 = tpu.memref_slice %arg3[%dma_wait3A_912, %dma_wait3A_913] : memref<1000000x64xf32, #tpu.memory_space<hbm>> -> memref<1000000x64xf32, #tpu.memory_space<hbm>>
      tpu.wait_indirect_dma semaphore(%arg14 : memref<!tpu.dma_semaphore, #tpu.memory_space<semaphore_mem>>) src(%dma_wait3A_914 : memref<1000000x64xf32, #tpu.memory_space<hbm>>) dst(%dma_wait3A_911 : memref<128x64xf32, #tpu.memory_space<vmem>>)
      %ge3A_915 = arith.constant 2 : i32
      %ge3A_916 = arith.cmpi sge, %add3A_906, %ge3A_915 : i32
      %convert_element_type3A_917 = arith.extui %ge3A_916 : i1 to i32
      %cond3A_918 = arith.constant 0 : i32
      %cond3A_919 = arith.cmpi ne, %convert_element_type3A_917, %cond3A_918 : i32
      scf.if %cond3A_919 {
        %dma_wait3A_1313 = arith.constant 0 : i32
        %dma_wait3A_1314 = arith.constant 0 : i32
        %dma_wait3A_1315 = arith.constant 0 : i32
        %dma_wait3A_1316 = arith.constant 0 : i32
        %dma_wait3A_1317 = arith.constant 0 : i32
        %dma_wait3A_1318 = arith.constant 0 : i32
        %dma_wait3A_1319 = tpu.memref_slice %arg11[%dma_wait3A_1313, %dma_wait3A_1317, %dma_wait3A_1318] : memref<2x64x129xf32, #tpu.memory_space<vmem>> -> memref<1x8x128xf32, #tpu.memory_space<vmem>>
        %dma_wait3A_1320 = tpu.memref_squeeze %dma_wait3A_1319 : memref<1x8x128xf32, #tpu.memory_space<vmem>> -> memref<8x128xf32, #tpu.memory_space<vmem>>
        %dma_wait3A_1321 = arith.constant 0 : i32
        %dma_wait3A_1322 = arith.constant 0 : i32
        %dma_wait3A_1323 = tpu.memref_slice %arg4[%dma_wait3A_1314, %dma_wait3A_1315, %dma_wait3A_1316, %dma_wait3A_1321, %dma_wait3A_1322] : memref<50x8x128x8x128xf32, #tpu.memory_space<hbm>> -> memref<1x1x1x8x128xf32, #tpu.memory_space<hbm>>
        %dma_wait3A_1324 = tpu.memref_squeeze %dma_wait3A_1323 : memref<1x1x1x8x128xf32, #tpu.memory_space<hbm>> -> memref<8x128xf32, #tpu.memory_space<hbm>>
        %dma_wait3A_1325 = arith.constant 0 : i32
        %dma_wait3A_1326 = arith.constant 0 : i32
        %dma_wait3A_1327 = tpu.memref_slice %arg4[%dma_wait3A_1314, %dma_wait3A_1315, %dma_wait3A_1316, %dma_wait3A_1325, %dma_wait3A_1326] : memref<50x8x128x8x128xf32, #tpu.memory_space<hbm>> -> memref<1x1x1x8x128xf32, #tpu.memory_space<hbm>>
        %dma_wait3A_1328 = tpu.memref_squeeze %dma_wait3A_1327 : memref<1x1x1x8x128xf32, #tpu.memory_space<hbm>> -> memref<8x128xf32, #tpu.memory_space<hbm>>
        %dma_wait3A_1329 = arith.constant 0 : i32
        %dma_wait3A_1330 = arith.constant 0 : i32
        %dma_wait3A_1331 = tpu.memref_slice %arg11[%dma_wait3A_1313, %dma_wait3A_1329, %dma_wait3A_1330] : memref<2x64x129xf32, #tpu.memory_space<vmem>> -> memref<1x8x128xf32, #tpu.memory_space<vmem>>
        %dma_wait3A_1332 = tpu.memref_squeeze %dma_wait3A_1331 : memref<1x8x128xf32, #tpu.memory_space<vmem>> -> memref<8x128xf32, #tpu.memory_space<vmem>>
        tpu.wait_dma2 semaphore(%arg16 : memref<!tpu.dma_semaphore, #tpu.memory_space<semaphore_mem>>) src(%dma_wait3A_1332 : memref<8x128xf32, #tpu.memory_space<vmem>>) dst(%dma_wait3A_1328 : memref<8x128xf32, #tpu.memory_space<hbm>>)
        %dma_wait3A_1333 = arith.constant 0 : i32
        %dma_wait3A_1334 = arith.constant 0 : i32
        %dma_wait3A_1335 = arith.constant 1 : i32
        %dma_wait3A_1336 = arith.constant 0 : i32
        %dma_wait3A_1337 = arith.constant 8 : i32
        %dma_wait3A_1338 = arith.constant 0 : i32
        %dma_wait3A_1339 = tpu.memref_slice %arg11[%dma_wait3A_1333, %dma_wait3A_1337, %dma_wait3A_1338] : memref<2x64x129xf32, #tpu.memory_space<vmem>> -> memref<1x8x128xf32, #tpu.memory_space<vmem>>
        %dma_wait3A_1340 = tpu.memref_squeeze %dma_wait3A_1339 : memref<1x8x128xf32, #tpu.memory_space<vmem>> -> memref<8x128xf32, #tpu.memory_space<vmem>>
        %dma_wait3A_1341 = arith.constant 0 : i32
        %dma_wait3A_1342 = arith.constant 0 : i32
        %dma_wait3A_1343 = tpu.memref_slice %arg4[%dma_wait3A_1334, %dma_wait3A_1335, %dma_wait3A_1336, %dma_wait3A_1341, %dma_wait3A_1342] : memref<50x8x128x8x128xf32, #tpu.memory_space<hbm>> -> memref<1x1x1x8x128xf32, #tpu.memory_space<hbm>>
        %dma_wait3A_1344 = tpu.memref_squeeze %dma_wait3A_1343 : memref<1x1x1x8x128xf32, #tpu.memory_space<hbm>> -> memref<8x128xf32, #tpu.memory_space<hbm>>
        %dma_wait3A_1345 = arith.constant 0 : i32
        %dma_wait3A_1346 = arith.constant 0 : i32
        %dma_wait3A_1347 = tpu.memref_slice %arg4[%dma_wait3A_1334, %dma_wait3A_1335, %dma_wait3A_1336, %dma_wait3A_1345, %dma_wait3A_1346] : memref<50x8x128x8x128xf32, #tpu.memory_space<hbm>> -> memref<1x1x1x8x128xf32, #tpu.memory_space<hbm>>
        %dma_wait3A_1348 = tpu.memref_squeeze %dma_wait3A_1347 : memref<1x1x1x8x128xf32, #tpu.memory_space<hbm>> -> memref<8x128xf32, #tpu.memory_space<hbm>>
        %dma_wait3A_1349 = arith.constant 8 : i32
        %dma_wait3A_1350 = arith.constant 0 : i32
        %dma_wait3A_1351 = tpu.memref_slice %arg11[%dma_wait3A_1333, %dma_wait3A_1349, %dma_wait3A_1350] : memref<2x64x129xf32, #tpu.memory_space<vmem>> -> memref<1x8x128xf32, #tpu.memory_space<vmem>>
        %dma_wait3A_1352 = tpu.memref_squeeze %dma_wait3A_1351 : memref<1x8x128xf32, #tpu.memory_space<vmem>> -> memref<8x128xf32, #tpu.memory_space<vmem>>
        tpu.wait_dma2 semaphore(%arg16 : memref<!tpu.dma_semaphore, #tpu.memory_space<semaphore_mem>>) src(%dma_wait3A_1352 : memref<8x128xf32, #tpu.memory_space<vmem>>) dst(%dma_wait3A_1348 : memref<8x128xf32, #tpu.memory_space<hbm>>)
        %dma_wait3A_1353 = arith.constant 0 : i32
        %dma_wait3A_1354 = arith.constant 0 : i32
        %dma_wait3A_1355 = arith.constant 2 : i32
        %dma_wait3A_1356 = arith.constant 0 : i32
        %dma_wait3A_1357 = arith.constant 16 : i32
        %dma_wait3A_1358 = arith.constant 0 : i32
        %dma_wait3A_1359 = tpu.memref_slice %arg11[%dma_wait3A_1353, %dma_wait3A_1357, %dma_wait3A_1358] : memref<2x64x129xf32, #tpu.memory_space<vmem>> -> memref<1x8x128xf32, #tpu.memory_space<vmem>>
        %dma_wait3A_1360 = tpu.memref_squeeze %dma_wait3A_1359 : memref<1x8x128xf32, #tpu.memory_space<vmem>> -> memref<8x128xf32, #tpu.memory_space<vmem>>
        %dma_wait3A_1361 = arith.constant 0 : i32
        %dma_wait3A_1362 = arith.constant 0 : i32
        %dma_wait3A_1363 = tpu.memref_slice %arg4[%dma_wait3A_1354, %dma_wait3A_1355, %dma_wait3A_1356, %dma_wait3A_1361, %dma_wait3A_1362] : memref<50x8x128x8x128xf32, #tpu.memory_space<hbm>> -> memref<1x1x1x8x128xf32, #tpu.memory_space<hbm>>
        %dma_wait3A_1364 = tpu.memref_squeeze %dma_wait3A_1363 : memref<1x1x1x8x128xf32, #tpu.memory_space<hbm>> -> memref<8x128xf32, #tpu.memory_space<hbm>>
        %dma_wait3A_1365 = arith.constant 0 : i32
        %dma_wait3A_1366 = arith.constant 0 : i32
        %dma_wait3A_1367 = tpu.memref_slice %arg4[%dma_wait3A_1354, %dma_wait3A_1355, %dma_wait3A_1356, %dma_wait3A_1365, %dma_wait3A_1366] : memref<50x8x128x8x128xf32, #tpu.memory_space<hbm>> -> memref<1x1x1x8x128xf32, #tpu.memory_space<hbm>>
        %dma_wait3A_1368 = tpu.memref_squeeze %dma_wait3A_1367 : memref<1x1x1x8x128xf32, #tpu.memory_space<hbm>> -> memref<8x128xf32, #tpu.memory_space<hbm>>
        %dma_wait3A_1369 = arith.constant 16 : i32
        %dma_wait3A_1370 = arith.constant 0 : i32
        %dma_wait3A_1371 = tpu.memref_slice %arg11[%dma_wait3A_1353, %dma_wait3A_1369, %dma_wait3A_1370] : memref<2x64x129xf32, #tpu.memory_space<vmem>> -> memref<1x8x128xf32, #tpu.memory_space<vmem>>
        %dma_wait3A_1372 = tpu.memref_squeeze %dma_wait3A_1371 : memref<1x8x128xf32, #tpu.memory_space<vmem>> -> memref<8x128xf32, #tpu.memory_space<vmem>>
        tpu.wait_dma2 semaphore(%arg16 : memref<!tpu.dma_semaphore, #tpu.memory_space<semaphore_mem>>) src(%dma_wait3A_1372 : memref<8x128xf32, #tpu.memory_space<vmem>>) dst(%dma_wait3A_1368 : memref<8x128xf32, #tpu.memory_space<hbm>>)
        %dma_wait3A_1373 = arith.constant 0 : i32
        %dma_wait3A_1374 = arith.constant 0 : i32
        %dma_wait3A_1375 = arith.constant 3 : i32
        %dma_wait3A_1376 = arith.constant 0 : i32
        %dma_wait3A_1377 = arith.constant 24 : i32
        %dma_wait3A_1378 = arith.constant 0 : i32
        %dma_wait3A_1379 = tpu.memref_slice %arg11[%dma_wait3A_1373, %dma_wait3A_1377, %dma_wait3A_1378] : memref<2x64x129xf32, #tpu.memory_space<vmem>> -> memref<1x8x128xf32, #tpu.memory_space<vmem>>
        %dma_wait3A_1380 = tpu.memref_squeeze %dma_wait3A_1379 : memref<1x8x128xf32, #tpu.memory_space<vmem>> -> memref<8x128xf32, #tpu.memory_space<vmem>>
        %dma_wait3A_1381 = arith.constant 0 : i32
        %dma_wait3A_1382 = arith.constant 0 : i32
        %dma_wait3A_1383 = tpu.memref_slice %arg4[%dma_wait3A_1374, %dma_wait3A_1375, %dma_wait3A_1376, %dma_wait3A_1381, %dma_wait3A_1382] : memref<50x8x128x8x128xf32, #tpu.memory_space<hbm>> -> memref<1x1x1x8x128xf32, #tpu.memory_space<hbm>>
        %dma_wait3A_1384 = tpu.memref_squeeze %dma_wait3A_1383 : memref<1x1x1x8x128xf32, #tpu.memory_space<hbm>> -> memref<8x128xf32, #tpu.memory_space<hbm>>
        %dma_wait3A_1385 = arith.constant 0 : i32
        %dma_wait3A_1386 = arith.constant 0 : i32
        %dma_wait3A_1387 = tpu.memref_slice %arg4[%dma_wait3A_1374, %dma_wait3A_1375, %dma_wait3A_1376, %dma_wait3A_1385, %dma_wait3A_1386] : memref<50x8x128x8x128xf32, #tpu.memory_space<hbm>> -> memref<1x1x1x8x128xf32, #tpu.memory_space<hbm>>
        %dma_wait3A_1388 = tpu.memref_squeeze %dma_wait3A_1387 : memref<1x1x1x8x128xf32, #tpu.memory_space<hbm>> -> memref<8x128xf32, #tpu.memory_space<hbm>>
        %dma_wait3A_1389 = arith.constant 24 : i32
        %dma_wait3A_1390 = arith.constant 0 : i32
        %dma_wait3A_1391 = tpu.memref_slice %arg11[%dma_wait3A_1373, %dma_wait3A_1389, %dma_wait3A_1390] : memref<2x64x129xf32, #tpu.memory_space<vmem>> -> memref<1x8x128xf32, #tpu.memory_space<vmem>>
        %dma_wait3A_1392 = tpu.memref_squeeze %dma_wait3A_1391 : memref<1x8x128xf32, #tpu.memory_space<vmem>> -> memref<8x128xf32, #tpu.memory_space<vmem>>
        tpu.wait_dma2 semaphore(%arg16 : memref<!tpu.dma_semaphore, #tpu.memory_space<semaphore_mem>>) src(%dma_wait3A_1392 : memref<8x128xf32, #tpu.memory_space<vmem>>) dst(%dma_wait3A_1388 : memref<8x128xf32, #tpu.memory_space<hbm>>)
        %dma_wait3A_1393 = arith.constant 0 : i32
        %dma_wait3A_1394 = arith.constant 0 : i32
        %dma_wait3A_1395 = arith.constant 4 : i32
        %dma_wait3A_1396 = arith.constant 0 : i32
        %dma_wait3A_1397 = arith.constant 32 : i32
        %dma_wait3A_1398 = arith.constant 0 : i32
        %dma_wait3A_1399 = tpu.memref_slice %arg11[%dma_wait3A_1393, %dma_wait3A_1397, %dma_wait3A_1398] : memref<2x64x129xf32, #tpu.memory_space<vmem>> -> memref<1x8x128xf32, #tpu.memory_space<vmem>>
        %dma_wait3A_1400 = tpu.memref_squeeze %dma_wait3A_1399 : memref<1x8x128xf32, #tpu.memory_space<vmem>> -> memref<8x128xf32, #tpu.memory_space<vmem>>
        %dma_wait3A_1401 = arith.constant 0 : i32
        %dma_wait3A_1402 = arith.constant 0 : i32
        %dma_wait3A_1403 = tpu.memref_slice %arg4[%dma_wait3A_1394, %dma_wait3A_1395, %dma_wait3A_1396, %dma_wait3A_1401, %dma_wait3A_1402] : memref<50x8x128x8x128xf32, #tpu.memory_space<hbm>> -> memref<1x1x1x8x128xf32, #tpu.memory_space<hbm>>
        %dma_wait3A_1404 = tpu.memref_squeeze %dma_wait3A_1403 : memref<1x1x1x8x128xf32, #tpu.memory_space<hbm>> -> memref<8x128xf32, #tpu.memory_space<hbm>>
        %dma_wait3A_1405 = arith.constant 0 : i32
        %dma_wait3A_1406 = arith.constant 0 : i32
        %dma_wait3A_1407 = tpu.memref_slice %arg4[%dma_wait3A_1394, %dma_wait3A_1395, %dma_wait3A_1396, %dma_wait3A_1405, %dma_wait3A_1406] : memref<50x8x128x8x128xf32, #tpu.memory_space<hbm>> -> memref<1x1x1x8x128xf32, #tpu.memory_space<hbm>>
        %dma_wait3A_1408 = tpu.memref_squeeze %dma_wait3A_1407 : memref<1x1x1x8x128xf32, #tpu.memory_space<hbm>> -> memref<8x128xf32, #tpu.memory_space<hbm>>
        %dma_wait3A_1409 = arith.constant 32 : i32
        %dma_wait3A_1410 = arith.constant 0 : i32
        %dma_wait3A_1411 = tpu.memref_slice %arg11[%dma_wait3A_1393, %dma_wait3A_1409, %dma_wait3A_1410] : memref<2x64x129xf32, #tpu.memory_space<vmem>> -> memref<1x8x128xf32, #tpu.memory_space<vmem>>
        %dma_wait3A_1412 = tpu.memref_squeeze %dma_wait3A_1411 : memref<1x8x128xf32, #tpu.memory_space<vmem>> -> memref<8x128xf32, #tpu.memory_space<vmem>>
        tpu.wait_dma2 semaphore(%arg16 : memref<!tpu.dma_semaphore, #tpu.memory_space<semaphore_mem>>) src(%dma_wait3A_1412 : memref<8x128xf32, #tpu.memory_space<vmem>>) dst(%dma_wait3A_1408 : memref<8x128xf32, #tpu.memory_space<hbm>>)
        %dma_wait3A_1413 = arith.constant 0 : i32
        %dma_wait3A_1414 = arith.constant 0 : i32
        %dma_wait3A_1415 = arith.constant 5 : i32
        %dma_wait3A_1416 = arith.constant 0 : i32
        %dma_wait3A_1417 = arith.constant 40 : i32
        %dma_wait3A_1418 = arith.constant 0 : i32
        %dma_wait3A_1419 = tpu.memref_slice %arg11[%dma_wait3A_1413, %dma_wait3A_1417, %dma_wait3A_1418] : memref<2x64x129xf32, #tpu.memory_space<vmem>> -> memref<1x8x128xf32, #tpu.memory_space<vmem>>
        %dma_wait3A_1420 = tpu.memref_squeeze %dma_wait3A_1419 : memref<1x8x128xf32, #tpu.memory_space<vmem>> -> memref<8x128xf32, #tpu.memory_space<vmem>>
        %dma_wait3A_1421 = arith.constant 0 : i32
        %dma_wait3A_1422 = arith.constant 0 : i32
        %dma_wait3A_1423 = tpu.memref_slice %arg4[%dma_wait3A_1414, %dma_wait3A_1415, %dma_wait3A_1416, %dma_wait3A_1421, %dma_wait3A_1422] : memref<50x8x128x8x128xf32, #tpu.memory_space<hbm>> -> memref<1x1x1x8x128xf32, #tpu.memory_space<hbm>>
        %dma_wait3A_1424 = tpu.memref_squeeze %dma_wait3A_1423 : memref<1x1x1x8x128xf32, #tpu.memory_space<hbm>> -> memref<8x128xf32, #tpu.memory_space<hbm>>
        %dma_wait3A_1425 = arith.constant 0 : i32
        %dma_wait3A_1426 = arith.constant 0 : i32
        %dma_wait3A_1427 = tpu.memref_slice %arg4[%dma_wait3A_1414, %dma_wait3A_1415, %dma_wait3A_1416, %dma_wait3A_1425, %dma_wait3A_1426] : memref<50x8x128x8x128xf32, #tpu.memory_space<hbm>> -> memref<1x1x1x8x128xf32, #tpu.memory_space<hbm>>
        %dma_wait3A_1428 = tpu.memref_squeeze %dma_wait3A_1427 : memref<1x1x1x8x128xf32, #tpu.memory_space<hbm>> -> memref<8x128xf32, #tpu.memory_space<hbm>>
        %dma_wait3A_1429 = arith.constant 40 : i32
        %dma_wait3A_1430 = arith.constant 0 : i32
        %dma_wait3A_1431 = tpu.memref_slice %arg11[%dma_wait3A_1413, %dma_wait3A_1429, %dma_wait3A_1430] : memref<2x64x129xf32, #tpu.memory_space<vmem>> -> memref<1x8x128xf32, #tpu.memory_space<vmem>>
        %dma_wait3A_1432 = tpu.memref_squeeze %dma_wait3A_1431 : memref<1x8x128xf32, #tpu.memory_space<vmem>> -> memref<8x128xf32, #tpu.memory_space<vmem>>
        tpu.wait_dma2 semaphore(%arg16 : memref<!tpu.dma_semaphore, #tpu.memory_space<semaphore_mem>>) src(%dma_wait3A_1432 : memref<8x128xf32, #tpu.memory_space<vmem>>) dst(%dma_wait3A_1428 : memref<8x128xf32, #tpu.memory_space<hbm>>)
        %dma_wait3A_1433 = arith.constant 0 : i32
        %dma_wait3A_1434 = arith.constant 0 : i32
        %dma_wait3A_1435 = arith.constant 6 : i32
        %dma_wait3A_1436 = arith.constant 0 : i32
        %dma_wait3A_1437 = arith.constant 48 : i32
        %dma_wait3A_1438 = arith.constant 0 : i32
        %dma_wait3A_1439 = tpu.memref_slice %arg11[%dma_wait3A_1433, %dma_wait3A_1437, %dma_wait3A_1438] : memref<2x64x129xf32, #tpu.memory_space<vmem>> -> memref<1x8x128xf32, #tpu.memory_space<vmem>>
        %dma_wait3A_1440 = tpu.memref_squeeze %dma_wait3A_1439 : memref<1x8x128xf32, #tpu.memory_space<vmem>> -> memref<8x128xf32, #tpu.memory_space<vmem>>
        %dma_wait3A_1441 = arith.constant 0 : i32
        %dma_wait3A_1442 = arith.constant 0 : i32
        %dma_wait3A_1443 = tpu.memref_slice %arg4[%dma_wait3A_1434, %dma_wait3A_1435, %dma_wait3A_1436, %dma_wait3A_1441, %dma_wait3A_1442] : memref<50x8x128x8x128xf32, #tpu.memory_space<hbm>> -> memref<1x1x1x8x128xf32, #tpu.memory_space<hbm>>
        %dma_wait3A_1444 = tpu.memref_squeeze %dma_wait3A_1443 : memref<1x1x1x8x128xf32, #tpu.memory_space<hbm>> -> memref<8x128xf32, #tpu.memory_space<hbm>>
        %dma_wait3A_1445 = arith.constant 0 : i32
        %dma_wait3A_1446 = arith.constant 0 : i32
        %dma_wait3A_1447 = tpu.memref_slice %arg4[%dma_wait3A_1434, %dma_wait3A_1435, %dma_wait3A_1436, %dma_wait3A_1445, %dma_wait3A_1446] : memref<50x8x128x8x128xf32, #tpu.memory_space<hbm>> -> memref<1x1x1x8x128xf32, #tpu.memory_space<hbm>>
        %dma_wait3A_1448 = tpu.memref_squeeze %dma_wait3A_1447 : memref<1x1x1x8x128xf32, #tpu.memory_space<hbm>> -> memref<8x128xf32, #tpu.memory_space<hbm>>
        %dma_wait3A_1449 = arith.constant 48 : i32
        %dma_wait3A_1450 = arith.constant 0 : i32
        %dma_wait3A_1451 = tpu.memref_slice %arg11[%dma_wait3A_1433, %dma_wait3A_1449, %dma_wait3A_1450] : memref<2x64x129xf32, #tpu.memory_space<vmem>> -> memref<1x8x128xf32, #tpu.memory_space<vmem>>
        %dma_wait3A_1452 = tpu.memref_squeeze %dma_wait3A_1451 : memref<1x8x128xf32, #tpu.memory_space<vmem>> -> memref<8x128xf32, #tpu.memory_space<vmem>>
        tpu.wait_dma2 semaphore(%arg16 : memref<!tpu.dma_semaphore, #tpu.memory_space<semaphore_mem>>) src(%dma_wait3A_1452 : memref<8x128xf32, #tpu.memory_space<vmem>>) dst(%dma_wait3A_1448 : memref<8x128xf32, #tpu.memory_space<hbm>>)
        %dma_wait3A_1453 = arith.constant 0 : i32
        %dma_wait3A_1454 = arith.constant 0 : i32
        %dma_wait3A_1455 = arith.constant 7 : i32
        %dma_wait3A_1456 = arith.constant 0 : i32
        %dma_wait3A_1457 = arith.constant 56 : i32
        %dma_wait3A_1458 = arith.constant 0 : i32
        %dma_wait3A_1459 = tpu.memref_slice %arg11[%dma_wait3A_1453, %dma_wait3A_1457, %dma_wait3A_1458] : memref<2x64x129xf32, #tpu.memory_space<vmem>> -> memref<1x8x128xf32, #tpu.memory_space<vmem>>
        %dma_wait3A_1460 = tpu.memref_squeeze %dma_wait3A_1459 : memref<1x8x128xf32, #tpu.memory_space<vmem>> -> memref<8x128xf32, #tpu.memory_space<vmem>>
        %dma_wait3A_1461 = arith.constant 0 : i32
        %dma_wait3A_1462 = arith.constant 0 : i32
        %dma_wait3A_1463 = tpu.memref_slice %arg4[%dma_wait3A_1454, %dma_wait3A_1455, %dma_wait3A_1456, %dma_wait3A_1461, %dma_wait3A_1462] : memref<50x8x128x8x128xf32, #tpu.memory_space<hbm>> -> memref<1x1x1x8x128xf32, #tpu.memory_space<hbm>>
        %dma_wait3A_1464 = tpu.memref_squeeze %dma_wait3A_1463 : memref<1x1x1x8x128xf32, #tpu.memory_space<hbm>> -> memref<8x128xf32, #tpu.memory_space<hbm>>
        %dma_wait3A_1465 = arith.constant 0 : i32
        %dma_wait3A_1466 = arith.constant 0 : i32
        %dma_wait3A_1467 = tpu.memref_slice %arg4[%dma_wait3A_1454, %dma_wait3A_1455, %dma_wait3A_1456, %dma_wait3A_1465, %dma_wait3A_1466] : memref<50x8x128x8x128xf32, #tpu.memory_space<hbm>> -> memref<1x1x1x8x128xf32, #tpu.memory_space<hbm>>
        %dma_wait3A_1468 = tpu.memref_squeeze %dma_wait3A_1467 : memref<1x1x1x8x128xf32, #tpu.memory_space<hbm>> -> memref<8x128xf32, #tpu.memory_space<hbm>>
        %dma_wait3A_1469 = arith.constant 56 : i32
        %dma_wait3A_1470 = arith.constant 0 : i32
        %dma_wait3A_1471 = tpu.memref_slice %arg11[%dma_wait3A_1453, %dma_wait3A_1469, %dma_wait3A_1470] : memref<2x64x129xf32, #tpu.memory_space<vmem>> -> memref<1x8x128xf32, #tpu.memory_space<vmem>>
        %dma_wait3A_1472 = tpu.memref_squeeze %dma_wait3A_1471 : memref<1x8x128xf32, #tpu.memory_space<vmem>> -> memref<8x128xf32, #tpu.memory_space<vmem>>
        tpu.wait_dma2 semaphore(%arg16 : memref<!tpu.dma_semaphore, #tpu.memory_space<semaphore_mem>>) src(%dma_wait3A_1472 : memref<8x128xf32, #tpu.memory_space<vmem>>) dst(%dma_wait3A_1468 : memref<8x128xf32, #tpu.memory_space<hbm>>)
      } else {
      }
      %scan3A_920 = arith.constant 2 : i32
      %scan3A_921 = arith.constant 0 : i32
      %scan3A_922 = arith.constant 0 : i32
      %scan3A_923 = arith.constant 32 : i32
      %scan3A_924 = arith.addi %scan3A_922, %scan3A_923 : i32
      %scan3A_925 = arith.constant 1 : i32
      scf.for %scan3A_1313 = %scan3A_922 to %scan3A_924 step %scan3A_925  : i32 {
        %mul3A_1314 = arith.constant 1 : i32
        %mul3A_1315 = arith.muli %scan3A_1313, %mul3A_1314 : i32
        %add3A_1316 = arith.constant 0 : i32
        %add3A_1317 = arith.addi %add3A_1316, %mul3A_1315 : i32
        %mul3A_1318 = arith.constant 4 : i32
        %mul3A_1319 = arith.muli %add3A_1317, %mul3A_1318 : i32
        %broadcast_in_dim3A = vector.broadcast %mul3A_1319 : i32 to vector<16xi32>
        %add3A_1320 = arith.constant 0 : i32
        %add3A_1321 = vector.broadcast %add3A_1320 : i32 to vector<16xi32>
        %add3A_1322 = arith.addi %broadcast_in_dim3A, %add3A_1321 : vector<16xi32>
        %add3A_1323 = arith.constant 0 : i32
        %add3A_1324 = arith.addi %mul3A_1319, %add3A_1323 : i32
        %get3A = arith.constant 0 : i32
        %get3A_1325 = arith.constant 0 : i32
        %get3A_1326 = tpu.memref_slice %arg10[%scan3A_920, %get3A, %get3A_1325] : memref<4x128x64xf32, #tpu.memory_space<vmem>> -> memref<1x128x64xf32, #tpu.memory_space<vmem>>
        %get3A_1327 = tpu.memref_squeeze %get3A_1326 : memref<1x128x64xf32, #tpu.memory_space<vmem>> -> memref<128x64xf32, #tpu.memory_space<vmem>>
        %get3A_1328 = arith.index_cast %add3A_1324 : i32 to index
        %get3A_1329 = arith.constant 0 : index
        %get3A_1330 = tpu.vector_load %get3A_1327[%get3A_1328, %get3A_1329] {strides = array<i32>} : memref<128x64xf32, #tpu.memory_space<vmem>>, vector<16xf32>,
        %add3A_1331 = arith.constant 0 : i32
        %add3A_1332 = vector.broadcast %add3A_1331 : i32 to vector<16xi32>
        %add3A_1333 = arith.addi %iota3A, %add3A_1332 : vector<16xi32>
        %scatter3A = arith.constant 0 : i32
        %scatter3A_1334 = arith.constant 0 : i32
        %scatter3A_1335 = tpu.memref_slice %arg11[%scan3A_921, %scatter3A, %scatter3A_1334] : memref<2x64x129xf32, #tpu.memory_space<vmem>> -> memref<1x64x129xf32, #tpu.memory_space<vmem>>
        %scatter3A_1336 = tpu.memref_squeeze %scatter3A_1335 : memref<1x64x129xf32, #tpu.memory_space<vmem>> -> memref<64x129xf32, #tpu.memory_space<vmem>>
        tpu.vector_store_idx %scatter3A_1336[%add3A_1333, %add3A_1322], %get3A_1330 : memref<64x129xf32, #tpu.memory_space<vmem>>[vector<16xi32>, vector<16xi32>], vector<16xf32>,
        %add3A_1337 = arith.constant 0 : i32
        %add3A_1338 = arith.addi %mul3A_1319, %add3A_1337 : i32
        %get3A_1339 = arith.constant 0 : i32
        %get3A_1340 = arith.constant 0 : i32
        %get3A_1341 = tpu.memref_slice %arg10[%scan3A_920, %get3A_1339, %get3A_1340] : memref<4x128x64xf32, #tpu.memory_space<vmem>> -> memref<1x128x64xf32, #tpu.memory_space<vmem>>
        %get3A_1342 = tpu.memref_squeeze %get3A_1341 : memref<1x128x64xf32, #tpu.memory_space<vmem>> -> memref<128x64xf32, #tpu.memory_space<vmem>>
        %get3A_1343 = arith.index_cast %add3A_1338 : i32 to index
        %get3A_1344 = arith.constant 16 : index
        %get3A_1345 = tpu.vector_load %get3A_1342[%get3A_1343, %get3A_1344] {strides = array<i32>} : memref<128x64xf32, #tpu.memory_space<vmem>>, vector<16xf32>,
        %add3A_1346 = arith.constant 16 : i32
        %add3A_1347 = vector.broadcast %add3A_1346 : i32 to vector<16xi32>
        %add3A_1348 = arith.addi %iota3A, %add3A_1347 : vector<16xi32>
        %scatter3A_1349 = arith.constant 0 : i32
        %scatter3A_1350 = arith.constant 0 : i32
        %scatter3A_1351 = tpu.memref_slice %arg11[%scan3A_921, %scatter3A_1349, %scatter3A_1350] : memref<2x64x129xf32, #tpu.memory_space<vmem>> -> memref<1x64x129xf32, #tpu.memory_space<vmem>>
        %scatter3A_1352 = tpu.memref_squeeze %scatter3A_1351 : memref<1x64x129xf32, #tpu.memory_space<vmem>> -> memref<64x129xf32, #tpu.memory_space<vmem>>
        tpu.vector_store_idx %scatter3A_1352[%add3A_1348, %add3A_1322], %get3A_1345 : memref<64x129xf32, #tpu.memory_space<vmem>>[vector<16xi32>, vector<16xi32>], vector<16xf32>,
        %add3A_1353 = arith.constant 0 : i32
        %add3A_1354 = arith.addi %mul3A_1319, %add3A_1353 : i32
        %get3A_1355 = arith.constant 0 : i32
        %get3A_1356 = arith.constant 0 : i32
        %get3A_1357 = tpu.memref_slice %arg10[%scan3A_920, %get3A_1355, %get3A_1356] : memref<4x128x64xf32, #tpu.memory_space<vmem>> -> memref<1x128x64xf32, #tpu.memory_space<vmem>>
        %get3A_1358 = tpu.memref_squeeze %get3A_1357 : memref<1x128x64xf32, #tpu.memory_space<vmem>> -> memref<128x64xf32, #tpu.memory_space<vmem>>
        %get3A_1359 = arith.index_cast %add3A_1354 : i32 to index
        %get3A_1360 = arith.constant 32 : index
        %get3A_1361 = tpu.vector_load %get3A_1358[%get3A_1359, %get3A_1360] {strides = array<i32>} : memref<128x64xf32, #tpu.memory_space<vmem>>, vector<16xf32>,
        %add3A_1362 = arith.constant 32 : i32
        %add3A_1363 = vector.broadcast %add3A_1362 : i32 to vector<16xi32>
        %add3A_1364 = arith.addi %iota3A, %add3A_1363 : vector<16xi32>
        %scatter3A_1365 = arith.constant 0 : i32
        %scatter3A_1366 = arith.constant 0 : i32
        %scatter3A_1367 = tpu.memref_slice %arg11[%scan3A_921, %scatter3A_1365, %scatter3A_1366] : memref<2x64x129xf32, #tpu.memory_space<vmem>> -> memref<1x64x129xf32, #tpu.memory_space<vmem>>
        %scatter3A_1368 = tpu.memref_squeeze %scatter3A_1367 : memref<1x64x129xf32, #tpu.memory_space<vmem>> -> memref<64x129xf32, #tpu.memory_space<vmem>>
        tpu.vector_store_idx %scatter3A_1368[%add3A_1364, %add3A_1322], %get3A_1361 : memref<64x129xf32, #tpu.memory_space<vmem>>[vector<16xi32>, vector<16xi32>], vector<16xf32>,
        %add3A_1369 = arith.constant 0 : i32
        %add3A_1370 = arith.addi %mul3A_1319, %add3A_1369 : i32
        %get3A_1371 = arith.constant 0 : i32
        %get3A_1372 = arith.constant 0 : i32
        %get3A_1373 = tpu.memref_slice %arg10[%scan3A_920, %get3A_1371, %get3A_1372] : memref<4x128x64xf32, #tpu.memory_space<vmem>> -> memref<1x128x64xf32, #tpu.memory_space<vmem>>
        %get3A_1374 = tpu.memref_squeeze %get3A_1373 : memref<1x128x64xf32, #tpu.memory_space<vmem>> -> memref<128x64xf32, #tpu.memory_space<vmem>>
        %get3A_1375 = arith.index_cast %add3A_1370 : i32 to index
        %get3A_1376 = arith.constant 48 : index
        %get3A_1377 = tpu.vector_load %get3A_1374[%get3A_1375, %get3A_1376] {strides = array<i32>} : memref<128x64xf32, #tpu.memory_space<vmem>>, vector<16xf32>,
        %add3A_1378 = arith.constant 48 : i32
        %add3A_1379 = vector.broadcast %add3A_1378 : i32 to vector<16xi32>
        %add3A_1380 = arith.addi %iota3A, %add3A_1379 : vector<16xi32>
        %scatter3A_1381 = arith.constant 0 : i32
        %scatter3A_1382 = arith.constant 0 : i32
        %scatter3A_1383 = tpu.memref_slice %arg11[%scan3A_921, %scatter3A_1381, %scatter3A_1382] : memref<2x64x129xf32, #tpu.memory_space<vmem>> -> memref<1x64x129xf32, #tpu.memory_space<vmem>>
        %scatter3A_1384 = tpu.memref_squeeze %scatter3A_1383 : memref<1x64x129xf32, #tpu.memory_space<vmem>> -> memref<64x129xf32, #tpu.memory_space<vmem>>
        tpu.vector_store_idx %scatter3A_1384[%add3A_1380, %add3A_1322], %get3A_1377 : memref<64x129xf32, #tpu.memory_space<vmem>>[vector<16xi32>, vector<16xi32>], vector<16xf32>,
        %add3A_1385 = arith.constant 1 : i32
        %add3A_1386 = vector.broadcast %add3A_1385 : i32 to vector<16xi32>
        %add3A_1387 = arith.addi %broadcast_in_dim3A, %add3A_1386 : vector<16xi32>
        %add3A_1388 = arith.constant 1 : i32
        %add3A_1389 = arith.addi %mul3A_1319, %add3A_1388 : i32
        %get3A_1390 = arith.constant 0 : i32
        %get3A_1391 = arith.constant 0 : i32
        %get3A_1392 = tpu.memref_slice %arg10[%scan3A_920, %get3A_1390, %get3A_1391] : memref<4x128x64xf32, #tpu.memory_space<vmem>> -> memref<1x128x64xf32, #tpu.memory_space<vmem>>
        %get3A_1393 = tpu.memref_squeeze %get3A_1392 : memref<1x128x64xf32, #tpu.memory_space<vmem>> -> memref<128x64xf32, #tpu.memory_space<vmem>>
        %get3A_1394 = arith.index_cast %add3A_1389 : i32 to index
        %get3A_1395 = arith.constant 0 : index
        %get3A_1396 = tpu.vector_load %get3A_1393[%get3A_1394, %get3A_1395] {strides = array<i32>} : memref<128x64xf32, #tpu.memory_space<vmem>>, vector<16xf32>,
        %add3A_1397 = arith.constant 0 : i32
        %add3A_1398 = vector.broadcast %add3A_1397 : i32 to vector<16xi32>
        %add3A_1399 = arith.addi %iota3A, %add3A_1398 : vector<16xi32>
        %scatter3A_1400 = arith.constant 0 : i32
        %scatter3A_1401 = arith.constant 0 : i32
        %scatter3A_1402 = tpu.memref_slice %arg11[%scan3A_921, %scatter3A_1400, %scatter3A_1401] : memref<2x64x129xf32, #tpu.memory_space<vmem>> -> memref<1x64x129xf32, #tpu.memory_space<vmem>>
        %scatter3A_1403 = tpu.memref_squeeze %scatter3A_1402 : memref<1x64x129xf32, #tpu.memory_space<vmem>> -> memref<64x129xf32, #tpu.memory_space<vmem>>
        tpu.vector_store_idx %scatter3A_1403[%add3A_1399, %add3A_1387], %get3A_1396 : memref<64x129xf32, #tpu.memory_space<vmem>>[vector<16xi32>, vector<16xi32>], vector<16xf32>,
        %add3A_1404 = arith.constant 1 : i32
        %add3A_1405 = arith.addi %mul3A_1319, %add3A_1404 : i32
        %get3A_1406 = arith.constant 0 : i32
        %get3A_1407 = arith.constant 0 : i32
        %get3A_1408 = tpu.memref_slice %arg10[%scan3A_920, %get3A_1406, %get3A_1407] : memref<4x128x64xf32, #tpu.memory_space<vmem>> -> memref<1x128x64xf32, #tpu.memory_space<vmem>>
        %get3A_1409 = tpu.memref_squeeze %get3A_1408 : memref<1x128x64xf32, #tpu.memory_space<vmem>> -> memref<128x64xf32, #tpu.memory_space<vmem>>
        %get3A_1410 = arith.index_cast %add3A_1405 : i32 to index
        %get3A_1411 = arith.constant 16 : index
        %get3A_1412 = tpu.vector_load %get3A_1409[%get3A_1410, %get3A_1411] {strides = array<i32>} : memref<128x64xf32, #tpu.memory_space<vmem>>, vector<16xf32>,
        %add3A_1413 = arith.constant 16 : i32
        %add3A_1414 = vector.broadcast %add3A_1413 : i32 to vector<16xi32>
        %add3A_1415 = arith.addi %iota3A, %add3A_1414 : vector<16xi32>
        %scatter3A_1416 = arith.constant 0 : i32
        %scatter3A_1417 = arith.constant 0 : i32
        %scatter3A_1418 = tpu.memref_slice %arg11[%scan3A_921, %scatter3A_1416, %scatter3A_1417] : memref<2x64x129xf32, #tpu.memory_space<vmem>> -> memref<1x64x129xf32, #tpu.memory_space<vmem>>
        %scatter3A_1419 = tpu.memref_squeeze %scatter3A_1418 : memref<1x64x129xf32, #tpu.memory_space<vmem>> -> memref<64x129xf32, #tpu.memory_space<vmem>>
        tpu.vector_store_idx %scatter3A_1419[%add3A_1415, %add3A_1387], %get3A_1412 : memref<64x129xf32, #tpu.memory_space<vmem>>[vector<16xi32>, vector<16xi32>], vector<16xf32>,
        %add3A_1420 = arith.constant 1 : i32
        %add3A_1421 = arith.addi %mul3A_1319, %add3A_1420 : i32
        %get3A_1422 = arith.constant 0 : i32
        %get3A_1423 = arith.constant 0 : i32
        %get3A_1424 = tpu.memref_slice %arg10[%scan3A_920, %get3A_1422, %get3A_1423] : memref<4x128x64xf32, #tpu.memory_space<vmem>> -> memref<1x128x64xf32, #tpu.memory_space<vmem>>
        %get3A_1425 = tpu.memref_squeeze %get3A_1424 : memref<1x128x64xf32, #tpu.memory_space<vmem>> -> memref<128x64xf32, #tpu.memory_space<vmem>>
        %get3A_1426 = arith.index_cast %add3A_1421 : i32 to index
        %get3A_1427 = arith.constant 32 : index
        %get3A_1428 = tpu.vector_load %get3A_1425[%get3A_1426, %get3A_1427] {strides = array<i32>} : memref<128x64xf32, #tpu.memory_space<vmem>>, vector<16xf32>,
        %add3A_1429 = arith.constant 32 : i32
        %add3A_1430 = vector.broadcast %add3A_1429 : i32 to vector<16xi32>
        %add3A_1431 = arith.addi %iota3A, %add3A_1430 : vector<16xi32>
        %scatter3A_1432 = arith.constant 0 : i32
        %scatter3A_1433 = arith.constant 0 : i32
        %scatter3A_1434 = tpu.memref_slice %arg11[%scan3A_921, %scatter3A_1432, %scatter3A_1433] : memref<2x64x129xf32, #tpu.memory_space<vmem>> -> memref<1x64x129xf32, #tpu.memory_space<vmem>>
        %scatter3A_1435 = tpu.memref_squeeze %scatter3A_1434 : memref<1x64x129xf32, #tpu.memory_space<vmem>> -> memref<64x129xf32, #tpu.memory_space<vmem>>
        tpu.vector_store_idx %scatter3A_1435[%add3A_1431, %add3A_1387], %get3A_1428 : memref<64x129xf32, #tpu.memory_space<vmem>>[vector<16xi32>, vector<16xi32>], vector<16xf32>,
        %add3A_1436 = arith.constant 1 : i32
        %add3A_1437 = arith.addi %mul3A_1319, %add3A_1436 : i32
        %get3A_1438 = arith.constant 0 : i32
        %get3A_1439 = arith.constant 0 : i32
        %get3A_1440 = tpu.memref_slice %arg10[%scan3A_920, %get3A_1438, %get3A_1439] : memref<4x128x64xf32, #tpu.memory_space<vmem>> -> memref<1x128x64xf32, #tpu.memory_space<vmem>>
        %get3A_1441 = tpu.memref_squeeze %get3A_1440 : memref<1x128x64xf32, #tpu.memory_space<vmem>> -> memref<128x64xf32, #tpu.memory_space<vmem>>
        %get3A_1442 = arith.index_cast %add3A_1437 : i32 to index
        %get3A_1443 = arith.constant 48 : index
        %get3A_1444 = tpu.vector_load %get3A_1441[%get3A_1442, %get3A_1443] {strides = array<i32>} : memref<128x64xf32, #tpu.memory_space<vmem>>, vector<16xf32>,
        %add3A_1445 = arith.constant 48 : i32
        %add3A_1446 = vector.broadcast %add3A_1445 : i32 to vector<16xi32>
        %add3A_1447 = arith.addi %iota3A, %add3A_1446 : vector<16xi32>
        %scatter3A_1448 = arith.constant 0 : i32
        %scatter3A_1449 = arith.constant 0 : i32
        %scatter3A_1450 = tpu.memref_slice %arg11[%scan3A_921, %scatter3A_1448, %scatter3A_1449] : memref<2x64x129xf32, #tpu.memory_space<vmem>> -> memref<1x64x129xf32, #tpu.memory_space<vmem>>
        %scatter3A_1451 = tpu.memref_squeeze %scatter3A_1450 : memref<1x64x129xf32, #tpu.memory_space<vmem>> -> memref<64x129xf32, #tpu.memory_space<vmem>>
        tpu.vector_store_idx %scatter3A_1451[%add3A_1447, %add3A_1387], %get3A_1444 : memref<64x129xf32, #tpu.memory_space<vmem>>[vector<16xi32>, vector<16xi32>], vector<16xf32>,
        %add3A_1452 = arith.constant 2 : i32
        %add3A_1453 = vector.broadcast %add3A_1452 : i32 to vector<16xi32>
        %add3A_1454 = arith.addi %broadcast_in_dim3A, %add3A_1453 : vector<16xi32>
        %add3A_1455 = arith.constant 2 : i32
        %add3A_1456 = arith.addi %mul3A_1319, %add3A_1455 : i32
        %get3A_1457 = arith.constant 0 : i32
        %get3A_1458 = arith.constant 0 : i32
        %get3A_1459 = tpu.memref_slice %arg10[%scan3A_920, %get3A_1457, %get3A_1458] : memref<4x128x64xf32, #tpu.memory_space<vmem>> -> memref<1x128x64xf32, #tpu.memory_space<vmem>>
        %get3A_1460 = tpu.memref_squeeze %get3A_1459 : memref<1x128x64xf32, #tpu.memory_space<vmem>> -> memref<128x64xf32, #tpu.memory_space<vmem>>
        %get3A_1461 = arith.index_cast %add3A_1456 : i32 to index
        %get3A_1462 = arith.constant 0 : index
        %get3A_1463 = tpu.vector_load %get3A_1460[%get3A_1461, %get3A_1462] {strides = array<i32>} : memref<128x64xf32, #tpu.memory_space<vmem>>, vector<16xf32>,
        %add3A_1464 = arith.constant 0 : i32
        %add3A_1465 = vector.broadcast %add3A_1464 : i32 to vector<16xi32>
        %add3A_1466 = arith.addi %iota3A, %add3A_1465 : vector<16xi32>
        %scatter3A_1467 = arith.constant 0 : i32
        %scatter3A_1468 = arith.constant 0 : i32
        %scatter3A_1469 = tpu.memref_slice %arg11[%scan3A_921, %scatter3A_1467, %scatter3A_1468] : memref<2x64x129xf32, #tpu.memory_space<vmem>> -> memref<1x64x129xf32, #tpu.memory_space<vmem>>
        %scatter3A_1470 = tpu.memref_squeeze %scatter3A_1469 : memref<1x64x129xf32, #tpu.memory_space<vmem>> -> memref<64x129xf32, #tpu.memory_space<vmem>>
        tpu.vector_store_idx %scatter3A_1470[%add3A_1466, %add3A_1454], %get3A_1463 : memref<64x129xf32, #tpu.memory_space<vmem>>[vector<16xi32>, vector<16xi32>], vector<16xf32>,
        %add3A_1471 = arith.constant 2 : i32
        %add3A_1472 = arith.addi %mul3A_1319, %add3A_1471 : i32
        %get3A_1473 = arith.constant 0 : i32
        %get3A_1474 = arith.constant 0 : i32
        %get3A_1475 = tpu.memref_slice %arg10[%scan3A_920, %get3A_1473, %get3A_1474] : memref<4x128x64xf32, #tpu.memory_space<vmem>> -> memref<1x128x64xf32, #tpu.memory_space<vmem>>
        %get3A_1476 = tpu.memref_squeeze %get3A_1475 : memref<1x128x64xf32, #tpu.memory_space<vmem>> -> memref<128x64xf32, #tpu.memory_space<vmem>>
        %get3A_1477 = arith.index_cast %add3A_1472 : i32 to index
        %get3A_1478 = arith.constant 16 : index
        %get3A_1479 = tpu.vector_load %get3A_1476[%get3A_1477, %get3A_1478] {strides = array<i32>} : memref<128x64xf32, #tpu.memory_space<vmem>>, vector<16xf32>,
        %add3A_1480 = arith.constant 16 : i32
        %add3A_1481 = vector.broadcast %add3A_1480 : i32 to vector<16xi32>
        %add3A_1482 = arith.addi %iota3A, %add3A_1481 : vector<16xi32>
        %scatter3A_1483 = arith.constant 0 : i32
        %scatter3A_1484 = arith.constant 0 : i32
        %scatter3A_1485 = tpu.memref_slice %arg11[%scan3A_921, %scatter3A_1483, %scatter3A_1484] : memref<2x64x129xf32, #tpu.memory_space<vmem>> -> memref<1x64x129xf32, #tpu.memory_space<vmem>>
        %scatter3A_1486 = tpu.memref_squeeze %scatter3A_1485 : memref<1x64x129xf32, #tpu.memory_space<vmem>> -> memref<64x129xf32, #tpu.memory_space<vmem>>
        tpu.vector_store_idx %scatter3A_1486[%add3A_1482, %add3A_1454], %get3A_1479 : memref<64x129xf32, #tpu.memory_space<vmem>>[vector<16xi32>, vector<16xi32>], vector<16xf32>,
        %add3A_1487 = arith.constant 2 : i32
        %add3A_1488 = arith.addi %mul3A_1319, %add3A_1487 : i32
        %get3A_1489 = arith.constant 0 : i32
        %get3A_1490 = arith.constant 0 : i32
        %get3A_1491 = tpu.memref_slice %arg10[%scan3A_920, %get3A_1489, %get3A_1490] : memref<4x128x64xf32, #tpu.memory_space<vmem>> -> memref<1x128x64xf32, #tpu.memory_space<vmem>>
        %get3A_1492 = tpu.memref_squeeze %get3A_1491 : memref<1x128x64xf32, #tpu.memory_space<vmem>> -> memref<128x64xf32, #tpu.memory_space<vmem>>
        %get3A_1493 = arith.index_cast %add3A_1488 : i32 to index
        %get3A_1494 = arith.constant 32 : index
        %get3A_1495 = tpu.vector_load %get3A_1492[%get3A_1493, %get3A_1494] {strides = array<i32>} : memref<128x64xf32, #tpu.memory_space<vmem>>, vector<16xf32>,
        %add3A_1496 = arith.constant 32 : i32
        %add3A_1497 = vector.broadcast %add3A_1496 : i32 to vector<16xi32>
        %add3A_1498 = arith.addi %iota3A, %add3A_1497 : vector<16xi32>
        %scatter3A_1499 = arith.constant 0 : i32
        %scatter3A_1500 = arith.constant 0 : i32
        %scatter3A_1501 = tpu.memref_slice %arg11[%scan3A_921, %scatter3A_1499, %scatter3A_1500] : memref<2x64x129xf32, #tpu.memory_space<vmem>> -> memref<1x64x129xf32, #tpu.memory_space<vmem>>
        %scatter3A_1502 = tpu.memref_squeeze %scatter3A_1501 : memref<1x64x129xf32, #tpu.memory_space<vmem>> -> memref<64x129xf32, #tpu.memory_space<vmem>>
        tpu.vector_store_idx %scatter3A_1502[%add3A_1498, %add3A_1454], %get3A_1495 : memref<64x129xf32, #tpu.memory_space<vmem>>[vector<16xi32>, vector<16xi32>], vector<16xf32>,
        %add3A_1503 = arith.constant 2 : i32
        %add3A_1504 = arith.addi %mul3A_1319, %add3A_1503 : i32
        %get3A_1505 = arith.constant 0 : i32
        %get3A_1506 = arith.constant 0 : i32
        %get3A_1507 = tpu.memref_slice %arg10[%scan3A_920, %get3A_1505, %get3A_1506] : memref<4x128x64xf32, #tpu.memory_space<vmem>> -> memref<1x128x64xf32, #tpu.memory_space<vmem>>
        %get3A_1508 = tpu.memref_squeeze %get3A_1507 : memref<1x128x64xf32, #tpu.memory_space<vmem>> -> memref<128x64xf32, #tpu.memory_space<vmem>>
        %get3A_1509 = arith.index_cast %add3A_1504 : i32 to index
        %get3A_1510 = arith.constant 48 : index
        %get3A_1511 = tpu.vector_load %get3A_1508[%get3A_1509, %get3A_1510] {strides = array<i32>} : memref<128x64xf32, #tpu.memory_space<vmem>>, vector<16xf32>,
        %add3A_1512 = arith.constant 48 : i32
        %add3A_1513 = vector.broadcast %add3A_1512 : i32 to vector<16xi32>
        %add3A_1514 = arith.addi %iota3A, %add3A_1513 : vector<16xi32>
        %scatter3A_1515 = arith.constant 0 : i32
        %scatter3A_1516 = arith.constant 0 : i32
        %scatter3A_1517 = tpu.memref_slice %arg11[%scan3A_921, %scatter3A_1515, %scatter3A_1516] : memref<2x64x129xf32, #tpu.memory_space<vmem>> -> memref<1x64x129xf32, #tpu.memory_space<vmem>>
        %scatter3A_1518 = tpu.memref_squeeze %scatter3A_1517 : memref<1x64x129xf32, #tpu.memory_space<vmem>> -> memref<64x129xf32, #tpu.memory_space<vmem>>
        tpu.vector_store_idx %scatter3A_1518[%add3A_1514, %add3A_1454], %get3A_1511 : memref<64x129xf32, #tpu.memory_space<vmem>>[vector<16xi32>, vector<16xi32>], vector<16xf32>,
        %add3A_1519 = arith.constant 3 : i32
        %add3A_1520 = vector.broadcast %add3A_1519 : i32 to vector<16xi32>
        %add3A_1521 = arith.addi %broadcast_in_dim3A, %add3A_1520 : vector<16xi32>
        %add3A_1522 = arith.constant 3 : i32
        %add3A_1523 = arith.addi %mul3A_1319, %add3A_1522 : i32
        %get3A_1524 = arith.constant 0 : i32
        %get3A_1525 = arith.constant 0 : i32
        %get3A_1526 = tpu.memref_slice %arg10[%scan3A_920, %get3A_1524, %get3A_1525] : memref<4x128x64xf32, #tpu.memory_space<vmem>> -> memref<1x128x64xf32, #tpu.memory_space<vmem>>
        %get3A_1527 = tpu.memref_squeeze %get3A_1526 : memref<1x128x64xf32, #tpu.memory_space<vmem>> -> memref<128x64xf32, #tpu.memory_space<vmem>>
        %get3A_1528 = arith.index_cast %add3A_1523 : i32 to index
        %get3A_1529 = arith.constant 0 : index
        %get3A_1530 = tpu.vector_load %get3A_1527[%get3A_1528, %get3A_1529] {strides = array<i32>} : memref<128x64xf32, #tpu.memory_space<vmem>>, vector<16xf32>,
        %add3A_1531 = arith.constant 0 : i32
        %add3A_1532 = vector.broadcast %add3A_1531 : i32 to vector<16xi32>
        %add3A_1533 = arith.addi %iota3A, %add3A_1532 : vector<16xi32>
        %scatter3A_1534 = arith.constant 0 : i32
        %scatter3A_1535 = arith.constant 0 : i32
        %scatter3A_1536 = tpu.memref_slice %arg11[%scan3A_921, %scatter3A_1534, %scatter3A_1535] : memref<2x64x129xf32, #tpu.memory_space<vmem>> -> memref<1x64x129xf32, #tpu.memory_space<vmem>>
        %scatter3A_1537 = tpu.memref_squeeze %scatter3A_1536 : memref<1x64x129xf32, #tpu.memory_space<vmem>> -> memref<64x129xf32, #tpu.memory_space<vmem>>
        tpu.vector_store_idx %scatter3A_1537[%add3A_1533, %add3A_1521], %get3A_1530 : memref<64x129xf32, #tpu.memory_space<vmem>>[vector<16xi32>, vector<16xi32>], vector<16xf32>,
        %add3A_1538 = arith.constant 3 : i32
        %add3A_1539 = arith.addi %mul3A_1319, %add3A_1538 : i32
        %get3A_1540 = arith.constant 0 : i32
        %get3A_1541 = arith.constant 0 : i32
        %get3A_1542 = tpu.memref_slice %arg10[%scan3A_920, %get3A_1540, %get3A_1541] : memref<4x128x64xf32, #tpu.memory_space<vmem>> -> memref<1x128x64xf32, #tpu.memory_space<vmem>>
        %get3A_1543 = tpu.memref_squeeze %get3A_1542 : memref<1x128x64xf32, #tpu.memory_space<vmem>> -> memref<128x64xf32, #tpu.memory_space<vmem>>
        %get3A_1544 = arith.index_cast %add3A_1539 : i32 to index
        %get3A_1545 = arith.constant 16 : index
        %get3A_1546 = tpu.vector_load %get3A_1543[%get3A_1544, %get3A_1545] {strides = array<i32>} : memref<128x64xf32, #tpu.memory_space<vmem>>, vector<16xf32>,
        %add3A_1547 = arith.constant 16 : i32
        %add3A_1548 = vector.broadcast %add3A_1547 : i32 to vector<16xi32>
        %add3A_1549 = arith.addi %iota3A, %add3A_1548 : vector<16xi32>
        %scatter3A_1550 = arith.constant 0 : i32
        %scatter3A_1551 = arith.constant 0 : i32
        %scatter3A_1552 = tpu.memref_slice %arg11[%scan3A_921, %scatter3A_1550, %scatter3A_1551] : memref<2x64x129xf32, #tpu.memory_space<vmem>> -> memref<1x64x129xf32, #tpu.memory_space<vmem>>
        %scatter3A_1553 = tpu.memref_squeeze %scatter3A_1552 : memref<1x64x129xf32, #tpu.memory_space<vmem>> -> memref<64x129xf32, #tpu.memory_space<vmem>>
        tpu.vector_store_idx %scatter3A_1553[%add3A_1549, %add3A_1521], %get3A_1546 : memref<64x129xf32, #tpu.memory_space<vmem>>[vector<16xi32>, vector<16xi32>], vector<16xf32>,
        %add3A_1554 = arith.constant 3 : i32
        %add3A_1555 = arith.addi %mul3A_1319, %add3A_1554 : i32
        %get3A_1556 = arith.constant 0 : i32
        %get3A_1557 = arith.constant 0 : i32
        %get3A_1558 = tpu.memref_slice %arg10[%scan3A_920, %get3A_1556, %get3A_1557] : memref<4x128x64xf32, #tpu.memory_space<vmem>> -> memref<1x128x64xf32, #tpu.memory_space<vmem>>
        %get3A_1559 = tpu.memref_squeeze %get3A_1558 : memref<1x128x64xf32, #tpu.memory_space<vmem>> -> memref<128x64xf32, #tpu.memory_space<vmem>>
        %get3A_1560 = arith.index_cast %add3A_1555 : i32 to index
        %get3A_1561 = arith.constant 32 : index
        %get3A_1562 = tpu.vector_load %get3A_1559[%get3A_1560, %get3A_1561] {strides = array<i32>} : memref<128x64xf32, #tpu.memory_space<vmem>>, vector<16xf32>,
        %add3A_1563 = arith.constant 32 : i32
        %add3A_1564 = vector.broadcast %add3A_1563 : i32 to vector<16xi32>
        %add3A_1565 = arith.addi %iota3A, %add3A_1564 : vector<16xi32>
        %scatter3A_1566 = arith.constant 0 : i32
        %scatter3A_1567 = arith.constant 0 : i32
        %scatter3A_1568 = tpu.memref_slice %arg11[%scan3A_921, %scatter3A_1566, %scatter3A_1567] : memref<2x64x129xf32, #tpu.memory_space<vmem>> -> memref<1x64x129xf32, #tpu.memory_space<vmem>>
        %scatter3A_1569 = tpu.memref_squeeze %scatter3A_1568 : memref<1x64x129xf32, #tpu.memory_space<vmem>> -> memref<64x129xf32, #tpu.memory_space<vmem>>
        tpu.vector_store_idx %scatter3A_1569[%add3A_1565, %add3A_1521], %get3A_1562 : memref<64x129xf32, #tpu.memory_space<vmem>>[vector<16xi32>, vector<16xi32>], vector<16xf32>,
        %add3A_1570 = arith.constant 3 : i32
        %add3A_1571 = arith.addi %mul3A_1319, %add3A_1570 : i32
        %get3A_1572 = arith.constant 0 : i32
        %get3A_1573 = arith.constant 0 : i32
        %get3A_1574 = tpu.memref_slice %arg10[%scan3A_920, %get3A_1572, %get3A_1573] : memref<4x128x64xf32, #tpu.memory_space<vmem>> -> memref<1x128x64xf32, #tpu.memory_space<vmem>>
        %get3A_1575 = tpu.memref_squeeze %get3A_1574 : memref<1x128x64xf32, #tpu.memory_space<vmem>> -> memref<128x64xf32, #tpu.memory_space<vmem>>
        %get3A_1576 = arith.index_cast %add3A_1571 : i32 to index
        %get3A_1577 = arith.constant 48 : index
        %get3A_1578 = tpu.vector_load %get3A_1575[%get3A_1576, %get3A_1577] {strides = array<i32>} : memref<128x64xf32, #tpu.memory_space<vmem>>, vector<16xf32>,
        %add3A_1579 = arith.constant 48 : i32
        %add3A_1580 = vector.broadcast %add3A_1579 : i32 to vector<16xi32>
        %add3A_1581 = arith.addi %iota3A, %add3A_1580 : vector<16xi32>
        %scatter3A_1582 = arith.constant 0 : i32
        %scatter3A_1583 = arith.constant 0 : i32
        %scatter3A_1584 = tpu.memref_slice %arg11[%scan3A_921, %scatter3A_1582, %scatter3A_1583] : memref<2x64x129xf32, #tpu.memory_space<vmem>> -> memref<1x64x129xf32, #tpu.memory_space<vmem>>
        %scatter3A_1585 = tpu.memref_squeeze %scatter3A_1584 : memref<1x64x129xf32, #tpu.memory_space<vmem>> -> memref<64x129xf32, #tpu.memory_space<vmem>>
        tpu.vector_store_idx %scatter3A_1585[%add3A_1581, %add3A_1521], %get3A_1578 : memref<64x129xf32, #tpu.memory_space<vmem>>[vector<16xi32>, vector<16xi32>], vector<16xf32>,
      }
      %scan3A_926 = arith.constant 32 : i32
      %jit3A_927 = arith.constant 50 : i32
      %div3A_928 = arith.divsi %add3A_906, %jit3A_927 : i32
      %sign3A_929 = arith.constant 0 : i32
      %sign3A_930 = arith.cmpi sgt, %add3A_906, %sign3A_929 : i32
      %sign3A_931 = arith.extui %sign3A_930 : i1 to i32
      %sign3A_932 = arith.constant 0 : i32
      %sign3A_933 = arith.cmpi slt, %add3A_906, %sign3A_932 : i32
      %sign3A_934 = arith.extui %sign3A_933 : i1 to i32
      %sign3A_935 = arith.subi %sign3A_931, %sign3A_934 : i32
      %sign3A_936 = arith.constant 0 : i32
      %sign3A_937 = arith.cmpi sgt, %jit3A_927, %sign3A_936 : i32
      %sign3A_938 = arith.extui %sign3A_937 : i1 to i32
      %sign3A_939 = arith.constant 0 : i32
      %sign3A_940 = arith.cmpi slt, %jit3A_927, %sign3A_939 : i32
      %sign3A_941 = arith.extui %sign3A_940 : i1 to i32
      %sign3A_942 = arith.subi %sign3A_938, %sign3A_941 : i32
      %ne3A_943 = arith.cmpi ne, %sign3A_935, %sign3A_942 : i32
      %rem3A_944 = arith.remsi %add3A_906, %jit3A_927 : i32
      %ne3A_945 = arith.constant 0 : i32
      %ne3A_946 = arith.cmpi ne, %rem3A_944, %ne3A_945 : i32
      %and3A_947 = arith.andi %ne3A_943, %ne3A_946 : i1
      %sub3A_948 = arith.constant 1 : i32
      %sub3A_949 = arith.subi %div3A_928, %sub3A_948 : i32
      %select_n3A_950 = arith.select %and3A_947, %sub3A_949, %div3A_928 : i32
      %mul3A_951 = arith.constant 50 : i32
      %mul3A_952 = arith.muli %select_n3A_950, %mul3A_951 : i32
      %sub3A_953 = arith.subi %add3A_906, %mul3A_952 : i32
      %mul3A_954 = arith.constant 32 : i32
      %mul3A_955 = arith.muli %select_n3A_950, %mul3A_954 : i32
      %add3A_956 = arith.addi %add3A, %mul3A_955 : i32
      %dma_start3A_957 = arith.constant 0 : i32
      %dma_start3A_958 = arith.constant 0 : i32
      %dma_start3A_959 = arith.constant 0 : i32
      %dma_start3A_960 = arith.constant 0 : i32
      %dma_start3A_961 = tpu.memref_slice %arg11[%dma_start3A_957, %dma_start3A_959, %dma_start3A_960] : memref<2x64x129xf32, #tpu.memory_space<vmem>> -> memref<1x8x128xf32, #tpu.memory_space<vmem>>
      %dma_start3A_962 = tpu.memref_squeeze %dma_start3A_961 : memref<1x8x128xf32, #tpu.memory_space<vmem>> -> memref<8x128xf32, #tpu.memory_space<vmem>>
      %dma_start3A_963 = arith.constant 0 : i32
      %dma_start3A_964 = arith.constant 0 : i32
      %dma_start3A_965 = tpu.memref_slice %arg4[%sub3A_953, %dma_start3A_958, %add3A_956, %dma_start3A_963, %dma_start3A_964] : memref<50x8x128x8x128xf32, #tpu.memory_space<hbm>> -> memref<1x1x1x8x128xf32, #tpu.memory_space<hbm>>
      %dma_start3A_966 = tpu.memref_squeeze %dma_start3A_965 : memref<1x1x1x8x128xf32, #tpu.memory_space<hbm>> -> memref<8x128xf32, #tpu.memory_space<hbm>>
      %dma_start3A_967 = arith.constant 0 : i32
      %dma_start3A_968 = arith.constant 0 : i32
      %dma_start3A_969 = tpu.memref_slice %arg4[%sub3A_953, %dma_start3A_958, %add3A_956, %dma_start3A_967, %dma_start3A_968] : memref<50x8x128x8x128xf32, #tpu.memory_space<hbm>> -> memref<1x1x1x8x128xf32, #tpu.memory_space<hbm>>
      %dma_start3A_970 = tpu.memref_squeeze %dma_start3A_969 : memref<1x1x1x8x128xf32, #tpu.memory_space<hbm>> -> memref<8x128xf32, #tpu.memory_space<hbm>>
      %dma_start3A_971 = arith.constant 0 : i32
      %dma_start3A_972 = arith.constant 0 : i32
      %dma_start3A_973 = tpu.memref_slice %arg11[%dma_start3A_957, %dma_start3A_971, %dma_start3A_972] : memref<2x64x129xf32, #tpu.memory_space<vmem>> -> memref<1x8x128xf32, #tpu.memory_space<vmem>>
      %dma_start3A_974 = tpu.memref_squeeze %dma_start3A_973 : memref<1x8x128xf32, #tpu.memory_space<vmem>> -> memref<8x128xf32, #tpu.memory_space<vmem>>
      tpu.enqueue_dma source(%dma_start3A_974 : memref<8x128xf32, #tpu.memory_space<vmem>>) target(%dma_start3A_970 : memref<8x128xf32, #tpu.memory_space<hbm>>) target_semaphore(%arg16 : memref<!tpu.dma_semaphore, #tpu.memory_space<semaphore_mem>>)
      %dma_start3A_975 = arith.constant 0 : i32
      %dma_start3A_976 = arith.constant 1 : i32
      %dma_start3A_977 = arith.constant 8 : i32
      %dma_start3A_978 = arith.constant 0 : i32
      %dma_start3A_979 = tpu.memref_slice %arg11[%dma_start3A_975, %dma_start3A_977, %dma_start3A_978] : memref<2x64x129xf32, #tpu.memory_space<vmem>> -> memref<1x8x128xf32, #tpu.memory_space<vmem>>
      %dma_start3A_980 = tpu.memref_squeeze %dma_start3A_979 : memref<1x8x128xf32, #tpu.memory_space<vmem>> -> memref<8x128xf32, #tpu.memory_space<vmem>>
      %dma_start3A_981 = arith.constant 0 : i32
      %dma_start3A_982 = arith.constant 0 : i32
      %dma_start3A_983 = tpu.memref_slice %arg4[%sub3A_953, %dma_start3A_976, %add3A_956, %dma_start3A_981, %dma_start3A_982] : memref<50x8x128x8x128xf32, #tpu.memory_space<hbm>> -> memref<1x1x1x8x128xf32, #tpu.memory_space<hbm>>
      %dma_start3A_984 = tpu.memref_squeeze %dma_start3A_983 : memref<1x1x1x8x128xf32, #tpu.memory_space<hbm>> -> memref<8x128xf32, #tpu.memory_space<hbm>>
      %dma_start3A_985 = arith.constant 0 : i32
      %dma_start3A_986 = arith.constant 0 : i32
      %dma_start3A_987 = tpu.memref_slice %arg4[%sub3A_953, %dma_start3A_976, %add3A_956, %dma_start3A_985, %dma_start3A_986] : memref<50x8x128x8x128xf32, #tpu.memory_space<hbm>> -> memref<1x1x1x8x128xf32, #tpu.memory_space<hbm>>
      %dma_start3A_988 = tpu.memref_squeeze %dma_start3A_987 : memref<1x1x1x8x128xf32, #tpu.memory_space<hbm>> -> memref<8x128xf32, #tpu.memory_space<hbm>>
      %dma_start3A_989 = arith.constant 8 : i32
      %dma_start3A_990 = arith.constant 0 : i32
      %dma_start3A_991 = tpu.memref_slice %arg11[%dma_start3A_975, %dma_start3A_989, %dma_start3A_990] : memref<2x64x129xf32, #tpu.memory_space<vmem>> -> memref<1x8x128xf32, #tpu.memory_space<vmem>>
      %dma_start3A_992 = tpu.memref_squeeze %dma_start3A_991 : memref<1x8x128xf32, #tpu.memory_space<vmem>> -> memref<8x128xf32, #tpu.memory_space<vmem>>
      tpu.enqueue_dma source(%dma_start3A_992 : memref<8x128xf32, #tpu.memory_space<vmem>>) target(%dma_start3A_988 : memref<8x128xf32, #tpu.memory_space<hbm>>) target_semaphore(%arg16 : memref<!tpu.dma_semaphore, #tpu.memory_space<semaphore_mem>>)
      %dma_start3A_993 = arith.constant 0 : i32
      %dma_start3A_994 = arith.constant 2 : i32
      %dma_start3A_995 = arith.constant 16 : i32
      %dma_start3A_996 = arith.constant 0 : i32
      %dma_start3A_997 = tpu.memref_slice %arg11[%dma_start3A_993, %dma_start3A_995, %dma_start3A_996] : memref<2x64x129xf32, #tpu.memory_space<vmem>> -> memref<1x8x128xf32, #tpu.memory_space<vmem>>
      %dma_start3A_998 = tpu.memref_squeeze %dma_start3A_997 : memref<1x8x128xf32, #tpu.memory_space<vmem>> -> memref<8x128xf32, #tpu.memory_space<vmem>>
      %dma_start3A_999 = arith.constant 0 : i32
      %dma_start3A_1000 = arith.constant 0 : i32
      %dma_start3A_1001 = tpu.memref_slice %arg4[%sub3A_953, %dma_start3A_994, %add3A_956, %dma_start3A_999, %dma_start3A_1000] : memref<50x8x128x8x128xf32, #tpu.memory_space<hbm>> -> memref<1x1x1x8x128xf32, #tpu.memory_space<hbm>>
      %dma_start3A_1002 = tpu.memref_squeeze %dma_start3A_1001 : memref<1x1x1x8x128xf32, #tpu.memory_space<hbm>> -> memref<8x128xf32, #tpu.memory_space<hbm>>
      %dma_start3A_1003 = arith.constant 0 : i32
      %dma_start3A_1004 = arith.constant 0 : i32
      %dma_start3A_1005 = tpu.memref_slice %arg4[%sub3A_953, %dma_start3A_994, %add3A_956, %dma_start3A_1003, %dma_start3A_1004] : memref<50x8x128x8x128xf32, #tpu.memory_space<hbm>> -> memref<1x1x1x8x128xf32, #tpu.memory_space<hbm>>
      %dma_start3A_1006 = tpu.memref_squeeze %dma_start3A_1005 : memref<1x1x1x8x128xf32, #tpu.memory_space<hbm>> -> memref<8x128xf32, #tpu.memory_space<hbm>>
      %dma_start3A_1007 = arith.constant 16 : i32
      %dma_start3A_1008 = arith.constant 0 : i32
      %dma_start3A_1009 = tpu.memref_slice %arg11[%dma_start3A_993, %dma_start3A_1007, %dma_start3A_1008] : memref<2x64x129xf32, #tpu.memory_space<vmem>> -> memref<1x8x128xf32, #tpu.memory_space<vmem>>
      %dma_start3A_1010 = tpu.memref_squeeze %dma_start3A_1009 : memref<1x8x128xf32, #tpu.memory_space<vmem>> -> memref<8x128xf32, #tpu.memory_space<vmem>>
      tpu.enqueue_dma source(%dma_start3A_1010 : memref<8x128xf32, #tpu.memory_space<vmem>>) target(%dma_start3A_1006 : memref<8x128xf32, #tpu.memory_space<hbm>>) target_semaphore(%arg16 : memref<!tpu.dma_semaphore, #tpu.memory_space<semaphore_mem>>)
      %dma_start3A_1011 = arith.constant 0 : i32
      %dma_start3A_1012 = arith.constant 3 : i32
      %dma_start3A_1013 = arith.constant 24 : i32
      %dma_start3A_1014 = arith.constant 0 : i32
      %dma_start3A_1015 = tpu.memref_slice %arg11[%dma_start3A_1011, %dma_start3A_1013, %dma_start3A_1014] : memref<2x64x129xf32, #tpu.memory_space<vmem>> -> memref<1x8x128xf32, #tpu.memory_space<vmem>>
      %dma_start3A_1016 = tpu.memref_squeeze %dma_start3A_1015 : memref<1x8x128xf32, #tpu.memory_space<vmem>> -> memref<8x128xf32, #tpu.memory_space<vmem>>
      %dma_start3A_1017 = arith.constant 0 : i32
      %dma_start3A_1018 = arith.constant 0 : i32
      %dma_start3A_1019 = tpu.memref_slice %arg4[%sub3A_953, %dma_start3A_1012, %add3A_956, %dma_start3A_1017, %dma_start3A_1018] : memref<50x8x128x8x128xf32, #tpu.memory_space<hbm>> -> memref<1x1x1x8x128xf32, #tpu.memory_space<hbm>>
      %dma_start3A_1020 = tpu.memref_squeeze %dma_start3A_1019 : memref<1x1x1x8x128xf32, #tpu.memory_space<hbm>> -> memref<8x128xf32, #tpu.memory_space<hbm>>
      %dma_start3A_1021 = arith.constant 0 : i32
      %dma_start3A_1022 = arith.constant 0 : i32
      %dma_start3A_1023 = tpu.memref_slice %arg4[%sub3A_953, %dma_start3A_1012, %add3A_956, %dma_start3A_1021, %dma_start3A_1022] : memref<50x8x128x8x128xf32, #tpu.memory_space<hbm>> -> memref<1x1x1x8x128xf32, #tpu.memory_space<hbm>>
      %dma_start3A_1024 = tpu.memref_squeeze %dma_start3A_1023 : memref<1x1x1x8x128xf32, #tpu.memory_space<hbm>> -> memref<8x128xf32, #tpu.memory_space<hbm>>
      %dma_start3A_1025 = arith.constant 24 : i32
      %dma_start3A_1026 = arith.constant 0 : i32
      %dma_start3A_1027 = tpu.memref_slice %arg11[%dma_start3A_1011, %dma_start3A_1025, %dma_start3A_1026] : memref<2x64x129xf32, #tpu.memory_space<vmem>> -> memref<1x8x128xf32, #tpu.memory_space<vmem>>
      %dma_start3A_1028 = tpu.memref_squeeze %dma_start3A_1027 : memref<1x8x128xf32, #tpu.memory_space<vmem>> -> memref<8x128xf32, #tpu.memory_space<vmem>>
      tpu.enqueue_dma source(%dma_start3A_1028 : memref<8x128xf32, #tpu.memory_space<vmem>>) target(%dma_start3A_1024 : memref<8x128xf32, #tpu.memory_space<hbm>>) target_semaphore(%arg16 : memref<!tpu.dma_semaphore, #tpu.memory_space<semaphore_mem>>)
      %dma_start3A_1029 = arith.constant 0 : i32
      %dma_start3A_1030 = arith.constant 4 : i32
      %dma_start3A_1031 = arith.constant 32 : i32
      %dma_start3A_1032 = arith.constant 0 : i32
      %dma_start3A_1033 = tpu.memref_slice %arg11[%dma_start3A_1029, %dma_start3A_1031, %dma_start3A_1032] : memref<2x64x129xf32, #tpu.memory_space<vmem>> -> memref<1x8x128xf32, #tpu.memory_space<vmem>>
      %dma_start3A_1034 = tpu.memref_squeeze %dma_start3A_1033 : memref<1x8x128xf32, #tpu.memory_space<vmem>> -> memref<8x128xf32, #tpu.memory_space<vmem>>
      %dma_start3A_1035 = arith.constant 0 : i32
      %dma_start3A_1036 = arith.constant 0 : i32
      %dma_start3A_1037 = tpu.memref_slice %arg4[%sub3A_953, %dma_start3A_1030, %add3A_956, %dma_start3A_1035, %dma_start3A_1036] : memref<50x8x128x8x128xf32, #tpu.memory_space<hbm>> -> memref<1x1x1x8x128xf32, #tpu.memory_space<hbm>>
      %dma_start3A_1038 = tpu.memref_squeeze %dma_start3A_1037 : memref<1x1x1x8x128xf32, #tpu.memory_space<hbm>> -> memref<8x128xf32, #tpu.memory_space<hbm>>
      %dma_start3A_1039 = arith.constant 0 : i32
      %dma_start3A_1040 = arith.constant 0 : i32
      %dma_start3A_1041 = tpu.memref_slice %arg4[%sub3A_953, %dma_start3A_1030, %add3A_956, %dma_start3A_1039, %dma_start3A_1040] : memref<50x8x128x8x128xf32, #tpu.memory_space<hbm>> -> memref<1x1x1x8x128xf32, #tpu.memory_space<hbm>>
      %dma_start3A_1042 = tpu.memref_squeeze %dma_start3A_1041 : memref<1x1x1x8x128xf32, #tpu.memory_space<hbm>> -> memref<8x128xf32, #tpu.memory_space<hbm>>
      %dma_start3A_1043 = arith.constant 32 : i32
      %dma_start3A_1044 = arith.constant 0 : i32
      %dma_start3A_1045 = tpu.memref_slice %arg11[%dma_start3A_1029, %dma_start3A_1043, %dma_start3A_1044] : memref<2x64x129xf32, #tpu.memory_space<vmem>> -> memref<1x8x128xf32, #tpu.memory_space<vmem>>
      %dma_start3A_1046 = tpu.memref_squeeze %dma_start3A_1045 : memref<1x8x128xf32, #tpu.memory_space<vmem>> -> memref<8x128xf32, #tpu.memory_space<vmem>>
      tpu.enqueue_dma source(%dma_start3A_1046 : memref<8x128xf32, #tpu.memory_space<vmem>>) target(%dma_start3A_1042 : memref<8x128xf32, #tpu.memory_space<hbm>>) target_semaphore(%arg16 : memref<!tpu.dma_semaphore, #tpu.memory_space<semaphore_mem>>)
      %dma_start3A_1047 = arith.constant 0 : i32
      %dma_start3A_1048 = arith.constant 5 : i32
      %dma_start3A_1049 = arith.constant 40 : i32
      %dma_start3A_1050 = arith.constant 0 : i32
      %dma_start3A_1051 = tpu.memref_slice %arg11[%dma_start3A_1047, %dma_start3A_1049, %dma_start3A_1050] : memref<2x64x129xf32, #tpu.memory_space<vmem>> -> memref<1x8x128xf32, #tpu.memory_space<vmem>>
      %dma_start3A_1052 = tpu.memref_squeeze %dma_start3A_1051 : memref<1x8x128xf32, #tpu.memory_space<vmem>> -> memref<8x128xf32, #tpu.memory_space<vmem>>
      %dma_start3A_1053 = arith.constant 0 : i32
      %dma_start3A_1054 = arith.constant 0 : i32
      %dma_start3A_1055 = tpu.memref_slice %arg4[%sub3A_953, %dma_start3A_1048, %add3A_956, %dma_start3A_1053, %dma_start3A_1054] : memref<50x8x128x8x128xf32, #tpu.memory_space<hbm>> -> memref<1x1x1x8x128xf32, #tpu.memory_space<hbm>>
      %dma_start3A_1056 = tpu.memref_squeeze %dma_start3A_1055 : memref<1x1x1x8x128xf32, #tpu.memory_space<hbm>> -> memref<8x128xf32, #tpu.memory_space<hbm>>
      %dma_start3A_1057 = arith.constant 0 : i32
      %dma_start3A_1058 = arith.constant 0 : i32
      %dma_start3A_1059 = tpu.memref_slice %arg4[%sub3A_953, %dma_start3A_1048, %add3A_956, %dma_start3A_1057, %dma_start3A_1058] : memref<50x8x128x8x128xf32, #tpu.memory_space<hbm>> -> memref<1x1x1x8x128xf32, #tpu.memory_space<hbm>>
      %dma_start3A_1060 = tpu.memref_squeeze %dma_start3A_1059 : memref<1x1x1x8x128xf32, #tpu.memory_space<hbm>> -> memref<8x128xf32, #tpu.memory_space<hbm>>
      %dma_start3A_1061 = arith.constant 40 : i32
      %dma_start3A_1062 = arith.constant 0 : i32
      %dma_start3A_1063 = tpu.memref_slice %arg11[%dma_start3A_1047, %dma_start3A_1061, %dma_start3A_1062] : memref<2x64x129xf32, #tpu.memory_space<vmem>> -> memref<1x8x128xf32, #tpu.memory_space<vmem>>
      %dma_start3A_1064 = tpu.memref_squeeze %dma_start3A_1063 : memref<1x8x128xf32, #tpu.memory_space<vmem>> -> memref<8x128xf32, #tpu.memory_space<vmem>>
      tpu.enqueue_dma source(%dma_start3A_1064 : memref<8x128xf32, #tpu.memory_space<vmem>>) target(%dma_start3A_1060 : memref<8x128xf32, #tpu.memory_space<hbm>>) target_semaphore(%arg16 : memref<!tpu.dma_semaphore, #tpu.memory_space<semaphore_mem>>)
      %dma_start3A_1065 = arith.constant 0 : i32
      %dma_start3A_1066 = arith.constant 6 : i32
      %dma_start3A_1067 = arith.constant 48 : i32
      %dma_start3A_1068 = arith.constant 0 : i32
      %dma_start3A_1069 = tpu.memref_slice %arg11[%dma_start3A_1065, %dma_start3A_1067, %dma_start3A_1068] : memref<2x64x129xf32, #tpu.memory_space<vmem>> -> memref<1x8x128xf32, #tpu.memory_space<vmem>>
      %dma_start3A_1070 = tpu.memref_squeeze %dma_start3A_1069 : memref<1x8x128xf32, #tpu.memory_space<vmem>> -> memref<8x128xf32, #tpu.memory_space<vmem>>
      %dma_start3A_1071 = arith.constant 0 : i32
      %dma_start3A_1072 = arith.constant 0 : i32
      %dma_start3A_1073 = tpu.memref_slice %arg4[%sub3A_953, %dma_start3A_1066, %add3A_956, %dma_start3A_1071, %dma_start3A_1072] : memref<50x8x128x8x128xf32, #tpu.memory_space<hbm>> -> memref<1x1x1x8x128xf32, #tpu.memory_space<hbm>>
      %dma_start3A_1074 = tpu.memref_squeeze %dma_start3A_1073 : memref<1x1x1x8x128xf32, #tpu.memory_space<hbm>> -> memref<8x128xf32, #tpu.memory_space<hbm>>
      %dma_start3A_1075 = arith.constant 0 : i32
      %dma_start3A_1076 = arith.constant 0 : i32
      %dma_start3A_1077 = tpu.memref_slice %arg4[%sub3A_953, %dma_start3A_1066, %add3A_956, %dma_start3A_1075, %dma_start3A_1076] : memref<50x8x128x8x128xf32, #tpu.memory_space<hbm>> -> memref<1x1x1x8x128xf32, #tpu.memory_space<hbm>>
      %dma_start3A_1078 = tpu.memref_squeeze %dma_start3A_1077 : memref<1x1x1x8x128xf32, #tpu.memory_space<hbm>> -> memref<8x128xf32, #tpu.memory_space<hbm>>
      %dma_start3A_1079 = arith.constant 48 : i32
      %dma_start3A_1080 = arith.constant 0 : i32
      %dma_start3A_1081 = tpu.memref_slice %arg11[%dma_start3A_1065, %dma_start3A_1079, %dma_start3A_1080] : memref<2x64x129xf32, #tpu.memory_space<vmem>> -> memref<1x8x128xf32, #tpu.memory_space<vmem>>
      %dma_start3A_1082 = tpu.memref_squeeze %dma_start3A_1081 : memref<1x8x128xf32, #tpu.memory_space<vmem>> -> memref<8x128xf32, #tpu.memory_space<vmem>>
      tpu.enqueue_dma source(%dma_start3A_1082 : memref<8x128xf32, #tpu.memory_space<vmem>>) target(%dma_start3A_1078 : memref<8x128xf32, #tpu.memory_space<hbm>>) target_semaphore(%arg16 : memref<!tpu.dma_semaphore, #tpu.memory_space<semaphore_mem>>)
      %dma_start3A_1083 = arith.constant 0 : i32
      %dma_start3A_1084 = arith.constant 7 : i32
      %dma_start3A_1085 = arith.constant 56 : i32
      %dma_start3A_1086 = arith.constant 0 : i32
      %dma_start3A_1087 = tpu.memref_slice %arg11[%dma_start3A_1083, %dma_start3A_1085, %dma_start3A_1086] : memref<2x64x129xf32, #tpu.memory_space<vmem>> -> memref<1x8x128xf32, #tpu.memory_space<vmem>>
      %dma_start3A_1088 = tpu.memref_squeeze %dma_start3A_1087 : memref<1x8x128xf32, #tpu.memory_space<vmem>> -> memref<8x128xf32, #tpu.memory_space<vmem>>
      %dma_start3A_1089 = arith.constant 0 : i32
      %dma_start3A_1090 = arith.constant 0 : i32
      %dma_start3A_1091 = tpu.memref_slice %arg4[%sub3A_953, %dma_start3A_1084, %add3A_956, %dma_start3A_1089, %dma_start3A_1090] : memref<50x8x128x8x128xf32, #tpu.memory_space<hbm>> -> memref<1x1x1x8x128xf32, #tpu.memory_space<hbm>>
      %dma_start3A_1092 = tpu.memref_squeeze %dma_start3A_1091 : memref<1x1x1x8x128xf32, #tpu.memory_space<hbm>> -> memref<8x128xf32, #tpu.memory_space<hbm>>
      %dma_start3A_1093 = arith.constant 0 : i32
      %dma_start3A_1094 = arith.constant 0 : i32
      %dma_start3A_1095 = tpu.memref_slice %arg4[%sub3A_953, %dma_start3A_1084, %add3A_956, %dma_start3A_1093, %dma_start3A_1094] : memref<50x8x128x8x128xf32, #tpu.memory_space<hbm>> -> memref<1x1x1x8x128xf32, #tpu.memory_space<hbm>>
      %dma_start3A_1096 = tpu.memref_squeeze %dma_start3A_1095 : memref<1x1x1x8x128xf32, #tpu.memory_space<hbm>> -> memref<8x128xf32, #tpu.memory_space<hbm>>
      %dma_start3A_1097 = arith.constant 56 : i32
      %dma_start3A_1098 = arith.constant 0 : i32
      %dma_start3A_1099 = tpu.memref_slice %arg11[%dma_start3A_1083, %dma_start3A_1097, %dma_start3A_1098] : memref<2x64x129xf32, #tpu.memory_space<vmem>> -> memref<1x8x128xf32, #tpu.memory_space<vmem>>
      %dma_start3A_1100 = tpu.memref_squeeze %dma_start3A_1099 : memref<1x8x128xf32, #tpu.memory_space<vmem>> -> memref<8x128xf32, #tpu.memory_space<vmem>>
      tpu.enqueue_dma source(%dma_start3A_1100 : memref<8x128xf32, #tpu.memory_space<vmem>>) target(%dma_start3A_1096 : memref<8x128xf32, #tpu.memory_space<hbm>>) target_semaphore(%arg16 : memref<!tpu.dma_semaphore, #tpu.memory_space<semaphore_mem>>)
      %add3A_1101 = arith.constant 3 : i32
      %add3A_1102 = arith.addi %add3A_906, %add3A_1101 : i32
      %lt3A_1103 = arith.constant 200 : i32
      %lt3A_1104 = arith.cmpi slt, %add3A_1102, %lt3A_1103 : i32
      %convert_element_type3A_1105 = arith.extui %lt3A_1104 : i1 to i32
      %cond3A_1106 = arith.constant 0 : i32
      %cond3A_1107 = arith.cmpi ne, %convert_element_type3A_1105, %cond3A_1106 : i32
      scf.if %cond3A_1107 {
        %add3A_1313 = arith.constant 3 : i32
        %add3A_1314 = arith.addi %add3A_906, %add3A_1313 : i32
        %jit3A_1315 = arith.constant 50 : i32
        %div3A_1316 = arith.divsi %add3A_1314, %jit3A_1315 : i32
        %sign3A_1317 = arith.constant 0 : i32
        %sign3A_1318 = arith.cmpi sgt, %add3A_1314, %sign3A_1317 : i32
        %sign3A_1319 = arith.extui %sign3A_1318 : i1 to i32
        %sign3A_1320 = arith.constant 0 : i32
        %sign3A_1321 = arith.cmpi slt, %add3A_1314, %sign3A_1320 : i32
        %sign3A_1322 = arith.extui %sign3A_1321 : i1 to i32
        %sign3A_1323 = arith.subi %sign3A_1319, %sign3A_1322 : i32
        %sign3A_1324 = arith.constant 0 : i32
        %sign3A_1325 = arith.cmpi sgt, %jit3A_1315, %sign3A_1324 : i32
        %sign3A_1326 = arith.extui %sign3A_1325 : i1 to i32
        %sign3A_1327 = arith.constant 0 : i32
        %sign3A_1328 = arith.cmpi slt, %jit3A_1315, %sign3A_1327 : i32
        %sign3A_1329 = arith.extui %sign3A_1328 : i1 to i32
        %sign3A_1330 = arith.subi %sign3A_1326, %sign3A_1329 : i32
        %ne3A_1331 = arith.cmpi ne, %sign3A_1323, %sign3A_1330 : i32
        %rem3A_1332 = arith.remsi %add3A_1314, %jit3A_1315 : i32
        %ne3A_1333 = arith.constant 0 : i32
        %ne3A_1334 = arith.cmpi ne, %rem3A_1332, %ne3A_1333 : i32
        %and3A_1335 = arith.andi %ne3A_1331, %ne3A_1334 : i1
        %sub3A_1336 = arith.constant 1 : i32
        %sub3A_1337 = arith.subi %div3A_1316, %sub3A_1336 : i32
        %select_n3A_1338 = arith.select %and3A_1335, %sub3A_1337, %div3A_1316 : i32
        %mul3A_1339 = arith.constant 50 : i32
        %mul3A_1340 = arith.muli %select_n3A_1338, %mul3A_1339 : i32
        %sub3A_1341 = arith.subi %add3A_1314, %mul3A_1340 : i32
        %mul3A_1342 = arith.constant 32 : i32
        %mul3A_1343 = arith.muli %select_n3A_1338, %mul3A_1342 : i32
        %add3A_1344 = arith.addi %add3A, %mul3A_1343 : i32
        %eq3A = arith.constant 0 : i32
        %eq3A_1345 = arith.cmpi eq, %sub3A_1341, %eq3A : i32
        %convert_element_type3A_1346 = arith.extui %eq3A_1345 : i1 to i32
        %cond3A_1347 = arith.constant 0 : i32
        %cond3A_1348 = arith.cmpi ne, %convert_element_type3A_1346, %cond3A_1347 : i32
        scf.if %cond3A_1348 {
          %mul3A_1413 = arith.constant 6400 : i32
          %mul3A_1414 = arith.muli %add3A_1344, %mul3A_1413 : i32
          "tpu.region"() ({
            %run_scoped3A = tpu.sem_alloc : memref<!tpu.dma_semaphore, #tpu.memory_space<semaphore_mem>>
            %dma_start3A_1415 = tpu.memref_slice %arg2[%mul3A_1414] : memref<819200xi32, #tpu.memory_space<hbm>> -> memref<6400xi32, #tpu.memory_space<hbm>>
            %dma_start3A_1416 = tpu.memref_slice %arg2[%mul3A_1414] : memref<819200xi32, #tpu.memory_space<hbm>> -> memref<6400xi32, #tpu.memory_space<hbm>>
            tpu.enqueue_dma source(%dma_start3A_1416 : memref<6400xi32, #tpu.memory_space<hbm>>) target(%arg5 : memref<6400xi32, #tpu.memory_space<vmem>>) target_semaphore(%run_scoped3A : memref<!tpu.dma_semaphore, #tpu.memory_space<semaphore_mem>>)
            %dma_wait3A_1417 = tpu.memref_slice %arg2[%mul3A_1414] : memref<819200xi32, #tpu.memory_space<hbm>> -> memref<6400xi32, #tpu.memory_space<hbm>>
            %dma_wait3A_1418 = tpu.memref_slice %arg2[%mul3A_1414] : memref<819200xi32, #tpu.memory_space<hbm>> -> memref<6400xi32, #tpu.memory_space<hbm>>
            tpu.wait_dma2 semaphore(%run_scoped3A : memref<!tpu.dma_semaphore, #tpu.memory_space<semaphore_mem>>) src(%dma_wait3A_1418 : memref<6400xi32, #tpu.memory_space<hbm>>) dst(%arg5 : memref<6400xi32, #tpu.memory_space<vmem>>)
            tpu.yield
          }) : () -> ()
        } else {
        }
        %add3A_1349 = arith.constant 0 : i32
        %add3A_1350 = arith.addi %add3A_1349, %sub3A_1341 : i32
        %add3A_1351 = vector.broadcast %add3A_1350 : i32 to vector<16xi32>
        %add3A_1352 = arith.addi %mul3A_3, %add3A_1351 : vector<16xi32>
        %gather3A_1353 = tpu.vector_load_idx %arg5[%add3A_1352] : memref<6400xi32, #tpu.memory_space<vmem>>[vector<16xi32>], vector<16xi32>,
        %swap3A_1354 = arith.constant 0 : index
        %swap3A_1355 = tpu.vector_load %arg7[%swap3A_1354] {strides = array<i32>} : memref<128xi32, #tpu.memory_space<vmem>>, vector<16xi32>,
        tpu.vector_store %arg7[%swap3A_1354], %gather3A_1353 {strides = array<i32>} : memref<128xi32, #tpu.memory_space<vmem>>, vector<16xi32>,
        %add3A_1356 = arith.constant 800 : i32
        %add3A_1357 = arith.addi %add3A_1356, %sub3A_1341 : i32
        %add3A_1358 = vector.broadcast %add3A_1357 : i32 to vector<16xi32>
        %add3A_1359 = arith.addi %mul3A_3, %add3A_1358 : vector<16xi32>
        %gather3A_1360 = tpu.vector_load_idx %arg5[%add3A_1359] : memref<6400xi32, #tpu.memory_space<vmem>>[vector<16xi32>], vector<16xi32>,
        %swap3A_1361 = arith.constant 16 : index
        %swap3A_1362 = tpu.vector_load %arg7[%swap3A_1361] {strides = array<i32>} : memref<128xi32, #tpu.memory_space<vmem>>, vector<16xi32>,
        tpu.vector_store %arg7[%swap3A_1361], %gather3A_1360 {strides = array<i32>} : memref<128xi32, #tpu.memory_space<vmem>>, vector<16xi32>,
        %add3A_1363 = arith.constant 1600 : i32
        %add3A_1364 = arith.addi %add3A_1363, %sub3A_1341 : i32
        %add3A_1365 = vector.broadcast %add3A_1364 : i32 to vector<16xi32>
        %add3A_1366 = arith.addi %mul3A_3, %add3A_1365 : vector<16xi32>
        %gather3A_1367 = tpu.vector_load_idx %arg5[%add3A_1366] : memref<6400xi32, #tpu.memory_space<vmem>>[vector<16xi32>], vector<16xi32>,
        %swap3A_1368 = arith.constant 32 : index
        %swap3A_1369 = tpu.vector_load %arg7[%swap3A_1368] {strides = array<i32>} : memref<128xi32, #tpu.memory_space<vmem>>, vector<16xi32>,
        tpu.vector_store %arg7[%swap3A_1368], %gather3A_1367 {strides = array<i32>} : memref<128xi32, #tpu.memory_space<vmem>>, vector<16xi32>,
        %add3A_1370 = arith.constant 2400 : i32
        %add3A_1371 = arith.addi %add3A_1370, %sub3A_1341 : i32
        %add3A_1372 = vector.broadcast %add3A_1371 : i32 to vector<16xi32>
        %add3A_1373 = arith.addi %mul3A_3, %add3A_1372 : vector<16xi32>
        %gather3A_1374 = tpu.vector_load_idx %arg5[%add3A_1373] : memref<6400xi32, #tpu.memory_space<vmem>>[vector<16xi32>], vector<16xi32>,
        %swap3A_1375 = arith.constant 48 : index
        %swap3A_1376 = tpu.vector_load %arg7[%swap3A_1375] {strides = array<i32>} : memref<128xi32, #tpu.memory_space<vmem>>, vector<16xi32>,
        tpu.vector_store %arg7[%swap3A_1375], %gather3A_1374 {strides = array<i32>} : memref<128xi32, #tpu.memory_space<vmem>>, vector<16xi32>,
        %add3A_1377 = arith.constant 3200 : i32
        %add3A_1378 = arith.addi %add3A_1377, %sub3A_1341 : i32
        %add3A_1379 = vector.broadcast %add3A_1378 : i32 to vector<16xi32>
        %add3A_1380 = arith.addi %mul3A_3, %add3A_1379 : vector<16xi32>
        %gather3A_1381 = tpu.vector_load_idx %arg5[%add3A_1380] : memref<6400xi32, #tpu.memory_space<vmem>>[vector<16xi32>], vector<16xi32>,
        %swap3A_1382 = arith.constant 64 : index
        %swap3A_1383 = tpu.vector_load %arg7[%swap3A_1382] {strides = array<i32>} : memref<128xi32, #tpu.memory_space<vmem>>, vector<16xi32>,
        tpu.vector_store %arg7[%swap3A_1382], %gather3A_1381 {strides = array<i32>} : memref<128xi32, #tpu.memory_space<vmem>>, vector<16xi32>,
        %add3A_1384 = arith.constant 4000 : i32
        %add3A_1385 = arith.addi %add3A_1384, %sub3A_1341 : i32
        %add3A_1386 = vector.broadcast %add3A_1385 : i32 to vector<16xi32>
        %add3A_1387 = arith.addi %mul3A_3, %add3A_1386 : vector<16xi32>
        %gather3A_1388 = tpu.vector_load_idx %arg5[%add3A_1387] : memref<6400xi32, #tpu.memory_space<vmem>>[vector<16xi32>], vector<16xi32>,
        %swap3A_1389 = arith.constant 80 : index
        %swap3A_1390 = tpu.vector_load %arg7[%swap3A_1389] {strides = array<i32>} : memref<128xi32, #tpu.memory_space<vmem>>, vector<16xi32>,
        tpu.vector_store %arg7[%swap3A_1389], %gather3A_1388 {strides = array<i32>} : memref<128xi32, #tpu.memory_space<vmem>>, vector<16xi32>,
        %add3A_1391 = arith.constant 4800 : i32
        %add3A_1392 = arith.addi %add3A_1391, %sub3A_1341 : i32
        %add3A_1393 = vector.broadcast %add3A_1392 : i32 to vector<16xi32>
        %add3A_1394 = arith.addi %mul3A_3, %add3A_1393 : vector<16xi32>
        %gather3A_1395 = tpu.vector_load_idx %arg5[%add3A_1394] : memref<6400xi32, #tpu.memory_space<vmem>>[vector<16xi32>], vector<16xi32>,
        %swap3A_1396 = arith.constant 96 : index
        %swap3A_1397 = tpu.vector_load %arg7[%swap3A_1396] {strides = array<i32>} : memref<128xi32, #tpu.memory_space<vmem>>, vector<16xi32>,
        tpu.vector_store %arg7[%swap3A_1396], %gather3A_1395 {strides = array<i32>} : memref<128xi32, #tpu.memory_space<vmem>>, vector<16xi32>,
        %add3A_1398 = arith.constant 5600 : i32
        %add3A_1399 = arith.addi %add3A_1398, %sub3A_1341 : i32
        %add3A_1400 = vector.broadcast %add3A_1399 : i32 to vector<16xi32>
        %add3A_1401 = arith.addi %mul3A_3, %add3A_1400 : vector<16xi32>
        %gather3A_1402 = tpu.vector_load_idx %arg5[%add3A_1401] : memref<6400xi32, #tpu.memory_space<vmem>>[vector<16xi32>], vector<16xi32>,
        %swap3A_1403 = arith.constant 112 : index
        %swap3A_1404 = tpu.vector_load %arg7[%swap3A_1403] {strides = array<i32>} : memref<128xi32, #tpu.memory_space<vmem>>, vector<16xi32>,
        tpu.vector_store %arg7[%swap3A_1403], %gather3A_1402 {strides = array<i32>} : memref<128xi32, #tpu.memory_space<vmem>>, vector<16xi32>,
        %dma_start3A_1405 = arith.constant 1 : i32
        %dma_start3A_1406 = arith.constant 0 : i32
        %dma_start3A_1407 = arith.constant 0 : i32
        %dma_start3A_1408 = tpu.memref_slice %arg10[%dma_start3A_1405, %dma_start3A_1406, %dma_start3A_1407] : memref<4x128x64xf32, #tpu.memory_space<vmem>> -> memref<1x128x64xf32, #tpu.memory_space<vmem>>
        %dma_start3A_1409 = tpu.memref_squeeze %dma_start3A_1408 : memref<1x128x64xf32, #tpu.memory_space<vmem>> -> memref<128x64xf32, #tpu.memory_space<vmem>>
        %dma_start3A_1410 = arith.constant 0 : i32
        %dma_start3A_1411 = arith.constant 0 : i32
        %dma_start3A_1412 = tpu.memref_slice %arg3[%dma_start3A_1410, %dma_start3A_1411] : memref<1000000x64xf32, #tpu.memory_space<hbm>> -> memref<1000000x64xf32, #tpu.memory_space<hbm>>
        tpu.enqueue_indirect_dma source(%dma_start3A_1412 : memref<1000000x64xf32, #tpu.memory_space<hbm>>) target(%dma_start3A_1409 : memref<128x64xf32, #tpu.memory_space<vmem>>) offsets(%arg7 : memref<128xi32, #tpu.memory_space<vmem>>) semaphore(%arg13 : memref<!tpu.dma_semaphore, #tpu.memory_space<semaphore_mem>>)
      } else {
      }
      %mul3A_1108 = arith.constant 4 : i32
      %mul3A_1109 = arith.muli %mul3A_1108, %add3A_504 : i32
      %add3A_1110 = arith.constant 3 : i32
      %add3A_1111 = arith.addi %mul3A_1109, %add3A_1110 : i32
      %dma_wait3A_1112 = arith.constant 3 : i32
      %dma_wait3A_1113 = arith.constant 0 : i32
      %dma_wait3A_1114 = arith.constant 0 : i32
      %dma_wait3A_1115 = tpu.memref_slice %arg10[%dma_wait3A_1112, %dma_wait3A_1113, %dma_wait3A_1114] : memref<4x128x64xf32, #tpu.memory_space<vmem>> -> memref<1x128x64xf32, #tpu.memory_space<vmem>>
      %dma_wait3A_1116 = tpu.memref_squeeze %dma_wait3A_1115 : memref<1x128x64xf32, #tpu.memory_space<vmem>> -> memref<128x64xf32, #tpu.memory_space<vmem>>
      %dma_wait3A_1117 = arith.constant 0 : i32
      %dma_wait3A_1118 = arith.constant 0 : i32
      %dma_wait3A_1119 = tpu.memref_slice %arg3[%dma_wait3A_1117, %dma_wait3A_1118] : memref<1000000x64xf32, #tpu.memory_space<hbm>> -> memref<1000000x64xf32, #tpu.memory_space<hbm>>
      tpu.wait_indirect_dma semaphore(%arg15 : memref<!tpu.dma_semaphore, #tpu.memory_space<semaphore_mem>>) src(%dma_wait3A_1119 : memref<1000000x64xf32, #tpu.memory_space<hbm>>) dst(%dma_wait3A_1116 : memref<128x64xf32, #tpu.memory_space<vmem>>)
      %ge3A_1120 = arith.constant 2 : i32
      %ge3A_1121 = arith.cmpi sge, %add3A_1111, %ge3A_1120 : i32
      %convert_element_type3A_1122 = arith.extui %ge3A_1121 : i1 to i32
      %cond3A_1123 = arith.constant 0 : i32
      %cond3A_1124 = arith.cmpi ne, %convert_element_type3A_1122, %cond3A_1123 : i32
      scf.if %cond3A_1124 {
        %dma_wait3A_1313 = arith.constant 1 : i32
        %dma_wait3A_1314 = arith.constant 0 : i32
        %dma_wait3A_1315 = arith.constant 0 : i32
        %dma_wait3A_1316 = arith.constant 0 : i32
        %dma_wait3A_1317 = arith.constant 0 : i32
        %dma_wait3A_1318 = arith.constant 0 : i32
        %dma_wait3A_1319 = tpu.memref_slice %arg11[%dma_wait3A_1313, %dma_wait3A_1317, %dma_wait3A_1318] : memref<2x64x129xf32, #tpu.memory_space<vmem>> -> memref<1x8x128xf32, #tpu.memory_space<vmem>>
        %dma_wait3A_1320 = tpu.memref_squeeze %dma_wait3A_1319 : memref<1x8x128xf32, #tpu.memory_space<vmem>> -> memref<8x128xf32, #tpu.memory_space<vmem>>
        %dma_wait3A_1321 = arith.constant 0 : i32
        %dma_wait3A_1322 = arith.constant 0 : i32
        %dma_wait3A_1323 = tpu.memref_slice %arg4[%dma_wait3A_1314, %dma_wait3A_1315, %dma_wait3A_1316, %dma_wait3A_1321, %dma_wait3A_1322] : memref<50x8x128x8x128xf32, #tpu.memory_space<hbm>> -> memref<1x1x1x8x128xf32, #tpu.memory_space<hbm>>
        %dma_wait3A_1324 = tpu.memref_squeeze %dma_wait3A_1323 : memref<1x1x1x8x128xf32, #tpu.memory_space<hbm>> -> memref<8x128xf32, #tpu.memory_space<hbm>>
        %dma_wait3A_1325 = arith.constant 0 : i32
        %dma_wait3A_1326 = arith.constant 0 : i32
        %dma_wait3A_1327 = tpu.memref_slice %arg4[%dma_wait3A_1314, %dma_wait3A_1315, %dma_wait3A_1316, %dma_wait3A_1325, %dma_wait3A_1326] : memref<50x8x128x8x128xf32, #tpu.memory_space<hbm>> -> memref<1x1x1x8x128xf32, #tpu.memory_space<hbm>>
        %dma_wait3A_1328 = tpu.memref_squeeze %dma_wait3A_1327 : memref<1x1x1x8x128xf32, #tpu.memory_space<hbm>> -> memref<8x128xf32, #tpu.memory_space<hbm>>
        %dma_wait3A_1329 = arith.constant 0 : i32
        %dma_wait3A_1330 = arith.constant 0 : i32
        %dma_wait3A_1331 = tpu.memref_slice %arg11[%dma_wait3A_1313, %dma_wait3A_1329, %dma_wait3A_1330] : memref<2x64x129xf32, #tpu.memory_space<vmem>> -> memref<1x8x128xf32, #tpu.memory_space<vmem>>
        %dma_wait3A_1332 = tpu.memref_squeeze %dma_wait3A_1331 : memref<1x8x128xf32, #tpu.memory_space<vmem>> -> memref<8x128xf32, #tpu.memory_space<vmem>>
        tpu.wait_dma2 semaphore(%arg17 : memref<!tpu.dma_semaphore, #tpu.memory_space<semaphore_mem>>) src(%dma_wait3A_1332 : memref<8x128xf32, #tpu.memory_space<vmem>>) dst(%dma_wait3A_1328 : memref<8x128xf32, #tpu.memory_space<hbm>>)
        %dma_wait3A_1333 = arith.constant 1 : i32
        %dma_wait3A_1334 = arith.constant 0 : i32
        %dma_wait3A_1335 = arith.constant 1 : i32
        %dma_wait3A_1336 = arith.constant 0 : i32
        %dma_wait3A_1337 = arith.constant 8 : i32
        %dma_wait3A_1338 = arith.constant 0 : i32
        %dma_wait3A_1339 = tpu.memref_slice %arg11[%dma_wait3A_1333, %dma_wait3A_1337, %dma_wait3A_1338] : memref<2x64x129xf32, #tpu.memory_space<vmem>> -> memref<1x8x128xf32, #tpu.memory_space<vmem>>
        %dma_wait3A_1340 = tpu.memref_squeeze %dma_wait3A_1339 : memref<1x8x128xf32, #tpu.memory_space<vmem>> -> memref<8x128xf32, #tpu.memory_space<vmem>>
        %dma_wait3A_1341 = arith.constant 0 : i32
        %dma_wait3A_1342 = arith.constant 0 : i32
        %dma_wait3A_1343 = tpu.memref_slice %arg4[%dma_wait3A_1334, %dma_wait3A_1335, %dma_wait3A_1336, %dma_wait3A_1341, %dma_wait3A_1342] : memref<50x8x128x8x128xf32, #tpu.memory_space<hbm>> -> memref<1x1x1x8x128xf32, #tpu.memory_space<hbm>>
        %dma_wait3A_1344 = tpu.memref_squeeze %dma_wait3A_1343 : memref<1x1x1x8x128xf32, #tpu.memory_space<hbm>> -> memref<8x128xf32, #tpu.memory_space<hbm>>
        %dma_wait3A_1345 = arith.constant 0 : i32
        %dma_wait3A_1346 = arith.constant 0 : i32
        %dma_wait3A_1347 = tpu.memref_slice %arg4[%dma_wait3A_1334, %dma_wait3A_1335, %dma_wait3A_1336, %dma_wait3A_1345, %dma_wait3A_1346] : memref<50x8x128x8x128xf32, #tpu.memory_space<hbm>> -> memref<1x1x1x8x128xf32, #tpu.memory_space<hbm>>
        %dma_wait3A_1348 = tpu.memref_squeeze %dma_wait3A_1347 : memref<1x1x1x8x128xf32, #tpu.memory_space<hbm>> -> memref<8x128xf32, #tpu.memory_space<hbm>>
        %dma_wait3A_1349 = arith.constant 8 : i32
        %dma_wait3A_1350 = arith.constant 0 : i32
        %dma_wait3A_1351 = tpu.memref_slice %arg11[%dma_wait3A_1333, %dma_wait3A_1349, %dma_wait3A_1350] : memref<2x64x129xf32, #tpu.memory_space<vmem>> -> memref<1x8x128xf32, #tpu.memory_space<vmem>>
        %dma_wait3A_1352 = tpu.memref_squeeze %dma_wait3A_1351 : memref<1x8x128xf32, #tpu.memory_space<vmem>> -> memref<8x128xf32, #tpu.memory_space<vmem>>
        tpu.wait_dma2 semaphore(%arg17 : memref<!tpu.dma_semaphore, #tpu.memory_space<semaphore_mem>>) src(%dma_wait3A_1352 : memref<8x128xf32, #tpu.memory_space<vmem>>) dst(%dma_wait3A_1348 : memref<8x128xf32, #tpu.memory_space<hbm>>)
        %dma_wait3A_1353 = arith.constant 1 : i32
        %dma_wait3A_1354 = arith.constant 0 : i32
        %dma_wait3A_1355 = arith.constant 2 : i32
        %dma_wait3A_1356 = arith.constant 0 : i32
        %dma_wait3A_1357 = arith.constant 16 : i32
        %dma_wait3A_1358 = arith.constant 0 : i32
        %dma_wait3A_1359 = tpu.memref_slice %arg11[%dma_wait3A_1353, %dma_wait3A_1357, %dma_wait3A_1358] : memref<2x64x129xf32, #tpu.memory_space<vmem>> -> memref<1x8x128xf32, #tpu.memory_space<vmem>>
        %dma_wait3A_1360 = tpu.memref_squeeze %dma_wait3A_1359 : memref<1x8x128xf32, #tpu.memory_space<vmem>> -> memref<8x128xf32, #tpu.memory_space<vmem>>
        %dma_wait3A_1361 = arith.constant 0 : i32
        %dma_wait3A_1362 = arith.constant 0 : i32
        %dma_wait3A_1363 = tpu.memref_slice %arg4[%dma_wait3A_1354, %dma_wait3A_1355, %dma_wait3A_1356, %dma_wait3A_1361, %dma_wait3A_1362] : memref<50x8x128x8x128xf32, #tpu.memory_space<hbm>> -> memref<1x1x1x8x128xf32, #tpu.memory_space<hbm>>
        %dma_wait3A_1364 = tpu.memref_squeeze %dma_wait3A_1363 : memref<1x1x1x8x128xf32, #tpu.memory_space<hbm>> -> memref<8x128xf32, #tpu.memory_space<hbm>>
        %dma_wait3A_1365 = arith.constant 0 : i32
        %dma_wait3A_1366 = arith.constant 0 : i32
        %dma_wait3A_1367 = tpu.memref_slice %arg4[%dma_wait3A_1354, %dma_wait3A_1355, %dma_wait3A_1356, %dma_wait3A_1365, %dma_wait3A_1366] : memref<50x8x128x8x128xf32, #tpu.memory_space<hbm>> -> memref<1x1x1x8x128xf32, #tpu.memory_space<hbm>>
        %dma_wait3A_1368 = tpu.memref_squeeze %dma_wait3A_1367 : memref<1x1x1x8x128xf32, #tpu.memory_space<hbm>> -> memref<8x128xf32, #tpu.memory_space<hbm>>
        %dma_wait3A_1369 = arith.constant 16 : i32
        %dma_wait3A_1370 = arith.constant 0 : i32
        %dma_wait3A_1371 = tpu.memref_slice %arg11[%dma_wait3A_1353, %dma_wait3A_1369, %dma_wait3A_1370] : memref<2x64x129xf32, #tpu.memory_space<vmem>> -> memref<1x8x128xf32, #tpu.memory_space<vmem>>
        %dma_wait3A_1372 = tpu.memref_squeeze %dma_wait3A_1371 : memref<1x8x128xf32, #tpu.memory_space<vmem>> -> memref<8x128xf32, #tpu.memory_space<vmem>>
        tpu.wait_dma2 semaphore(%arg17 : memref<!tpu.dma_semaphore, #tpu.memory_space<semaphore_mem>>) src(%dma_wait3A_1372 : memref<8x128xf32, #tpu.memory_space<vmem>>) dst(%dma_wait3A_1368 : memref<8x128xf32, #tpu.memory_space<hbm>>)
        %dma_wait3A_1373 = arith.constant 1 : i32
        %dma_wait3A_1374 = arith.constant 0 : i32
        %dma_wait3A_1375 = arith.constant 3 : i32
        %dma_wait3A_1376 = arith.constant 0 : i32
        %dma_wait3A_1377 = arith.constant 24 : i32
        %dma_wait3A_1378 = arith.constant 0 : i32
        %dma_wait3A_1379 = tpu.memref_slice %arg11[%dma_wait3A_1373, %dma_wait3A_1377, %dma_wait3A_1378] : memref<2x64x129xf32, #tpu.memory_space<vmem>> -> memref<1x8x128xf32, #tpu.memory_space<vmem>>
        %dma_wait3A_1380 = tpu.memref_squeeze %dma_wait3A_1379 : memref<1x8x128xf32, #tpu.memory_space<vmem>> -> memref<8x128xf32, #tpu.memory_space<vmem>>
        %dma_wait3A_1381 = arith.constant 0 : i32
        %dma_wait3A_1382 = arith.constant 0 : i32
        %dma_wait3A_1383 = tpu.memref_slice %arg4[%dma_wait3A_1374, %dma_wait3A_1375, %dma_wait3A_1376, %dma_wait3A_1381, %dma_wait3A_1382] : memref<50x8x128x8x128xf32, #tpu.memory_space<hbm>> -> memref<1x1x1x8x128xf32, #tpu.memory_space<hbm>>
        %dma_wait3A_1384 = tpu.memref_squeeze %dma_wait3A_1383 : memref<1x1x1x8x128xf32, #tpu.memory_space<hbm>> -> memref<8x128xf32, #tpu.memory_space<hbm>>
        %dma_wait3A_1385 = arith.constant 0 : i32
        %dma_wait3A_1386 = arith.constant 0 : i32
        %dma_wait3A_1387 = tpu.memref_slice %arg4[%dma_wait3A_1374, %dma_wait3A_1375, %dma_wait3A_1376, %dma_wait3A_1385, %dma_wait3A_1386] : memref<50x8x128x8x128xf32, #tpu.memory_space<hbm>> -> memref<1x1x1x8x128xf32, #tpu.memory_space<hbm>>
        %dma_wait3A_1388 = tpu.memref_squeeze %dma_wait3A_1387 : memref<1x1x1x8x128xf32, #tpu.memory_space<hbm>> -> memref<8x128xf32, #tpu.memory_space<hbm>>
        %dma_wait3A_1389 = arith.constant 24 : i32
        %dma_wait3A_1390 = arith.constant 0 : i32
        %dma_wait3A_1391 = tpu.memref_slice %arg11[%dma_wait3A_1373, %dma_wait3A_1389, %dma_wait3A_1390] : memref<2x64x129xf32, #tpu.memory_space<vmem>> -> memref<1x8x128xf32, #tpu.memory_space<vmem>>
        %dma_wait3A_1392 = tpu.memref_squeeze %dma_wait3A_1391 : memref<1x8x128xf32, #tpu.memory_space<vmem>> -> memref<8x128xf32, #tpu.memory_space<vmem>>
        tpu.wait_dma2 semaphore(%arg17 : memref<!tpu.dma_semaphore, #tpu.memory_space<semaphore_mem>>) src(%dma_wait3A_1392 : memref<8x128xf32, #tpu.memory_space<vmem>>) dst(%dma_wait3A_1388 : memref<8x128xf32, #tpu.memory_space<hbm>>)
        %dma_wait3A_1393 = arith.constant 1 : i32
        %dma_wait3A_1394 = arith.constant 0 : i32
        %dma_wait3A_1395 = arith.constant 4 : i32
        %dma_wait3A_1396 = arith.constant 0 : i32
        %dma_wait3A_1397 = arith.constant 32 : i32
        %dma_wait3A_1398 = arith.constant 0 : i32
        %dma_wait3A_1399 = tpu.memref_slice %arg11[%dma_wait3A_1393, %dma_wait3A_1397, %dma_wait3A_1398] : memref<2x64x129xf32, #tpu.memory_space<vmem>> -> memref<1x8x128xf32, #tpu.memory_space<vmem>>
        %dma_wait3A_1400 = tpu.memref_squeeze %dma_wait3A_1399 : memref<1x8x128xf32, #tpu.memory_space<vmem>> -> memref<8x128xf32, #tpu.memory_space<vmem>>
        %dma_wait3A_1401 = arith.constant 0 : i32
        %dma_wait3A_1402 = arith.constant 0 : i32
        %dma_wait3A_1403 = tpu.memref_slice %arg4[%dma_wait3A_1394, %dma_wait3A_1395, %dma_wait3A_1396, %dma_wait3A_1401, %dma_wait3A_1402] : memref<50x8x128x8x128xf32, #tpu.memory_space<hbm>> -> memref<1x1x1x8x128xf32, #tpu.memory_space<hbm>>
        %dma_wait3A_1404 = tpu.memref_squeeze %dma_wait3A_1403 : memref<1x1x1x8x128xf32, #tpu.memory_space<hbm>> -> memref<8x128xf32, #tpu.memory_space<hbm>>
        %dma_wait3A_1405 = arith.constant 0 : i32
        %dma_wait3A_1406 = arith.constant 0 : i32
        %dma_wait3A_1407 = tpu.memref_slice %arg4[%dma_wait3A_1394, %dma_wait3A_1395, %dma_wait3A_1396, %dma_wait3A_1405, %dma_wait3A_1406] : memref<50x8x128x8x128xf32, #tpu.memory_space<hbm>> -> memref<1x1x1x8x128xf32, #tpu.memory_space<hbm>>
        %dma_wait3A_1408 = tpu.memref_squeeze %dma_wait3A_1407 : memref<1x1x1x8x128xf32, #tpu.memory_space<hbm>> -> memref<8x128xf32, #tpu.memory_space<hbm>>
        %dma_wait3A_1409 = arith.constant 32 : i32
        %dma_wait3A_1410 = arith.constant 0 : i32
        %dma_wait3A_1411 = tpu.memref_slice %arg11[%dma_wait3A_1393, %dma_wait3A_1409, %dma_wait3A_1410] : memref<2x64x129xf32, #tpu.memory_space<vmem>> -> memref<1x8x128xf32, #tpu.memory_space<vmem>>
        %dma_wait3A_1412 = tpu.memref_squeeze %dma_wait3A_1411 : memref<1x8x128xf32, #tpu.memory_space<vmem>> -> memref<8x128xf32, #tpu.memory_space<vmem>>
        tpu.wait_dma2 semaphore(%arg17 : memref<!tpu.dma_semaphore, #tpu.memory_space<semaphore_mem>>) src(%dma_wait3A_1412 : memref<8x128xf32, #tpu.memory_space<vmem>>) dst(%dma_wait3A_1408 : memref<8x128xf32, #tpu.memory_space<hbm>>)
        %dma_wait3A_1413 = arith.constant 1 : i32
        %dma_wait3A_1414 = arith.constant 0 : i32
        %dma_wait3A_1415 = arith.constant 5 : i32
        %dma_wait3A_1416 = arith.constant 0 : i32
        %dma_wait3A_1417 = arith.constant 40 : i32
        %dma_wait3A_1418 = arith.constant 0 : i32
        %dma_wait3A_1419 = tpu.memref_slice %arg11[%dma_wait3A_1413, %dma_wait3A_1417, %dma_wait3A_1418] : memref<2x64x129xf32, #tpu.memory_space<vmem>> -> memref<1x8x128xf32, #tpu.memory_space<vmem>>
        %dma_wait3A_1420 = tpu.memref_squeeze %dma_wait3A_1419 : memref<1x8x128xf32, #tpu.memory_space<vmem>> -> memref<8x128xf32, #tpu.memory_space<vmem>>
        %dma_wait3A_1421 = arith.constant 0 : i32
        %dma_wait3A_1422 = arith.constant 0 : i32
        %dma_wait3A_1423 = tpu.memref_slice %arg4[%dma_wait3A_1414, %dma_wait3A_1415, %dma_wait3A_1416, %dma_wait3A_1421, %dma_wait3A_1422] : memref<50x8x128x8x128xf32, #tpu.memory_space<hbm>> -> memref<1x1x1x8x128xf32, #tpu.memory_space<hbm>>
        %dma_wait3A_1424 = tpu.memref_squeeze %dma_wait3A_1423 : memref<1x1x1x8x128xf32, #tpu.memory_space<hbm>> -> memref<8x128xf32, #tpu.memory_space<hbm>>
        %dma_wait3A_1425 = arith.constant 0 : i32
        %dma_wait3A_1426 = arith.constant 0 : i32
        %dma_wait3A_1427 = tpu.memref_slice %arg4[%dma_wait3A_1414, %dma_wait3A_1415, %dma_wait3A_1416, %dma_wait3A_1425, %dma_wait3A_1426] : memref<50x8x128x8x128xf32, #tpu.memory_space<hbm>> -> memref<1x1x1x8x128xf32, #tpu.memory_space<hbm>>
        %dma_wait3A_1428 = tpu.memref_squeeze %dma_wait3A_1427 : memref<1x1x1x8x128xf32, #tpu.memory_space<hbm>> -> memref<8x128xf32, #tpu.memory_space<hbm>>
        %dma_wait3A_1429 = arith.constant 40 : i32
        %dma_wait3A_1430 = arith.constant 0 : i32
        %dma_wait3A_1431 = tpu.memref_slice %arg11[%dma_wait3A_1413, %dma_wait3A_1429, %dma_wait3A_1430] : memref<2x64x129xf32, #tpu.memory_space<vmem>> -> memref<1x8x128xf32, #tpu.memory_space<vmem>>
        %dma_wait3A_1432 = tpu.memref_squeeze %dma_wait3A_1431 : memref<1x8x128xf32, #tpu.memory_space<vmem>> -> memref<8x128xf32, #tpu.memory_space<vmem>>
        tpu.wait_dma2 semaphore(%arg17 : memref<!tpu.dma_semaphore, #tpu.memory_space<semaphore_mem>>) src(%dma_wait3A_1432 : memref<8x128xf32, #tpu.memory_space<vmem>>) dst(%dma_wait3A_1428 : memref<8x128xf32, #tpu.memory_space<hbm>>)
        %dma_wait3A_1433 = arith.constant 1 : i32
        %dma_wait3A_1434 = arith.constant 0 : i32
        %dma_wait3A_1435 = arith.constant 6 : i32
        %dma_wait3A_1436 = arith.constant 0 : i32
        %dma_wait3A_1437 = arith.constant 48 : i32
        %dma_wait3A_1438 = arith.constant 0 : i32
        %dma_wait3A_1439 = tpu.memref_slice %arg11[%dma_wait3A_1433, %dma_wait3A_1437, %dma_wait3A_1438] : memref<2x64x129xf32, #tpu.memory_space<vmem>> -> memref<1x8x128xf32, #tpu.memory_space<vmem>>
        %dma_wait3A_1440 = tpu.memref_squeeze %dma_wait3A_1439 : memref<1x8x128xf32, #tpu.memory_space<vmem>> -> memref<8x128xf32, #tpu.memory_space<vmem>>
        %dma_wait3A_1441 = arith.constant 0 : i32
        %dma_wait3A_1442 = arith.constant 0 : i32
        %dma_wait3A_1443 = tpu.memref_slice %arg4[%dma_wait3A_1434, %dma_wait3A_1435, %dma_wait3A_1436, %dma_wait3A_1441, %dma_wait3A_1442] : memref<50x8x128x8x128xf32, #tpu.memory_space<hbm>> -> memref<1x1x1x8x128xf32, #tpu.memory_space<hbm>>
        %dma_wait3A_1444 = tpu.memref_squeeze %dma_wait3A_1443 : memref<1x1x1x8x128xf32, #tpu.memory_space<hbm>> -> memref<8x128xf32, #tpu.memory_space<hbm>>
        %dma_wait3A_1445 = arith.constant 0 : i32
        %dma_wait3A_1446 = arith.constant 0 : i32
        %dma_wait3A_1447 = tpu.memref_slice %arg4[%dma_wait3A_1434, %dma_wait3A_1435, %dma_wait3A_1436, %dma_wait3A_1445, %dma_wait3A_1446] : memref<50x8x128x8x128xf32, #tpu.memory_space<hbm>> -> memref<1x1x1x8x128xf32, #tpu.memory_space<hbm>>
        %dma_wait3A_1448 = tpu.memref_squeeze %dma_wait3A_1447 : memref<1x1x1x8x128xf32, #tpu.memory_space<hbm>> -> memref<8x128xf32, #tpu.memory_space<hbm>>
        %dma_wait3A_1449 = arith.constant 48 : i32
        %dma_wait3A_1450 = arith.constant 0 : i32
        %dma_wait3A_1451 = tpu.memref_slice %arg11[%dma_wait3A_1433, %dma_wait3A_1449, %dma_wait3A_1450] : memref<2x64x129xf32, #tpu.memory_space<vmem>> -> memref<1x8x128xf32, #tpu.memory_space<vmem>>
        %dma_wait3A_1452 = tpu.memref_squeeze %dma_wait3A_1451 : memref<1x8x128xf32, #tpu.memory_space<vmem>> -> memref<8x128xf32, #tpu.memory_space<vmem>>
        tpu.wait_dma2 semaphore(%arg17 : memref<!tpu.dma_semaphore, #tpu.memory_space<semaphore_mem>>) src(%dma_wait3A_1452 : memref<8x128xf32, #tpu.memory_space<vmem>>) dst(%dma_wait3A_1448 : memref<8x128xf32, #tpu.memory_space<hbm>>)
        %dma_wait3A_1453 = arith.constant 1 : i32
        %dma_wait3A_1454 = arith.constant 0 : i32
        %dma_wait3A_1455 = arith.constant 7 : i32
        %dma_wait3A_1456 = arith.constant 0 : i32
        %dma_wait3A_1457 = arith.constant 56 : i32
        %dma_wait3A_1458 = arith.constant 0 : i32
        %dma_wait3A_1459 = tpu.memref_slice %arg11[%dma_wait3A_1453, %dma_wait3A_1457, %dma_wait3A_1458] : memref<2x64x129xf32, #tpu.memory_space<vmem>> -> memref<1x8x128xf32, #tpu.memory_space<vmem>>
        %dma_wait3A_1460 = tpu.memref_squeeze %dma_wait3A_1459 : memref<1x8x128xf32, #tpu.memory_space<vmem>> -> memref<8x128xf32, #tpu.memory_space<vmem>>
        %dma_wait3A_1461 = arith.constant 0 : i32
        %dma_wait3A_1462 = arith.constant 0 : i32
        %dma_wait3A_1463 = tpu.memref_slice %arg4[%dma_wait3A_1454, %dma_wait3A_1455, %dma_wait3A_1456, %dma_wait3A_1461, %dma_wait3A_1462] : memref<50x8x128x8x128xf32, #tpu.memory_space<hbm>> -> memref<1x1x1x8x128xf32, #tpu.memory_space<hbm>>
        %dma_wait3A_1464 = tpu.memref_squeeze %dma_wait3A_1463 : memref<1x1x1x8x128xf32, #tpu.memory_space<hbm>> -> memref<8x128xf32, #tpu.memory_space<hbm>>
        %dma_wait3A_1465 = arith.constant 0 : i32
        %dma_wait3A_1466 = arith.constant 0 : i32
        %dma_wait3A_1467 = tpu.memref_slice %arg4[%dma_wait3A_1454, %dma_wait3A_1455, %dma_wait3A_1456, %dma_wait3A_1465, %dma_wait3A_1466] : memref<50x8x128x8x128xf32, #tpu.memory_space<hbm>> -> memref<1x1x1x8x128xf32, #tpu.memory_space<hbm>>
        %dma_wait3A_1468 = tpu.memref_squeeze %dma_wait3A_1467 : memref<1x1x1x8x128xf32, #tpu.memory_space<hbm>> -> memref<8x128xf32, #tpu.memory_space<hbm>>
        %dma_wait3A_1469 = arith.constant 56 : i32
        %dma_wait3A_1470 = arith.constant 0 : i32
        %dma_wait3A_1471 = tpu.memref_slice %arg11[%dma_wait3A_1453, %dma_wait3A_1469, %dma_wait3A_1470] : memref<2x64x129xf32, #tpu.memory_space<vmem>> -> memref<1x8x128xf32, #tpu.memory_space<vmem>>
        %dma_wait3A_1472 = tpu.memref_squeeze %dma_wait3A_1471 : memref<1x8x128xf32, #tpu.memory_space<vmem>> -> memref<8x128xf32, #tpu.memory_space<vmem>>
        tpu.wait_dma2 semaphore(%arg17 : memref<!tpu.dma_semaphore, #tpu.memory_space<semaphore_mem>>) src(%dma_wait3A_1472 : memref<8x128xf32, #tpu.memory_space<vmem>>) dst(%dma_wait3A_1468 : memref<8x128xf32, #tpu.memory_space<hbm>>)
      } else {
      }
      %scan3A_1125 = arith.constant 3 : i32
      %scan3A_1126 = arith.constant 1 : i32
      %scan3A_1127 = arith.constant 0 : i32
      %scan3A_1128 = arith.constant 32 : i32
      %scan3A_1129 = arith.addi %scan3A_1127, %scan3A_1128 : i32
      %scan3A_1130 = arith.constant 1 : i32
      scf.for %scan3A_1313 = %scan3A_1127 to %scan3A_1129 step %scan3A_1130  : i32 {
        %mul3A_1314 = arith.constant 1 : i32
        %mul3A_1315 = arith.muli %scan3A_1313, %mul3A_1314 : i32
        %add3A_1316 = arith.constant 0 : i32
        %add3A_1317 = arith.addi %add3A_1316, %mul3A_1315 : i32
        %mul3A_1318 = arith.constant 4 : i32
        %mul3A_1319 = arith.muli %add3A_1317, %mul3A_1318 : i32
        %broadcast_in_dim3A = vector.broadcast %mul3A_1319 : i32 to vector<16xi32>
        %add3A_1320 = arith.constant 0 : i32
        %add3A_1321 = vector.broadcast %add3A_1320 : i32 to vector<16xi32>
        %add3A_1322 = arith.addi %broadcast_in_dim3A, %add3A_1321 : vector<16xi32>
        %add3A_1323 = arith.constant 0 : i32
        %add3A_1324 = arith.addi %mul3A_1319, %add3A_1323 : i32
        %get3A = arith.constant 0 : i32
        %get3A_1325 = arith.constant 0 : i32
        %get3A_1326 = tpu.memref_slice %arg10[%scan3A_1125, %get3A, %get3A_1325] : memref<4x128x64xf32, #tpu.memory_space<vmem>> -> memref<1x128x64xf32, #tpu.memory_space<vmem>>
        %get3A_1327 = tpu.memref_squeeze %get3A_1326 : memref<1x128x64xf32, #tpu.memory_space<vmem>> -> memref<128x64xf32, #tpu.memory_space<vmem>>
        %get3A_1328 = arith.index_cast %add3A_1324 : i32 to index
        %get3A_1329 = arith.constant 0 : index
        %get3A_1330 = tpu.vector_load %get3A_1327[%get3A_1328, %get3A_1329] {strides = array<i32>} : memref<128x64xf32, #tpu.memory_space<vmem>>, vector<16xf32>,
        %add3A_1331 = arith.constant 0 : i32
        %add3A_1332 = vector.broadcast %add3A_1331 : i32 to vector<16xi32>
        %add3A_1333 = arith.addi %iota3A, %add3A_1332 : vector<16xi32>
        %scatter3A = arith.constant 0 : i32
        %scatter3A_1334 = arith.constant 0 : i32
        %scatter3A_1335 = tpu.memref_slice %arg11[%scan3A_1126, %scatter3A, %scatter3A_1334] : memref<2x64x129xf32, #tpu.memory_space<vmem>> -> memref<1x64x129xf32, #tpu.memory_space<vmem>>
        %scatter3A_1336 = tpu.memref_squeeze %scatter3A_1335 : memref<1x64x129xf32, #tpu.memory_space<vmem>> -> memref<64x129xf32, #tpu.memory_space<vmem>>
        tpu.vector_store_idx %scatter3A_1336[%add3A_1333, %add3A_1322], %get3A_1330 : memref<64x129xf32, #tpu.memory_space<vmem>>[vector<16xi32>, vector<16xi32>], vector<16xf32>,
        %add3A_1337 = arith.constant 0 : i32
        %add3A_1338 = arith.addi %mul3A_1319, %add3A_1337 : i32
        %get3A_1339 = arith.constant 0 : i32
        %get3A_1340 = arith.constant 0 : i32
        %get3A_1341 = tpu.memref_slice %arg10[%scan3A_1125, %get3A_1339, %get3A_1340] : memref<4x128x64xf32, #tpu.memory_space<vmem>> -> memref<1x128x64xf32, #tpu.memory_space<vmem>>
        %get3A_1342 = tpu.memref_squeeze %get3A_1341 : memref<1x128x64xf32, #tpu.memory_space<vmem>> -> memref<128x64xf32, #tpu.memory_space<vmem>>
        %get3A_1343 = arith.index_cast %add3A_1338 : i32 to index
        %get3A_1344 = arith.constant 16 : index
        %get3A_1345 = tpu.vector_load %get3A_1342[%get3A_1343, %get3A_1344] {strides = array<i32>} : memref<128x64xf32, #tpu.memory_space<vmem>>, vector<16xf32>,
        %add3A_1346 = arith.constant 16 : i32
        %add3A_1347 = vector.broadcast %add3A_1346 : i32 to vector<16xi32>
        %add3A_1348 = arith.addi %iota3A, %add3A_1347 : vector<16xi32>
        %scatter3A_1349 = arith.constant 0 : i32
        %scatter3A_1350 = arith.constant 0 : i32
        %scatter3A_1351 = tpu.memref_slice %arg11[%scan3A_1126, %scatter3A_1349, %scatter3A_1350] : memref<2x64x129xf32, #tpu.memory_space<vmem>> -> memref<1x64x129xf32, #tpu.memory_space<vmem>>
        %scatter3A_1352 = tpu.memref_squeeze %scatter3A_1351 : memref<1x64x129xf32, #tpu.memory_space<vmem>> -> memref<64x129xf32, #tpu.memory_space<vmem>>
        tpu.vector_store_idx %scatter3A_1352[%add3A_1348, %add3A_1322], %get3A_1345 : memref<64x129xf32, #tpu.memory_space<vmem>>[vector<16xi32>, vector<16xi32>], vector<16xf32>,
        %add3A_1353 = arith.constant 0 : i32
        %add3A_1354 = arith.addi %mul3A_1319, %add3A_1353 : i32
        %get3A_1355 = arith.constant 0 : i32
        %get3A_1356 = arith.constant 0 : i32
        %get3A_1357 = tpu.memref_slice %arg10[%scan3A_1125, %get3A_1355, %get3A_1356] : memref<4x128x64xf32, #tpu.memory_space<vmem>> -> memref<1x128x64xf32, #tpu.memory_space<vmem>>
        %get3A_1358 = tpu.memref_squeeze %get3A_1357 : memref<1x128x64xf32, #tpu.memory_space<vmem>> -> memref<128x64xf32, #tpu.memory_space<vmem>>
        %get3A_1359 = arith.index_cast %add3A_1354 : i32 to index
        %get3A_1360 = arith.constant 32 : index
        %get3A_1361 = tpu.vector_load %get3A_1358[%get3A_1359, %get3A_1360] {strides = array<i32>} : memref<128x64xf32, #tpu.memory_space<vmem>>, vector<16xf32>,
        %add3A_1362 = arith.constant 32 : i32
        %add3A_1363 = vector.broadcast %add3A_1362 : i32 to vector<16xi32>
        %add3A_1364 = arith.addi %iota3A, %add3A_1363 : vector<16xi32>
        %scatter3A_1365 = arith.constant 0 : i32
        %scatter3A_1366 = arith.constant 0 : i32
        %scatter3A_1367 = tpu.memref_slice %arg11[%scan3A_1126, %scatter3A_1365, %scatter3A_1366] : memref<2x64x129xf32, #tpu.memory_space<vmem>> -> memref<1x64x129xf32, #tpu.memory_space<vmem>>
        %scatter3A_1368 = tpu.memref_squeeze %scatter3A_1367 : memref<1x64x129xf32, #tpu.memory_space<vmem>> -> memref<64x129xf32, #tpu.memory_space<vmem>>
        tpu.vector_store_idx %scatter3A_1368[%add3A_1364, %add3A_1322], %get3A_1361 : memref<64x129xf32, #tpu.memory_space<vmem>>[vector<16xi32>, vector<16xi32>], vector<16xf32>,
        %add3A_1369 = arith.constant 0 : i32
        %add3A_1370 = arith.addi %mul3A_1319, %add3A_1369 : i32
        %get3A_1371 = arith.constant 0 : i32
        %get3A_1372 = arith.constant 0 : i32
        %get3A_1373 = tpu.memref_slice %arg10[%scan3A_1125, %get3A_1371, %get3A_1372] : memref<4x128x64xf32, #tpu.memory_space<vmem>> -> memref<1x128x64xf32, #tpu.memory_space<vmem>>
        %get3A_1374 = tpu.memref_squeeze %get3A_1373 : memref<1x128x64xf32, #tpu.memory_space<vmem>> -> memref<128x64xf32, #tpu.memory_space<vmem>>
        %get3A_1375 = arith.index_cast %add3A_1370 : i32 to index
        %get3A_1376 = arith.constant 48 : index
        %get3A_1377 = tpu.vector_load %get3A_1374[%get3A_1375, %get3A_1376] {strides = array<i32>} : memref<128x64xf32, #tpu.memory_space<vmem>>, vector<16xf32>,
        %add3A_1378 = arith.constant 48 : i32
        %add3A_1379 = vector.broadcast %add3A_1378 : i32 to vector<16xi32>
        %add3A_1380 = arith.addi %iota3A, %add3A_1379 : vector<16xi32>
        %scatter3A_1381 = arith.constant 0 : i32
        %scatter3A_1382 = arith.constant 0 : i32
        %scatter3A_1383 = tpu.memref_slice %arg11[%scan3A_1126, %scatter3A_1381, %scatter3A_1382] : memref<2x64x129xf32, #tpu.memory_space<vmem>> -> memref<1x64x129xf32, #tpu.memory_space<vmem>>
        %scatter3A_1384 = tpu.memref_squeeze %scatter3A_1383 : memref<1x64x129xf32, #tpu.memory_space<vmem>> -> memref<64x129xf32, #tpu.memory_space<vmem>>
        tpu.vector_store_idx %scatter3A_1384[%add3A_1380, %add3A_1322], %get3A_1377 : memref<64x129xf32, #tpu.memory_space<vmem>>[vector<16xi32>, vector<16xi32>], vector<16xf32>,
        %add3A_1385 = arith.constant 1 : i32
        %add3A_1386 = vector.broadcast %add3A_1385 : i32 to vector<16xi32>
        %add3A_1387 = arith.addi %broadcast_in_dim3A, %add3A_1386 : vector<16xi32>
        %add3A_1388 = arith.constant 1 : i32
        %add3A_1389 = arith.addi %mul3A_1319, %add3A_1388 : i32
        %get3A_1390 = arith.constant 0 : i32
        %get3A_1391 = arith.constant 0 : i32
        %get3A_1392 = tpu.memref_slice %arg10[%scan3A_1125, %get3A_1390, %get3A_1391] : memref<4x128x64xf32, #tpu.memory_space<vmem>> -> memref<1x128x64xf32, #tpu.memory_space<vmem>>
        %get3A_1393 = tpu.memref_squeeze %get3A_1392 : memref<1x128x64xf32, #tpu.memory_space<vmem>> -> memref<128x64xf32, #tpu.memory_space<vmem>>
        %get3A_1394 = arith.index_cast %add3A_1389 : i32 to index
        %get3A_1395 = arith.constant 0 : index
        %get3A_1396 = tpu.vector_load %get3A_1393[%get3A_1394, %get3A_1395] {strides = array<i32>} : memref<128x64xf32, #tpu.memory_space<vmem>>, vector<16xf32>,
        %add3A_1397 = arith.constant 0 : i32
        %add3A_1398 = vector.broadcast %add3A_1397 : i32 to vector<16xi32>
        %add3A_1399 = arith.addi %iota3A, %add3A_1398 : vector<16xi32>
        %scatter3A_1400 = arith.constant 0 : i32
        %scatter3A_1401 = arith.constant 0 : i32
        %scatter3A_1402 = tpu.memref_slice %arg11[%scan3A_1126, %scatter3A_1400, %scatter3A_1401] : memref<2x64x129xf32, #tpu.memory_space<vmem>> -> memref<1x64x129xf32, #tpu.memory_space<vmem>>
        %scatter3A_1403 = tpu.memref_squeeze %scatter3A_1402 : memref<1x64x129xf32, #tpu.memory_space<vmem>> -> memref<64x129xf32, #tpu.memory_space<vmem>>
        tpu.vector_store_idx %scatter3A_1403[%add3A_1399, %add3A_1387], %get3A_1396 : memref<64x129xf32, #tpu.memory_space<vmem>>[vector<16xi32>, vector<16xi32>], vector<16xf32>,
        %add3A_1404 = arith.constant 1 : i32
        %add3A_1405 = arith.addi %mul3A_1319, %add3A_1404 : i32
        %get3A_1406 = arith.constant 0 : i32
        %get3A_1407 = arith.constant 0 : i32
        %get3A_1408 = tpu.memref_slice %arg10[%scan3A_1125, %get3A_1406, %get3A_1407] : memref<4x128x64xf32, #tpu.memory_space<vmem>> -> memref<1x128x64xf32, #tpu.memory_space<vmem>>
        %get3A_1409 = tpu.memref_squeeze %get3A_1408 : memref<1x128x64xf32, #tpu.memory_space<vmem>> -> memref<128x64xf32, #tpu.memory_space<vmem>>
        %get3A_1410 = arith.index_cast %add3A_1405 : i32 to index
        %get3A_1411 = arith.constant 16 : index
        %get3A_1412 = tpu.vector_load %get3A_1409[%get3A_1410, %get3A_1411] {strides = array<i32>} : memref<128x64xf32, #tpu.memory_space<vmem>>, vector<16xf32>,
        %add3A_1413 = arith.constant 16 : i32
        %add3A_1414 = vector.broadcast %add3A_1413 : i32 to vector<16xi32>
        %add3A_1415 = arith.addi %iota3A, %add3A_1414 : vector<16xi32>
        %scatter3A_1416 = arith.constant 0 : i32
        %scatter3A_1417 = arith.constant 0 : i32
        %scatter3A_1418 = tpu.memref_slice %arg11[%scan3A_1126, %scatter3A_1416, %scatter3A_1417] : memref<2x64x129xf32, #tpu.memory_space<vmem>> -> memref<1x64x129xf32, #tpu.memory_space<vmem>>
        %scatter3A_1419 = tpu.memref_squeeze %scatter3A_1418 : memref<1x64x129xf32, #tpu.memory_space<vmem>> -> memref<64x129xf32, #tpu.memory_space<vmem>>
        tpu.vector_store_idx %scatter3A_1419[%add3A_1415, %add3A_1387], %get3A_1412 : memref<64x129xf32, #tpu.memory_space<vmem>>[vector<16xi32>, vector<16xi32>], vector<16xf32>,
        %add3A_1420 = arith.constant 1 : i32
        %add3A_1421 = arith.addi %mul3A_1319, %add3A_1420 : i32
        %get3A_1422 = arith.constant 0 : i32
        %get3A_1423 = arith.constant 0 : i32
        %get3A_1424 = tpu.memref_slice %arg10[%scan3A_1125, %get3A_1422, %get3A_1423] : memref<4x128x64xf32, #tpu.memory_space<vmem>> -> memref<1x128x64xf32, #tpu.memory_space<vmem>>
        %get3A_1425 = tpu.memref_squeeze %get3A_1424 : memref<1x128x64xf32, #tpu.memory_space<vmem>> -> memref<128x64xf32, #tpu.memory_space<vmem>>
        %get3A_1426 = arith.index_cast %add3A_1421 : i32 to index
        %get3A_1427 = arith.constant 32 : index
        %get3A_1428 = tpu.vector_load %get3A_1425[%get3A_1426, %get3A_1427] {strides = array<i32>} : memref<128x64xf32, #tpu.memory_space<vmem>>, vector<16xf32>,
        %add3A_1429 = arith.constant 32 : i32
        %add3A_1430 = vector.broadcast %add3A_1429 : i32 to vector<16xi32>
        %add3A_1431 = arith.addi %iota3A, %add3A_1430 : vector<16xi32>
        %scatter3A_1432 = arith.constant 0 : i32
        %scatter3A_1433 = arith.constant 0 : i32
        %scatter3A_1434 = tpu.memref_slice %arg11[%scan3A_1126, %scatter3A_1432, %scatter3A_1433] : memref<2x64x129xf32, #tpu.memory_space<vmem>> -> memref<1x64x129xf32, #tpu.memory_space<vmem>>
        %scatter3A_1435 = tpu.memref_squeeze %scatter3A_1434 : memref<1x64x129xf32, #tpu.memory_space<vmem>> -> memref<64x129xf32, #tpu.memory_space<vmem>>
        tpu.vector_store_idx %scatter3A_1435[%add3A_1431, %add3A_1387], %get3A_1428 : memref<64x129xf32, #tpu.memory_space<vmem>>[vector<16xi32>, vector<16xi32>], vector<16xf32>,
        %add3A_1436 = arith.constant 1 : i32
        %add3A_1437 = arith.addi %mul3A_1319, %add3A_1436 : i32
        %get3A_1438 = arith.constant 0 : i32
        %get3A_1439 = arith.constant 0 : i32
        %get3A_1440 = tpu.memref_slice %arg10[%scan3A_1125, %get3A_1438, %get3A_1439] : memref<4x128x64xf32, #tpu.memory_space<vmem>> -> memref<1x128x64xf32, #tpu.memory_space<vmem>>
        %get3A_1441 = tpu.memref_squeeze %get3A_1440 : memref<1x128x64xf32, #tpu.memory_space<vmem>> -> memref<128x64xf32, #tpu.memory_space<vmem>>
        %get3A_1442 = arith.index_cast %add3A_1437 : i32 to index
        %get3A_1443 = arith.constant 48 : index
        %get3A_1444 = tpu.vector_load %get3A_1441[%get3A_1442, %get3A_1443] {strides = array<i32>} : memref<128x64xf32, #tpu.memory_space<vmem>>, vector<16xf32>,
        %add3A_1445 = arith.constant 48 : i32
        %add3A_1446 = vector.broadcast %add3A_1445 : i32 to vector<16xi32>
        %add3A_1447 = arith.addi %iota3A, %add3A_1446 : vector<16xi32>
        %scatter3A_1448 = arith.constant 0 : i32
        %scatter3A_1449 = arith.constant 0 : i32
        %scatter3A_1450 = tpu.memref_slice %arg11[%scan3A_1126, %scatter3A_1448, %scatter3A_1449] : memref<2x64x129xf32, #tpu.memory_space<vmem>> -> memref<1x64x129xf32, #tpu.memory_space<vmem>>
        %scatter3A_1451 = tpu.memref_squeeze %scatter3A_1450 : memref<1x64x129xf32, #tpu.memory_space<vmem>> -> memref<64x129xf32, #tpu.memory_space<vmem>>
        tpu.vector_store_idx %scatter3A_1451[%add3A_1447, %add3A_1387], %get3A_1444 : memref<64x129xf32, #tpu.memory_space<vmem>>[vector<16xi32>, vector<16xi32>], vector<16xf32>,
        %add3A_1452 = arith.constant 2 : i32
        %add3A_1453 = vector.broadcast %add3A_1452 : i32 to vector<16xi32>
        %add3A_1454 = arith.addi %broadcast_in_dim3A, %add3A_1453 : vector<16xi32>
        %add3A_1455 = arith.constant 2 : i32
        %add3A_1456 = arith.addi %mul3A_1319, %add3A_1455 : i32
        %get3A_1457 = arith.constant 0 : i32
        %get3A_1458 = arith.constant 0 : i32
        %get3A_1459 = tpu.memref_slice %arg10[%scan3A_1125, %get3A_1457, %get3A_1458] : memref<4x128x64xf32, #tpu.memory_space<vmem>> -> memref<1x128x64xf32, #tpu.memory_space<vmem>>
        %get3A_1460 = tpu.memref_squeeze %get3A_1459 : memref<1x128x64xf32, #tpu.memory_space<vmem>> -> memref<128x64xf32, #tpu.memory_space<vmem>>
        %get3A_1461 = arith.index_cast %add3A_1456 : i32 to index
        %get3A_1462 = arith.constant 0 : index
        %get3A_1463 = tpu.vector_load %get3A_1460[%get3A_1461, %get3A_1462] {strides = array<i32>} : memref<128x64xf32, #tpu.memory_space<vmem>>, vector<16xf32>,
        %add3A_1464 = arith.constant 0 : i32
        %add3A_1465 = vector.broadcast %add3A_1464 : i32 to vector<16xi32>
        %add3A_1466 = arith.addi %iota3A, %add3A_1465 : vector<16xi32>
        %scatter3A_1467 = arith.constant 0 : i32
        %scatter3A_1468 = arith.constant 0 : i32
        %scatter3A_1469 = tpu.memref_slice %arg11[%scan3A_1126, %scatter3A_1467, %scatter3A_1468] : memref<2x64x129xf32, #tpu.memory_space<vmem>> -> memref<1x64x129xf32, #tpu.memory_space<vmem>>
        %scatter3A_1470 = tpu.memref_squeeze %scatter3A_1469 : memref<1x64x129xf32, #tpu.memory_space<vmem>> -> memref<64x129xf32, #tpu.memory_space<vmem>>
        tpu.vector_store_idx %scatter3A_1470[%add3A_1466, %add3A_1454], %get3A_1463 : memref<64x129xf32, #tpu.memory_space<vmem>>[vector<16xi32>, vector<16xi32>], vector<16xf32>,
        %add3A_1471 = arith.constant 2 : i32
        %add3A_1472 = arith.addi %mul3A_1319, %add3A_1471 : i32
        %get3A_1473 = arith.constant 0 : i32
        %get3A_1474 = arith.constant 0 : i32
        %get3A_1475 = tpu.memref_slice %arg10[%scan3A_1125, %get3A_1473, %get3A_1474] : memref<4x128x64xf32, #tpu.memory_space<vmem>> -> memref<1x128x64xf32, #tpu.memory_space<vmem>>
        %get3A_1476 = tpu.memref_squeeze %get3A_1475 : memref<1x128x64xf32, #tpu.memory_space<vmem>> -> memref<128x64xf32, #tpu.memory_space<vmem>>
        %get3A_1477 = arith.index_cast %add3A_1472 : i32 to index
        %get3A_1478 = arith.constant 16 : index
        %get3A_1479 = tpu.vector_load %get3A_1476[%get3A_1477, %get3A_1478] {strides = array<i32>} : memref<128x64xf32, #tpu.memory_space<vmem>>, vector<16xf32>,
        %add3A_1480 = arith.constant 16 : i32
        %add3A_1481 = vector.broadcast %add3A_1480 : i32 to vector<16xi32>
        %add3A_1482 = arith.addi %iota3A, %add3A_1481 : vector<16xi32>
        %scatter3A_1483 = arith.constant 0 : i32
        %scatter3A_1484 = arith.constant 0 : i32
        %scatter3A_1485 = tpu.memref_slice %arg11[%scan3A_1126, %scatter3A_1483, %scatter3A_1484] : memref<2x64x129xf32, #tpu.memory_space<vmem>> -> memref<1x64x129xf32, #tpu.memory_space<vmem>>
        %scatter3A_1486 = tpu.memref_squeeze %scatter3A_1485 : memref<1x64x129xf32, #tpu.memory_space<vmem>> -> memref<64x129xf32, #tpu.memory_space<vmem>>
        tpu.vector_store_idx %scatter3A_1486[%add3A_1482, %add3A_1454], %get3A_1479 : memref<64x129xf32, #tpu.memory_space<vmem>>[vector<16xi32>, vector<16xi32>], vector<16xf32>,
        %add3A_1487 = arith.constant 2 : i32
        %add3A_1488 = arith.addi %mul3A_1319, %add3A_1487 : i32
        %get3A_1489 = arith.constant 0 : i32
        %get3A_1490 = arith.constant 0 : i32
        %get3A_1491 = tpu.memref_slice %arg10[%scan3A_1125, %get3A_1489, %get3A_1490] : memref<4x128x64xf32, #tpu.memory_space<vmem>> -> memref<1x128x64xf32, #tpu.memory_space<vmem>>
        %get3A_1492 = tpu.memref_squeeze %get3A_1491 : memref<1x128x64xf32, #tpu.memory_space<vmem>> -> memref<128x64xf32, #tpu.memory_space<vmem>>
        %get3A_1493 = arith.index_cast %add3A_1488 : i32 to index
        %get3A_1494 = arith.constant 32 : index
        %get3A_1495 = tpu.vector_load %get3A_1492[%get3A_1493, %get3A_1494] {strides = array<i32>} : memref<128x64xf32, #tpu.memory_space<vmem>>, vector<16xf32>,
        %add3A_1496 = arith.constant 32 : i32
        %add3A_1497 = vector.broadcast %add3A_1496 : i32 to vector<16xi32>
        %add3A_1498 = arith.addi %iota3A, %add3A_1497 : vector<16xi32>
        %scatter3A_1499 = arith.constant 0 : i32
        %scatter3A_1500 = arith.constant 0 : i32
        %scatter3A_1501 = tpu.memref_slice %arg11[%scan3A_1126, %scatter3A_1499, %scatter3A_1500] : memref<2x64x129xf32, #tpu.memory_space<vmem>> -> memref<1x64x129xf32, #tpu.memory_space<vmem>>
        %scatter3A_1502 = tpu.memref_squeeze %scatter3A_1501 : memref<1x64x129xf32, #tpu.memory_space<vmem>> -> memref<64x129xf32, #tpu.memory_space<vmem>>
        tpu.vector_store_idx %scatter3A_1502[%add3A_1498, %add3A_1454], %get3A_1495 : memref<64x129xf32, #tpu.memory_space<vmem>>[vector<16xi32>, vector<16xi32>], vector<16xf32>,
        %add3A_1503 = arith.constant 2 : i32
        %add3A_1504 = arith.addi %mul3A_1319, %add3A_1503 : i32
        %get3A_1505 = arith.constant 0 : i32
        %get3A_1506 = arith.constant 0 : i32
        %get3A_1507 = tpu.memref_slice %arg10[%scan3A_1125, %get3A_1505, %get3A_1506] : memref<4x128x64xf32, #tpu.memory_space<vmem>> -> memref<1x128x64xf32, #tpu.memory_space<vmem>>
        %get3A_1508 = tpu.memref_squeeze %get3A_1507 : memref<1x128x64xf32, #tpu.memory_space<vmem>> -> memref<128x64xf32, #tpu.memory_space<vmem>>
        %get3A_1509 = arith.index_cast %add3A_1504 : i32 to index
        %get3A_1510 = arith.constant 48 : index
        %get3A_1511 = tpu.vector_load %get3A_1508[%get3A_1509, %get3A_1510] {strides = array<i32>} : memref<128x64xf32, #tpu.memory_space<vmem>>, vector<16xf32>,
        %add3A_1512 = arith.constant 48 : i32
        %add3A_1513 = vector.broadcast %add3A_1512 : i32 to vector<16xi32>
        %add3A_1514 = arith.addi %iota3A, %add3A_1513 : vector<16xi32>
        %scatter3A_1515 = arith.constant 0 : i32
        %scatter3A_1516 = arith.constant 0 : i32
        %scatter3A_1517 = tpu.memref_slice %arg11[%scan3A_1126, %scatter3A_1515, %scatter3A_1516] : memref<2x64x129xf32, #tpu.memory_space<vmem>> -> memref<1x64x129xf32, #tpu.memory_space<vmem>>
        %scatter3A_1518 = tpu.memref_squeeze %scatter3A_1517 : memref<1x64x129xf32, #tpu.memory_space<vmem>> -> memref<64x129xf32, #tpu.memory_space<vmem>>
        tpu.vector_store_idx %scatter3A_1518[%add3A_1514, %add3A_1454], %get3A_1511 : memref<64x129xf32, #tpu.memory_space<vmem>>[vector<16xi32>, vector<16xi32>], vector<16xf32>,
        %add3A_1519 = arith.constant 3 : i32
        %add3A_1520 = vector.broadcast %add3A_1519 : i32 to vector<16xi32>
        %add3A_1521 = arith.addi %broadcast_in_dim3A, %add3A_1520 : vector<16xi32>
        %add3A_1522 = arith.constant 3 : i32
        %add3A_1523 = arith.addi %mul3A_1319, %add3A_1522 : i32
        %get3A_1524 = arith.constant 0 : i32
        %get3A_1525 = arith.constant 0 : i32
        %get3A_1526 = tpu.memref_slice %arg10[%scan3A_1125, %get3A_1524, %get3A_1525] : memref<4x128x64xf32, #tpu.memory_space<vmem>> -> memref<1x128x64xf32, #tpu.memory_space<vmem>>
        %get3A_1527 = tpu.memref_squeeze %get3A_1526 : memref<1x128x64xf32, #tpu.memory_space<vmem>> -> memref<128x64xf32, #tpu.memory_space<vmem>>
        %get3A_1528 = arith.index_cast %add3A_1523 : i32 to index
        %get3A_1529 = arith.constant 0 : index
        %get3A_1530 = tpu.vector_load %get3A_1527[%get3A_1528, %get3A_1529] {strides = array<i32>} : memref<128x64xf32, #tpu.memory_space<vmem>>, vector<16xf32>,
        %add3A_1531 = arith.constant 0 : i32
        %add3A_1532 = vector.broadcast %add3A_1531 : i32 to vector<16xi32>
        %add3A_1533 = arith.addi %iota3A, %add3A_1532 : vector<16xi32>
        %scatter3A_1534 = arith.constant 0 : i32
        %scatter3A_1535 = arith.constant 0 : i32
        %scatter3A_1536 = tpu.memref_slice %arg11[%scan3A_1126, %scatter3A_1534, %scatter3A_1535] : memref<2x64x129xf32, #tpu.memory_space<vmem>> -> memref<1x64x129xf32, #tpu.memory_space<vmem>>
        %scatter3A_1537 = tpu.memref_squeeze %scatter3A_1536 : memref<1x64x129xf32, #tpu.memory_space<vmem>> -> memref<64x129xf32, #tpu.memory_space<vmem>>
        tpu.vector_store_idx %scatter3A_1537[%add3A_1533, %add3A_1521], %get3A_1530 : memref<64x129xf32, #tpu.memory_space<vmem>>[vector<16xi32>, vector<16xi32>], vector<16xf32>,
        %add3A_1538 = arith.constant 3 : i32
        %add3A_1539 = arith.addi %mul3A_1319, %add3A_1538 : i32
        %get3A_1540 = arith.constant 0 : i32
        %get3A_1541 = arith.constant 0 : i32
        %get3A_1542 = tpu.memref_slice %arg10[%scan3A_1125, %get3A_1540, %get3A_1541] : memref<4x128x64xf32, #tpu.memory_space<vmem>> -> memref<1x128x64xf32, #tpu.memory_space<vmem>>
        %get3A_1543 = tpu.memref_squeeze %get3A_1542 : memref<1x128x64xf32, #tpu.memory_space<vmem>> -> memref<128x64xf32, #tpu.memory_space<vmem>>
        %get3A_1544 = arith.index_cast %add3A_1539 : i32 to index
        %get3A_1545 = arith.constant 16 : index
        %get3A_1546 = tpu.vector_load %get3A_1543[%get3A_1544, %get3A_1545] {strides = array<i32>} : memref<128x64xf32, #tpu.memory_space<vmem>>, vector<16xf32>,
        %add3A_1547 = arith.constant 16 : i32
        %add3A_1548 = vector.broadcast %add3A_1547 : i32 to vector<16xi32>
        %add3A_1549 = arith.addi %iota3A, %add3A_1548 : vector<16xi32>
        %scatter3A_1550 = arith.constant 0 : i32
        %scatter3A_1551 = arith.constant 0 : i32
        %scatter3A_1552 = tpu.memref_slice %arg11[%scan3A_1126, %scatter3A_1550, %scatter3A_1551] : memref<2x64x129xf32, #tpu.memory_space<vmem>> -> memref<1x64x129xf32, #tpu.memory_space<vmem>>
        %scatter3A_1553 = tpu.memref_squeeze %scatter3A_1552 : memref<1x64x129xf32, #tpu.memory_space<vmem>> -> memref<64x129xf32, #tpu.memory_space<vmem>>
        tpu.vector_store_idx %scatter3A_1553[%add3A_1549, %add3A_1521], %get3A_1546 : memref<64x129xf32, #tpu.memory_space<vmem>>[vector<16xi32>, vector<16xi32>], vector<16xf32>,
        %add3A_1554 = arith.constant 3 : i32
        %add3A_1555 = arith.addi %mul3A_1319, %add3A_1554 : i32
        %get3A_1556 = arith.constant 0 : i32
        %get3A_1557 = arith.constant 0 : i32
        %get3A_1558 = tpu.memref_slice %arg10[%scan3A_1125, %get3A_1556, %get3A_1557] : memref<4x128x64xf32, #tpu.memory_space<vmem>> -> memref<1x128x64xf32, #tpu.memory_space<vmem>>
        %get3A_1559 = tpu.memref_squeeze %get3A_1558 : memref<1x128x64xf32, #tpu.memory_space<vmem>> -> memref<128x64xf32, #tpu.memory_space<vmem>>
        %get3A_1560 = arith.index_cast %add3A_1555 : i32 to index
        %get3A_1561 = arith.constant 32 : index
        %get3A_1562 = tpu.vector_load %get3A_1559[%get3A_1560, %get3A_1561] {strides = array<i32>} : memref<128x64xf32, #tpu.memory_space<vmem>>, vector<16xf32>,
        %add3A_1563 = arith.constant 32 : i32
        %add3A_1564 = vector.broadcast %add3A_1563 : i32 to vector<16xi32>
        %add3A_1565 = arith.addi %iota3A, %add3A_1564 : vector<16xi32>
        %scatter3A_1566 = arith.constant 0 : i32
        %scatter3A_1567 = arith.constant 0 : i32
        %scatter3A_1568 = tpu.memref_slice %arg11[%scan3A_1126, %scatter3A_1566, %scatter3A_1567] : memref<2x64x129xf32, #tpu.memory_space<vmem>> -> memref<1x64x129xf32, #tpu.memory_space<vmem>>
        %scatter3A_1569 = tpu.memref_squeeze %scatter3A_1568 : memref<1x64x129xf32, #tpu.memory_space<vmem>> -> memref<64x129xf32, #tpu.memory_space<vmem>>
        tpu.vector_store_idx %scatter3A_1569[%add3A_1565, %add3A_1521], %get3A_1562 : memref<64x129xf32, #tpu.memory_space<vmem>>[vector<16xi32>, vector<16xi32>], vector<16xf32>,
        %add3A_1570 = arith.constant 3 : i32
        %add3A_1571 = arith.addi %mul3A_1319, %add3A_1570 : i32
        %get3A_1572 = arith.constant 0 : i32
        %get3A_1573 = arith.constant 0 : i32
        %get3A_1574 = tpu.memref_slice %arg10[%scan3A_1125, %get3A_1572, %get3A_1573] : memref<4x128x64xf32, #tpu.memory_space<vmem>> -> memref<1x128x64xf32, #tpu.memory_space<vmem>>
        %get3A_1575 = tpu.memref_squeeze %get3A_1574 : memref<1x128x64xf32, #tpu.memory_space<vmem>> -> memref<128x64xf32, #tpu.memory_space<vmem>>
        %get3A_1576 = arith.index_cast %add3A_1571 : i32 to index
        %get3A_1577 = arith.constant 48 : index
        %get3A_1578 = tpu.vector_load %get3A_1575[%get3A_1576, %get3A_1577] {strides = array<i32>} : memref<128x64xf32, #tpu.memory_space<vmem>>, vector<16xf32>,
        %add3A_1579 = arith.constant 48 : i32
        %add3A_1580 = vector.broadcast %add3A_1579 : i32 to vector<16xi32>
        %add3A_1581 = arith.addi %iota3A, %add3A_1580 : vector<16xi32>
        %scatter3A_1582 = arith.constant 0 : i32
        %scatter3A_1583 = arith.constant 0 : i32
        %scatter3A_1584 = tpu.memref_slice %arg11[%scan3A_1126, %scatter3A_1582, %scatter3A_1583] : memref<2x64x129xf32, #tpu.memory_space<vmem>> -> memref<1x64x129xf32, #tpu.memory_space<vmem>>
        %scatter3A_1585 = tpu.memref_squeeze %scatter3A_1584 : memref<1x64x129xf32, #tpu.memory_space<vmem>> -> memref<64x129xf32, #tpu.memory_space<vmem>>
        tpu.vector_store_idx %scatter3A_1585[%add3A_1581, %add3A_1521], %get3A_1578 : memref<64x129xf32, #tpu.memory_space<vmem>>[vector<16xi32>, vector<16xi32>], vector<16xf32>,
      }
      %scan3A_1131 = arith.constant 32 : i32
      %jit3A_1132 = arith.constant 50 : i32
      %div3A_1133 = arith.divsi %add3A_1111, %jit3A_1132 : i32
      %sign3A_1134 = arith.constant 0 : i32
      %sign3A_1135 = arith.cmpi sgt, %add3A_1111, %sign3A_1134 : i32
      %sign3A_1136 = arith.extui %sign3A_1135 : i1 to i32
      %sign3A_1137 = arith.constant 0 : i32
      %sign3A_1138 = arith.cmpi slt, %add3A_1111, %sign3A_1137 : i32
      %sign3A_1139 = arith.extui %sign3A_1138 : i1 to i32
      %sign3A_1140 = arith.subi %sign3A_1136, %sign3A_1139 : i32
      %sign3A_1141 = arith.constant 0 : i32
      %sign3A_1142 = arith.cmpi sgt, %jit3A_1132, %sign3A_1141 : i32
      %sign3A_1143 = arith.extui %sign3A_1142 : i1 to i32
      %sign3A_1144 = arith.constant 0 : i32
      %sign3A_1145 = arith.cmpi slt, %jit3A_1132, %sign3A_1144 : i32
      %sign3A_1146 = arith.extui %sign3A_1145 : i1 to i32
      %sign3A_1147 = arith.subi %sign3A_1143, %sign3A_1146 : i32
      %ne3A_1148 = arith.cmpi ne, %sign3A_1140, %sign3A_1147 : i32
      %rem3A_1149 = arith.remsi %add3A_1111, %jit3A_1132 : i32
      %ne3A_1150 = arith.constant 0 : i32
      %ne3A_1151 = arith.cmpi ne, %rem3A_1149, %ne3A_1150 : i32
      %and3A_1152 = arith.andi %ne3A_1148, %ne3A_1151 : i1
      %sub3A_1153 = arith.constant 1 : i32
      %sub3A_1154 = arith.subi %div3A_1133, %sub3A_1153 : i32
      %select_n3A_1155 = arith.select %and3A_1152, %sub3A_1154, %div3A_1133 : i32
      %mul3A_1156 = arith.constant 50 : i32
      %mul3A_1157 = arith.muli %select_n3A_1155, %mul3A_1156 : i32
      %sub3A_1158 = arith.subi %add3A_1111, %mul3A_1157 : i32
      %mul3A_1159 = arith.constant 32 : i32
      %mul3A_1160 = arith.muli %select_n3A_1155, %mul3A_1159 : i32
      %add3A_1161 = arith.addi %add3A, %mul3A_1160 : i32
      %dma_start3A_1162 = arith.constant 1 : i32
      %dma_start3A_1163 = arith.constant 0 : i32
      %dma_start3A_1164 = arith.constant 0 : i32
      %dma_start3A_1165 = arith.constant 0 : i32
      %dma_start3A_1166 = tpu.memref_slice %arg11[%dma_start3A_1162, %dma_start3A_1164, %dma_start3A_1165] : memref<2x64x129xf32, #tpu.memory_space<vmem>> -> memref<1x8x128xf32, #tpu.memory_space<vmem>>
      %dma_start3A_1167 = tpu.memref_squeeze %dma_start3A_1166 : memref<1x8x128xf32, #tpu.memory_space<vmem>> -> memref<8x128xf32, #tpu.memory_space<vmem>>
      %dma_start3A_1168 = arith.constant 0 : i32
      %dma_start3A_1169 = arith.constant 0 : i32
      %dma_start3A_1170 = tpu.memref_slice %arg4[%sub3A_1158, %dma_start3A_1163, %add3A_1161, %dma_start3A_1168, %dma_start3A_1169] : memref<50x8x128x8x128xf32, #tpu.memory_space<hbm>> -> memref<1x1x1x8x128xf32, #tpu.memory_space<hbm>>
      %dma_start3A_1171 = tpu.memref_squeeze %dma_start3A_1170 : memref<1x1x1x8x128xf32, #tpu.memory_space<hbm>> -> memref<8x128xf32, #tpu.memory_space<hbm>>
      %dma_start3A_1172 = arith.constant 0 : i32
      %dma_start3A_1173 = arith.constant 0 : i32
      %dma_start3A_1174 = tpu.memref_slice %arg4[%sub3A_1158, %dma_start3A_1163, %add3A_1161, %dma_start3A_1172, %dma_start3A_1173] : memref<50x8x128x8x128xf32, #tpu.memory_space<hbm>> -> memref<1x1x1x8x128xf32, #tpu.memory_space<hbm>>
      %dma_start3A_1175 = tpu.memref_squeeze %dma_start3A_1174 : memref<1x1x1x8x128xf32, #tpu.memory_space<hbm>> -> memref<8x128xf32, #tpu.memory_space<hbm>>
      %dma_start3A_1176 = arith.constant 0 : i32
      %dma_start3A_1177 = arith.constant 0 : i32
      %dma_start3A_1178 = tpu.memref_slice %arg11[%dma_start3A_1162, %dma_start3A_1176, %dma_start3A_1177] : memref<2x64x129xf32, #tpu.memory_space<vmem>> -> memref<1x8x128xf32, #tpu.memory_space<vmem>>
      %dma_start3A_1179 = tpu.memref_squeeze %dma_start3A_1178 : memref<1x8x128xf32, #tpu.memory_space<vmem>> -> memref<8x128xf32, #tpu.memory_space<vmem>>
      tpu.enqueue_dma source(%dma_start3A_1179 : memref<8x128xf32, #tpu.memory_space<vmem>>) target(%dma_start3A_1175 : memref<8x128xf32, #tpu.memory_space<hbm>>) target_semaphore(%arg17 : memref<!tpu.dma_semaphore, #tpu.memory_space<semaphore_mem>>)
      %dma_start3A_1180 = arith.constant 1 : i32
      %dma_start3A_1181 = arith.constant 1 : i32
      %dma_start3A_1182 = arith.constant 8 : i32
      %dma_start3A_1183 = arith.constant 0 : i32
      %dma_start3A_1184 = tpu.memref_slice %arg11[%dma_start3A_1180, %dma_start3A_1182, %dma_start3A_1183] : memref<2x64x129xf32, #tpu.memory_space<vmem>> -> memref<1x8x128xf32, #tpu.memory_space<vmem>>
      %dma_start3A_1185 = tpu.memref_squeeze %dma_start3A_1184 : memref<1x8x128xf32, #tpu.memory_space<vmem>> -> memref<8x128xf32, #tpu.memory_space<vmem>>
      %dma_start3A_1186 = arith.constant 0 : i32
      %dma_start3A_1187 = arith.constant 0 : i32
      %dma_start3A_1188 = tpu.memref_slice %arg4[%sub3A_1158, %dma_start3A_1181, %add3A_1161, %dma_start3A_1186, %dma_start3A_1187] : memref<50x8x128x8x128xf32, #tpu.memory_space<hbm>> -> memref<1x1x1x8x128xf32, #tpu.memory_space<hbm>>
      %dma_start3A_1189 = tpu.memref_squeeze %dma_start3A_1188 : memref<1x1x1x8x128xf32, #tpu.memory_space<hbm>> -> memref<8x128xf32, #tpu.memory_space<hbm>>
      %dma_start3A_1190 = arith.constant 0 : i32
      %dma_start3A_1191 = arith.constant 0 : i32
      %dma_start3A_1192 = tpu.memref_slice %arg4[%sub3A_1158, %dma_start3A_1181, %add3A_1161, %dma_start3A_1190, %dma_start3A_1191] : memref<50x8x128x8x128xf32, #tpu.memory_space<hbm>> -> memref<1x1x1x8x128xf32, #tpu.memory_space<hbm>>
      %dma_start3A_1193 = tpu.memref_squeeze %dma_start3A_1192 : memref<1x1x1x8x128xf32, #tpu.memory_space<hbm>> -> memref<8x128xf32, #tpu.memory_space<hbm>>
      %dma_start3A_1194 = arith.constant 8 : i32
      %dma_start3A_1195 = arith.constant 0 : i32
      %dma_start3A_1196 = tpu.memref_slice %arg11[%dma_start3A_1180, %dma_start3A_1194, %dma_start3A_1195] : memref<2x64x129xf32, #tpu.memory_space<vmem>> -> memref<1x8x128xf32, #tpu.memory_space<vmem>>
      %dma_start3A_1197 = tpu.memref_squeeze %dma_start3A_1196 : memref<1x8x128xf32, #tpu.memory_space<vmem>> -> memref<8x128xf32, #tpu.memory_space<vmem>>
      tpu.enqueue_dma source(%dma_start3A_1197 : memref<8x128xf32, #tpu.memory_space<vmem>>) target(%dma_start3A_1193 : memref<8x128xf32, #tpu.memory_space<hbm>>) target_semaphore(%arg17 : memref<!tpu.dma_semaphore, #tpu.memory_space<semaphore_mem>>)
      %dma_start3A_1198 = arith.constant 1 : i32
      %dma_start3A_1199 = arith.constant 2 : i32
      %dma_start3A_1200 = arith.constant 16 : i32
      %dma_start3A_1201 = arith.constant 0 : i32
      %dma_start3A_1202 = tpu.memref_slice %arg11[%dma_start3A_1198, %dma_start3A_1200, %dma_start3A_1201] : memref<2x64x129xf32, #tpu.memory_space<vmem>> -> memref<1x8x128xf32, #tpu.memory_space<vmem>>
      %dma_start3A_1203 = tpu.memref_squeeze %dma_start3A_1202 : memref<1x8x128xf32, #tpu.memory_space<vmem>> -> memref<8x128xf32, #tpu.memory_space<vmem>>
      %dma_start3A_1204 = arith.constant 0 : i32
      %dma_start3A_1205 = arith.constant 0 : i32
      %dma_start3A_1206 = tpu.memref_slice %arg4[%sub3A_1158, %dma_start3A_1199, %add3A_1161, %dma_start3A_1204, %dma_start3A_1205] : memref<50x8x128x8x128xf32, #tpu.memory_space<hbm>> -> memref<1x1x1x8x128xf32, #tpu.memory_space<hbm>>
      %dma_start3A_1207 = tpu.memref_squeeze %dma_start3A_1206 : memref<1x1x1x8x128xf32, #tpu.memory_space<hbm>> -> memref<8x128xf32, #tpu.memory_space<hbm>>
      %dma_start3A_1208 = arith.constant 0 : i32
      %dma_start3A_1209 = arith.constant 0 : i32
      %dma_start3A_1210 = tpu.memref_slice %arg4[%sub3A_1158, %dma_start3A_1199, %add3A_1161, %dma_start3A_1208, %dma_start3A_1209] : memref<50x8x128x8x128xf32, #tpu.memory_space<hbm>> -> memref<1x1x1x8x128xf32, #tpu.memory_space<hbm>>
      %dma_start3A_1211 = tpu.memref_squeeze %dma_start3A_1210 : memref<1x1x1x8x128xf32, #tpu.memory_space<hbm>> -> memref<8x128xf32, #tpu.memory_space<hbm>>
      %dma_start3A_1212 = arith.constant 16 : i32
      %dma_start3A_1213 = arith.constant 0 : i32
      %dma_start3A_1214 = tpu.memref_slice %arg11[%dma_start3A_1198, %dma_start3A_1212, %dma_start3A_1213] : memref<2x64x129xf32, #tpu.memory_space<vmem>> -> memref<1x8x128xf32, #tpu.memory_space<vmem>>
      %dma_start3A_1215 = tpu.memref_squeeze %dma_start3A_1214 : memref<1x8x128xf32, #tpu.memory_space<vmem>> -> memref<8x128xf32, #tpu.memory_space<vmem>>
      tpu.enqueue_dma source(%dma_start3A_1215 : memref<8x128xf32, #tpu.memory_space<vmem>>) target(%dma_start3A_1211 : memref<8x128xf32, #tpu.memory_space<hbm>>) target_semaphore(%arg17 : memref<!tpu.dma_semaphore, #tpu.memory_space<semaphore_mem>>)
      %dma_start3A_1216 = arith.constant 1 : i32
      %dma_start3A_1217 = arith.constant 3 : i32
      %dma_start3A_1218 = arith.constant 24 : i32
      %dma_start3A_1219 = arith.constant 0 : i32
      %dma_start3A_1220 = tpu.memref_slice %arg11[%dma_start3A_1216, %dma_start3A_1218, %dma_start3A_1219] : memref<2x64x129xf32, #tpu.memory_space<vmem>> -> memref<1x8x128xf32, #tpu.memory_space<vmem>>
      %dma_start3A_1221 = tpu.memref_squeeze %dma_start3A_1220 : memref<1x8x128xf32, #tpu.memory_space<vmem>> -> memref<8x128xf32, #tpu.memory_space<vmem>>
      %dma_start3A_1222 = arith.constant 0 : i32
      %dma_start3A_1223 = arith.constant 0 : i32
      %dma_start3A_1224 = tpu.memref_slice %arg4[%sub3A_1158, %dma_start3A_1217, %add3A_1161, %dma_start3A_1222, %dma_start3A_1223] : memref<50x8x128x8x128xf32, #tpu.memory_space<hbm>> -> memref<1x1x1x8x128xf32, #tpu.memory_space<hbm>>
      %dma_start3A_1225 = tpu.memref_squeeze %dma_start3A_1224 : memref<1x1x1x8x128xf32, #tpu.memory_space<hbm>> -> memref<8x128xf32, #tpu.memory_space<hbm>>
      %dma_start3A_1226 = arith.constant 0 : i32
      %dma_start3A_1227 = arith.constant 0 : i32
      %dma_start3A_1228 = tpu.memref_slice %arg4[%sub3A_1158, %dma_start3A_1217, %add3A_1161, %dma_start3A_1226, %dma_start3A_1227] : memref<50x8x128x8x128xf32, #tpu.memory_space<hbm>> -> memref<1x1x1x8x128xf32, #tpu.memory_space<hbm>>
      %dma_start3A_1229 = tpu.memref_squeeze %dma_start3A_1228 : memref<1x1x1x8x128xf32, #tpu.memory_space<hbm>> -> memref<8x128xf32, #tpu.memory_space<hbm>>
      %dma_start3A_1230 = arith.constant 24 : i32
      %dma_start3A_1231 = arith.constant 0 : i32
      %dma_start3A_1232 = tpu.memref_slice %arg11[%dma_start3A_1216, %dma_start3A_1230, %dma_start3A_1231] : memref<2x64x129xf32, #tpu.memory_space<vmem>> -> memref<1x8x128xf32, #tpu.memory_space<vmem>>
      %dma_start3A_1233 = tpu.memref_squeeze %dma_start3A_1232 : memref<1x8x128xf32, #tpu.memory_space<vmem>> -> memref<8x128xf32, #tpu.memory_space<vmem>>
      tpu.enqueue_dma source(%dma_start3A_1233 : memref<8x128xf32, #tpu.memory_space<vmem>>) target(%dma_start3A_1229 : memref<8x128xf32, #tpu.memory_space<hbm>>) target_semaphore(%arg17 : memref<!tpu.dma_semaphore, #tpu.memory_space<semaphore_mem>>)
      %dma_start3A_1234 = arith.constant 1 : i32
      %dma_start3A_1235 = arith.constant 4 : i32
      %dma_start3A_1236 = arith.constant 32 : i32
      %dma_start3A_1237 = arith.constant 0 : i32
      %dma_start3A_1238 = tpu.memref_slice %arg11[%dma_start3A_1234, %dma_start3A_1236, %dma_start3A_1237] : memref<2x64x129xf32, #tpu.memory_space<vmem>> -> memref<1x8x128xf32, #tpu.memory_space<vmem>>
      %dma_start3A_1239 = tpu.memref_squeeze %dma_start3A_1238 : memref<1x8x128xf32, #tpu.memory_space<vmem>> -> memref<8x128xf32, #tpu.memory_space<vmem>>
      %dma_start3A_1240 = arith.constant 0 : i32
      %dma_start3A_1241 = arith.constant 0 : i32
      %dma_start3A_1242 = tpu.memref_slice %arg4[%sub3A_1158, %dma_start3A_1235, %add3A_1161, %dma_start3A_1240, %dma_start3A_1241] : memref<50x8x128x8x128xf32, #tpu.memory_space<hbm>> -> memref<1x1x1x8x128xf32, #tpu.memory_space<hbm>>
      %dma_start3A_1243 = tpu.memref_squeeze %dma_start3A_1242 : memref<1x1x1x8x128xf32, #tpu.memory_space<hbm>> -> memref<8x128xf32, #tpu.memory_space<hbm>>
      %dma_start3A_1244 = arith.constant 0 : i32
      %dma_start3A_1245 = arith.constant 0 : i32
      %dma_start3A_1246 = tpu.memref_slice %arg4[%sub3A_1158, %dma_start3A_1235, %add3A_1161, %dma_start3A_1244, %dma_start3A_1245] : memref<50x8x128x8x128xf32, #tpu.memory_space<hbm>> -> memref<1x1x1x8x128xf32, #tpu.memory_space<hbm>>
      %dma_start3A_1247 = tpu.memref_squeeze %dma_start3A_1246 : memref<1x1x1x8x128xf32, #tpu.memory_space<hbm>> -> memref<8x128xf32, #tpu.memory_space<hbm>>
      %dma_start3A_1248 = arith.constant 32 : i32
      %dma_start3A_1249 = arith.constant 0 : i32
      %dma_start3A_1250 = tpu.memref_slice %arg11[%dma_start3A_1234, %dma_start3A_1248, %dma_start3A_1249] : memref<2x64x129xf32, #tpu.memory_space<vmem>> -> memref<1x8x128xf32, #tpu.memory_space<vmem>>
      %dma_start3A_1251 = tpu.memref_squeeze %dma_start3A_1250 : memref<1x8x128xf32, #tpu.memory_space<vmem>> -> memref<8x128xf32, #tpu.memory_space<vmem>>
      tpu.enqueue_dma source(%dma_start3A_1251 : memref<8x128xf32, #tpu.memory_space<vmem>>) target(%dma_start3A_1247 : memref<8x128xf32, #tpu.memory_space<hbm>>) target_semaphore(%arg17 : memref<!tpu.dma_semaphore, #tpu.memory_space<semaphore_mem>>)
      %dma_start3A_1252 = arith.constant 1 : i32
      %dma_start3A_1253 = arith.constant 5 : i32
      %dma_start3A_1254 = arith.constant 40 : i32
      %dma_start3A_1255 = arith.constant 0 : i32
      %dma_start3A_1256 = tpu.memref_slice %arg11[%dma_start3A_1252, %dma_start3A_1254, %dma_start3A_1255] : memref<2x64x129xf32, #tpu.memory_space<vmem>> -> memref<1x8x128xf32, #tpu.memory_space<vmem>>
      %dma_start3A_1257 = tpu.memref_squeeze %dma_start3A_1256 : memref<1x8x128xf32, #tpu.memory_space<vmem>> -> memref<8x128xf32, #tpu.memory_space<vmem>>
      %dma_start3A_1258 = arith.constant 0 : i32
      %dma_start3A_1259 = arith.constant 0 : i32
      %dma_start3A_1260 = tpu.memref_slice %arg4[%sub3A_1158, %dma_start3A_1253, %add3A_1161, %dma_start3A_1258, %dma_start3A_1259] : memref<50x8x128x8x128xf32, #tpu.memory_space<hbm>> -> memref<1x1x1x8x128xf32, #tpu.memory_space<hbm>>
      %dma_start3A_1261 = tpu.memref_squeeze %dma_start3A_1260 : memref<1x1x1x8x128xf32, #tpu.memory_space<hbm>> -> memref<8x128xf32, #tpu.memory_space<hbm>>
      %dma_start3A_1262 = arith.constant 0 : i32
      %dma_start3A_1263 = arith.constant 0 : i32
      %dma_start3A_1264 = tpu.memref_slice %arg4[%sub3A_1158, %dma_start3A_1253, %add3A_1161, %dma_start3A_1262, %dma_start3A_1263] : memref<50x8x128x8x128xf32, #tpu.memory_space<hbm>> -> memref<1x1x1x8x128xf32, #tpu.memory_space<hbm>>
      %dma_start3A_1265 = tpu.memref_squeeze %dma_start3A_1264 : memref<1x1x1x8x128xf32, #tpu.memory_space<hbm>> -> memref<8x128xf32, #tpu.memory_space<hbm>>
      %dma_start3A_1266 = arith.constant 40 : i32
      %dma_start3A_1267 = arith.constant 0 : i32
      %dma_start3A_1268 = tpu.memref_slice %arg11[%dma_start3A_1252, %dma_start3A_1266, %dma_start3A_1267] : memref<2x64x129xf32, #tpu.memory_space<vmem>> -> memref<1x8x128xf32, #tpu.memory_space<vmem>>
      %dma_start3A_1269 = tpu.memref_squeeze %dma_start3A_1268 : memref<1x8x128xf32, #tpu.memory_space<vmem>> -> memref<8x128xf32, #tpu.memory_space<vmem>>
      tpu.enqueue_dma source(%dma_start3A_1269 : memref<8x128xf32, #tpu.memory_space<vmem>>) target(%dma_start3A_1265 : memref<8x128xf32, #tpu.memory_space<hbm>>) target_semaphore(%arg17 : memref<!tpu.dma_semaphore, #tpu.memory_space<semaphore_mem>>)
      %dma_start3A_1270 = arith.constant 1 : i32
      %dma_start3A_1271 = arith.constant 6 : i32
      %dma_start3A_1272 = arith.constant 48 : i32
      %dma_start3A_1273 = arith.constant 0 : i32
      %dma_start3A_1274 = tpu.memref_slice %arg11[%dma_start3A_1270, %dma_start3A_1272, %dma_start3A_1273] : memref<2x64x129xf32, #tpu.memory_space<vmem>> -> memref<1x8x128xf32, #tpu.memory_space<vmem>>
      %dma_start3A_1275 = tpu.memref_squeeze %dma_start3A_1274 : memref<1x8x128xf32, #tpu.memory_space<vmem>> -> memref<8x128xf32, #tpu.memory_space<vmem>>
      %dma_start3A_1276 = arith.constant 0 : i32
      %dma_start3A_1277 = arith.constant 0 : i32
      %dma_start3A_1278 = tpu.memref_slice %arg4[%sub3A_1158, %dma_start3A_1271, %add3A_1161, %dma_start3A_1276, %dma_start3A_1277] : memref<50x8x128x8x128xf32, #tpu.memory_space<hbm>> -> memref<1x1x1x8x128xf32, #tpu.memory_space<hbm>>
      %dma_start3A_1279 = tpu.memref_squeeze %dma_start3A_1278 : memref<1x1x1x8x128xf32, #tpu.memory_space<hbm>> -> memref<8x128xf32, #tpu.memory_space<hbm>>
      %dma_start3A_1280 = arith.constant 0 : i32
      %dma_start3A_1281 = arith.constant 0 : i32
      %dma_start3A_1282 = tpu.memref_slice %arg4[%sub3A_1158, %dma_start3A_1271, %add3A_1161, %dma_start3A_1280, %dma_start3A_1281] : memref<50x8x128x8x128xf32, #tpu.memory_space<hbm>> -> memref<1x1x1x8x128xf32, #tpu.memory_space<hbm>>
      %dma_start3A_1283 = tpu.memref_squeeze %dma_start3A_1282 : memref<1x1x1x8x128xf32, #tpu.memory_space<hbm>> -> memref<8x128xf32, #tpu.memory_space<hbm>>
      %dma_start3A_1284 = arith.constant 48 : i32
      %dma_start3A_1285 = arith.constant 0 : i32
      %dma_start3A_1286 = tpu.memref_slice %arg11[%dma_start3A_1270, %dma_start3A_1284, %dma_start3A_1285] : memref<2x64x129xf32, #tpu.memory_space<vmem>> -> memref<1x8x128xf32, #tpu.memory_space<vmem>>
      %dma_start3A_1287 = tpu.memref_squeeze %dma_start3A_1286 : memref<1x8x128xf32, #tpu.memory_space<vmem>> -> memref<8x128xf32, #tpu.memory_space<vmem>>
      tpu.enqueue_dma source(%dma_start3A_1287 : memref<8x128xf32, #tpu.memory_space<vmem>>) target(%dma_start3A_1283 : memref<8x128xf32, #tpu.memory_space<hbm>>) target_semaphore(%arg17 : memref<!tpu.dma_semaphore, #tpu.memory_space<semaphore_mem>>)
      %dma_start3A_1288 = arith.constant 1 : i32
      %dma_start3A_1289 = arith.constant 7 : i32
      %dma_start3A_1290 = arith.constant 56 : i32
      %dma_start3A_1291 = arith.constant 0 : i32
      %dma_start3A_1292 = tpu.memref_slice %arg11[%dma_start3A_1288, %dma_start3A_1290, %dma_start3A_1291] : memref<2x64x129xf32, #tpu.memory_space<vmem>> -> memref<1x8x128xf32, #tpu.memory_space<vmem>>
      %dma_start3A_1293 = tpu.memref_squeeze %dma_start3A_1292 : memref<1x8x128xf32, #tpu.memory_space<vmem>> -> memref<8x128xf32, #tpu.memory_space<vmem>>
      %dma_start3A_1294 = arith.constant 0 : i32
      %dma_start3A_1295 = arith.constant 0 : i32
      %dma_start3A_1296 = tpu.memref_slice %arg4[%sub3A_1158, %dma_start3A_1289, %add3A_1161, %dma_start3A_1294, %dma_start3A_1295] : memref<50x8x128x8x128xf32, #tpu.memory_space<hbm>> -> memref<1x1x1x8x128xf32, #tpu.memory_space<hbm>>
      %dma_start3A_1297 = tpu.memref_squeeze %dma_start3A_1296 : memref<1x1x1x8x128xf32, #tpu.memory_space<hbm>> -> memref<8x128xf32, #tpu.memory_space<hbm>>
      %dma_start3A_1298 = arith.constant 0 : i32
      %dma_start3A_1299 = arith.constant 0 : i32
      %dma_start3A_1300 = tpu.memref_slice %arg4[%sub3A_1158, %dma_start3A_1289, %add3A_1161, %dma_start3A_1298, %dma_start3A_1299] : memref<50x8x128x8x128xf32, #tpu.memory_space<hbm>> -> memref<1x1x1x8x128xf32, #tpu.memory_space<hbm>>
      %dma_start3A_1301 = tpu.memref_squeeze %dma_start3A_1300 : memref<1x1x1x8x128xf32, #tpu.memory_space<hbm>> -> memref<8x128xf32, #tpu.memory_space<hbm>>
      %dma_start3A_1302 = arith.constant 56 : i32
      %dma_start3A_1303 = arith.constant 0 : i32
      %dma_start3A_1304 = tpu.memref_slice %arg11[%dma_start3A_1288, %dma_start3A_1302, %dma_start3A_1303] : memref<2x64x129xf32, #tpu.memory_space<vmem>> -> memref<1x8x128xf32, #tpu.memory_space<vmem>>
      %dma_start3A_1305 = tpu.memref_squeeze %dma_start3A_1304 : memref<1x8x128xf32, #tpu.memory_space<vmem>> -> memref<8x128xf32, #tpu.memory_space<vmem>>
      tpu.enqueue_dma source(%dma_start3A_1305 : memref<8x128xf32, #tpu.memory_space<vmem>>) target(%dma_start3A_1301 : memref<8x128xf32, #tpu.memory_space<hbm>>) target_semaphore(%arg17 : memref<!tpu.dma_semaphore, #tpu.memory_space<semaphore_mem>>)
      %add3A_1306 = arith.constant 3 : i32
      %add3A_1307 = arith.addi %add3A_1111, %add3A_1306 : i32
      %lt3A_1308 = arith.constant 200 : i32
      %lt3A_1309 = arith.cmpi slt, %add3A_1307, %lt3A_1308 : i32
      %convert_element_type3A_1310 = arith.extui %lt3A_1309 : i1 to i32
      %cond3A_1311 = arith.constant 0 : i32
      %cond3A_1312 = arith.cmpi ne, %convert_element_type3A_1310, %cond3A_1311 : i32
      scf.if %cond3A_1312 {
        %add3A_1313 = arith.constant 3 : i32
        %add3A_1314 = arith.addi %add3A_1111, %add3A_1313 : i32
        %jit3A_1315 = arith.constant 50 : i32
        %div3A_1316 = arith.divsi %add3A_1314, %jit3A_1315 : i32
        %sign3A_1317 = arith.constant 0 : i32
        %sign3A_1318 = arith.cmpi sgt, %add3A_1314, %sign3A_1317 : i32
        %sign3A_1319 = arith.extui %sign3A_1318 : i1 to i32
        %sign3A_1320 = arith.constant 0 : i32
        %sign3A_1321 = arith.cmpi slt, %add3A_1314, %sign3A_1320 : i32
        %sign3A_1322 = arith.extui %sign3A_1321 : i1 to i32
        %sign3A_1323 = arith.subi %sign3A_1319, %sign3A_1322 : i32
        %sign3A_1324 = arith.constant 0 : i32
        %sign3A_1325 = arith.cmpi sgt, %jit3A_1315, %sign3A_1324 : i32
        %sign3A_1326 = arith.extui %sign3A_1325 : i1 to i32
        %sign3A_1327 = arith.constant 0 : i32
        %sign3A_1328 = arith.cmpi slt, %jit3A_1315, %sign3A_1327 : i32
        %sign3A_1329 = arith.extui %sign3A_1328 : i1 to i32
        %sign3A_1330 = arith.subi %sign3A_1326, %sign3A_1329 : i32
        %ne3A_1331 = arith.cmpi ne, %sign3A_1323, %sign3A_1330 : i32
        %rem3A_1332 = arith.remsi %add3A_1314, %jit3A_1315 : i32
        %ne3A_1333 = arith.constant 0 : i32
        %ne3A_1334 = arith.cmpi ne, %rem3A_1332, %ne3A_1333 : i32
        %and3A_1335 = arith.andi %ne3A_1331, %ne3A_1334 : i1
        %sub3A_1336 = arith.constant 1 : i32
        %sub3A_1337 = arith.subi %div3A_1316, %sub3A_1336 : i32
        %select_n3A_1338 = arith.select %and3A_1335, %sub3A_1337, %div3A_1316 : i32
        %mul3A_1339 = arith.constant 50 : i32
        %mul3A_1340 = arith.muli %select_n3A_1338, %mul3A_1339 : i32
        %sub3A_1341 = arith.subi %add3A_1314, %mul3A_1340 : i32
        %mul3A_1342 = arith.constant 32 : i32
        %mul3A_1343 = arith.muli %select_n3A_1338, %mul3A_1342 : i32
        %add3A_1344 = arith.addi %add3A, %mul3A_1343 : i32
        %eq3A = arith.constant 0 : i32
        %eq3A_1345 = arith.cmpi eq, %sub3A_1341, %eq3A : i32
        %convert_element_type3A_1346 = arith.extui %eq3A_1345 : i1 to i32
        %cond3A_1347 = arith.constant 0 : i32
        %cond3A_1348 = arith.cmpi ne, %convert_element_type3A_1346, %cond3A_1347 : i32
        scf.if %cond3A_1348 {
          %mul3A_1413 = arith.constant 6400 : i32
          %mul3A_1414 = arith.muli %add3A_1344, %mul3A_1413 : i32
          "tpu.region"() ({
            %run_scoped3A = tpu.sem_alloc : memref<!tpu.dma_semaphore, #tpu.memory_space<semaphore_mem>>
            %dma_start3A_1415 = tpu.memref_slice %arg2[%mul3A_1414] : memref<819200xi32, #tpu.memory_space<hbm>> -> memref<6400xi32, #tpu.memory_space<hbm>>
            %dma_start3A_1416 = tpu.memref_slice %arg2[%mul3A_1414] : memref<819200xi32, #tpu.memory_space<hbm>> -> memref<6400xi32, #tpu.memory_space<hbm>>
            tpu.enqueue_dma source(%dma_start3A_1416 : memref<6400xi32, #tpu.memory_space<hbm>>) target(%arg5 : memref<6400xi32, #tpu.memory_space<vmem>>) target_semaphore(%run_scoped3A : memref<!tpu.dma_semaphore, #tpu.memory_space<semaphore_mem>>)
            %dma_wait3A_1417 = tpu.memref_slice %arg2[%mul3A_1414] : memref<819200xi32, #tpu.memory_space<hbm>> -> memref<6400xi32, #tpu.memory_space<hbm>>
            %dma_wait3A_1418 = tpu.memref_slice %arg2[%mul3A_1414] : memref<819200xi32, #tpu.memory_space<hbm>> -> memref<6400xi32, #tpu.memory_space<hbm>>
            tpu.wait_dma2 semaphore(%run_scoped3A : memref<!tpu.dma_semaphore, #tpu.memory_space<semaphore_mem>>) src(%dma_wait3A_1418 : memref<6400xi32, #tpu.memory_space<hbm>>) dst(%arg5 : memref<6400xi32, #tpu.memory_space<vmem>>)
            tpu.yield
          }) : () -> ()
        } else {
        }
        %add3A_1349 = arith.constant 0 : i32
        %add3A_1350 = arith.addi %add3A_1349, %sub3A_1341 : i32
        %add3A_1351 = vector.broadcast %add3A_1350 : i32 to vector<16xi32>
        %add3A_1352 = arith.addi %mul3A_3, %add3A_1351 : vector<16xi32>
        %gather3A_1353 = tpu.vector_load_idx %arg5[%add3A_1352] : memref<6400xi32, #tpu.memory_space<vmem>>[vector<16xi32>], vector<16xi32>,
        %swap3A_1354 = arith.constant 0 : index
        %swap3A_1355 = tpu.vector_load %arg8[%swap3A_1354] {strides = array<i32>} : memref<128xi32, #tpu.memory_space<vmem>>, vector<16xi32>,
        tpu.vector_store %arg8[%swap3A_1354], %gather3A_1353 {strides = array<i32>} : memref<128xi32, #tpu.memory_space<vmem>>, vector<16xi32>,
        %add3A_1356 = arith.constant 800 : i32
        %add3A_1357 = arith.addi %add3A_1356, %sub3A_1341 : i32
        %add3A_1358 = vector.broadcast %add3A_1357 : i32 to vector<16xi32>
        %add3A_1359 = arith.addi %mul3A_3, %add3A_1358 : vector<16xi32>
        %gather3A_1360 = tpu.vector_load_idx %arg5[%add3A_1359] : memref<6400xi32, #tpu.memory_space<vmem>>[vector<16xi32>], vector<16xi32>,
        %swap3A_1361 = arith.constant 16 : index
        %swap3A_1362 = tpu.vector_load %arg8[%swap3A_1361] {strides = array<i32>} : memref<128xi32, #tpu.memory_space<vmem>>, vector<16xi32>,
        tpu.vector_store %arg8[%swap3A_1361], %gather3A_1360 {strides = array<i32>} : memref<128xi32, #tpu.memory_space<vmem>>, vector<16xi32>,
        %add3A_1363 = arith.constant 1600 : i32
        %add3A_1364 = arith.addi %add3A_1363, %sub3A_1341 : i32
        %add3A_1365 = vector.broadcast %add3A_1364 : i32 to vector<16xi32>
        %add3A_1366 = arith.addi %mul3A_3, %add3A_1365 : vector<16xi32>
        %gather3A_1367 = tpu.vector_load_idx %arg5[%add3A_1366] : memref<6400xi32, #tpu.memory_space<vmem>>[vector<16xi32>], vector<16xi32>,
        %swap3A_1368 = arith.constant 32 : index
        %swap3A_1369 = tpu.vector_load %arg8[%swap3A_1368] {strides = array<i32>} : memref<128xi32, #tpu.memory_space<vmem>>, vector<16xi32>,
        tpu.vector_store %arg8[%swap3A_1368], %gather3A_1367 {strides = array<i32>} : memref<128xi32, #tpu.memory_space<vmem>>, vector<16xi32>,
        %add3A_1370 = arith.constant 2400 : i32
        %add3A_1371 = arith.addi %add3A_1370, %sub3A_1341 : i32
        %add3A_1372 = vector.broadcast %add3A_1371 : i32 to vector<16xi32>
        %add3A_1373 = arith.addi %mul3A_3, %add3A_1372 : vector<16xi32>
        %gather3A_1374 = tpu.vector_load_idx %arg5[%add3A_1373] : memref<6400xi32, #tpu.memory_space<vmem>>[vector<16xi32>], vector<16xi32>,
        %swap3A_1375 = arith.constant 48 : index
        %swap3A_1376 = tpu.vector_load %arg8[%swap3A_1375] {strides = array<i32>} : memref<128xi32, #tpu.memory_space<vmem>>, vector<16xi32>,
        tpu.vector_store %arg8[%swap3A_1375], %gather3A_1374 {strides = array<i32>} : memref<128xi32, #tpu.memory_space<vmem>>, vector<16xi32>,
        %add3A_1377 = arith.constant 3200 : i32
        %add3A_1378 = arith.addi %add3A_1377, %sub3A_1341 : i32
        %add3A_1379 = vector.broadcast %add3A_1378 : i32 to vector<16xi32>
        %add3A_1380 = arith.addi %mul3A_3, %add3A_1379 : vector<16xi32>
        %gather3A_1381 = tpu.vector_load_idx %arg5[%add3A_1380] : memref<6400xi32, #tpu.memory_space<vmem>>[vector<16xi32>], vector<16xi32>,
        %swap3A_1382 = arith.constant 64 : index
        %swap3A_1383 = tpu.vector_load %arg8[%swap3A_1382] {strides = array<i32>} : memref<128xi32, #tpu.memory_space<vmem>>, vector<16xi32>,
        tpu.vector_store %arg8[%swap3A_1382], %gather3A_1381 {strides = array<i32>} : memref<128xi32, #tpu.memory_space<vmem>>, vector<16xi32>,
        %add3A_1384 = arith.constant 4000 : i32
        %add3A_1385 = arith.addi %add3A_1384, %sub3A_1341 : i32
        %add3A_1386 = vector.broadcast %add3A_1385 : i32 to vector<16xi32>
        %add3A_1387 = arith.addi %mul3A_3, %add3A_1386 : vector<16xi32>
        %gather3A_1388 = tpu.vector_load_idx %arg5[%add3A_1387] : memref<6400xi32, #tpu.memory_space<vmem>>[vector<16xi32>], vector<16xi32>,
        %swap3A_1389 = arith.constant 80 : index
        %swap3A_1390 = tpu.vector_load %arg8[%swap3A_1389] {strides = array<i32>} : memref<128xi32, #tpu.memory_space<vmem>>, vector<16xi32>,
        tpu.vector_store %arg8[%swap3A_1389], %gather3A_1388 {strides = array<i32>} : memref<128xi32, #tpu.memory_space<vmem>>, vector<16xi32>,
        %add3A_1391 = arith.constant 4800 : i32
        %add3A_1392 = arith.addi %add3A_1391, %sub3A_1341 : i32
        %add3A_1393 = vector.broadcast %add3A_1392 : i32 to vector<16xi32>
        %add3A_1394 = arith.addi %mul3A_3, %add3A_1393 : vector<16xi32>
        %gather3A_1395 = tpu.vector_load_idx %arg5[%add3A_1394] : memref<6400xi32, #tpu.memory_space<vmem>>[vector<16xi32>], vector<16xi32>,
        %swap3A_1396 = arith.constant 96 : index
        %swap3A_1397 = tpu.vector_load %arg8[%swap3A_1396] {strides = array<i32>} : memref<128xi32, #tpu.memory_space<vmem>>, vector<16xi32>,
        tpu.vector_store %arg8[%swap3A_1396], %gather3A_1395 {strides = array<i32>} : memref<128xi32, #tpu.memory_space<vmem>>, vector<16xi32>,
        %add3A_1398 = arith.constant 5600 : i32
        %add3A_1399 = arith.addi %add3A_1398, %sub3A_1341 : i32
        %add3A_1400 = vector.broadcast %add3A_1399 : i32 to vector<16xi32>
        %add3A_1401 = arith.addi %mul3A_3, %add3A_1400 : vector<16xi32>
        %gather3A_1402 = tpu.vector_load_idx %arg5[%add3A_1401] : memref<6400xi32, #tpu.memory_space<vmem>>[vector<16xi32>], vector<16xi32>,
        %swap3A_1403 = arith.constant 112 : index
        %swap3A_1404 = tpu.vector_load %arg8[%swap3A_1403] {strides = array<i32>} : memref<128xi32, #tpu.memory_space<vmem>>, vector<16xi32>,
        tpu.vector_store %arg8[%swap3A_1403], %gather3A_1402 {strides = array<i32>} : memref<128xi32, #tpu.memory_space<vmem>>, vector<16xi32>,
        %dma_start3A_1405 = arith.constant 2 : i32
        %dma_start3A_1406 = arith.constant 0 : i32
        %dma_start3A_1407 = arith.constant 0 : i32
        %dma_start3A_1408 = tpu.memref_slice %arg10[%dma_start3A_1405, %dma_start3A_1406, %dma_start3A_1407] : memref<4x128x64xf32, #tpu.memory_space<vmem>> -> memref<1x128x64xf32, #tpu.memory_space<vmem>>
        %dma_start3A_1409 = tpu.memref_squeeze %dma_start3A_1408 : memref<1x128x64xf32, #tpu.memory_space<vmem>> -> memref<128x64xf32, #tpu.memory_space<vmem>>
        %dma_start3A_1410 = arith.constant 0 : i32
        %dma_start3A_1411 = arith.constant 0 : i32
        %dma_start3A_1412 = tpu.memref_slice %arg3[%dma_start3A_1410, %dma_start3A_1411] : memref<1000000x64xf32, #tpu.memory_space<hbm>> -> memref<1000000x64xf32, #tpu.memory_space<hbm>>
        tpu.enqueue_indirect_dma source(%dma_start3A_1412 : memref<1000000x64xf32, #tpu.memory_space<hbm>>) target(%dma_start3A_1409 : memref<128x64xf32, #tpu.memory_space<vmem>>) offsets(%arg8 : memref<128xi32, #tpu.memory_space<vmem>>) semaphore(%arg14 : memref<!tpu.dma_semaphore, #tpu.memory_space<semaphore_mem>>)
      } else {
      }
    }
    %scan3A_180 = arith.constant 50 : i32
    %dma_wait3A = arith.constant 0 : i32
    %dma_wait3A_181 = arith.constant 0 : i32
    %dma_wait3A_182 = arith.constant 0 : i32
    %dma_wait3A_183 = arith.constant 0 : i32
    %dma_wait3A_184 = arith.constant 0 : i32
    %dma_wait3A_185 = arith.constant 0 : i32
    %dma_wait3A_186 = tpu.memref_slice %arg11[%dma_wait3A, %dma_wait3A_184, %dma_wait3A_185] : memref<2x64x129xf32, #tpu.memory_space<vmem>> -> memref<1x8x128xf32, #tpu.memory_space<vmem>>
    %dma_wait3A_187 = tpu.memref_squeeze %dma_wait3A_186 : memref<1x8x128xf32, #tpu.memory_space<vmem>> -> memref<8x128xf32, #tpu.memory_space<vmem>>
    %dma_wait3A_188 = arith.constant 0 : i32
    %dma_wait3A_189 = arith.constant 0 : i32
    %dma_wait3A_190 = tpu.memref_slice %arg4[%dma_wait3A_181, %dma_wait3A_182, %dma_wait3A_183, %dma_wait3A_188, %dma_wait3A_189] : memref<50x8x128x8x128xf32, #tpu.memory_space<hbm>> -> memref<1x1x1x8x128xf32, #tpu.memory_space<hbm>>
    %dma_wait3A_191 = tpu.memref_squeeze %dma_wait3A_190 : memref<1x1x1x8x128xf32, #tpu.memory_space<hbm>> -> memref<8x128xf32, #tpu.memory_space<hbm>>
    %dma_wait3A_192 = arith.constant 0 : i32
    %dma_wait3A_193 = arith.constant 0 : i32
    %dma_wait3A_194 = tpu.memref_slice %arg4[%dma_wait3A_181, %dma_wait3A_182, %dma_wait3A_183, %dma_wait3A_192, %dma_wait3A_193] : memref<50x8x128x8x128xf32, #tpu.memory_space<hbm>> -> memref<1x1x1x8x128xf32, #tpu.memory_space<hbm>>
    %dma_wait3A_195 = tpu.memref_squeeze %dma_wait3A_194 : memref<1x1x1x8x128xf32, #tpu.memory_space<hbm>> -> memref<8x128xf32, #tpu.memory_space<hbm>>
    %dma_wait3A_196 = arith.constant 0 : i32
    %dma_wait3A_197 = arith.constant 0 : i32
    %dma_wait3A_198 = tpu.memref_slice %arg11[%dma_wait3A, %dma_wait3A_196, %dma_wait3A_197] : memref<2x64x129xf32, #tpu.memory_space<vmem>> -> memref<1x8x128xf32, #tpu.memory_space<vmem>>
    %dma_wait3A_199 = tpu.memref_squeeze %dma_wait3A_198 : memref<1x8x128xf32, #tpu.memory_space<vmem>> -> memref<8x128xf32, #tpu.memory_space<vmem>>
    tpu.wait_dma2 semaphore(%arg16 : memref<!tpu.dma_semaphore, #tpu.memory_space<semaphore_mem>>) src(%dma_wait3A_199 : memref<8x128xf32, #tpu.memory_space<vmem>>) dst(%dma_wait3A_195 : memref<8x128xf32, #tpu.memory_space<hbm>>)
    %dma_wait3A_200 = arith.constant 0 : i32
    %dma_wait3A_201 = arith.constant 0 : i32
    %dma_wait3A_202 = arith.constant 1 : i32
    %dma_wait3A_203 = arith.constant 0 : i32
    %dma_wait3A_204 = arith.constant 8 : i32
    %dma_wait3A_205 = arith.constant 0 : i32
    %dma_wait3A_206 = tpu.memref_slice %arg11[%dma_wait3A_200, %dma_wait3A_204, %dma_wait3A_205] : memref<2x64x129xf32, #tpu.memory_space<vmem>> -> memref<1x8x128xf32, #tpu.memory_space<vmem>>
    %dma_wait3A_207 = tpu.memref_squeeze %dma_wait3A_206 : memref<1x8x128xf32, #tpu.memory_space<vmem>> -> memref<8x128xf32, #tpu.memory_space<vmem>>
    %dma_wait3A_208 = arith.constant 0 : i32
    %dma_wait3A_209 = arith.constant 0 : i32
    %dma_wait3A_210 = tpu.memref_slice %arg4[%dma_wait3A_201, %dma_wait3A_202, %dma_wait3A_203, %dma_wait3A_208, %dma_wait3A_209] : memref<50x8x128x8x128xf32, #tpu.memory_space<hbm>> -> memref<1x1x1x8x128xf32, #tpu.memory_space<hbm>>
    %dma_wait3A_211 = tpu.memref_squeeze %dma_wait3A_210 : memref<1x1x1x8x128xf32, #tpu.memory_space<hbm>> -> memref<8x128xf32, #tpu.memory_space<hbm>>
    %dma_wait3A_212 = arith.constant 0 : i32
    %dma_wait3A_213 = arith.constant 0 : i32
    %dma_wait3A_214 = tpu.memref_slice %arg4[%dma_wait3A_201, %dma_wait3A_202, %dma_wait3A_203, %dma_wait3A_212, %dma_wait3A_213] : memref<50x8x128x8x128xf32, #tpu.memory_space<hbm>> -> memref<1x1x1x8x128xf32, #tpu.memory_space<hbm>>
    %dma_wait3A_215 = tpu.memref_squeeze %dma_wait3A_214 : memref<1x1x1x8x128xf32, #tpu.memory_space<hbm>> -> memref<8x128xf32, #tpu.memory_space<hbm>>
    %dma_wait3A_216 = arith.constant 8 : i32
    %dma_wait3A_217 = arith.constant 0 : i32
    %dma_wait3A_218 = tpu.memref_slice %arg11[%dma_wait3A_200, %dma_wait3A_216, %dma_wait3A_217] : memref<2x64x129xf32, #tpu.memory_space<vmem>> -> memref<1x8x128xf32, #tpu.memory_space<vmem>>
    %dma_wait3A_219 = tpu.memref_squeeze %dma_wait3A_218 : memref<1x8x128xf32, #tpu.memory_space<vmem>> -> memref<8x128xf32, #tpu.memory_space<vmem>>
    tpu.wait_dma2 semaphore(%arg16 : memref<!tpu.dma_semaphore, #tpu.memory_space<semaphore_mem>>) src(%dma_wait3A_219 : memref<8x128xf32, #tpu.memory_space<vmem>>) dst(%dma_wait3A_215 : memref<8x128xf32, #tpu.memory_space<hbm>>)
    %dma_wait3A_220 = arith.constant 0 : i32
    %dma_wait3A_221 = arith.constant 0 : i32
    %dma_wait3A_222 = arith.constant 2 : i32
    %dma_wait3A_223 = arith.constant 0 : i32
    %dma_wait3A_224 = arith.constant 16 : i32
    %dma_wait3A_225 = arith.constant 0 : i32
    %dma_wait3A_226 = tpu.memref_slice %arg11[%dma_wait3A_220, %dma_wait3A_224, %dma_wait3A_225] : memref<2x64x129xf32, #tpu.memory_space<vmem>> -> memref<1x8x128xf32, #tpu.memory_space<vmem>>
    %dma_wait3A_227 = tpu.memref_squeeze %dma_wait3A_226 : memref<1x8x128xf32, #tpu.memory_space<vmem>> -> memref<8x128xf32, #tpu.memory_space<vmem>>
    %dma_wait3A_228 = arith.constant 0 : i32
    %dma_wait3A_229 = arith.constant 0 : i32
    %dma_wait3A_230 = tpu.memref_slice %arg4[%dma_wait3A_221, %dma_wait3A_222, %dma_wait3A_223, %dma_wait3A_228, %dma_wait3A_229] : memref<50x8x128x8x128xf32, #tpu.memory_space<hbm>> -> memref<1x1x1x8x128xf32, #tpu.memory_space<hbm>>
    %dma_wait3A_231 = tpu.memref_squeeze %dma_wait3A_230 : memref<1x1x1x8x128xf32, #tpu.memory_space<hbm>> -> memref<8x128xf32, #tpu.memory_space<hbm>>
    %dma_wait3A_232 = arith.constant 0 : i32
    %dma_wait3A_233 = arith.constant 0 : i32
    %dma_wait3A_234 = tpu.memref_slice %arg4[%dma_wait3A_221, %dma_wait3A_222, %dma_wait3A_223, %dma_wait3A_232, %dma_wait3A_233] : memref<50x8x128x8x128xf32, #tpu.memory_space<hbm>> -> memref<1x1x1x8x128xf32, #tpu.memory_space<hbm>>
    %dma_wait3A_235 = tpu.memref_squeeze %dma_wait3A_234 : memref<1x1x1x8x128xf32, #tpu.memory_space<hbm>> -> memref<8x128xf32, #tpu.memory_space<hbm>>
    %dma_wait3A_236 = arith.constant 16 : i32
    %dma_wait3A_237 = arith.constant 0 : i32
    %dma_wait3A_238 = tpu.memref_slice %arg11[%dma_wait3A_220, %dma_wait3A_236, %dma_wait3A_237] : memref<2x64x129xf32, #tpu.memory_space<vmem>> -> memref<1x8x128xf32, #tpu.memory_space<vmem>>
    %dma_wait3A_239 = tpu.memref_squeeze %dma_wait3A_238 : memref<1x8x128xf32, #tpu.memory_space<vmem>> -> memref<8x128xf32, #tpu.memory_space<vmem>>
    tpu.wait_dma2 semaphore(%arg16 : memref<!tpu.dma_semaphore, #tpu.memory_space<semaphore_mem>>) src(%dma_wait3A_239 : memref<8x128xf32, #tpu.memory_space<vmem>>) dst(%dma_wait3A_235 : memref<8x128xf32, #tpu.memory_space<hbm>>)
    %dma_wait3A_240 = arith.constant 0 : i32
    %dma_wait3A_241 = arith.constant 0 : i32
    %dma_wait3A_242 = arith.constant 3 : i32
    %dma_wait3A_243 = arith.constant 0 : i32
    %dma_wait3A_244 = arith.constant 24 : i32
    %dma_wait3A_245 = arith.constant 0 : i32
    %dma_wait3A_246 = tpu.memref_slice %arg11[%dma_wait3A_240, %dma_wait3A_244, %dma_wait3A_245] : memref<2x64x129xf32, #tpu.memory_space<vmem>> -> memref<1x8x128xf32, #tpu.memory_space<vmem>>
    %dma_wait3A_247 = tpu.memref_squeeze %dma_wait3A_246 : memref<1x8x128xf32, #tpu.memory_space<vmem>> -> memref<8x128xf32, #tpu.memory_space<vmem>>
    %dma_wait3A_248 = arith.constant 0 : i32
    %dma_wait3A_249 = arith.constant 0 : i32
    %dma_wait3A_250 = tpu.memref_slice %arg4[%dma_wait3A_241, %dma_wait3A_242, %dma_wait3A_243, %dma_wait3A_248, %dma_wait3A_249] : memref<50x8x128x8x128xf32, #tpu.memory_space<hbm>> -> memref<1x1x1x8x128xf32, #tpu.memory_space<hbm>>
    %dma_wait3A_251 = tpu.memref_squeeze %dma_wait3A_250 : memref<1x1x1x8x128xf32, #tpu.memory_space<hbm>> -> memref<8x128xf32, #tpu.memory_space<hbm>>
    %dma_wait3A_252 = arith.constant 0 : i32
    %dma_wait3A_253 = arith.constant 0 : i32
    %dma_wait3A_254 = tpu.memref_slice %arg4[%dma_wait3A_241, %dma_wait3A_242, %dma_wait3A_243, %dma_wait3A_252, %dma_wait3A_253] : memref<50x8x128x8x128xf32, #tpu.memory_space<hbm>> -> memref<1x1x1x8x128xf32, #tpu.memory_space<hbm>>
    %dma_wait3A_255 = tpu.memref_squeeze %dma_wait3A_254 : memref<1x1x1x8x128xf32, #tpu.memory_space<hbm>> -> memref<8x128xf32, #tpu.memory_space<hbm>>
    %dma_wait3A_256 = arith.constant 24 : i32
    %dma_wait3A_257 = arith.constant 0 : i32
    %dma_wait3A_258 = tpu.memref_slice %arg11[%dma_wait3A_240, %dma_wait3A_256, %dma_wait3A_257] : memref<2x64x129xf32, #tpu.memory_space<vmem>> -> memref<1x8x128xf32, #tpu.memory_space<vmem>>
    %dma_wait3A_259 = tpu.memref_squeeze %dma_wait3A_258 : memref<1x8x128xf32, #tpu.memory_space<vmem>> -> memref<8x128xf32, #tpu.memory_space<vmem>>
    tpu.wait_dma2 semaphore(%arg16 : memref<!tpu.dma_semaphore, #tpu.memory_space<semaphore_mem>>) src(%dma_wait3A_259 : memref<8x128xf32, #tpu.memory_space<vmem>>) dst(%dma_wait3A_255 : memref<8x128xf32, #tpu.memory_space<hbm>>)
    %dma_wait3A_260 = arith.constant 0 : i32
    %dma_wait3A_261 = arith.constant 0 : i32
    %dma_wait3A_262 = arith.constant 4 : i32
    %dma_wait3A_263 = arith.constant 0 : i32
    %dma_wait3A_264 = arith.constant 32 : i32
    %dma_wait3A_265 = arith.constant 0 : i32
    %dma_wait3A_266 = tpu.memref_slice %arg11[%dma_wait3A_260, %dma_wait3A_264, %dma_wait3A_265] : memref<2x64x129xf32, #tpu.memory_space<vmem>> -> memref<1x8x128xf32, #tpu.memory_space<vmem>>
    %dma_wait3A_267 = tpu.memref_squeeze %dma_wait3A_266 : memref<1x8x128xf32, #tpu.memory_space<vmem>> -> memref<8x128xf32, #tpu.memory_space<vmem>>
    %dma_wait3A_268 = arith.constant 0 : i32
    %dma_wait3A_269 = arith.constant 0 : i32
    %dma_wait3A_270 = tpu.memref_slice %arg4[%dma_wait3A_261, %dma_wait3A_262, %dma_wait3A_263, %dma_wait3A_268, %dma_wait3A_269] : memref<50x8x128x8x128xf32, #tpu.memory_space<hbm>> -> memref<1x1x1x8x128xf32, #tpu.memory_space<hbm>>
    %dma_wait3A_271 = tpu.memref_squeeze %dma_wait3A_270 : memref<1x1x1x8x128xf32, #tpu.memory_space<hbm>> -> memref<8x128xf32, #tpu.memory_space<hbm>>
    %dma_wait3A_272 = arith.constant 0 : i32
    %dma_wait3A_273 = arith.constant 0 : i32
    %dma_wait3A_274 = tpu.memref_slice %arg4[%dma_wait3A_261, %dma_wait3A_262, %dma_wait3A_263, %dma_wait3A_272, %dma_wait3A_273] : memref<50x8x128x8x128xf32, #tpu.memory_space<hbm>> -> memref<1x1x1x8x128xf32, #tpu.memory_space<hbm>>
    %dma_wait3A_275 = tpu.memref_squeeze %dma_wait3A_274 : memref<1x1x1x8x128xf32, #tpu.memory_space<hbm>> -> memref<8x128xf32, #tpu.memory_space<hbm>>
    %dma_wait3A_276 = arith.constant 32 : i32
    %dma_wait3A_277 = arith.constant 0 : i32
    %dma_wait3A_278 = tpu.memref_slice %arg11[%dma_wait3A_260, %dma_wait3A_276, %dma_wait3A_277] : memref<2x64x129xf32, #tpu.memory_space<vmem>> -> memref<1x8x128xf32, #tpu.memory_space<vmem>>
    %dma_wait3A_279 = tpu.memref_squeeze %dma_wait3A_278 : memref<1x8x128xf32, #tpu.memory_space<vmem>> -> memref<8x128xf32, #tpu.memory_space<vmem>>
    tpu.wait_dma2 semaphore(%arg16 : memref<!tpu.dma_semaphore, #tpu.memory_space<semaphore_mem>>) src(%dma_wait3A_279 : memref<8x128xf32, #tpu.memory_space<vmem>>) dst(%dma_wait3A_275 : memref<8x128xf32, #tpu.memory_space<hbm>>)
    %dma_wait3A_280 = arith.constant 0 : i32
    %dma_wait3A_281 = arith.constant 0 : i32
    %dma_wait3A_282 = arith.constant 5 : i32
    %dma_wait3A_283 = arith.constant 0 : i32
    %dma_wait3A_284 = arith.constant 40 : i32
    %dma_wait3A_285 = arith.constant 0 : i32
    %dma_wait3A_286 = tpu.memref_slice %arg11[%dma_wait3A_280, %dma_wait3A_284, %dma_wait3A_285] : memref<2x64x129xf32, #tpu.memory_space<vmem>> -> memref<1x8x128xf32, #tpu.memory_space<vmem>>
    %dma_wait3A_287 = tpu.memref_squeeze %dma_wait3A_286 : memref<1x8x128xf32, #tpu.memory_space<vmem>> -> memref<8x128xf32, #tpu.memory_space<vmem>>
    %dma_wait3A_288 = arith.constant 0 : i32
    %dma_wait3A_289 = arith.constant 0 : i32
    %dma_wait3A_290 = tpu.memref_slice %arg4[%dma_wait3A_281, %dma_wait3A_282, %dma_wait3A_283, %dma_wait3A_288, %dma_wait3A_289] : memref<50x8x128x8x128xf32, #tpu.memory_space<hbm>> -> memref<1x1x1x8x128xf32, #tpu.memory_space<hbm>>
    %dma_wait3A_291 = tpu.memref_squeeze %dma_wait3A_290 : memref<1x1x1x8x128xf32, #tpu.memory_space<hbm>> -> memref<8x128xf32, #tpu.memory_space<hbm>>
    %dma_wait3A_292 = arith.constant 0 : i32
    %dma_wait3A_293 = arith.constant 0 : i32
    %dma_wait3A_294 = tpu.memref_slice %arg4[%dma_wait3A_281, %dma_wait3A_282, %dma_wait3A_283, %dma_wait3A_292, %dma_wait3A_293] : memref<50x8x128x8x128xf32, #tpu.memory_space<hbm>> -> memref<1x1x1x8x128xf32, #tpu.memory_space<hbm>>
    %dma_wait3A_295 = tpu.memref_squeeze %dma_wait3A_294 : memref<1x1x1x8x128xf32, #tpu.memory_space<hbm>> -> memref<8x128xf32, #tpu.memory_space<hbm>>
    %dma_wait3A_296 = arith.constant 40 : i32
    %dma_wait3A_297 = arith.constant 0 : i32
    %dma_wait3A_298 = tpu.memref_slice %arg11[%dma_wait3A_280, %dma_wait3A_296, %dma_wait3A_297] : memref<2x64x129xf32, #tpu.memory_space<vmem>> -> memref<1x8x128xf32, #tpu.memory_space<vmem>>
    %dma_wait3A_299 = tpu.memref_squeeze %dma_wait3A_298 : memref<1x8x128xf32, #tpu.memory_space<vmem>> -> memref<8x128xf32, #tpu.memory_space<vmem>>
    tpu.wait_dma2 semaphore(%arg16 : memref<!tpu.dma_semaphore, #tpu.memory_space<semaphore_mem>>) src(%dma_wait3A_299 : memref<8x128xf32, #tpu.memory_space<vmem>>) dst(%dma_wait3A_295 : memref<8x128xf32, #tpu.memory_space<hbm>>)
    %dma_wait3A_300 = arith.constant 0 : i32
    %dma_wait3A_301 = arith.constant 0 : i32
    %dma_wait3A_302 = arith.constant 6 : i32
    %dma_wait3A_303 = arith.constant 0 : i32
    %dma_wait3A_304 = arith.constant 48 : i32
    %dma_wait3A_305 = arith.constant 0 : i32
    %dma_wait3A_306 = tpu.memref_slice %arg11[%dma_wait3A_300, %dma_wait3A_304, %dma_wait3A_305] : memref<2x64x129xf32, #tpu.memory_space<vmem>> -> memref<1x8x128xf32, #tpu.memory_space<vmem>>
    %dma_wait3A_307 = tpu.memref_squeeze %dma_wait3A_306 : memref<1x8x128xf32, #tpu.memory_space<vmem>> -> memref<8x128xf32, #tpu.memory_space<vmem>>
    %dma_wait3A_308 = arith.constant 0 : i32
    %dma_wait3A_309 = arith.constant 0 : i32
    %dma_wait3A_310 = tpu.memref_slice %arg4[%dma_wait3A_301, %dma_wait3A_302, %dma_wait3A_303, %dma_wait3A_308, %dma_wait3A_309] : memref<50x8x128x8x128xf32, #tpu.memory_space<hbm>> -> memref<1x1x1x8x128xf32, #tpu.memory_space<hbm>>
    %dma_wait3A_311 = tpu.memref_squeeze %dma_wait3A_310 : memref<1x1x1x8x128xf32, #tpu.memory_space<hbm>> -> memref<8x128xf32, #tpu.memory_space<hbm>>
    %dma_wait3A_312 = arith.constant 0 : i32
    %dma_wait3A_313 = arith.constant 0 : i32
    %dma_wait3A_314 = tpu.memref_slice %arg4[%dma_wait3A_301, %dma_wait3A_302, %dma_wait3A_303, %dma_wait3A_312, %dma_wait3A_313] : memref<50x8x128x8x128xf32, #tpu.memory_space<hbm>> -> memref<1x1x1x8x128xf32, #tpu.memory_space<hbm>>
    %dma_wait3A_315 = tpu.memref_squeeze %dma_wait3A_314 : memref<1x1x1x8x128xf32, #tpu.memory_space<hbm>> -> memref<8x128xf32, #tpu.memory_space<hbm>>
    %dma_wait3A_316 = arith.constant 48 : i32
    %dma_wait3A_317 = arith.constant 0 : i32
    %dma_wait3A_318 = tpu.memref_slice %arg11[%dma_wait3A_300, %dma_wait3A_316, %dma_wait3A_317] : memref<2x64x129xf32, #tpu.memory_space<vmem>> -> memref<1x8x128xf32, #tpu.memory_space<vmem>>
    %dma_wait3A_319 = tpu.memref_squeeze %dma_wait3A_318 : memref<1x8x128xf32, #tpu.memory_space<vmem>> -> memref<8x128xf32, #tpu.memory_space<vmem>>
    tpu.wait_dma2 semaphore(%arg16 : memref<!tpu.dma_semaphore, #tpu.memory_space<semaphore_mem>>) src(%dma_wait3A_319 : memref<8x128xf32, #tpu.memory_space<vmem>>) dst(%dma_wait3A_315 : memref<8x128xf32, #tpu.memory_space<hbm>>)
    %dma_wait3A_320 = arith.constant 0 : i32
    %dma_wait3A_321 = arith.constant 0 : i32
    %dma_wait3A_322 = arith.constant 7 : i32
    %dma_wait3A_323 = arith.constant 0 : i32
    %dma_wait3A_324 = arith.constant 56 : i32
    %dma_wait3A_325 = arith.constant 0 : i32
    %dma_wait3A_326 = tpu.memref_slice %arg11[%dma_wait3A_320, %dma_wait3A_324, %dma_wait3A_325] : memref<2x64x129xf32, #tpu.memory_space<vmem>> -> memref<1x8x128xf32, #tpu.memory_space<vmem>>
    %dma_wait3A_327 = tpu.memref_squeeze %dma_wait3A_326 : memref<1x8x128xf32, #tpu.memory_space<vmem>> -> memref<8x128xf32, #tpu.memory_space<vmem>>
    %dma_wait3A_328 = arith.constant 0 : i32
    %dma_wait3A_329 = arith.constant 0 : i32
    %dma_wait3A_330 = tpu.memref_slice %arg4[%dma_wait3A_321, %dma_wait3A_322, %dma_wait3A_323, %dma_wait3A_328, %dma_wait3A_329] : memref<50x8x128x8x128xf32, #tpu.memory_space<hbm>> -> memref<1x1x1x8x128xf32, #tpu.memory_space<hbm>>
    %dma_wait3A_331 = tpu.memref_squeeze %dma_wait3A_330 : memref<1x1x1x8x128xf32, #tpu.memory_space<hbm>> -> memref<8x128xf32, #tpu.memory_space<hbm>>
    %dma_wait3A_332 = arith.constant 0 : i32
    %dma_wait3A_333 = arith.constant 0 : i32
    %dma_wait3A_334 = tpu.memref_slice %arg4[%dma_wait3A_321, %dma_wait3A_322, %dma_wait3A_323, %dma_wait3A_332, %dma_wait3A_333] : memref<50x8x128x8x128xf32, #tpu.memory_space<hbm>> -> memref<1x1x1x8x128xf32, #tpu.memory_space<hbm>>
    %dma_wait3A_335 = tpu.memref_squeeze %dma_wait3A_334 : memref<1x1x1x8x128xf32, #tpu.memory_space<hbm>> -> memref<8x128xf32, #tpu.memory_space<hbm>>
    %dma_wait3A_336 = arith.constant 56 : i32
    %dma_wait3A_337 = arith.constant 0 : i32
    %dma_wait3A_338 = tpu.memref_slice %arg11[%dma_wait3A_320, %dma_wait3A_336, %dma_wait3A_337] : memref<2x64x129xf32, #tpu.memory_space<vmem>> -> memref<1x8x128xf32, #tpu.memory_space<vmem>>
    %dma_wait3A_339 = tpu.memref_squeeze %dma_wait3A_338 : memref<1x8x128xf32, #tpu.memory_space<vmem>> -> memref<8x128xf32, #tpu.memory_space<vmem>>
    tpu.wait_dma2 semaphore(%arg16 : memref<!tpu.dma_semaphore, #tpu.memory_space<semaphore_mem>>) src(%dma_wait3A_339 : memref<8x128xf32, #tpu.memory_space<vmem>>) dst(%dma_wait3A_335 : memref<8x128xf32, #tpu.memory_space<hbm>>)
    %dma_wait3A_340 = arith.constant 1 : i32
    %dma_wait3A_341 = arith.constant 0 : i32
    %dma_wait3A_342 = arith.constant 0 : i32
    %dma_wait3A_343 = arith.constant 0 : i32
    %dma_wait3A_344 = arith.constant 0 : i32
    %dma_wait3A_345 = arith.constant 0 : i32
    %dma_wait3A_346 = tpu.memref_slice %arg11[%dma_wait3A_340, %dma_wait3A_344, %dma_wait3A_345] : memref<2x64x129xf32, #tpu.memory_space<vmem>> -> memref<1x8x128xf32, #tpu.memory_space<vmem>>
    %dma_wait3A_347 = tpu.memref_squeeze %dma_wait3A_346 : memref<1x8x128xf32, #tpu.memory_space<vmem>> -> memref<8x128xf32, #tpu.memory_space<vmem>>
    %dma_wait3A_348 = arith.constant 0 : i32
    %dma_wait3A_349 = arith.constant 0 : i32
    %dma_wait3A_350 = tpu.memref_slice %arg4[%dma_wait3A_341, %dma_wait3A_342, %dma_wait3A_343, %dma_wait3A_348, %dma_wait3A_349] : memref<50x8x128x8x128xf32, #tpu.memory_space<hbm>> -> memref<1x1x1x8x128xf32, #tpu.memory_space<hbm>>
    %dma_wait3A_351 = tpu.memref_squeeze %dma_wait3A_350 : memref<1x1x1x8x128xf32, #tpu.memory_space<hbm>> -> memref<8x128xf32, #tpu.memory_space<hbm>>
    %dma_wait3A_352 = arith.constant 0 : i32
    %dma_wait3A_353 = arith.constant 0 : i32
    %dma_wait3A_354 = tpu.memref_slice %arg4[%dma_wait3A_341, %dma_wait3A_342, %dma_wait3A_343, %dma_wait3A_352, %dma_wait3A_353] : memref<50x8x128x8x128xf32, #tpu.memory_space<hbm>> -> memref<1x1x1x8x128xf32, #tpu.memory_space<hbm>>
    %dma_wait3A_355 = tpu.memref_squeeze %dma_wait3A_354 : memref<1x1x1x8x128xf32, #tpu.memory_space<hbm>> -> memref<8x128xf32, #tpu.memory_space<hbm>>
    %dma_wait3A_356 = arith.constant 0 : i32
    %dma_wait3A_357 = arith.constant 0 : i32
    %dma_wait3A_358 = tpu.memref_slice %arg11[%dma_wait3A_340, %dma_wait3A_356, %dma_wait3A_357] : memref<2x64x129xf32, #tpu.memory_space<vmem>> -> memref<1x8x128xf32, #tpu.memory_space<vmem>>
    %dma_wait3A_359 = tpu.memref_squeeze %dma_wait3A_358 : memref<1x8x128xf32, #tpu.memory_space<vmem>> -> memref<8x128xf32, #tpu.memory_space<vmem>>
    tpu.wait_dma2 semaphore(%arg17 : memref<!tpu.dma_semaphore, #tpu.memory_space<semaphore_mem>>) src(%dma_wait3A_359 : memref<8x128xf32, #tpu.memory_space<vmem>>) dst(%dma_wait3A_355 : memref<8x128xf32, #tpu.memory_space<hbm>>)
    %dma_wait3A_360 = arith.constant 1 : i32
    %dma_wait3A_361 = arith.constant 0 : i32
    %dma_wait3A_362 = arith.constant 1 : i32
    %dma_wait3A_363 = arith.constant 0 : i32
    %dma_wait3A_364 = arith.constant 8 : i32
    %dma_wait3A_365 = arith.constant 0 : i32
    %dma_wait3A_366 = tpu.memref_slice %arg11[%dma_wait3A_360, %dma_wait3A_364, %dma_wait3A_365] : memref<2x64x129xf32, #tpu.memory_space<vmem>> -> memref<1x8x128xf32, #tpu.memory_space<vmem>>
    %dma_wait3A_367 = tpu.memref_squeeze %dma_wait3A_366 : memref<1x8x128xf32, #tpu.memory_space<vmem>> -> memref<8x128xf32, #tpu.memory_space<vmem>>
    %dma_wait3A_368 = arith.constant 0 : i32
    %dma_wait3A_369 = arith.constant 0 : i32
    %dma_wait3A_370 = tpu.memref_slice %arg4[%dma_wait3A_361, %dma_wait3A_362, %dma_wait3A_363, %dma_wait3A_368, %dma_wait3A_369] : memref<50x8x128x8x128xf32, #tpu.memory_space<hbm>> -> memref<1x1x1x8x128xf32, #tpu.memory_space<hbm>>
    %dma_wait3A_371 = tpu.memref_squeeze %dma_wait3A_370 : memref<1x1x1x8x128xf32, #tpu.memory_space<hbm>> -> memref<8x128xf32, #tpu.memory_space<hbm>>
    %dma_wait3A_372 = arith.constant 0 : i32
    %dma_wait3A_373 = arith.constant 0 : i32
    %dma_wait3A_374 = tpu.memref_slice %arg4[%dma_wait3A_361, %dma_wait3A_362, %dma_wait3A_363, %dma_wait3A_372, %dma_wait3A_373] : memref<50x8x128x8x128xf32, #tpu.memory_space<hbm>> -> memref<1x1x1x8x128xf32, #tpu.memory_space<hbm>>
    %dma_wait3A_375 = tpu.memref_squeeze %dma_wait3A_374 : memref<1x1x1x8x128xf32, #tpu.memory_space<hbm>> -> memref<8x128xf32, #tpu.memory_space<hbm>>
    %dma_wait3A_376 = arith.constant 8 : i32
    %dma_wait3A_377 = arith.constant 0 : i32
    %dma_wait3A_378 = tpu.memref_slice %arg11[%dma_wait3A_360, %dma_wait3A_376, %dma_wait3A_377] : memref<2x64x129xf32, #tpu.memory_space<vmem>> -> memref<1x8x128xf32, #tpu.memory_space<vmem>>
    %dma_wait3A_379 = tpu.memref_squeeze %dma_wait3A_378 : memref<1x8x128xf32, #tpu.memory_space<vmem>> -> memref<8x128xf32, #tpu.memory_space<vmem>>
    tpu.wait_dma2 semaphore(%arg17 : memref<!tpu.dma_semaphore, #tpu.memory_space<semaphore_mem>>) src(%dma_wait3A_379 : memref<8x128xf32, #tpu.memory_space<vmem>>) dst(%dma_wait3A_375 : memref<8x128xf32, #tpu.memory_space<hbm>>)
    %dma_wait3A_380 = arith.constant 1 : i32
    %dma_wait3A_381 = arith.constant 0 : i32
    %dma_wait3A_382 = arith.constant 2 : i32
    %dma_wait3A_383 = arith.constant 0 : i32
    %dma_wait3A_384 = arith.constant 16 : i32
    %dma_wait3A_385 = arith.constant 0 : i32
    %dma_wait3A_386 = tpu.memref_slice %arg11[%dma_wait3A_380, %dma_wait3A_384, %dma_wait3A_385] : memref<2x64x129xf32, #tpu.memory_space<vmem>> -> memref<1x8x128xf32, #tpu.memory_space<vmem>>
    %dma_wait3A_387 = tpu.memref_squeeze %dma_wait3A_386 : memref<1x8x128xf32, #tpu.memory_space<vmem>> -> memref<8x128xf32, #tpu.memory_space<vmem>>
    %dma_wait3A_388 = arith.constant 0 : i32
    %dma_wait3A_389 = arith.constant 0 : i32
    %dma_wait3A_390 = tpu.memref_slice %arg4[%dma_wait3A_381, %dma_wait3A_382, %dma_wait3A_383, %dma_wait3A_388, %dma_wait3A_389] : memref<50x8x128x8x128xf32, #tpu.memory_space<hbm>> -> memref<1x1x1x8x128xf32, #tpu.memory_space<hbm>>
    %dma_wait3A_391 = tpu.memref_squeeze %dma_wait3A_390 : memref<1x1x1x8x128xf32, #tpu.memory_space<hbm>> -> memref<8x128xf32, #tpu.memory_space<hbm>>
    %dma_wait3A_392 = arith.constant 0 : i32
    %dma_wait3A_393 = arith.constant 0 : i32
    %dma_wait3A_394 = tpu.memref_slice %arg4[%dma_wait3A_381, %dma_wait3A_382, %dma_wait3A_383, %dma_wait3A_392, %dma_wait3A_393] : memref<50x8x128x8x128xf32, #tpu.memory_space<hbm>> -> memref<1x1x1x8x128xf32, #tpu.memory_space<hbm>>
    %dma_wait3A_395 = tpu.memref_squeeze %dma_wait3A_394 : memref<1x1x1x8x128xf32, #tpu.memory_space<hbm>> -> memref<8x128xf32, #tpu.memory_space<hbm>>
    %dma_wait3A_396 = arith.constant 16 : i32
    %dma_wait3A_397 = arith.constant 0 : i32
    %dma_wait3A_398 = tpu.memref_slice %arg11[%dma_wait3A_380, %dma_wait3A_396, %dma_wait3A_397] : memref<2x64x129xf32, #tpu.memory_space<vmem>> -> memref<1x8x128xf32, #tpu.memory_space<vmem>>
    %dma_wait3A_399 = tpu.memref_squeeze %dma_wait3A_398 : memref<1x8x128xf32, #tpu.memory_space<vmem>> -> memref<8x128xf32, #tpu.memory_space<vmem>>
    tpu.wait_dma2 semaphore(%arg17 : memref<!tpu.dma_semaphore, #tpu.memory_space<semaphore_mem>>) src(%dma_wait3A_399 : memref<8x128xf32, #tpu.memory_space<vmem>>) dst(%dma_wait3A_395 : memref<8x128xf32, #tpu.memory_space<hbm>>)
    %dma_wait3A_400 = arith.constant 1 : i32
    %dma_wait3A_401 = arith.constant 0 : i32
    %dma_wait3A_402 = arith.constant 3 : i32
    %dma_wait3A_403 = arith.constant 0 : i32
    %dma_wait3A_404 = arith.constant 24 : i32
    %dma_wait3A_405 = arith.constant 0 : i32
    %dma_wait3A_406 = tpu.memref_slice %arg11[%dma_wait3A_400, %dma_wait3A_404, %dma_wait3A_405] : memref<2x64x129xf32, #tpu.memory_space<vmem>> -> memref<1x8x128xf32, #tpu.memory_space<vmem>>
    %dma_wait3A_407 = tpu.memref_squeeze %dma_wait3A_406 : memref<1x8x128xf32, #tpu.memory_space<vmem>> -> memref<8x128xf32, #tpu.memory_space<vmem>>
    %dma_wait3A_408 = arith.constant 0 : i32
    %dma_wait3A_409 = arith.constant 0 : i32
    %dma_wait3A_410 = tpu.memref_slice %arg4[%dma_wait3A_401, %dma_wait3A_402, %dma_wait3A_403, %dma_wait3A_408, %dma_wait3A_409] : memref<50x8x128x8x128xf32, #tpu.memory_space<hbm>> -> memref<1x1x1x8x128xf32, #tpu.memory_space<hbm>>
    %dma_wait3A_411 = tpu.memref_squeeze %dma_wait3A_410 : memref<1x1x1x8x128xf32, #tpu.memory_space<hbm>> -> memref<8x128xf32, #tpu.memory_space<hbm>>
    %dma_wait3A_412 = arith.constant 0 : i32
    %dma_wait3A_413 = arith.constant 0 : i32
    %dma_wait3A_414 = tpu.memref_slice %arg4[%dma_wait3A_401, %dma_wait3A_402, %dma_wait3A_403, %dma_wait3A_412, %dma_wait3A_413] : memref<50x8x128x8x128xf32, #tpu.memory_space<hbm>> -> memref<1x1x1x8x128xf32, #tpu.memory_space<hbm>>
    %dma_wait3A_415 = tpu.memref_squeeze %dma_wait3A_414 : memref<1x1x1x8x128xf32, #tpu.memory_space<hbm>> -> memref<8x128xf32, #tpu.memory_space<hbm>>
    %dma_wait3A_416 = arith.constant 24 : i32
    %dma_wait3A_417 = arith.constant 0 : i32
    %dma_wait3A_418 = tpu.memref_slice %arg11[%dma_wait3A_400, %dma_wait3A_416, %dma_wait3A_417] : memref<2x64x129xf32, #tpu.memory_space<vmem>> -> memref<1x8x128xf32, #tpu.memory_space<vmem>>
    %dma_wait3A_419 = tpu.memref_squeeze %dma_wait3A_418 : memref<1x8x128xf32, #tpu.memory_space<vmem>> -> memref<8x128xf32, #tpu.memory_space<vmem>>
    tpu.wait_dma2 semaphore(%arg17 : memref<!tpu.dma_semaphore, #tpu.memory_space<semaphore_mem>>) src(%dma_wait3A_419 : memref<8x128xf32, #tpu.memory_space<vmem>>) dst(%dma_wait3A_415 : memref<8x128xf32, #tpu.memory_space<hbm>>)
    %dma_wait3A_420 = arith.constant 1 : i32
    %dma_wait3A_421 = arith.constant 0 : i32
    %dma_wait3A_422 = arith.constant 4 : i32
    %dma_wait3A_423 = arith.constant 0 : i32
    %dma_wait3A_424 = arith.constant 32 : i32
    %dma_wait3A_425 = arith.constant 0 : i32
    %dma_wait3A_426 = tpu.memref_slice %arg11[%dma_wait3A_420, %dma_wait3A_424, %dma_wait3A_425] : memref<2x64x129xf32, #tpu.memory_space<vmem>> -> memref<1x8x128xf32, #tpu.memory_space<vmem>>
    %dma_wait3A_427 = tpu.memref_squeeze %dma_wait3A_426 : memref<1x8x128xf32, #tpu.memory_space<vmem>> -> memref<8x128xf32, #tpu.memory_space<vmem>>
    %dma_wait3A_428 = arith.constant 0 : i32
    %dma_wait3A_429 = arith.constant 0 : i32
    %dma_wait3A_430 = tpu.memref_slice %arg4[%dma_wait3A_421, %dma_wait3A_422, %dma_wait3A_423, %dma_wait3A_428, %dma_wait3A_429] : memref<50x8x128x8x128xf32, #tpu.memory_space<hbm>> -> memref<1x1x1x8x128xf32, #tpu.memory_space<hbm>>
    %dma_wait3A_431 = tpu.memref_squeeze %dma_wait3A_430 : memref<1x1x1x8x128xf32, #tpu.memory_space<hbm>> -> memref<8x128xf32, #tpu.memory_space<hbm>>
    %dma_wait3A_432 = arith.constant 0 : i32
    %dma_wait3A_433 = arith.constant 0 : i32
    %dma_wait3A_434 = tpu.memref_slice %arg4[%dma_wait3A_421, %dma_wait3A_422, %dma_wait3A_423, %dma_wait3A_432, %dma_wait3A_433] : memref<50x8x128x8x128xf32, #tpu.memory_space<hbm>> -> memref<1x1x1x8x128xf32, #tpu.memory_space<hbm>>
    %dma_wait3A_435 = tpu.memref_squeeze %dma_wait3A_434 : memref<1x1x1x8x128xf32, #tpu.memory_space<hbm>> -> memref<8x128xf32, #tpu.memory_space<hbm>>
    %dma_wait3A_436 = arith.constant 32 : i32
    %dma_wait3A_437 = arith.constant 0 : i32
    %dma_wait3A_438 = tpu.memref_slice %arg11[%dma_wait3A_420, %dma_wait3A_436, %dma_wait3A_437] : memref<2x64x129xf32, #tpu.memory_space<vmem>> -> memref<1x8x128xf32, #tpu.memory_space<vmem>>
    %dma_wait3A_439 = tpu.memref_squeeze %dma_wait3A_438 : memref<1x8x128xf32, #tpu.memory_space<vmem>> -> memref<8x128xf32, #tpu.memory_space<vmem>>
    tpu.wait_dma2 semaphore(%arg17 : memref<!tpu.dma_semaphore, #tpu.memory_space<semaphore_mem>>) src(%dma_wait3A_439 : memref<8x128xf32, #tpu.memory_space<vmem>>) dst(%dma_wait3A_435 : memref<8x128xf32, #tpu.memory_space<hbm>>)
    %dma_wait3A_440 = arith.constant 1 : i32
    %dma_wait3A_441 = arith.constant 0 : i32
    %dma_wait3A_442 = arith.constant 5 : i32
    %dma_wait3A_443 = arith.constant 0 : i32
    %dma_wait3A_444 = arith.constant 40 : i32
    %dma_wait3A_445 = arith.constant 0 : i32
    %dma_wait3A_446 = tpu.memref_slice %arg11[%dma_wait3A_440, %dma_wait3A_444, %dma_wait3A_445] : memref<2x64x129xf32, #tpu.memory_space<vmem>> -> memref<1x8x128xf32, #tpu.memory_space<vmem>>
    %dma_wait3A_447 = tpu.memref_squeeze %dma_wait3A_446 : memref<1x8x128xf32, #tpu.memory_space<vmem>> -> memref<8x128xf32, #tpu.memory_space<vmem>>
    %dma_wait3A_448 = arith.constant 0 : i32
    %dma_wait3A_449 = arith.constant 0 : i32
    %dma_wait3A_450 = tpu.memref_slice %arg4[%dma_wait3A_441, %dma_wait3A_442, %dma_wait3A_443, %dma_wait3A_448, %dma_wait3A_449] : memref<50x8x128x8x128xf32, #tpu.memory_space<hbm>> -> memref<1x1x1x8x128xf32, #tpu.memory_space<hbm>>
    %dma_wait3A_451 = tpu.memref_squeeze %dma_wait3A_450 : memref<1x1x1x8x128xf32, #tpu.memory_space<hbm>> -> memref<8x128xf32, #tpu.memory_space<hbm>>
    %dma_wait3A_452 = arith.constant 0 : i32
    %dma_wait3A_453 = arith.constant 0 : i32
    %dma_wait3A_454 = tpu.memref_slice %arg4[%dma_wait3A_441, %dma_wait3A_442, %dma_wait3A_443, %dma_wait3A_452, %dma_wait3A_453] : memref<50x8x128x8x128xf32, #tpu.memory_space<hbm>> -> memref<1x1x1x8x128xf32, #tpu.memory_space<hbm>>
    %dma_wait3A_455 = tpu.memref_squeeze %dma_wait3A_454 : memref<1x1x1x8x128xf32, #tpu.memory_space<hbm>> -> memref<8x128xf32, #tpu.memory_space<hbm>>
    %dma_wait3A_456 = arith.constant 40 : i32
    %dma_wait3A_457 = arith.constant 0 : i32
    %dma_wait3A_458 = tpu.memref_slice %arg11[%dma_wait3A_440, %dma_wait3A_456, %dma_wait3A_457] : memref<2x64x129xf32, #tpu.memory_space<vmem>> -> memref<1x8x128xf32, #tpu.memory_space<vmem>>
    %dma_wait3A_459 = tpu.memref_squeeze %dma_wait3A_458 : memref<1x8x128xf32, #tpu.memory_space<vmem>> -> memref<8x128xf32, #tpu.memory_space<vmem>>
    tpu.wait_dma2 semaphore(%arg17 : memref<!tpu.dma_semaphore, #tpu.memory_space<semaphore_mem>>) src(%dma_wait3A_459 : memref<8x128xf32, #tpu.memory_space<vmem>>) dst(%dma_wait3A_455 : memref<8x128xf32, #tpu.memory_space<hbm>>)
    %dma_wait3A_460 = arith.constant 1 : i32
    %dma_wait3A_461 = arith.constant 0 : i32
    %dma_wait3A_462 = arith.constant 6 : i32
    %dma_wait3A_463 = arith.constant 0 : i32
    %dma_wait3A_464 = arith.constant 48 : i32
    %dma_wait3A_465 = arith.constant 0 : i32
    %dma_wait3A_466 = tpu.memref_slice %arg11[%dma_wait3A_460, %dma_wait3A_464, %dma_wait3A_465] : memref<2x64x129xf32, #tpu.memory_space<vmem>> -> memref<1x8x128xf32, #tpu.memory_space<vmem>>
    %dma_wait3A_467 = tpu.memref_squeeze %dma_wait3A_466 : memref<1x8x128xf32, #tpu.memory_space<vmem>> -> memref<8x128xf32, #tpu.memory_space<vmem>>
    %dma_wait3A_468 = arith.constant 0 : i32
    %dma_wait3A_469 = arith.constant 0 : i32
    %dma_wait3A_470 = tpu.memref_slice %arg4[%dma_wait3A_461, %dma_wait3A_462, %dma_wait3A_463, %dma_wait3A_468, %dma_wait3A_469] : memref<50x8x128x8x128xf32, #tpu.memory_space<hbm>> -> memref<1x1x1x8x128xf32, #tpu.memory_space<hbm>>
    %dma_wait3A_471 = tpu.memref_squeeze %dma_wait3A_470 : memref<1x1x1x8x128xf32, #tpu.memory_space<hbm>> -> memref<8x128xf32, #tpu.memory_space<hbm>>
    %dma_wait3A_472 = arith.constant 0 : i32
    %dma_wait3A_473 = arith.constant 0 : i32
    %dma_wait3A_474 = tpu.memref_slice %arg4[%dma_wait3A_461, %dma_wait3A_462, %dma_wait3A_463, %dma_wait3A_472, %dma_wait3A_473] : memref<50x8x128x8x128xf32, #tpu.memory_space<hbm>> -> memref<1x1x1x8x128xf32, #tpu.memory_space<hbm>>
    %dma_wait3A_475 = tpu.memref_squeeze %dma_wait3A_474 : memref<1x1x1x8x128xf32, #tpu.memory_space<hbm>> -> memref<8x128xf32, #tpu.memory_space<hbm>>
    %dma_wait3A_476 = arith.constant 48 : i32
    %dma_wait3A_477 = arith.constant 0 : i32
    %dma_wait3A_478 = tpu.memref_slice %arg11[%dma_wait3A_460, %dma_wait3A_476, %dma_wait3A_477] : memref<2x64x129xf32, #tpu.memory_space<vmem>> -> memref<1x8x128xf32, #tpu.memory_space<vmem>>
    %dma_wait3A_479 = tpu.memref_squeeze %dma_wait3A_478 : memref<1x8x128xf32, #tpu.memory_space<vmem>> -> memref<8x128xf32, #tpu.memory_space<vmem>>
    tpu.wait_dma2 semaphore(%arg17 : memref<!tpu.dma_semaphore, #tpu.memory_space<semaphore_mem>>) src(%dma_wait3A_479 : memref<8x128xf32, #tpu.memory_space<vmem>>) dst(%dma_wait3A_475 : memref<8x128xf32, #tpu.memory_space<hbm>>)
    %dma_wait3A_480 = arith.constant 1 : i32
    %dma_wait3A_481 = arith.constant 0 : i32
    %dma_wait3A_482 = arith.constant 7 : i32
    %dma_wait3A_483 = arith.constant 0 : i32
    %dma_wait3A_484 = arith.constant 56 : i32
    %dma_wait3A_485 = arith.constant 0 : i32
    %dma_wait3A_486 = tpu.memref_slice %arg11[%dma_wait3A_480, %dma_wait3A_484, %dma_wait3A_485] : memref<2x64x129xf32, #tpu.memory_space<vmem>> -> memref<1x8x128xf32, #tpu.memory_space<vmem>>
    %dma_wait3A_487 = tpu.memref_squeeze %dma_wait3A_486 : memref<1x8x128xf32, #tpu.memory_space<vmem>> -> memref<8x128xf32, #tpu.memory_space<vmem>>
    %dma_wait3A_488 = arith.constant 0 : i32
    %dma_wait3A_489 = arith.constant 0 : i32
    %dma_wait3A_490 = tpu.memref_slice %arg4[%dma_wait3A_481, %dma_wait3A_482, %dma_wait3A_483, %dma_wait3A_488, %dma_wait3A_489] : memref<50x8x128x8x128xf32, #tpu.memory_space<hbm>> -> memref<1x1x1x8x128xf32, #tpu.memory_space<hbm>>
    %dma_wait3A_491 = tpu.memref_squeeze %dma_wait3A_490 : memref<1x1x1x8x128xf32, #tpu.memory_space<hbm>> -> memref<8x128xf32, #tpu.memory_space<hbm>>
    %dma_wait3A_492 = arith.constant 0 : i32
    %dma_wait3A_493 = arith.constant 0 : i32
    %dma_wait3A_494 = tpu.memref_slice %arg4[%dma_wait3A_481, %dma_wait3A_482, %dma_wait3A_483, %dma_wait3A_492, %dma_wait3A_493] : memref<50x8x128x8x128xf32, #tpu.memory_space<hbm>> -> memref<1x1x1x8x128xf32, #tpu.memory_space<hbm>>
    %dma_wait3A_495 = tpu.memref_squeeze %dma_wait3A_494 : memref<1x1x1x8x128xf32, #tpu.memory_space<hbm>> -> memref<8x128xf32, #tpu.memory_space<hbm>>
    %dma_wait3A_496 = arith.constant 56 : i32
    %dma_wait3A_497 = arith.constant 0 : i32
    %dma_wait3A_498 = tpu.memref_slice %arg11[%dma_wait3A_480, %dma_wait3A_496, %dma_wait3A_497] : memref<2x64x129xf32, #tpu.memory_space<vmem>> -> memref<1x8x128xf32, #tpu.memory_space<vmem>>
    %dma_wait3A_499 = tpu.memref_squeeze %dma_wait3A_498 : memref<1x8x128xf32, #tpu.memory_space<vmem>> -> memref<8x128xf32, #tpu.memory_space<vmem>>
    tpu.wait_dma2 semaphore(%arg17 : memref<!tpu.dma_semaphore, #tpu.memory_space<semaphore_mem>>) src(%dma_wait3A_499 : memref<8x128xf32, #tpu.memory_space<vmem>>) dst(%dma_wait3A_495 : memref<8x128xf32, #tpu.memory_space<hbm>>)
    return
  }
}

</mosaic_0001>

<sc_bundles>
// kernel: kernel.3.cloned.1.call-start
scs
__scs_entry_jumppad:
0x0: {  	(pc) =	sbr.rel $0x88, $3  }
0x1: {  	(tag) =	ssettag $0x0;
	lr =	simm.s32 $0x1  }
0x2: {  	[smem:$0x3F9F] =	sst lr;
	_ =	strace $0xD0000000  }
0x3: {  	_ = 	snop  }
0x4: {  	_ = 	snop  }
0x5: {  	_ = 	snop  }
0x6: {  	_ = 	snop  }
0x7: {  	_ = 	snop  }
__scs_overlays_trampoline_lowered:
0x8: {  	[smem:$0x3FAE] =	sst s0  }
0x9: {  	[smem:$0x3FAF] =	sst s1  }
0xa: {  	[smem:$0x3FB0] =	sst s2  }
0xb: {  	[smem:$0x3FB1] =	sst s3  }
0xc: {  	[smem:$0x3FB2] =	sst s4  }
0xd: {  	[smem:$0x3FB3] =	sst s5  }
0xe: {  	[smem:$0x3FB4] =	sst s6  }
0xf: {  	[smem:$0x3FB5] =	sst s7  }
0x10: {  	[smem:$0x3FB6] =	sst s8  }
0x11: {  	[smem:$0x3FB7] =	sst s9;
	s0 =	simm.s32 @!p0 $0x0  }
0x12: {  	s1 =	sld [smem:$0x3F9D];
	s0 =	simm.s32 @p0 $0x1  }
0x13: {  	[smem:$0x3FB8] =	sst s0;
	s0 =	simm.s32 @!p1 $0x0  }
0x14: {  	s2 =	sld [smem:$0x3F9C];
	s0 =	simm.s32 @p1 $0x1  }
0x15: {  	[smem:$0x3FB9] =	sst s0;
	s0 =	simm.s32 @!p2 $0x0  }
0x16: {  	s3 =	sld [smem:$0x3FDB];
	s0 =	simm.s32 @p2 $0x1  }
0x17: {  	s4 =	simm.s32 $0x1BF5;
	[smem:$0x3FBB] =	sst s0  }
0x18: {  	s0 =	sld [smem:$0x3F9E];
	_ =	swait.ge [sflag:s4], $0x0  }
0x19: {  	s7 =	sld [smem:$0x3F9F]  }
0x1a: {  	s8 =	sadd.s32 $0xFFFFE003, lr  }
0x1b: {  	s9 =	sadd.s32 $0xFFFFFEF7, lr;
	s5 =	simm.s32 $0xFFFFFFFF;
	p2 =	slt.u32 s8, $0xFFFFF086  }
0x1c: {  	p1 =	slt.u32 s9, $0xF7A;
	s5 =	simm.s32 @!p2 $0x0  }
0x1d: {  	s5 =	simm.s32 @p1 $0x1;
	p0 =	seq.s32 s7, s2  }
0x1e: {  	s7 =	smul.u32 @!p0 $0xF7A, s2;
	p2 =	seq.s32 @!p0 s5, $0x0  }
0x1f: {  	s9 =	smul.u32 $0xF7A, s1;
	s8 =	simm.s32 @!p0 $0x1BF5;
	p2 =	por !p2, p0  }
0x20: {  	[sflag:s8] =	ssyncset.s32 @!p0 $0xFFFFF086;
	s6 =	sadd.s32 @!p0 s3, s7;
	s7 =	simm.s32 @!p0 $0x108  }
0x21: {  	s3 =	sadd.s32 s3, s9;
	s6 =	sadd.s32 @!p0 $0x88, s6;
	s7 =	simm.s32 @p2 $0x1082  }
0x22: {  	[simem:s7], [sflag:s8] =	dma.local @!p0 [hbm:s6], $0xF7A  }
0x23: {  	s9 =	sor.u32 $0xD0000000, s2;
	s6 =	simm.s32 $0x108;
	_ =	swait.ge @!p0 [sflag:s8], $0x0  }
0x24: {  	s3 =	sadd.s32 $0x88, s3;
	s6 =	simm.s32 @!p1 $0x1082;
	[sflag:s4] =	ssyncset.s32 $0xFFFFF086  }
0x25: {  	[simem:s6], [sflag:s4] =	dma.local [hbm:s3], $0xF7A  }
0x26: {  	[smem:$0x3F9F] =	sst s1;
	(tag) =	ssettag s2;
	_ =	strace s9  }
0x27: {  	s1 =	sld [smem:$0x3FAF]  }
0x28: {  	s2 =	sld [smem:$0x3FB0]  }
0x29: {  	s4 =	sld [smem:$0x3FB2]  }
0x2a: {  	p0 =	seq.s32 s5, $0x0;
	s5 =	sld [smem:$0x3FB3]  }
0x2b: {  	s6 =	sld [smem:$0x3FB4]  }
0x2c: {  	s7 =	sld [smem:$0x3FB5]  }
0x2d: {  	s3 =	simm.s32 $0x108;
	s8 =	sld [smem:$0x3FB6]  }
0x2e: {  	s3 =	simm.s32 @!p0 $0x1082;
	s9 =	sld [smem:$0x3FB7]  }
0x2f: {  	lr =	sadd.s32 s0, s3;
	s0 =	sld [smem:$0x3FAE]  }
0x30: {  	s3 =	sld [smem:$0x3FB1]  }
0x31: {  	[smem:$0x3FBA] =	sst s10  }
0x32: {  	s10 =	sld [smem:$0x3FB8];
	_ =	sdelay $0x3  }
0x33: {  	p0 =	seq.s32 s10, $0x1;
	s10 =	sld [smem:$0x3FBA];
	_ =	sdelay $0x3  }
0x34: {  	[smem:$0x3FBA] =	sst s10  }
0x35: {  	s10 =	sld [smem:$0x3FB9];
	_ =	sdelay $0x3  }
0x36: {  	p1 =	seq.s32 s10, $0x1;
	s10 =	sld [smem:$0x3FBA];
	_ =	sdelay $0x3  }
0x37: {  	[smem:$0x3FBA] =	sst s10  }
0x38: {  	s10 =	sld [smem:$0x3FBB]  }
0x39: {  	_ = 	snop;
	(pc) =	sbr.ind lr, $3  }
0x3a: {  	_ = 	snop  }
0x3b: {  	_ = 	snop  }
0x3c: {  	p2 =	seq.s32 s10, $0x1;
	s10 =	sld [smem:$0x3FBA]  }
0x3d: {  	_ =	shalt  }
0x3e: {  	_ =	shalt  }
0x3f: {  	_ =	shalt  }
0x40: {  	_ =	shalt  }
0x41: {  	_ =	shalt  }
0x42: {  	_ =	shalt  }
0x43: {  	_ =	shalt  }
0x44: {  	_ =	shalt  }
0x45: {  	_ =	shalt  }
0x46: {  	_ =	shalt  }
0x47: {  	_ =	shalt  }
0x48: {  	_ =	shalt  }
0x49: {  	_ =	shalt  }
0x4a: {  	_ =	shalt  }
0x4b: {  	_ =	shalt  }
0x4c: {  	_ =	shalt  }
0x4d: {  	_ =	shalt  }
0x4e: {  	_ =	shalt  }
0x4f: {  	_ =	shalt  }
0x50: {  	_ =	shalt  }
0x51: {  	_ =	shalt  }
0x52: {  	_ =	shalt  }
0x53: {  	_ =	shalt  }
0x54: {  	_ =	shalt  }
0x55: {  	_ =	shalt  }
0x56: {  	_ =	shalt  }
0x57: {  	_ =	shalt  }
0x58: {  	_ =	shalt  }
0x59: {  	_ =	shalt  }
0x5a: {  	_ =	shalt  }
0x5b: {  	_ =	shalt  }
0x5c: {  	_ =	shalt  }
0x5d: {  	_ =	shalt  }
0x5e: {  	_ =	shalt  }
0x5f: {  	_ =	shalt  }
0x60: {  	_ =	shalt  }
0x61: {  	_ =	shalt  }
0x62: {  	_ =	shalt  }
0x63: {  	_ =	shalt  }
0x64: {  	_ =	shalt  }
0x65: {  	_ =	shalt  }
0x66: {  	_ =	shalt  }
0x67: {  	_ =	shalt  }
0x68: {  	_ =	shalt  }
0x69: {  	_ =	shalt  }
0x6a: {  	_ =	shalt  }
0x6b: {  	_ =	shalt  }
0x6c: {  	_ =	shalt  }
0x6d: {  	_ =	shalt  }
0x6e: {  	_ =	shalt  }
0x6f: {  	_ =	shalt  }
0x70: {  	_ =	shalt  }
0x71: {  	_ =	shalt  }
0x72: {  	_ =	shalt  }
0x73: {  	_ =	shalt  }
0x74: {  	_ =	shalt  }
0x75: {  	_ =	shalt  }
0x76: {  	_ =	shalt  }
0x77: {  	_ =	shalt  }
0x78: {  	_ =	shalt  }
0x79: {  	_ =	shalt  }
0x7a: {  	_ =	shalt  }
0x7b: {  	_ =	shalt  }
0x7c: {  	_ =	shalt  }
0x7d: {  	_ =	shalt  }
0x7e: {  	_ =	shalt  }
0x7f: {  	_ =	shalt  }
0x80: {  	_ =	shalt  }
0x81: {  	_ =	shalt  }
0x82: {  	_ =	shalt  }
0x83: {  	_ =	shalt  }
0x84: {  	_ =	shalt  }
0x85: {  	_ =	shalt  }
0x86: {  	_ =	shalt  }
0x87: {  	_ =	shalt  }
.Lfunc_end0:
.L_simem_size_0:
called_computation_lowered:
.L_overlay_start_0:
0x88: {  	s2 =	sld [smem:$0x3FD9]  }
0x89: {  	s3 =	sld [smem:$0x3FFE];
	_ =	sdelay $0x1  }
0x8a: {  	s1 =	srdreg.scid  }
0x8b: {  	s0 =	sand.u32 $0x1, s1  }
0x8c: {  	s17 =	sshll.u32 s0, $0xA;
	s2 =	sadd.s32 s3, s2  }
0x8d: {  	s2 =	sadd.s32 s2, s17  }
0x8e: {  	[smem:$0x3FC6] =	sst s2  }
0x8f: {  	_ = 	snop  }
0x90: {  	s2 =	sld [smem:$0x3FD0];
	(tm) =	ssettm $0x1  }
0x91: {  	s18 =	sld [smem:$0x3FFB];
	_ =	sdelay $0x3  }
0x92: {  	_ =	strace s18  }
0x93: {  	s3 =	sld [smem:$0x3FFC];
	_ =	sdelay $0x3  }
0x94: {  	_ =	strace s3  }
0x95: {  	s3 =	sld [smem:$0x3FFD];
	_ =	sdelay $0x3  }
0x96: {  	_ =	strace s3  }
0x97: {  	_ =	strace $0x8FFFFFFF  }
0x98: {  	s19 =	sld [smem:$0x3FDB];
	_ =	sdelay $0x1  }
0x99: {  	s4 =	simm.s32 $_scs_section_size  }
0x9a: {  	s5 =	simm.s32 $_size__tile_overlayer_lowered;
	s6 =	simm.s32 $_tile_overlayer_lowered  }
0x9b: {  	s22 =	simm.s32 $0x1BFF;
	s21 =	sshll.u32 s6, $0x1;
	s3 =	sadd.s32 s4, s19  }
0x9c: {  	s7 =	simm.s32 $0x0;
	s20 =	sshll.u32 s5, $0x1;
	s5 =	sadd.s32 s21, s3  }
0x9d: {  	[timem:s7], [sflag:s22] =	dma.local [hbm:s5], s20  }
0x9e: {  	_ =	swait.ge [sflag:s22], s20  }
0x9f: {  	s4 =	ssub.s32 $0x0, s20;
	[sflag:s22] =	ssyncset.done $0x0  }
0xa0: {  	[sflag:s22] =	ssyncadd.s32 s4;
	_ =	sdelay $0x1  }
0xa1: {  	s23 =	simm.s32 $0x1B8B  }
0xa2: {  	_ =	swait.ge [sflag:s23], $0x1  }
0xa3: {  	[sflag:s23] =	ssyncset.done $0x0  }
0xa4: {  	s25 =	simm.s32 $0x1B8E;
	s24 =	sld [smem:$0x3FFE];
	[sflag:s23] =	ssyncadd.s32 $0xFFFFFFFF  }
0xa5: {  	s26 =	simm.s32 $execute0_lowered;
	[smem:$0x3FD2] =	sst s25  }
0xa6: {  	s5 =	sshll.u32 s26, $0x1;
	_ =	strace $0x80000046;
	[dreg:$0x1] =	wrdreg $0xFFFFFFFF  }
0xa7: {  	s28 =	simm.s32 $_size_execute0_lowered;
	s3 =	sadd.s32 s3, s5;
	[dreg:$0x0] =	wrdreg $0x0  }
0xa8: {  	s5 =	sshll.u32 s28, $0x1;
	[dreg:$0x2] =	wrdreg s3  }
0xa9: {  	[dreg:$0x3] =	wrdreg s5  }
0xaa: {  	[dreg:$0x4] =	wrdreg $0xC0  }
0xab: {  	_ =	task [dreg:s7], $0x5FFFF  }
0xac: {  	[dreg:$0x1] =	wrdreg $0xFFFFFFFF  }
0xad: {  	[dreg:$0x0] =	wrdreg $0x60  }
0xae: {  	[dreg:$0x2] =	wrdreg s24  }
0xaf: {  	[dreg:$0x3] =	wrdreg s2  }
0xb0: {  	[dreg:$0x4] =	wrdreg $0x9  }
0xb1: {  	_ =	task.clear_ibuf [dreg:s7], $0x5FFFF;
	_ =	strace $0x90000046  }
0xb2: {  	s29 =	simm.s32 $0x9;
	_ =	strace $0x80000048  }
0xb3: {  	_ =	swait.ge [sflag:s29], $0x1  }
0xb4: {  	[sflag:s29] =	ssyncadd.s32 $0xFFFFFFFF  }
0xb5: {  	_ =	strace $0x90000048  }
0xb6: {  	_ =	sfence  }
0xb7: {  	s30 =	sld [smem:$0x0];
	_ =	sdelay $0x2  }
0xb8: {  	s31 =	sshll.u32 s1, $0xD;
	s1 =	sshrl.u32 s1, $0x2  }
0xb9: {  	s3 =	sand.u32 $0x4000, s31;
	s1 =	sadd.s32 s1, s30  }
0xba: {  	s0 =	sor.u32 s3, s0;
	s1 =	sshll.u32 s1, $0x11  }
0xbb: {  	s0 =	sor.u32 s1, s0  }
0xbc: {  	s0 =	sadd.s32 $0x8F2B, s0  }
0xbd: {  	[sflag:s0] =	ssyncadd.remote.s32 $0x1  }
0xbe: {  	_ =	sfence.sel $0xFFFF  }
0xbf: {  	[dreg:$0x0] =	wrdreg $0xFFFFFFFF;
	(pc) =	sbr.abs _section_cstart, $3  }
0xc0: {  	[dreg:$0x1] =	wrdreg $0xFFFFFFFF  }
0xc1: {  	_ =	task.clear_ibuf [dreg:s7], $0x2FFFF;
	_ =	strace $0x9FFFFFFF  }
0xc2: {  	(tm) =	ssettm $0x7FFFFFFF  }
0xc3: {  	_ =	shalt  }
tec
execute0_lowered:
.L_overlay_start_1:
0x0: {  	(tag) =	ssettag $0x1  }
0x1: {  	s0 =	rddreg [dreg:$0x0];
	s1 =	srdreg.scid  }
0x2: {  	s3 =	stileid.u32;
	s2 =	rddreg [dreg:$0x1];
	s18 =	simm.s32 $0x1;
	v21 =	vlaneseq.u32  }
0x3: {  	s19 =	simm.s32 $0x9B00;
	s31 =	simm.s32 $0x9B88;
	s10 =	simm.s32 $0x2;
	v0 =	vmul.u32 $0x32, v21  }
0x4: {  	s16 =	simm.s32 $0xBD00;
	s13 =	simm.s32 $0xDBD0;
	s14 =	simm.s32 $0xDC58  }
0x5: {  	s15 =	simm.s32 $0xDCE0;
	s11 =	simm.s32 $0xDDF0;
	s9 =	simm.s32 $0xDE78;
	v21 =	vmul.u32 $0x88, v21;
	v1 =	vadd.s32 $0x320, v0;
	v2 =	vadd.s32 $0x640, v0  }
0x6: {  	s17 =	simm.s32 $0x3;
	s1 =	sand.u32 $0x1, s1;
	s4 =	sshll.u32 s3, $0x1;
	v3 =	vadd.s32 $0x960, v0;
	v4 =	vadd.s32 $0xC80, v0;
	v5 =	vadd.s32 $0xFA0, v0  }
0x7: {  	s20 =	simm.s32 $0x5;
	s21 =	simm.s32 $0x4;
	s4 =	sor.u32 s1, s4;
	v6 =	vadd.s32 $0x12C0, v0;
	v7 =	vadd.s32 $0x15E0, v0;
	v8 =	vor.u32 $0x1, v0  }
0x8: {  	s22 =	simm.s32 $0x6;
	s3 =	simm.s32 $0x0;
	s7 =	smul.u32 $0x320, s4;
	v9 =	vadd.s32 $0x321, v0;
	v10 =	vadd.s32 $0x641, v0;
	v11 =	vadd.s32 $0x961, v0  }
.Ltmp0:
0x9: {  	s5 =	sadd.s32 $0x600, s0;
	s1 =	ssub.s32 $0x2, s1;
	v12 =	vadd.s32 $0xC81, v0;
	v13 =	vadd.s32 $0xFA1, v0;
	v14 =	vadd.s32 $0x12C1, v0;
	(pc) =	sbr.rel .LBB2_1-.Ltmp0, $4  }
0xa: {  	s6 =	sadd.s32 $0xF42A00, s0;
	[smem:$0x7FF] =	sst s3;
	s8 =	sshrl.u32 s1, $0x1;
	v15 =	vadd.s32 $0x15E1, v0;
	v16 =	vadd.s32 $0x2, v0;
	v17 =	vadd.s32 $0x322, v0  }
0xb: {  	_ =	strace $0x80000047;
	v18 =	vadd.s32 $0x642, v0;
	v19 =	vadd.s32 $0x962, v0;
	v20 =	vadd.s32 $0xC82, v0;
	s29 =	ssub.s32 s1, s8;
	s30 =	sadd.s32 s5, s7  }
0xc: {  	v22 =	vadd.s32 $0xFA2, v0;
	v23 =	vadd.s32 $0x12C2, v0;
	v24 =	vadd.s32 $0x15E2, v0;
	s8 =	sshll.u32 s4, $0xA;
	s0 =	smax.u32 s29, $0x1;
	[dreg:$0x3] =	wrdreg s30  }
0xd: {  	v25 =	vadd.s32 $0x880, v21;
	v26 =	vadd.s32 $0x1100, v21;
	v27 =	vadd.s32 $0x1980, v21;
	s7 =	simm.s32 $0xDD68;
	[dreg:$0x4] =	wrdreg s0;
	s0 =	simm.s32 $0x0  }
.LBB2_12:
0xe: {  	_ =	swait.ge [sflag:s20], $0x400  }
0xf: {  	[sflag:s20] =	ssyncset.done $0x0  }
0x10: {  	[sflag:s20] =	ssyncadd.s32 $0xFFFFFC00  }
0x11: {  	_ =	swait.ge [sflag:s20], $0x400  }
0x12: {  	[sflag:s20] =	ssyncset.done $0x0  }
0x13: {  	[sflag:s20] =	ssyncadd.s32 $0xFFFFFC00  }
0x14: {  	_ =	swait.ge [sflag:s20], $0x400  }
0x15: {  	[sflag:s20] =	ssyncset.done $0x0  }
0x16: {  	[sflag:s20] =	ssyncadd.s32 $0xFFFFFC00  }
0x17: {  	_ =	swait.ge [sflag:s20], $0x400  }
0x18: {  	[sflag:s20] =	ssyncset.done $0x0  }
0x19: {  	[sflag:s20] =	ssyncadd.s32 $0xFFFFFC00  }
0x1a: {  	_ =	swait.ge [sflag:s20], $0x400  }
0x1b: {  	[sflag:s20] =	ssyncset.done $0x0  }
0x1c: {  	[sflag:s20] =	ssyncadd.s32 $0xFFFFFC00  }
0x1d: {  	_ =	swait.ge [sflag:s20], $0x400  }
0x1e: {  	[sflag:s20] =	ssyncset.done $0x0  }
0x1f: {  	[sflag:s20] =	ssyncadd.s32 $0xFFFFFC00  }
0x20: {  	_ =	swait.ge [sflag:s20], $0x400  }
0x21: {  	[sflag:s20] =	ssyncset.done $0x0  }
0x22: {  	[sflag:s20] =	ssyncadd.s32 $0xFFFFFC00  }
0x23: {  	_ =	swait.ge [sflag:s20], $0x400  }
0x24: {  	[sflag:s20] =	ssyncset.done $0x0  }
0x25: {  	[sflag:s20] =	ssyncadd.s32 $0xFFFFFC00  }
0x26: {  	_ =	swait.ge [sflag:s22], $0x400  }
0x27: {  	[sflag:s22] =	ssyncset.done $0x0  }
0x28: {  	[sflag:s22] =	ssyncadd.s32 $0xFFFFFC00  }
0x29: {  	_ =	swait.ge [sflag:s22], $0x400  }
0x2a: {  	[sflag:s22] =	ssyncset.done $0x0  }
0x2b: {  	[sflag:s22] =	ssyncadd.s32 $0xFFFFFC00  }
0x2c: {  	_ =	swait.ge [sflag:s22], $0x400  }
0x2d: {  	[sflag:s22] =	ssyncset.done $0x0  }
0x2e: {  	[sflag:s22] =	ssyncadd.s32 $0xFFFFFC00  }
0x2f: {  	_ =	swait.ge [sflag:s22], $0x400  }
0x30: {  	[sflag:s22] =	ssyncset.done $0x0  }
0x31: {  	[sflag:s22] =	ssyncadd.s32 $0xFFFFFC00  }
0x32: {  	_ =	swait.ge [sflag:s22], $0x400  }
0x33: {  	[sflag:s22] =	ssyncset.done $0x0  }
0x34: {  	[sflag:s22] =	ssyncadd.s32 $0xFFFFFC00  }
0x35: {  	_ =	swait.ge [sflag:s22], $0x400  }
0x36: {  	[sflag:s22] =	ssyncset.done $0x0  }
0x37: {  	[sflag:s22] =	ssyncadd.s32 $0xFFFFFC00  }
0x38: {  	_ =	swait.ge [sflag:s22], $0x400  }
0x39: {  	[sflag:s22] =	ssyncset.done $0x0  }
0x3a: {  	[sflag:s22] =	ssyncadd.s32 $0xFFFFFC00  }
0x3b: {  	_ =	swait.ge [sflag:s22], $0x400  }
0x3c: {  	s0 =	rddreg [dreg:$0x5]  }
0x3d: {  	s1 =	rddreg [dreg:$0x4];
	s0 =	sadd.s32 $0x1, s0  }
0x3e: {  	p0 =	sne.s32 s0, s1  }
.Ltmp1:
0x3f: {  	_ = 	snop;
	(pc) =	sbr.rel @!p0 .LBB2_13-.Ltmp1, $3  }
0x40: {  	_ =	sdelay $0x1  }
0x41: {  	[sflag:s22] =	ssyncset.done $0x0  }
0x42: {  	[sflag:s22] =	ssyncadd.s32 $0xFFFFFC00  }
.LBB2_1:
0x43: {  	[dreg:$0x5] =	wrdreg s0  }
0x44: {  	s1 =	rddreg [dreg:$0x3];
	s24 =	simm.s32 $0x7  }
0x45: {  	[tilespmem:s3], [sflag:$0x7] =	stream.linear.gather [hbm4b:s1+s3], $0x1900, $0x38;
	[tilespmem:$0xDF00] =	vst v63  }
0x46: {  	_ =	swait.ge [sflag:s24], $0x1900  }
0x47: {  	[sflag:s24] =	ssyncset.done $0x0  }
0x48: {  	[sflag:s24] =	ssyncadd.s32 $0xFFFFE700  }
0x49: {  	v28 =	vld.idx.msk [tilespmem:v0+s3+$0x0], $0xffff;
	_ =	sdelay $0x4  }
0x4a: {  	[tilespmem:$0x1900] =	vst v28  }
0x4b: {  	v28 =	vld.idx.msk [tilespmem:v1+s3+$0x0], $0xffff;
	_ =	sdelay $0x4  }
0x4c: {  	[tilespmem:$0x1910] =	vst v28  }
0x4d: {  	v28 =	vld.idx.msk [tilespmem:v2+s3+$0x0], $0xffff;
	_ =	sdelay $0x4  }
0x4e: {  	[tilespmem:$0x1920] =	vst v28  }
0x4f: {  	v28 =	vld.idx.msk [tilespmem:v3+s3+$0x0], $0xffff;
	_ =	sdelay $0x4  }
0x50: {  	[tilespmem:$0x1930] =	vst v28  }
0x51: {  	v28 =	vld.idx.msk [tilespmem:v4+s3+$0x0], $0xffff;
	_ =	sdelay $0x4  }
0x52: {  	[tilespmem:$0x1940] =	vst v28  }
0x53: {  	v28 =	vld.idx.msk [tilespmem:v5+s3+$0x0], $0xffff;
	_ =	sdelay $0x4  }
0x54: {  	[tilespmem:$0x1950] =	vst v28  }
0x55: {  	v28 =	vld.idx.msk [tilespmem:v6+s3+$0x0], $0xffff;
	_ =	sdelay $0x4  }
0x56: {  	[tilespmem:$0x1960] =	vst v28  }
0x57: {  	v28 =	vld.idx.msk [tilespmem:v7+s3+$0x0], $0xffff;
	_ =	sdelay $0x4  }
0x58: {  	s25 =	simm.s32 $0x80;
	s26 =	simm.s32 $0x1900;
	s23 =	simm.s32 $0x1B00;
	[tilespmem:$0x1970] =	vst v28  }
0x59: {  	[tilespmem:s23], [sflag:$0x1] =	stream.indirect.gather [hbm4b:s6+s25], $0x40, s26, s25, $0xb8;
	[tilespmem:$0xDF00] =	vst v63  }
0x5a: {  	v28 =	vld.idx.msk [tilespmem:v8+s3+$0x0], $0xffff;
	_ =	sdelay $0x4  }
0x5b: {  	[tilespmem:$0x1980] =	vst v28  }
0x5c: {  	v28 =	vld.idx.msk [tilespmem:v9+s3+$0x0], $0xffff;
	_ =	sdelay $0x4  }
0x5d: {  	[tilespmem:$0x1990] =	vst v28  }
0x5e: {  	v28 =	vld.idx.msk [tilespmem:v10+s3+$0x0], $0xffff;
	_ =	sdelay $0x4  }
0x5f: {  	[tilespmem:$0x19A0] =	vst v28  }
0x60: {  	v28 =	vld.idx.msk [tilespmem:v11+s3+$0x0], $0xffff;
	_ =	sdelay $0x4  }
0x61: {  	[tilespmem:$0x19B0] =	vst v28  }
0x62: {  	v28 =	vld.idx.msk [tilespmem:v12+s3+$0x0], $0xffff;
	_ =	sdelay $0x4  }
0x63: {  	[tilespmem:$0x19C0] =	vst v28  }
0x64: {  	v28 =	vld.idx.msk [tilespmem:v13+s3+$0x0], $0xffff;
	_ =	sdelay $0x4  }
0x65: {  	[tilespmem:$0x19D0] =	vst v28  }
0x66: {  	v28 =	vld.idx.msk [tilespmem:v14+s3+$0x0], $0xffff;
	_ =	sdelay $0x4  }
0x67: {  	[tilespmem:$0x19E0] =	vst v28  }
0x68: {  	v28 =	vld.idx.msk [tilespmem:v15+s3+$0x0], $0xffff;
	_ =	sdelay $0x4  }
0x69: {  	s28 =	simm.s32 $0x1980;
	s29 =	simm.s32 $0x3B00;
	[tilespmem:$0x19F0] =	vst v28  }
0x6a: {  	[tilespmem:s29], [sflag:$0x2] =	stream.indirect.gather [hbm4b:s6+s25], $0x40, s28, s25, $0xb8;
	[tilespmem:$0xDF00] =	vst v63  }
0x6b: {  	v28 =	vld.idx.msk [tilespmem:v16+s3+$0x0], $0xffff;
	_ =	sdelay $0x4  }
0x6c: {  	[tilespmem:$0x1A00] =	vst v28  }
0x6d: {  	v28 =	vld.idx.msk [tilespmem:v17+s3+$0x0], $0xffff;
	_ =	sdelay $0x4  }
0x6e: {  	[tilespmem:$0x1A10] =	vst v28  }
0x6f: {  	v28 =	vld.idx.msk [tilespmem:v18+s3+$0x0], $0xffff;
	_ =	sdelay $0x4  }
0x70: {  	[tilespmem:$0x1A20] =	vst v28  }
0x71: {  	v28 =	vld.idx.msk [tilespmem:v19+s3+$0x0], $0xffff;
	_ =	sdelay $0x4  }
0x72: {  	[tilespmem:$0x1A30] =	vst v28  }
0x73: {  	v28 =	vld.idx.msk [tilespmem:v20+s3+$0x0], $0xffff;
	_ =	sdelay $0x4  }
0x74: {  	[tilespmem:$0x1A40] =	vst v28  }
0x75: {  	v28 =	vld.idx.msk [tilespmem:v22+s3+$0x0], $0xffff;
	_ =	sdelay $0x4  }
0x76: {  	[tilespmem:$0x1A50] =	vst v28  }
0x77: {  	v28 =	vld.idx.msk [tilespmem:v23+s3+$0x0], $0xffff;
	_ =	sdelay $0x4  }
0x78: {  	[tilespmem:$0x1A60] =	vst v28  }
0x79: {  	v28 =	vld.idx.msk [tilespmem:v24+s3+$0x0], $0xffff;
	_ =	sdelay $0x3  }
0x7a: {  	s0 =	simm.s32 $0x80  }
0x7b: {  	s30 =	simm.s32 $0x1A00;
	s24 =	simm.s32 $0x5B00;
	s23 =	simm.s32 $0x0;
	[tilespmem:$0x1A70] =	vst v28  }
0x7c: {  	[tilespmem:s24], [sflag:$0x3] =	stream.indirect.gather [hbm4b:s6+s25], $0x40, s30, s25, $0xb8;
	[tilespmem:$0xDF00] =	vst v63  }
.LBB2_2:
0x7d: {  	_ =	swait.ge [sflag:s18], $0x2000  }
0x7e: {  	p0 =	seq.s32 s23, $0x0;
	[sflag:s18] =	ssyncset.done $0x0  }
0x7f: {  	s1 =	simm.s32 @!p0 $0x5;
	[sflag:s18] =	ssyncadd.s32 $0xFFFFE000  }
0x80: {  	_ =	swait.ge @!p0 [sflag:s1], $0x400  }
0x81: {  	[sflag:s1] =	ssyncset.done @!p0 $0x0  }
0x82: {  	[sflag:s1] =	ssyncadd.s32 @!p0 $0xFFFFFC00  }
0x83: {  	_ =	swait.ge @!p0 [sflag:s1], $0x400  }
0x84: {  	[sflag:s1] =	ssyncset.done @!p0 $0x0  }
0x85: {  	[sflag:s1] =	ssyncadd.s32 @!p0 $0xFFFFFC00  }
0x86: {  	_ =	swait.ge @!p0 [sflag:s1], $0x400  }
0x87: {  	[sflag:s1] =	ssyncset.done @!p0 $0x0  }
0x88: {  	[sflag:s1] =	ssyncadd.s32 @!p0 $0xFFFFFC00  }
0x89: {  	_ =	swait.ge @!p0 [sflag:s1], $0x400  }
0x8a: {  	[sflag:s1] =	ssyncset.done @!p0 $0x0  }
0x8b: {  	[sflag:s1] =	ssyncadd.s32 @!p0 $0xFFFFFC00  }
0x8c: {  	_ =	swait.ge @!p0 [sflag:s1], $0x400  }
0x8d: {  	[sflag:s1] =	ssyncset.done @!p0 $0x0  }
0x8e: {  	[sflag:s1] =	ssyncadd.s32 @!p0 $0xFFFFFC00  }
0x8f: {  	_ =	swait.ge @!p0 [sflag:s1], $0x400  }
0x90: {  	[sflag:s1] =	ssyncset.done @!p0 $0x0  }
0x91: {  	[sflag:s1] =	ssyncadd.s32 @!p0 $0xFFFFFC00  }
0x92: {  	_ =	swait.ge @!p0 [sflag:s1], $0x400  }
0x93: {  	[sflag:s1] =	ssyncset.done @!p0 $0x0  }
0x94: {  	s24 =	simm.s32 $0x0;
	[sflag:s1] =	ssyncadd.s32 @!p0 $0xFFFFFC00  }
0x95: {  	v28 =	vmov s24;
	_ =	swait.ge @!p0 [sflag:s1], $0x400  }
0x96: {  	v29 =	vand.u32 $0x78, v28;
	[sflag:s1] =	ssyncset.done @!p0 $0x0  }
0x97: {  	s25 =	simm.s32 $0x1B80;
	v28 =	vand.u32 $0x4, v28;
	v30 =	vadd.s32 v21, v29;
	[sflag:s1] =	ssyncadd.s32 @!p0 $0xFFFFFC00  }
0x98: {  	v32 =	vor.u32 v28, v30;
	v31 =	vld [tilespmem:s25+$0xFFFFFF80];
	_ =	sdelay $0x4  }
0x99: {  	[tilespmem:v32+s19+$0x0] =	vst.idx.msk $0xffff, v31;
	v31 =	vadd.s32 v25, v29  }
0x9a: {  	v32 =	vld [tilespmem:s25+$0xFFFFFF90];
	v33 =	vor.u32 v28, v31;
	_ =	sdelay $0x4  }
0x9b: {  	v54 =	vadd.s32 v26, v29;
	[tilespmem:v33+s19+$0x0] =	vst.idx.msk $0xffff, v32  }
0x9c: {  	v34 =	vor.u32 v28, v54;
	v33 =	vld [tilespmem:s25+$0xFFFFFFA0];
	_ =	sdelay $0x4  }
0x9d: {  	v29 =	vadd.s32 v27, v29;
	[tilespmem:v34+s19+$0x0] =	vst.idx.msk $0xffff, v33  }
0x9e: {  	v55 =	vor.u32 v28, v29;
	v33 =	vld [tilespmem:s25+$0xFFFFFFB0];
	_ =	sdelay $0x4  }
0x9f: {  	v56 =	vor.u32 $0x1, v28;
	[tilespmem:v55+s19+$0x0] =	vst.idx.msk $0xffff, v33  }
0xa0: {  	v35 =	vor.u32 v56, v30;
	v34 =	vld [tilespmem:s25+$0xFFFFFFC0];
	_ =	sdelay $0x4  }
0xa1: {  	[tilespmem:v35+s19+$0x0] =	vst.idx.msk $0xffff, v34  }
0xa2: {  	v57 =	vor.u32 v56, v31;
	v34 =	vld [tilespmem:s25+$0xFFFFFFD0];
	_ =	sdelay $0x4  }
0xa3: {  	[tilespmem:v57+s19+$0x0] =	vst.idx.msk $0xffff, v34  }
0xa4: {  	v58 =	vor.u32 v56, v54;
	v34 =	vld [tilespmem:s25+$0xFFFFFFE0];
	_ =	sdelay $0x4  }
0xa5: {  	[tilespmem:v58+s19+$0x0] =	vst.idx.msk $0xffff, v34  }
0xa6: {  	v33 =	vor.u32 v56, v29;
	v34 =	vld [tilespmem:s25+$0xFFFFFFF0];
	_ =	sdelay $0x4  }
0xa7: {  	v59 =	vor.u32 $0x2, v28;
	[tilespmem:v33+s19+$0x0] =	vst.idx.msk $0xffff, v34  }
0xa8: {  	v60 =	vor.u32 v59, v30;
	v34 =	vld [tilespmem:s25+$0x0];
	_ =	sdelay $0x4  }
0xa9: {  	[tilespmem:v60+s19+$0x0] =	vst.idx.msk $0xffff, v34  }
0xaa: {  	v61 =	vor.u32 v59, v31;
	v34 =	vld [tilespmem:s25+$0x10];
	_ =	sdelay $0x4  }
0xab: {  	[tilespmem:v61+s19+$0x0] =	vst.idx.msk $0xffff, v34  }
0xac: {  	v62 =	vor.u32 v59, v54;
	v34 =	vld [tilespmem:s25+$0x20];
	_ =	sdelay $0x4  }
0xad: {  	[tilespmem:v62+s19+$0x0] =	vst.idx.msk $0xffff, v34  }
0xae: {  	v33 =	vor.u32 v59, v29;
	v34 =	vld [tilespmem:s25+$0x30];
	_ =	sdelay $0x4  }
0xaf: {  	v63 =	vor.u32 $0x3, v28;
	[tilespmem:v33+s19+$0x0] =	vst.idx.msk $0xffff, v34  }
0xb0: {  	v30 =	vor.u32 v63, v30;
	v28 =	vld [tilespmem:s25+$0x40];
	_ =	sdelay $0x4  }
0xb1: {  	[tilespmem:v30+s19+$0x0] =	vst.idx.msk $0xffff, v28  }
0xb2: {  	v30 =	vor.u32 v63, v31;
	v28 =	vld [tilespmem:s25+$0x50];
	_ =	sdelay $0x4  }
0xb3: {  	[tilespmem:v30+s19+$0x0] =	vst.idx.msk $0xffff, v28  }
0xb4: {  	v30 =	vor.u32 v63, v54;
	v28 =	vld [tilespmem:s25+$0x60];
	_ =	sdelay $0x4  }
0xb5: {  	[tilespmem:v30+s19+$0x0] =	vst.idx.msk $0xffff, v28  }
0xb6: {  	v29 =	vor.u32 v63, v29;
	v28 =	vld [tilespmem:s25+$0x70];
	_ =	sdelay $0x1  }
0xb7: {  	s30 =	simm.s32 $0x4  }
0xb8: {  	s26 =	simm.s32 $0x8;
	s24 =	sshll.u32 s23, $0x2;
	v30 =	vmov s30  }
.LBB2_3:
0xb9: {  	p1 =	sne.s32 s26, $0x7C;
	v31 =	vand.u32 $0x78, v30  }
0xba: {  	v30 =	vand.u32 $0x4, v30;
	s25 =	sadd.s32 $0x100, s25;
	v32 =	vadd.s32 v21, v31;
	[tilespmem:v29+s19+$0x0] =	vst.idx.msk $0xffff, v28  }
0xbb: {  	v28 =	vld [tilespmem:s25+$0xFFFFFF80];
	v29 =	vor.u32 v30, v32;
	_ =	sdelay $0x4  }
0xbc: {  	[tilespmem:v29+s19+$0x0] =	vst.idx.msk $0xffff, v28;
	v28 =	vadd.s32 v25, v31  }
0xbd: {  	v29 =	vld [tilespmem:s25+$0xFFFFFF90];
	v33 =	vor.u32 v30, v28;
	_ =	sdelay $0x4  }
0xbe: {  	[tilespmem:v33+s19+$0x0] =	vst.idx.msk $0xffff, v29;
	v29 =	vadd.s32 v26, v31  }
0xbf: {  	v33 =	vld [tilespmem:s25+$0xFFFFFFA0];
	v34 =	vor.u32 v30, v29;
	_ =	sdelay $0x4  }
0xc0: {  	v31 =	vadd.s32 v27, v31;
	[tilespmem:v34+s19+$0x0] =	vst.idx.msk $0xffff, v33  }
0xc1: {  	v34 =	vor.u32 v30, v31;
	v33 =	vld [tilespmem:s25+$0xFFFFFFB0];
	_ =	sdelay $0x4  }
0xc2: {  	[tilespmem:v34+s19+$0x0] =	vst.idx.msk $0xffff, v33;
	v33 =	vor.u32 $0x1, v30  }
0xc3: {  	v34 =	vld [tilespmem:s25+$0xFFFFFFC0];
	v35 =	vor.u32 v33, v32;
	_ =	sdelay $0x4  }
0xc4: {  	[tilespmem:v35+s19+$0x0] =	vst.idx.msk $0xffff, v34  }
0xc5: {  	v35 =	vor.u32 v33, v28;
	v34 =	vld [tilespmem:s25+$0xFFFFFFD0];
	_ =	sdelay $0x4  }
0xc6: {  	[tilespmem:v35+s19+$0x0] =	vst.idx.msk $0xffff, v34  }
0xc7: {  	v35 =	vor.u32 v33, v29;
	v34 =	vld [tilespmem:s25+$0xFFFFFFE0];
	_ =	sdelay $0x4  }
0xc8: {  	[tilespmem:v35+s19+$0x0] =	vst.idx.msk $0xffff, v34  }
0xc9: {  	v33 =	vor.u32 v33, v31;
	v34 =	vld [tilespmem:s25+$0xFFFFFFF0];
	_ =	sdelay $0x4  }
0xca: {  	[tilespmem:v33+s19+$0x0] =	vst.idx.msk $0xffff, v34;
	v33 =	vor.u32 $0x2, v30  }
0xcb: {  	v34 =	vld [tilespmem:s25+$0x0];
	v35 =	vor.u32 v33, v32;
	_ =	sdelay $0x4  }
0xcc: {  	[tilespmem:v35+s19+$0x0] =	vst.idx.msk $0xffff, v34  }
0xcd: {  	v35 =	vor.u32 v33, v28;
	v34 =	vld [tilespmem:s25+$0x10];
	_ =	sdelay $0x4  }
0xce: {  	[tilespmem:v35+s19+$0x0] =	vst.idx.msk $0xffff, v34  }
0xcf: {  	v35 =	vor.u32 v33, v29;
	v34 =	vld [tilespmem:s25+$0x20];
	_ =	sdelay $0x4  }
0xd0: {  	[tilespmem:v35+s19+$0x0] =	vst.idx.msk $0xffff, v34  }
0xd1: {  	v33 =	vor.u32 v33, v31;
	v34 =	vld [tilespmem:s25+$0x30];
	_ =	sdelay $0x4  }
0xd2: {  	v30 =	vor.u32 $0x3, v30;
	[tilespmem:v33+s19+$0x0] =	vst.idx.msk $0xffff, v34  }
0xd3: {  	v32 =	vor.u32 v30, v32;
	v33 =	vld [tilespmem:s25+$0x40];
	_ =	sdelay $0x4  }
0xd4: {  	[tilespmem:v32+s19+$0x0] =	vst.idx.msk $0xffff, v33  }
0xd5: {  	v28 =	vor.u32 v30, v28;
	v32 =	vld [tilespmem:s25+$0x50];
	_ =	sdelay $0x4  }
0xd6: {  	[tilespmem:v28+s19+$0x0] =	vst.idx.msk $0xffff, v32  }
0xd7: {  	v29 =	vor.u32 v30, v29;
	v28 =	vld [tilespmem:s25+$0x60];
	_ =	sdelay $0x4  }
.Ltmp2:
0xd8: {  	[tilespmem:v29+s19+$0x0] =	vst.idx.msk $0xffff, v28;
	(pc) =	sbr.rel @p1 .LBB2_3-.Ltmp2, $2  }
0xd9: {  	v29 =	vor.u32 v30, v31;
	v28 =	vld [tilespmem:s25+$0x70];
	_ =	sdelay $0x2  }
0xda: {  	v30 =	vmov s26;
	s26 =	sadd.s32 $0x4, s26  }
0xdb: {  	_ =	sdelay $0x2  }
0xdc: {  	v31 =	vand.u32 $0x78, v30  }
0xdd: {  	v30 =	vand.u32 $0x4, v30;
	s1 =	sadd.s32 $0x100, s25;
	v32 =	vadd.s32 v21, v31;
	[tilespmem:v29+s19+$0x0] =	vst.idx.msk $0xffff, v28  }
0xde: {  	v28 =	vld [tilespmem:s1+$0xFFFFFF80];
	v29 =	vor.u32 v30, v32;
	_ =	sdelay $0x4  }
0xdf: {  	[tilespmem:v29+s19+$0x0] =	vst.idx.msk $0xffff, v28;
	v28 =	vadd.s32 v25, v31  }
0xe0: {  	v29 =	vld [tilespmem:s1+$0xFFFFFF90];
	v33 =	vor.u32 v30, v28;
	_ =	sdelay $0x4  }
0xe1: {  	[tilespmem:v33+s19+$0x0] =	vst.idx.msk $0xffff, v29;
	v29 =	vadd.s32 v26, v31  }
0xe2: {  	v33 =	vld [tilespmem:s1+$0xFFFFFFA0];
	v34 =	vor.u32 v30, v29;
	_ =	sdelay $0x4  }
0xe3: {  	v31 =	vadd.s32 v27, v31;
	[tilespmem:v34+s19+$0x0] =	vst.idx.msk $0xffff, v33  }
0xe4: {  	v42 =	vor.u32 v30, v31;
	v33 =	vld [tilespmem:s1+$0xFFFFFFB0];
	_ =	sdelay $0x4  }
0xe5: {  	v43 =	vor.u32 $0x1, v30;
	[tilespmem:v42+s19+$0x0] =	vst.idx.msk $0xffff, v33  }
0xe6: {  	v35 =	vor.u32 v43, v32;
	v34 =	vld [tilespmem:s1+$0xFFFFFFC0];
	_ =	sdelay $0x4  }
0xe7: {  	[tilespmem:v35+s19+$0x0] =	vst.idx.msk $0xffff, v34  }
0xe8: {  	v44 =	vor.u32 v43, v28;
	v34 =	vld [tilespmem:s1+$0xFFFFFFD0];
	_ =	sdelay $0x4  }
0xe9: {  	[tilespmem:v44+s19+$0x0] =	vst.idx.msk $0xffff, v34  }
0xea: {  	v45 =	vor.u32 v43, v29;
	v34 =	vld [tilespmem:s1+$0xFFFFFFE0];
	_ =	sdelay $0x4  }
0xeb: {  	[tilespmem:v45+s19+$0x0] =	vst.idx.msk $0xffff, v34  }
0xec: {  	v33 =	vor.u32 v43, v31;
	v34 =	vld [tilespmem:s1+$0xFFFFFFF0];
	_ =	sdelay $0x4  }
0xed: {  	v46 =	vor.u32 $0x2, v30;
	[tilespmem:v33+s19+$0x0] =	vst.idx.msk $0xffff, v34  }
0xee: {  	v47 =	vor.u32 v46, v32;
	v34 =	vld [tilespmem:s1+$0x0];
	_ =	sdelay $0x4  }
0xef: {  	[tilespmem:v47+s19+$0x0] =	vst.idx.msk $0xffff, v34  }
0xf0: {  	v48 =	vor.u32 v46, v28;
	v34 =	vld [tilespmem:s1+$0x10];
	_ =	sdelay $0x4  }
0xf1: {  	[tilespmem:v48+s19+$0x0] =	vst.idx.msk $0xffff, v34  }
0xf2: {  	v49 =	vor.u32 v46, v29;
	v34 =	vld [tilespmem:s1+$0x20];
	_ =	sdelay $0x4  }
0xf3: {  	[tilespmem:v49+s19+$0x0] =	vst.idx.msk $0xffff, v34  }
0xf4: {  	v33 =	vor.u32 v46, v31;
	v34 =	vld [tilespmem:s1+$0x30];
	_ =	sdelay $0x4  }
0xf5: {  	v30 =	vor.u32 $0x3, v30;
	[tilespmem:v33+s19+$0x0] =	vst.idx.msk $0xffff, v34  }
0xf6: {  	v32 =	vor.u32 v30, v32;
	v33 =	vld [tilespmem:s1+$0x40];
	_ =	sdelay $0x4  }
0xf7: {  	[tilespmem:v32+s19+$0x0] =	vst.idx.msk $0xffff, v33  }
0xf8: {  	v28 =	vor.u32 v30, v28;
	v32 =	vld [tilespmem:s1+$0x50];
	_ =	sdelay $0x4  }
0xf9: {  	[tilespmem:v28+s19+$0x0] =	vst.idx.msk $0xffff, v32  }
0xfa: {  	v29 =	vor.u32 v30, v29;
	v28 =	vld [tilespmem:s1+$0x60];
	_ =	sdelay $0x1  }
0xfb: {  	s12 =	smulhi.u32 $0x51EB851F, s24;
	_ =	sdelay $0x1  }
0xfc: {  	s25 =	sshrl.u32 s12, $0x4  }
0xfd: {  	s28 =	smul.u32 $0xFFFFFFCE, s25;
	[tilespmem:v29+s19+$0x0] =	vst.idx.msk $0xffff, v28  }
0xfe: {  	v29 =	vor.u32 v30, v31;
	v28 =	vld [tilespmem:s1+$0x70]  }
0xff: {  	s25 =	sshll.u32 s25, $0xF;
	s26 =	sadd.s32 s24, s28  }
0x100: {  	s29 =	sor.u32 s8, s25;
	s1 =	sshll.u32 s26, $0x14  }
0x101: {  	s1 =	sadd.s32 s29, s1  }
0x102: {  	s25 =	sshrl.u32 s1, $0x3  }
0x103: {  	s1 =	sadd.s32 s2, s25;
	[tilespmem:v29+s19+$0x0] =	vst.idx.msk $0xffff, v28  }
0x104: {  	[hbm4b:s1+s3] =	stream.linear.scatter [tilespmem:s19], [sflag:$0x5], $0x80, $0x38;
	[tilespmem:$0xDF00] =	vst v63  }
0x105: {  	s26 =	sadd.s32 $0x10, s1  }
0x106: {  	[hbm4b:s26+s3] =	stream.linear.scatter [tilespmem:s31], [sflag:$0x5], $0x80, $0x38;
	[tilespmem:$0xDF00] =	vst v63  }
0x107: {  	s30 =	simm.s32 $0x9C10;
	s12 =	sadd.s32 $0x20, s1  }
0x108: {  	[hbm4b:s12+s3] =	stream.linear.scatter [tilespmem:s30], [sflag:$0x5], $0x80, $0x38;
	[tilespmem:$0xDF00] =	vst v63  }
0x109: {  	s12 =	sadd.s32 $0x30, s1;
	s30 =	simm.s32 $0x9C98  }
0x10a: {  	[hbm4b:s12+s3] =	stream.linear.scatter [tilespmem:s30], [sflag:$0x5], $0x80, $0x38;
	[tilespmem:$0xDF00] =	vst v63  }
0x10b: {  	s12 =	sadd.s32 $0x40, s1;
	s30 =	simm.s32 $0x9D20  }
0x10c: {  	[hbm4b:s12+s3] =	stream.linear.scatter [tilespmem:s30], [sflag:$0x5], $0x80, $0x38;
	[tilespmem:$0xDF00] =	vst v63  }
0x10d: {  	s12 =	sadd.s32 $0x50, s1;
	s30 =	simm.s32 $0x9DA8  }
0x10e: {  	[hbm4b:s12+s3] =	stream.linear.scatter [tilespmem:s30], [sflag:$0x5], $0x80, $0x38;
	[tilespmem:$0xDF00] =	vst v63  }
0x10f: {  	s12 =	sadd.s32 $0x60, s1;
	s30 =	simm.s32 $0x9E30  }
0x110: {  	[hbm4b:s12+s3] =	stream.linear.scatter [tilespmem:s30], [sflag:$0x5], $0x80, $0x38;
	[tilespmem:$0xDF00] =	vst v63  }
0x111: {  	s12 =	sadd.s32 $0x70, s1;
	s30 =	simm.s32 $0x9EB8  }
0x112: {  	[hbm4b:s12+s3] =	stream.linear.scatter [tilespmem:s30], [sflag:$0x5], $0x80, $0x38;
	[tilespmem:$0xDF00] =	vst v63  }
0x113: {  	s12 =	sadd.s32 $0x4000, s1;
	s30 =	simm.s32 $0x9F40  }
0x114: {  	[hbm4b:s12+s3] =	stream.linear.scatter [tilespmem:s30], [sflag:$0x5], $0x80, $0x38;
	[tilespmem:$0xDF00] =	vst v63  }
0x115: {  	s12 =	sadd.s32 $0x4010, s1;
	s30 =	simm.s32 $0x9FC8  }
0x116: {  	[hbm4b:s12+s3] =	stream.linear.scatter [tilespmem:s30], [sflag:$0x5], $0x80, $0x38;
	[tilespmem:$0xDF00] =	vst v63  }
0x117: {  	s12 =	sadd.s32 $0x4020, s1;
	s30 =	simm.s32 $0xA050  }
0x118: {  	[hbm4b:s12+s3] =	stream.linear.scatter [tilespmem:s30], [sflag:$0x5], $0x80, $0x38;
	[tilespmem:$0xDF00] =	vst v63  }
0x119: {  	s12 =	sadd.s32 $0x4030, s1;
	s30 =	simm.s32 $0xA0D8  }
0x11a: {  	[hbm4b:s12+s3] =	stream.linear.scatter [tilespmem:s30], [sflag:$0x5], $0x80, $0x38;
	[tilespmem:$0xDF00] =	vst v63  }
0x11b: {  	s12 =	sadd.s32 $0x4040, s1;
	s30 =	simm.s32 $0xA160  }
0x11c: {  	[hbm4b:s12+s3] =	stream.linear.scatter [tilespmem:s30], [sflag:$0x5], $0x80, $0x38;
	[tilespmem:$0xDF00] =	vst v63  }
0x11d: {  	s12 =	sadd.s32 $0x4050, s1;
	s30 =	simm.s32 $0xA1E8  }
0x11e: {  	[hbm4b:s12+s3] =	stream.linear.scatter [tilespmem:s30], [sflag:$0x5], $0x80, $0x38;
	[tilespmem:$0xDF00] =	vst v63  }
0x11f: {  	s12 =	sadd.s32 $0x4060, s1;
	s30 =	simm.s32 $0xA270  }
0x120: {  	[hbm4b:s12+s3] =	stream.linear.scatter [tilespmem:s30], [sflag:$0x5], $0x80, $0x38;
	[tilespmem:$0xDF00] =	vst v63  }
0x121: {  	s12 =	sadd.s32 $0x4070, s1;
	s30 =	simm.s32 $0xA2F8  }
0x122: {  	[hbm4b:s12+s3] =	stream.linear.scatter [tilespmem:s30], [sflag:$0x5], $0x80, $0x38;
	[tilespmem:$0xDF00] =	vst v63  }
0x123: {  	s12 =	sor.u32 $0x8000, s25  }
0x124: {  	s30 =	simm.s32 $0xA380;
	s26 =	sadd.s32 s2, s12  }
0x125: {  	[hbm4b:s26+s3] =	stream.linear.scatter [tilespmem:s30], [sflag:$0x5], $0x80, $0x38;
	[tilespmem:$0xDF00] =	vst v63  }
0x126: {  	s31 =	simm.s32 $0xA408;
	s30 =	sadd.s32 $0x10, s26  }
0x127: {  	[hbm4b:s30+s3] =	stream.linear.scatter [tilespmem:s31], [sflag:$0x5], $0x80, $0x38;
	[tilespmem:$0xDF00] =	vst v63  }
0x128: {  	s30 =	sadd.s32 $0x20, s26;
	s31 =	simm.s32 $0xA490  }
0x129: {  	[hbm4b:s30+s3] =	stream.linear.scatter [tilespmem:s31], [sflag:$0x5], $0x80, $0x38;
	[tilespmem:$0xDF00] =	vst v63  }
0x12a: {  	s30 =	sadd.s32 $0x30, s26;
	s31 =	simm.s32 $0xA518  }
0x12b: {  	[hbm4b:s30+s3] =	stream.linear.scatter [tilespmem:s31], [sflag:$0x5], $0x80, $0x38;
	[tilespmem:$0xDF00] =	vst v63  }
0x12c: {  	s30 =	sadd.s32 $0x40, s26;
	s31 =	simm.s32 $0xA5A0  }
0x12d: {  	[hbm4b:s30+s3] =	stream.linear.scatter [tilespmem:s31], [sflag:$0x5], $0x80, $0x38;
	[tilespmem:$0xDF00] =	vst v63  }
0x12e: {  	s30 =	sadd.s32 $0x50, s26;
	s31 =	simm.s32 $0xA628  }
0x12f: {  	[hbm4b:s30+s3] =	stream.linear.scatter [tilespmem:s31], [sflag:$0x5], $0x80, $0x38;
	[tilespmem:$0xDF00] =	vst v63  }
0x130: {  	s30 =	sadd.s32 $0x60, s26;
	s31 =	simm.s32 $0xA6B0  }
0x131: {  	[hbm4b:s30+s3] =	stream.linear.scatter [tilespmem:s31], [sflag:$0x5], $0x80, $0x38;
	[tilespmem:$0xDF00] =	vst v63  }
0x132: {  	s26 =	sadd.s32 $0x70, s26;
	s30 =	simm.s32 $0xA738  }
0x133: {  	[hbm4b:s26+s3] =	stream.linear.scatter [tilespmem:s30], [sflag:$0x5], $0x80, $0x38;
	[tilespmem:$0xDF00] =	vst v63  }
0x134: {  	s12 =	sadd.s32 $0xC000, s1;
	s30 =	simm.s32 $0xA7C0  }
0x135: {  	[hbm4b:s12+s3] =	stream.linear.scatter [tilespmem:s30], [sflag:$0x5], $0x80, $0x38;
	[tilespmem:$0xDF00] =	vst v63  }
0x136: {  	s12 =	sadd.s32 $0xC010, s1;
	s30 =	simm.s32 $0xA848  }
0x137: {  	[hbm4b:s12+s3] =	stream.linear.scatter [tilespmem:s30], [sflag:$0x5], $0x80, $0x38;
	[tilespmem:$0xDF00] =	vst v63  }
0x138: {  	s12 =	sadd.s32 $0xC020, s1;
	s30 =	simm.s32 $0xA8D0  }
0x139: {  	[hbm4b:s12+s3] =	stream.linear.scatter [tilespmem:s30], [sflag:$0x5], $0x80, $0x38;
	[tilespmem:$0xDF00] =	vst v63  }
0x13a: {  	s12 =	sadd.s32 $0xC030, s1;
	s30 =	simm.s32 $0xA958  }
0x13b: {  	[hbm4b:s12+s3] =	stream.linear.scatter [tilespmem:s30], [sflag:$0x5], $0x80, $0x38;
	[tilespmem:$0xDF00] =	vst v63  }
0x13c: {  	s12 =	sadd.s32 $0xC040, s1;
	s30 =	simm.s32 $0xA9E0  }
0x13d: {  	[hbm4b:s12+s3] =	stream.linear.scatter [tilespmem:s30], [sflag:$0x5], $0x80, $0x38;
	[tilespmem:$0xDF00] =	vst v63  }
0x13e: {  	s12 =	sadd.s32 $0xC050, s1;
	s30 =	simm.s32 $0xAA68  }
0x13f: {  	[hbm4b:s12+s3] =	stream.linear.scatter [tilespmem:s30], [sflag:$0x5], $0x80, $0x38;
	[tilespmem:$0xDF00] =	vst v63  }
0x140: {  	s12 =	sadd.s32 $0xC060, s1;
	s30 =	simm.s32 $0xAAF0  }
0x141: {  	[hbm4b:s12+s3] =	stream.linear.scatter [tilespmem:s30], [sflag:$0x5], $0x80, $0x38;
	[tilespmem:$0xDF00] =	vst v63  }
0x142: {  	s12 =	sadd.s32 $0xC070, s1;
	s30 =	simm.s32 $0xAB78  }
0x143: {  	[hbm4b:s12+s3] =	stream.linear.scatter [tilespmem:s30], [sflag:$0x5], $0x80, $0x38;
	[tilespmem:$0xDF00] =	vst v63  }
0x144: {  	s12 =	sor.u32 $0x10000, s25  }
0x145: {  	s30 =	simm.s32 $0xAC00;
	s26 =	sadd.s32 s2, s12  }
0x146: {  	[hbm4b:s26+s3] =	stream.linear.scatter [tilespmem:s30], [sflag:$0x5], $0x80, $0x38;
	[tilespmem:$0xDF00] =	vst v63  }
0x147: {  	s31 =	simm.s32 $0xAC88;
	s30 =	sadd.s32 $0x10, s26  }
0x148: {  	[hbm4b:s30+s3] =	stream.linear.scatter [tilespmem:s31], [sflag:$0x5], $0x80, $0x38;
	[tilespmem:$0xDF00] =	vst v63  }
0x149: {  	s30 =	sadd.s32 $0x20, s26;
	s31 =	simm.s32 $0xAD10  }
0x14a: {  	[hbm4b:s30+s3] =	stream.linear.scatter [tilespmem:s31], [sflag:$0x5], $0x80, $0x38;
	[tilespmem:$0xDF00] =	vst v63  }
0x14b: {  	s30 =	sadd.s32 $0x30, s26;
	s31 =	simm.s32 $0xAD98  }
0x14c: {  	[hbm4b:s30+s3] =	stream.linear.scatter [tilespmem:s31], [sflag:$0x5], $0x80, $0x38;
	[tilespmem:$0xDF00] =	vst v63  }
0x14d: {  	s30 =	sadd.s32 $0x40, s26;
	s31 =	simm.s32 $0xAE20  }
0x14e: {  	[hbm4b:s30+s3] =	stream.linear.scatter [tilespmem:s31], [sflag:$0x5], $0x80, $0x38;
	[tilespmem:$0xDF00] =	vst v63  }
0x14f: {  	s30 =	sadd.s32 $0x50, s26;
	s31 =	simm.s32 $0xAEA8  }
0x150: {  	[hbm4b:s30+s3] =	stream.linear.scatter [tilespmem:s31], [sflag:$0x5], $0x80, $0x38;
	[tilespmem:$0xDF00] =	vst v63  }
0x151: {  	s30 =	sadd.s32 $0x60, s26;
	s31 =	simm.s32 $0xAF30  }
0x152: {  	[hbm4b:s30+s3] =	stream.linear.scatter [tilespmem:s31], [sflag:$0x5], $0x80, $0x38;
	[tilespmem:$0xDF00] =	vst v63  }
0x153: {  	s26 =	sadd.s32 $0x70, s26;
	s30 =	simm.s32 $0xAFB8  }
0x154: {  	[hbm4b:s26+s3] =	stream.linear.scatter [tilespmem:s30], [sflag:$0x5], $0x80, $0x38;
	[tilespmem:$0xDF00] =	vst v63  }
0x155: {  	s12 =	sadd.s32 $0x14000, s1;
	s30 =	simm.s32 $0xB040  }
0x156: {  	[hbm4b:s12+s3] =	stream.linear.scatter [tilespmem:s30], [sflag:$0x5], $0x80, $0x38;
	[tilespmem:$0xDF00] =	vst v63  }
0x157: {  	s31 =	simm.s32 $0xB0C8;
	s30 =	sadd.s32 $0x10, s12  }
0x158: {  	[hbm4b:s30+s3] =	stream.linear.scatter [tilespmem:s31], [sflag:$0x5], $0x80, $0x38;
	[tilespmem:$0xDF00] =	vst v63  }
0x159: {  	s30 =	sadd.s32 $0x20, s12;
	s31 =	simm.s32 $0xB150  }
0x15a: {  	[hbm4b:s30+s3] =	stream.linear.scatter [tilespmem:s31], [sflag:$0x5], $0x80, $0x38;
	[tilespmem:$0xDF00] =	vst v63  }
0x15b: {  	s30 =	sadd.s32 $0x30, s12;
	s31 =	simm.s32 $0xB1D8  }
0x15c: {  	[hbm4b:s30+s3] =	stream.linear.scatter [tilespmem:s31], [sflag:$0x5], $0x80, $0x38;
	[tilespmem:$0xDF00] =	vst v63  }
0x15d: {  	s30 =	sadd.s32 $0x40, s12;
	s31 =	simm.s32 $0xB260  }
0x15e: {  	[hbm4b:s30+s3] =	stream.linear.scatter [tilespmem:s31], [sflag:$0x5], $0x80, $0x38;
	[tilespmem:$0xDF00] =	vst v63  }
0x15f: {  	s30 =	sadd.s32 $0x50, s12;
	s31 =	simm.s32 $0xB2E8  }
0x160: {  	[hbm4b:s30+s3] =	stream.linear.scatter [tilespmem:s31], [sflag:$0x5], $0x80, $0x38;
	[tilespmem:$0xDF00] =	vst v63  }
0x161: {  	s30 =	sadd.s32 $0x60, s12;
	s31 =	simm.s32 $0xB370  }
0x162: {  	[hbm4b:s30+s3] =	stream.linear.scatter [tilespmem:s31], [sflag:$0x5], $0x80, $0x38;
	[tilespmem:$0xDF00] =	vst v63  }
0x163: {  	s25 =	sor.u32 $0x18000, s25;
	s26 =	sadd.s32 $0x70, s12;
	s30 =	simm.s32 $0xB3F8  }
0x164: {  	[hbm4b:s26+s3] =	stream.linear.scatter [tilespmem:s30], [sflag:$0x5], $0x80, $0x38;
	[tilespmem:$0xDF00] =	vst v63  }
0x165: {  	s25 =	sadd.s32 s2, s25;
	s12 =	simm.s32 $0xB480  }
0x166: {  	[hbm4b:s25+s3] =	stream.linear.scatter [tilespmem:s12], [sflag:$0x5], $0x80, $0x38;
	[tilespmem:$0xDF00] =	vst v63  }
0x167: {  	s30 =	simm.s32 $0xB508;
	s12 =	sadd.s32 $0x10, s25  }
0x168: {  	[hbm4b:s12+s3] =	stream.linear.scatter [tilespmem:s30], [sflag:$0x5], $0x80, $0x38;
	[tilespmem:$0xDF00] =	vst v63  }
0x169: {  	s12 =	sadd.s32 $0x20, s25;
	s30 =	simm.s32 $0xB590  }
0x16a: {  	[hbm4b:s12+s3] =	stream.linear.scatter [tilespmem:s30], [sflag:$0x5], $0x80, $0x38;
	[tilespmem:$0xDF00] =	vst v63  }
0x16b: {  	s12 =	sadd.s32 $0x30, s25;
	s30 =	simm.s32 $0xB618  }
0x16c: {  	[hbm4b:s12+s3] =	stream.linear.scatter [tilespmem:s30], [sflag:$0x5], $0x80, $0x38;
	[tilespmem:$0xDF00] =	vst v63  }
0x16d: {  	s12 =	sadd.s32 $0x40, s25;
	s30 =	simm.s32 $0xB6A0  }
0x16e: {  	[hbm4b:s12+s3] =	stream.linear.scatter [tilespmem:s30], [sflag:$0x5], $0x80, $0x38;
	[tilespmem:$0xDF00] =	vst v63  }
0x16f: {  	s12 =	sadd.s32 $0x50, s25;
	s30 =	simm.s32 $0xB728  }
0x170: {  	[hbm4b:s12+s3] =	stream.linear.scatter [tilespmem:s30], [sflag:$0x5], $0x80, $0x38;
	[tilespmem:$0xDF00] =	vst v63  }
0x171: {  	s12 =	sadd.s32 $0x60, s25;
	s30 =	simm.s32 $0xB7B0  }
0x172: {  	[hbm4b:s12+s3] =	stream.linear.scatter [tilespmem:s30], [sflag:$0x5], $0x80, $0x38;
	[tilespmem:$0xDF00] =	vst v63  }
0x173: {  	s25 =	sadd.s32 $0x70, s25;
	s12 =	simm.s32 $0xB838  }
0x174: {  	[hbm4b:s25+s3] =	stream.linear.scatter [tilespmem:s12], [sflag:$0x5], $0x80, $0x38;
	[tilespmem:$0xDF00] =	vst v63  }
0x175: {  	s1 =	sadd.s32 $0x1C000, s1;
	s12 =	simm.s32 $0xB8C0  }
0x176: {  	[hbm4b:s1+s3] =	stream.linear.scatter [tilespmem:s12], [sflag:$0x5], $0x80, $0x38;
	[tilespmem:$0xDF00] =	vst v63  }
0x177: {  	s26 =	sadd.s32 $0x10, s1;
	s25 =	sor.u32 $0x3, s24;
	s12 =	simm.s32 $0xB948  }
0x178: {  	[hbm4b:s26+s3] =	stream.linear.scatter [tilespmem:s12], [sflag:$0x5], $0x80, $0x38;
	[tilespmem:$0xDF00] =	vst v63  }
0x179: {  	s30 =	smulhi.u32 $0x51EB851F, s25;
	s26 =	sadd.s32 $0x20, s1;
	s12 =	simm.s32 $0xB9D0  }
0x17a: {  	[hbm4b:s26+s3] =	stream.linear.scatter [tilespmem:s12], [sflag:$0x5], $0x80, $0x38;
	[tilespmem:$0xDF00] =	vst v63  }
0x17b: {  	s31 =	simm.s32 $0xBA58;
	s12 =	sadd.s32 $0x30, s1;
	s26 =	sshrl.u32 s30, $0x4  }
0x17c: {  	[hbm4b:s12+s3] =	stream.linear.scatter [tilespmem:s31], [sflag:$0x5], $0x80, $0x38;
	[tilespmem:$0xDF00] =	vst v63  }
0x17d: {  	s30 =	sadd.s32 $0x40, s1;
	s31 =	smul.u32 $0x32, s26;
	s12 =	simm.s32 $0xBAE0  }
0x17e: {  	[hbm4b:s30+s3] =	stream.linear.scatter [tilespmem:s12], [sflag:$0x5], $0x80, $0x38;
	[tilespmem:$0xDF00] =	vst v63  }
0x17f: {  	s30 =	sadd.s32 $0x50, s1;
	s31 =	ssub.s32 s25, s31;
	s12 =	simm.s32 $0xBB68  }
0x180: {  	v28 =	vadd.s32 s31, v0;
	[hbm4b:s30+s3] =	stream.linear.scatter [tilespmem:s12], [sflag:$0x5], $0x80, $0x38;
	[tilespmem:$0xDF00] =	vst v63  }
0x181: {  	s30 =	sadd.s32 $0x60, s1;
	s12 =	simm.s32 $0xBBF0  }
0x182: {  	[hbm4b:s30+s3] =	stream.linear.scatter [tilespmem:s12], [sflag:$0x5], $0x80, $0x38;
	[tilespmem:$0xDF00] =	vst v63  }
0x183: {  	s1 =	sadd.s32 $0x70, s1;
	s12 =	simm.s32 $0xBC78  }
0x184: {  	[hbm4b:s1+s3] =	stream.linear.scatter [tilespmem:s12], [sflag:$0x5], $0x80, $0x38;
	[tilespmem:$0xDF00] =	vst v63  }
0x185: {  	s12 =	sadd.s32 $0x320, s31;
	v28 =	vld.idx.msk [tilespmem:v28+s3+$0x0], $0xffff  }
0x186: {  	v29 =	vadd.s32 s12, v0;
	_ =	sdelay $0x3  }
0x187: {  	[tilespmem:$0x1A80] =	vst v28  }
0x188: {  	s12 =	sor.u32 $0x640, s31;
	v28 =	vld.idx.msk [tilespmem:v29+s3+$0x0], $0xffff  }
0x189: {  	v29 =	vadd.s32 s12, v0;
	_ =	sdelay $0x3  }
0x18a: {  	[tilespmem:$0x1A90] =	vst v28  }
0x18b: {  	s12 =	sadd.s32 $0x960, s31;
	v28 =	vld.idx.msk [tilespmem:v29+s3+$0x0], $0xffff  }
0x18c: {  	v29 =	vadd.s32 s12, v0;
	_ =	sdelay $0x3  }
0x18d: {  	[tilespmem:$0x1AA0] =	vst v28  }
0x18e: {  	s12 =	sor.u32 $0xC80, s31;
	v28 =	vld.idx.msk [tilespmem:v29+s3+$0x0], $0xffff  }
0x18f: {  	v29 =	vadd.s32 s12, v0;
	_ =	sdelay $0x3  }
0x190: {  	[tilespmem:$0x1AB0] =	vst v28  }
0x191: {  	s12 =	sadd.s32 $0xFA0, s31;
	v28 =	vld.idx.msk [tilespmem:v29+s3+$0x0], $0xffff  }
0x192: {  	v29 =	vadd.s32 s12, v0;
	_ =	sdelay $0x3  }
0x193: {  	[tilespmem:$0x1AC0] =	vst v28  }
0x194: {  	s12 =	sor.u32 $0x12C0, s31;
	v28 =	vld.idx.msk [tilespmem:v29+s3+$0x0], $0xffff  }
0x195: {  	v29 =	vadd.s32 s12, v0;
	_ =	sdelay $0x3  }
0x196: {  	[tilespmem:$0x1AD0] =	vst v28  }
0x197: {  	s12 =	sadd.s32 $0x15E0, s31;
	v28 =	vld.idx.msk [tilespmem:v29+s3+$0x0], $0xffff  }
0x198: {  	v29 =	vadd.s32 s12, v0;
	_ =	sdelay $0x3  }
0x199: {  	[tilespmem:$0x1AE0] =	vst v28  }
0x19a: {  	v28 =	vld.idx.msk [tilespmem:v29+s3+$0x0], $0xffff;
	_ =	sdelay $0x4  }
0x19b: {  	s1 =	simm.s32 $0x1A80;
	s12 =	simm.s32 $0x7B00;
	[tilespmem:$0x1AF0] =	vst v28  }
0x19c: {  	[tilespmem:s12], [sflag:$0x4] =	stream.indirect.gather [hbm4b:s6+s0], $0x40, s1, s0, $0xb8;
	[tilespmem:$0xDF00] =	vst v63  }
0x19d: {  	_ =	swait.ge [sflag:s10], $0x2000  }
0x19e: {  	[sflag:s10] =	ssyncset.done $0x0  }
0x19f: {  	s1 =	simm.s32 @!p0 $0x6;
	[sflag:s10] =	ssyncadd.s32 $0xFFFFE000  }
0x1a0: {  	_ =	swait.ge @!p0 [sflag:s1], $0x400  }
0x1a1: {  	[sflag:s1] =	ssyncset.done @!p0 $0x0  }
0x1a2: {  	[sflag:s1] =	ssyncadd.s32 @!p0 $0xFFFFFC00  }
0x1a3: {  	_ =	swait.ge @!p0 [sflag:s1], $0x400  }
0x1a4: {  	[sflag:s1] =	ssyncset.done @!p0 $0x0  }
0x1a5: {  	[sflag:s1] =	ssyncadd.s32 @!p0 $0xFFFFFC00  }
0x1a6: {  	_ =	swait.ge @!p0 [sflag:s1], $0x400  }
0x1a7: {  	[sflag:s1] =	ssyncset.done @!p0 $0x0  }
0x1a8: {  	[sflag:s1] =	ssyncadd.s32 @!p0 $0xFFFFFC00  }
0x1a9: {  	_ =	swait.ge @!p0 [sflag:s1], $0x400  }
0x1aa: {  	[sflag:s1] =	ssyncset.done @!p0 $0x0  }
0x1ab: {  	[sflag:s1] =	ssyncadd.s32 @!p0 $0xFFFFFC00  }
0x1ac: {  	_ =	swait.ge @!p0 [sflag:s1], $0x400  }
0x1ad: {  	[sflag:s1] =	ssyncset.done @!p0 $0x0  }
0x1ae: {  	[sflag:s1] =	ssyncadd.s32 @!p0 $0xFFFFFC00  }
0x1af: {  	_ =	swait.ge @!p0 [sflag:s1], $0x400  }
0x1b0: {  	[sflag:s1] =	ssyncset.done @!p0 $0x0  }
0x1b1: {  	[sflag:s1] =	ssyncadd.s32 @!p0 $0xFFFFFC00  }
0x1b2: {  	_ =	swait.ge @!p0 [sflag:s1], $0x400  }
0x1b3: {  	[sflag:s1] =	ssyncset.done @!p0 $0x0  }
0x1b4: {  	s30 =	simm.s32 $0x0;
	[sflag:s1] =	ssyncadd.s32 @!p0 $0xFFFFFC00  }
0x1b5: {  	v28 =	vmov s30;
	_ =	swait.ge @!p0 [sflag:s1], $0x400  }
0x1b6: {  	v29 =	vand.u32 $0x78, v28;
	[sflag:s1] =	ssyncset.done @!p0 $0x0  }
0x1b7: {  	s30 =	simm.s32 $0x3BF0;
	v28 =	vand.u32 $0x4, v28;
	v30 =	vadd.s32 v21, v29;
	[sflag:s1] =	ssyncadd.s32 @!p0 $0xFFFFFC00  }
0x1b8: {  	v50 =	vor.u32 v28, v30;
	v31 =	vld [tilespmem:s30+$0xFFFFFF10];
	_ =	sdelay $0x4  }
0x1b9: {  	[tilespmem:v50+s16+$0x0] =	vst.idx.msk $0xffff, v31;
	v31 =	vadd.s32 v25, v29  }
0x1ba: {  	v32 =	vld [tilespmem:s30+$0xFFFFFF20];
	v51 =	vor.u32 v28, v31;
	_ =	sdelay $0x4  }
0x1bb: {  	v52 =	vadd.s32 v26, v29;
	[tilespmem:v51+s16+$0x0] =	vst.idx.msk $0xffff, v32  }
0x1bc: {  	v53 =	vor.u32 v28, v52;
	v33 =	vld [tilespmem:s30+$0xFFFFFF30];
	_ =	sdelay $0x4  }
0x1bd: {  	v29 =	vadd.s32 v27, v29;
	[tilespmem:v53+s16+$0x0] =	vst.idx.msk $0xffff, v33  }
0x1be: {  	v54 =	vor.u32 v28, v29;
	v33 =	vld [tilespmem:s30+$0xFFFFFF40];
	_ =	sdelay $0x4  }
0x1bf: {  	v55 =	vor.u32 $0x1, v28;
	[tilespmem:v54+s16+$0x0] =	vst.idx.msk $0xffff, v33  }
0x1c0: {  	v56 =	vor.u32 v55, v30;
	v34 =	vld [tilespmem:s30+$0xFFFFFF50];
	_ =	sdelay $0x4  }
0x1c1: {  	[tilespmem:v56+s16+$0x0] =	vst.idx.msk $0xffff, v34  }
0x1c2: {  	v57 =	vor.u32 v55, v31;
	v34 =	vld [tilespmem:s30+$0xFFFFFF60];
	_ =	sdelay $0x4  }
0x1c3: {  	[tilespmem:v57+s16+$0x0] =	vst.idx.msk $0xffff, v34  }
0x1c4: {  	v58 =	vor.u32 v55, v52;
	v34 =	vld [tilespmem:s30+$0xFFFFFF70];
	_ =	sdelay $0x4  }
0x1c5: {  	[tilespmem:v58+s16+$0x0] =	vst.idx.msk $0xffff, v34  }
0x1c6: {  	v33 =	vor.u32 v55, v29;
	v34 =	vld [tilespmem:s30+$0xFFFFFF80];
	_ =	sdelay $0x4  }
0x1c7: {  	v59 =	vor.u32 $0x2, v28;
	[tilespmem:v33+s16+$0x0] =	vst.idx.msk $0xffff, v34  }
0x1c8: {  	v60 =	vor.u32 v59, v30;
	v34 =	vld [tilespmem:s30+$0xFFFFFF90];
	_ =	sdelay $0x4  }
0x1c9: {  	[tilespmem:v60+s16+$0x0] =	vst.idx.msk $0xffff, v34  }
0x1ca: {  	v61 =	vor.u32 v59, v31;
	v34 =	vld [tilespmem:s30+$0xFFFFFFA0];
	_ =	sdelay $0x4  }
0x1cb: {  	[tilespmem:v61+s16+$0x0] =	vst.idx.msk $0xffff, v34  }
0x1cc: {  	v62 =	vor.u32 v59, v52;
	v34 =	vld [tilespmem:s30+$0xFFFFFFB0];
	_ =	sdelay $0x4  }
0x1cd: {  	[tilespmem:v62+s16+$0x0] =	vst.idx.msk $0xffff, v34  }
0x1ce: {  	v33 =	vor.u32 v59, v29;
	v34 =	vld [tilespmem:s30+$0xFFFFFFC0];
	_ =	sdelay $0x4  }
0x1cf: {  	v63 =	vor.u32 $0x3, v28;
	[tilespmem:v33+s16+$0x0] =	vst.idx.msk $0xffff, v34  }
0x1d0: {  	v30 =	vor.u32 v63, v30;
	v28 =	vld [tilespmem:s30+$0xFFFFFFD0];
	_ =	sdelay $0x4  }
0x1d1: {  	[tilespmem:v30+s16+$0x0] =	vst.idx.msk $0xffff, v28  }
0x1d2: {  	v30 =	vor.u32 v63, v31;
	v28 =	vld [tilespmem:s30+$0xFFFFFFE0];
	_ =	sdelay $0x4  }
0x1d3: {  	[tilespmem:v30+s16+$0x0] =	vst.idx.msk $0xffff, v28  }
0x1d4: {  	v30 =	vor.u32 v63, v52;
	v28 =	vld [tilespmem:s30+$0xFFFFFFF0];
	_ =	sdelay $0x4  }
0x1d5: {  	[tilespmem:v30+s16+$0x0] =	vst.idx.msk $0xffff, v28  }
0x1d6: {  	v29 =	vor.u32 v63, v29;
	v28 =	vld [tilespmem:s30+$0x0];
	_ =	sdelay $0x1  }
0x1d7: {  	s12 =	simm.s32 $0x4  }
0x1d8: {  	s31 =	sor.u32 $0x1, s24;
	s1 =	simm.s32 $0x8;
	v30 =	vmov s12  }
.LBB2_5:
0x1d9: {  	p0 =	sne.s32 s1, $0x7C;
	v31 =	vand.u32 $0x78, v30  }
0x1da: {  	v30 =	vand.u32 $0x4, v30;
	s30 =	sadd.s32 $0x100, s30;
	v32 =	vadd.s32 v21, v31;
	[tilespmem:v29+s16+$0x0] =	vst.idx.msk $0xffff, v28  }
0x1db: {  	v28 =	vld [tilespmem:s30+$0xFFFFFF10];
	v29 =	vor.u32 v30, v32;
	_ =	sdelay $0x4  }
0x1dc: {  	[tilespmem:v29+s16+$0x0] =	vst.idx.msk $0xffff, v28;
	v28 =	vadd.s32 v25, v31  }
0x1dd: {  	v29 =	vld [tilespmem:s30+$0xFFFFFF20];
	v33 =	vor.u32 v30, v28;
	_ =	sdelay $0x4  }
0x1de: {  	[tilespmem:v33+s16+$0x0] =	vst.idx.msk $0xffff, v29;
	v29 =	vadd.s32 v26, v31  }
0x1df: {  	v33 =	vld [tilespmem:s30+$0xFFFFFF30];
	v34 =	vor.u32 v30, v29;
	_ =	sdelay $0x4  }
0x1e0: {  	v31 =	vadd.s32 v27, v31;
	[tilespmem:v34+s16+$0x0] =	vst.idx.msk $0xffff, v33  }
0x1e1: {  	v34 =	vor.u32 v30, v31;
	v33 =	vld [tilespmem:s30+$0xFFFFFF40];
	_ =	sdelay $0x4  }
0x1e2: {  	[tilespmem:v34+s16+$0x0] =	vst.idx.msk $0xffff, v33;
	v33 =	vor.u32 $0x1, v30  }
0x1e3: {  	v34 =	vld [tilespmem:s30+$0xFFFFFF50];
	v35 =	vor.u32 v33, v32;
	_ =	sdelay $0x4  }
0x1e4: {  	[tilespmem:v35+s16+$0x0] =	vst.idx.msk $0xffff, v34  }
0x1e5: {  	v35 =	vor.u32 v33, v28;
	v34 =	vld [tilespmem:s30+$0xFFFFFF60];
	_ =	sdelay $0x4  }
0x1e6: {  	[tilespmem:v35+s16+$0x0] =	vst.idx.msk $0xffff, v34  }
0x1e7: {  	v35 =	vor.u32 v33, v29;
	v34 =	vld [tilespmem:s30+$0xFFFFFF70];
	_ =	sdelay $0x4  }
0x1e8: {  	[tilespmem:v35+s16+$0x0] =	vst.idx.msk $0xffff, v34  }
0x1e9: {  	v33 =	vor.u32 v33, v31;
	v34 =	vld [tilespmem:s30+$0xFFFFFF80];
	_ =	sdelay $0x4  }
0x1ea: {  	[tilespmem:v33+s16+$0x0] =	vst.idx.msk $0xffff, v34;
	v33 =	vor.u32 $0x2, v30  }
0x1eb: {  	v34 =	vld [tilespmem:s30+$0xFFFFFF90];
	v35 =	vor.u32 v33, v32;
	_ =	sdelay $0x4  }
0x1ec: {  	[tilespmem:v35+s16+$0x0] =	vst.idx.msk $0xffff, v34  }
0x1ed: {  	v35 =	vor.u32 v33, v28;
	v34 =	vld [tilespmem:s30+$0xFFFFFFA0];
	_ =	sdelay $0x4  }
0x1ee: {  	[tilespmem:v35+s16+$0x0] =	vst.idx.msk $0xffff, v34  }
0x1ef: {  	v35 =	vor.u32 v33, v29;
	v34 =	vld [tilespmem:s30+$0xFFFFFFB0];
	_ =	sdelay $0x4  }
0x1f0: {  	[tilespmem:v35+s16+$0x0] =	vst.idx.msk $0xffff, v34  }
0x1f1: {  	v33 =	vor.u32 v33, v31;
	v34 =	vld [tilespmem:s30+$0xFFFFFFC0];
	_ =	sdelay $0x4  }
0x1f2: {  	v30 =	vor.u32 $0x3, v30;
	[tilespmem:v33+s16+$0x0] =	vst.idx.msk $0xffff, v34  }
0x1f3: {  	v32 =	vor.u32 v30, v32;
	v33 =	vld [tilespmem:s30+$0xFFFFFFD0];
	_ =	sdelay $0x4  }
0x1f4: {  	[tilespmem:v32+s16+$0x0] =	vst.idx.msk $0xffff, v33  }
0x1f5: {  	v28 =	vor.u32 v30, v28;
	v32 =	vld [tilespmem:s30+$0xFFFFFFE0];
	_ =	sdelay $0x4  }
0x1f6: {  	[tilespmem:v28+s16+$0x0] =	vst.idx.msk $0xffff, v32  }
0x1f7: {  	v29 =	vor.u32 v30, v29;
	v28 =	vld [tilespmem:s30+$0xFFFFFFF0];
	_ =	sdelay $0x4  }
.Ltmp3:
0x1f8: {  	[tilespmem:v29+s16+$0x0] =	vst.idx.msk $0xffff, v28;
	(pc) =	sbr.rel @p0 .LBB2_5-.Ltmp3, $2  }
0x1f9: {  	v29 =	vor.u32 v30, v31;
	v28 =	vld [tilespmem:s30+$0x0];
	_ =	sdelay $0x2  }
0x1fa: {  	v30 =	vmov s1;
	s1 =	sadd.s32 $0x4, s1  }
0x1fb: {  	_ =	sdelay $0x2  }
0x1fc: {  	v31 =	vand.u32 $0x78, v30  }
0x1fd: {  	v30 =	vand.u32 $0x4, v30;
	s1 =	sadd.s32 $0x100, s30;
	v32 =	vadd.s32 v21, v31;
	[tilespmem:v29+s16+$0x0] =	vst.idx.msk $0xffff, v28  }
0x1fe: {  	v28 =	vld [tilespmem:s1+$0xFFFFFF10];
	v29 =	vor.u32 v30, v32;
	_ =	sdelay $0x4  }
0x1ff: {  	[tilespmem:v29+s16+$0x0] =	vst.idx.msk $0xffff, v28;
	v28 =	vadd.s32 v25, v31  }
0x200: {  	v29 =	vld [tilespmem:s1+$0xFFFFFF20];
	v33 =	vor.u32 v30, v28;
	_ =	sdelay $0x4  }
0x201: {  	[tilespmem:v33+s16+$0x0] =	vst.idx.msk $0xffff, v29;
	v29 =	vadd.s32 v26, v31  }
0x202: {  	v33 =	vld [tilespmem:s1+$0xFFFFFF30];
	v34 =	vor.u32 v30, v29;
	_ =	sdelay $0x4  }
0x203: {  	v31 =	vadd.s32 v27, v31;
	[tilespmem:v34+s16+$0x0] =	vst.idx.msk $0xffff, v33  }
0x204: {  	v42 =	vor.u32 v30, v31;
	v33 =	vld [tilespmem:s1+$0xFFFFFF40];
	_ =	sdelay $0x4  }
0x205: {  	v43 =	vor.u32 $0x1, v30;
	[tilespmem:v42+s16+$0x0] =	vst.idx.msk $0xffff, v33  }
0x206: {  	v35 =	vor.u32 v43, v32;
	v34 =	vld [tilespmem:s1+$0xFFFFFF50];
	_ =	sdelay $0x4  }
0x207: {  	[tilespmem:v35+s16+$0x0] =	vst.idx.msk $0xffff, v34  }
0x208: {  	v44 =	vor.u32 v43, v28;
	v34 =	vld [tilespmem:s1+$0xFFFFFF60];
	_ =	sdelay $0x4  }
0x209: {  	[tilespmem:v44+s16+$0x0] =	vst.idx.msk $0xffff, v34  }
0x20a: {  	v45 =	vor.u32 v43, v29;
	v34 =	vld [tilespmem:s1+$0xFFFFFF70];
	_ =	sdelay $0x4  }
0x20b: {  	[tilespmem:v45+s16+$0x0] =	vst.idx.msk $0xffff, v34  }
0x20c: {  	v33 =	vor.u32 v43, v31;
	v34 =	vld [tilespmem:s1+$0xFFFFFF80];
	_ =	sdelay $0x4  }
0x20d: {  	v46 =	vor.u32 $0x2, v30;
	[tilespmem:v33+s16+$0x0] =	vst.idx.msk $0xffff, v34  }
0x20e: {  	v47 =	vor.u32 v46, v32;
	v34 =	vld [tilespmem:s1+$0xFFFFFF90];
	_ =	sdelay $0x4  }
0x20f: {  	[tilespmem:v47+s16+$0x0] =	vst.idx.msk $0xffff, v34  }
0x210: {  	v48 =	vor.u32 v46, v28;
	v34 =	vld [tilespmem:s1+$0xFFFFFFA0];
	_ =	sdelay $0x4  }
0x211: {  	[tilespmem:v48+s16+$0x0] =	vst.idx.msk $0xffff, v34  }
0x212: {  	v49 =	vor.u32 v46, v29;
	v34 =	vld [tilespmem:s1+$0xFFFFFFB0];
	_ =	sdelay $0x4  }
0x213: {  	[tilespmem:v49+s16+$0x0] =	vst.idx.msk $0xffff, v34  }
0x214: {  	v33 =	vor.u32 v46, v31;
	v34 =	vld [tilespmem:s1+$0xFFFFFFC0];
	_ =	sdelay $0x4  }
0x215: {  	v30 =	vor.u32 $0x3, v30;
	[tilespmem:v33+s16+$0x0] =	vst.idx.msk $0xffff, v34  }
0x216: {  	v32 =	vor.u32 v30, v32;
	v33 =	vld [tilespmem:s1+$0xFFFFFFD0];
	_ =	sdelay $0x4  }
0x217: {  	[tilespmem:v32+s16+$0x0] =	vst.idx.msk $0xffff, v33  }
0x218: {  	v28 =	vor.u32 v30, v28;
	v32 =	vld [tilespmem:s1+$0xFFFFFFE0];
	_ =	sdelay $0x4  }
0x219: {  	[tilespmem:v28+s16+$0x0] =	vst.idx.msk $0xffff, v32  }
0x21a: {  	v29 =	vor.u32 v30, v29;
	v28 =	vld [tilespmem:s1+$0xFFFFFFF0];
	_ =	sdelay $0x4  }
0x21b: {  	[tilespmem:v29+s16+$0x0] =	vst.idx.msk $0xffff, v28  }
0x21c: {  	v29 =	vor.u32 v30, v31;
	v28 =	vld [tilespmem:s1+$0x0]  }
0x21d: {  	s12 =	sadd.s32 s28, s31  }
0x21e: {  	s1 =	sshll.u32 s12, $0x14  }
0x21f: {  	s1 =	sadd.s32 s29, s1  }
0x220: {  	s28 =	sshrl.u32 s1, $0x3  }
0x221: {  	s29 =	sadd.s32 s2, s28;
	[tilespmem:v29+s16+$0x0] =	vst.idx.msk $0xffff, v28  }
0x222: {  	[hbm4b:s29+s3] =	stream.linear.scatter [tilespmem:s16], [sflag:$0x6], $0x80, $0x38;
	[tilespmem:$0xDF00] =	vst v63  }
0x223: {  	s12 =	simm.s32 $0xBD88;
	s30 =	sadd.s32 $0x10, s29  }
0x224: {  	[hbm4b:s30+s3] =	stream.linear.scatter [tilespmem:s12], [sflag:$0x6], $0x80, $0x38;
	[tilespmem:$0xDF00] =	vst v63  }
0x225: {  	s31 =	simm.s32 $0xBE10;
	s30 =	sadd.s32 $0x20, s29  }
0x226: {  	[hbm4b:s30+s3] =	stream.linear.scatter [tilespmem:s31], [sflag:$0x6], $0x80, $0x38;
	[tilespmem:$0xDF00] =	vst v63  }
0x227: {  	s30 =	sadd.s32 $0x30, s29;
	s31 =	simm.s32 $0xBE98  }
0x228: {  	[hbm4b:s30+s3] =	stream.linear.scatter [tilespmem:s31], [sflag:$0x6], $0x80, $0x38;
	[tilespmem:$0xDF00] =	vst v63  }
0x229: {  	s30 =	sadd.s32 $0x40, s29;
	s31 =	simm.s32 $0xBF20  }
0x22a: {  	[hbm4b:s30+s3] =	stream.linear.scatter [tilespmem:s31], [sflag:$0x6], $0x80, $0x38;
	[tilespmem:$0xDF00] =	vst v63  }
0x22b: {  	s30 =	sadd.s32 $0x50, s29;
	s31 =	simm.s32 $0xBFA8  }
0x22c: {  	[hbm4b:s30+s3] =	stream.linear.scatter [tilespmem:s31], [sflag:$0x6], $0x80, $0x38;
	[tilespmem:$0xDF00] =	vst v63  }
0x22d: {  	s30 =	sadd.s32 $0x60, s29;
	s31 =	simm.s32 $0xC030  }
0x22e: {  	[hbm4b:s30+s3] =	stream.linear.scatter [tilespmem:s31], [sflag:$0x6], $0x80, $0x38;
	[tilespmem:$0xDF00] =	vst v63  }
0x22f: {  	s30 =	sadd.s32 $0x70, s29;
	s31 =	simm.s32 $0xC0B8  }
0x230: {  	[hbm4b:s30+s3] =	stream.linear.scatter [tilespmem:s31], [sflag:$0x6], $0x80, $0x38;
	[tilespmem:$0xDF00] =	vst v63  }
0x231: {  	s30 =	sadd.s32 $0x4000, s29;
	s31 =	simm.s32 $0xC140  }
0x232: {  	[hbm4b:s30+s3] =	stream.linear.scatter [tilespmem:s31], [sflag:$0x6], $0x80, $0x38;
	[tilespmem:$0xDF00] =	vst v63  }
0x233: {  	s30 =	sadd.s32 $0x4010, s29;
	s31 =	simm.s32 $0xC1C8  }
0x234: {  	[hbm4b:s30+s3] =	stream.linear.scatter [tilespmem:s31], [sflag:$0x6], $0x80, $0x38;
	[tilespmem:$0xDF00] =	vst v63  }
0x235: {  	s30 =	sadd.s32 $0x4020, s29;
	s31 =	simm.s32 $0xC250  }
0x236: {  	[hbm4b:s30+s3] =	stream.linear.scatter [tilespmem:s31], [sflag:$0x6], $0x80, $0x38;
	[tilespmem:$0xDF00] =	vst v63  }
0x237: {  	s30 =	sadd.s32 $0x4030, s29;
	s31 =	simm.s32 $0xC2D8  }
0x238: {  	[hbm4b:s30+s3] =	stream.linear.scatter [tilespmem:s31], [sflag:$0x6], $0x80, $0x38;
	[tilespmem:$0xDF00] =	vst v63  }
0x239: {  	s30 =	sadd.s32 $0x4040, s29;
	s31 =	simm.s32 $0xC360  }
0x23a: {  	[hbm4b:s30+s3] =	stream.linear.scatter [tilespmem:s31], [sflag:$0x6], $0x80, $0x38;
	[tilespmem:$0xDF00] =	vst v63  }
0x23b: {  	s30 =	sadd.s32 $0x4050, s29;
	s31 =	simm.s32 $0xC3E8  }
0x23c: {  	[hbm4b:s30+s3] =	stream.linear.scatter [tilespmem:s31], [sflag:$0x6], $0x80, $0x38;
	[tilespmem:$0xDF00] =	vst v63  }
0x23d: {  	s30 =	sadd.s32 $0x4060, s29;
	s31 =	simm.s32 $0xC470  }
0x23e: {  	[hbm4b:s30+s3] =	stream.linear.scatter [tilespmem:s31], [sflag:$0x6], $0x80, $0x38;
	[tilespmem:$0xDF00] =	vst v63  }
0x23f: {  	s30 =	sadd.s32 $0x4070, s29;
	s31 =	simm.s32 $0xC4F8  }
0x240: {  	[hbm4b:s30+s3] =	stream.linear.scatter [tilespmem:s31], [sflag:$0x6], $0x80, $0x38;
	[tilespmem:$0xDF00] =	vst v63  }
0x241: {  	s30 =	sor.u32 $0x8000, s28  }
0x242: {  	s31 =	simm.s32 $0xC580;
	s30 =	sadd.s32 s2, s30  }
0x243: {  	[hbm4b:s30+s3] =	stream.linear.scatter [tilespmem:s31], [sflag:$0x6], $0x80, $0x38;
	[tilespmem:$0xDF00] =	vst v63  }
0x244: {  	s12 =	simm.s32 $0xC608;
	s31 =	sadd.s32 $0x10, s30  }
0x245: {  	[hbm4b:s31+s3] =	stream.linear.scatter [tilespmem:s12], [sflag:$0x6], $0x80, $0x38;
	[tilespmem:$0xDF00] =	vst v63  }
0x246: {  	s31 =	sadd.s32 $0x20, s30;
	s12 =	simm.s32 $0xC690  }
0x247: {  	[hbm4b:s31+s3] =	stream.linear.scatter [tilespmem:s12], [sflag:$0x6], $0x80, $0x38;
	[tilespmem:$0xDF00] =	vst v63  }
0x248: {  	s31 =	sadd.s32 $0x30, s30;
	s12 =	simm.s32 $0xC718  }
0x249: {  	[hbm4b:s31+s3] =	stream.linear.scatter [tilespmem:s12], [sflag:$0x6], $0x80, $0x38;
	[tilespmem:$0xDF00] =	vst v63  }
0x24a: {  	s31 =	sadd.s32 $0x40, s30;
	s12 =	simm.s32 $0xC7A0  }
0x24b: {  	[hbm4b:s31+s3] =	stream.linear.scatter [tilespmem:s12], [sflag:$0x6], $0x80, $0x38;
	[tilespmem:$0xDF00] =	vst v63  }
0x24c: {  	s31 =	sadd.s32 $0x50, s30;
	s12 =	simm.s32 $0xC828  }
0x24d: {  	[hbm4b:s31+s3] =	stream.linear.scatter [tilespmem:s12], [sflag:$0x6], $0x80, $0x38;
	[tilespmem:$0xDF00] =	vst v63  }
0x24e: {  	s31 =	sadd.s32 $0x60, s30;
	s12 =	simm.s32 $0xC8B0  }
0x24f: {  	[hbm4b:s31+s3] =	stream.linear.scatter [tilespmem:s12], [sflag:$0x6], $0x80, $0x38;
	[tilespmem:$0xDF00] =	vst v63  }
0x250: {  	s30 =	sadd.s32 $0x70, s30;
	s31 =	simm.s32 $0xC938  }
0x251: {  	[hbm4b:s30+s3] =	stream.linear.scatter [tilespmem:s31], [sflag:$0x6], $0x80, $0x38;
	[tilespmem:$0xDF00] =	vst v63  }
0x252: {  	s30 =	sadd.s32 $0xC000, s29;
	s31 =	simm.s32 $0xC9C0  }
0x253: {  	[hbm4b:s30+s3] =	stream.linear.scatter [tilespmem:s31], [sflag:$0x6], $0x80, $0x38;
	[tilespmem:$0xDF00] =	vst v63  }
0x254: {  	s30 =	sadd.s32 $0xC010, s29;
	s31 =	simm.s32 $0xCA48  }
0x255: {  	[hbm4b:s30+s3] =	stream.linear.scatter [tilespmem:s31], [sflag:$0x6], $0x80, $0x38;
	[tilespmem:$0xDF00] =	vst v63  }
0x256: {  	s30 =	sadd.s32 $0xC020, s29;
	s31 =	simm.s32 $0xCAD0  }
0x257: {  	[hbm4b:s30+s3] =	stream.linear.scatter [tilespmem:s31], [sflag:$0x6], $0x80, $0x38;
	[tilespmem:$0xDF00] =	vst v63  }
0x258: {  	s30 =	sadd.s32 $0xC030, s29;
	s31 =	simm.s32 $0xCB58  }
0x259: {  	[hbm4b:s30+s3] =	stream.linear.scatter [tilespmem:s31], [sflag:$0x6], $0x80, $0x38;
	[tilespmem:$0xDF00] =	vst v63  }
0x25a: {  	s30 =	sadd.s32 $0xC040, s29;
	s31 =	simm.s32 $0xCBE0  }
0x25b: {  	[hbm4b:s30+s3] =	stream.linear.scatter [tilespmem:s31], [sflag:$0x6], $0x80, $0x38;
	[tilespmem:$0xDF00] =	vst v63  }
0x25c: {  	s30 =	sadd.s32 $0xC050, s29;
	s31 =	simm.s32 $0xCC68  }
0x25d: {  	[hbm4b:s30+s3] =	stream.linear.scatter [tilespmem:s31], [sflag:$0x6], $0x80, $0x38;
	[tilespmem:$0xDF00] =	vst v63  }
0x25e: {  	s30 =	sadd.s32 $0xC060, s29;
	s31 =	simm.s32 $0xCCF0  }
0x25f: {  	[hbm4b:s30+s3] =	stream.linear.scatter [tilespmem:s31], [sflag:$0x6], $0x80, $0x38;
	[tilespmem:$0xDF00] =	vst v63  }
0x260: {  	s30 =	sadd.s32 $0xC070, s29;
	s31 =	simm.s32 $0xCD78  }
0x261: {  	[hbm4b:s30+s3] =	stream.linear.scatter [tilespmem:s31], [sflag:$0x6], $0x80, $0x38;
	[tilespmem:$0xDF00] =	vst v63  }
0x262: {  	s30 =	sor.u32 $0x10000, s28  }
0x263: {  	s31 =	simm.s32 $0xCE00;
	s30 =	sadd.s32 s2, s30  }
0x264: {  	[hbm4b:s30+s3] =	stream.linear.scatter [tilespmem:s31], [sflag:$0x6], $0x80, $0x38;
	[tilespmem:$0xDF00] =	vst v63  }
0x265: {  	s12 =	simm.s32 $0xCE88;
	s31 =	sadd.s32 $0x10, s30  }
0x266: {  	[hbm4b:s31+s3] =	stream.linear.scatter [tilespmem:s12], [sflag:$0x6], $0x80, $0x38;
	[tilespmem:$0xDF00] =	vst v63  }
0x267: {  	s31 =	sadd.s32 $0x20, s30;
	s12 =	simm.s32 $0xCF10  }
0x268: {  	[hbm4b:s31+s3] =	stream.linear.scatter [tilespmem:s12], [sflag:$0x6], $0x80, $0x38;
	[tilespmem:$0xDF00] =	vst v63  }
0x269: {  	s31 =	sadd.s32 $0x30, s30;
	s12 =	simm.s32 $0xCF98  }
0x26a: {  	[hbm4b:s31+s3] =	stream.linear.scatter [tilespmem:s12], [sflag:$0x6], $0x80, $0x38;
	[tilespmem:$0xDF00] =	vst v63  }
0x26b: {  	s31 =	sadd.s32 $0x40, s30;
	s12 =	simm.s32 $0xD020  }
0x26c: {  	[hbm4b:s31+s3] =	stream.linear.scatter [tilespmem:s12], [sflag:$0x6], $0x80, $0x38;
	[tilespmem:$0xDF00] =	vst v63  }
0x26d: {  	s31 =	sadd.s32 $0x50, s30;
	s12 =	simm.s32 $0xD0A8  }
0x26e: {  	[hbm4b:s31+s3] =	stream.linear.scatter [tilespmem:s12], [sflag:$0x6], $0x80, $0x38;
	[tilespmem:$0xDF00] =	vst v63  }
0x26f: {  	s31 =	sadd.s32 $0x60, s30;
	s12 =	simm.s32 $0xD130  }
0x270: {  	[hbm4b:s31+s3] =	stream.linear.scatter [tilespmem:s12], [sflag:$0x6], $0x80, $0x38;
	[tilespmem:$0xDF00] =	vst v63  }
0x271: {  	s30 =	sadd.s32 $0x70, s30;
	s31 =	simm.s32 $0xD1B8  }
0x272: {  	[hbm4b:s30+s3] =	stream.linear.scatter [tilespmem:s31], [sflag:$0x6], $0x80, $0x38;
	[tilespmem:$0xDF00] =	vst v63  }
0x273: {  	s29 =	sadd.s32 $0x14000, s29;
	s31 =	simm.s32 $0xD240  }
0x274: {  	[hbm4b:s29+s3] =	stream.linear.scatter [tilespmem:s31], [sflag:$0x6], $0x80, $0x38;
	[tilespmem:$0xDF00] =	vst v63  }
0x275: {  	s30 =	sadd.s32 $0x10, s29;
	s31 =	simm.s32 $0xD2C8  }
0x276: {  	[hbm4b:s30+s3] =	stream.linear.scatter [tilespmem:s31], [sflag:$0x6], $0x80, $0x38;
	[tilespmem:$0xDF00] =	vst v63  }
0x277: {  	s30 =	sadd.s32 $0x20, s29;
	s31 =	simm.s32 $0xD350  }
0x278: {  	[hbm4b:s30+s3] =	stream.linear.scatter [tilespmem:s31], [sflag:$0x6], $0x80, $0x38;
	[tilespmem:$0xDF00] =	vst v63  }
0x279: {  	s30 =	sadd.s32 $0x30, s29;
	s31 =	simm.s32 $0xD3D8  }
0x27a: {  	[hbm4b:s30+s3] =	stream.linear.scatter [tilespmem:s31], [sflag:$0x6], $0x80, $0x38;
	[tilespmem:$0xDF00] =	vst v63  }
0x27b: {  	s30 =	sadd.s32 $0x40, s29;
	s31 =	simm.s32 $0xD460  }
0x27c: {  	[hbm4b:s30+s3] =	stream.linear.scatter [tilespmem:s31], [sflag:$0x6], $0x80, $0x38;
	[tilespmem:$0xDF00] =	vst v63  }
0x27d: {  	s30 =	sadd.s32 $0x50, s29;
	s31 =	simm.s32 $0xD4E8  }
0x27e: {  	[hbm4b:s30+s3] =	stream.linear.scatter [tilespmem:s31], [sflag:$0x6], $0x80, $0x38;
	[tilespmem:$0xDF00] =	vst v63  }
0x27f: {  	s30 =	sadd.s32 $0x60, s29;
	s31 =	simm.s32 $0xD570  }
0x280: {  	[hbm4b:s30+s3] =	stream.linear.scatter [tilespmem:s31], [sflag:$0x6], $0x80, $0x38;
	[tilespmem:$0xDF00] =	vst v63  }
0x281: {  	s28 =	sor.u32 $0x18000, s28;
	s29 =	sadd.s32 $0x70, s29;
	s31 =	simm.s32 $0xD5F8  }
0x282: {  	[hbm4b:s29+s3] =	stream.linear.scatter [tilespmem:s31], [sflag:$0x6], $0x80, $0x38;
	[tilespmem:$0xDF00] =	vst v63  }
0x283: {  	s28 =	sadd.s32 s2, s28;
	s31 =	simm.s32 $0xD680  }
0x284: {  	[hbm4b:s28+s3] =	stream.linear.scatter [tilespmem:s31], [sflag:$0x6], $0x80, $0x38;
	[tilespmem:$0xDF00] =	vst v63  }
0x285: {  	s29 =	sadd.s32 $0x10, s28;
	s31 =	simm.s32 $0xD708  }
0x286: {  	[hbm4b:s29+s3] =	stream.linear.scatter [tilespmem:s31], [sflag:$0x6], $0x80, $0x38;
	[tilespmem:$0xDF00] =	vst v63  }
0x287: {  	s29 =	sadd.s32 $0x20, s28;
	s31 =	simm.s32 $0xD790  }
0x288: {  	[hbm4b:s29+s3] =	stream.linear.scatter [tilespmem:s31], [sflag:$0x6], $0x80, $0x38;
	[tilespmem:$0xDF00] =	vst v63  }
0x289: {  	s29 =	sadd.s32 $0x30, s28;
	s31 =	simm.s32 $0xD818  }
0x28a: {  	[hbm4b:s29+s3] =	stream.linear.scatter [tilespmem:s31], [sflag:$0x6], $0x80, $0x38;
	[tilespmem:$0xDF00] =	vst v63  }
0x28b: {  	s29 =	sadd.s32 $0x40, s28;
	s31 =	simm.s32 $0xD8A0  }
0x28c: {  	[hbm4b:s29+s3] =	stream.linear.scatter [tilespmem:s31], [sflag:$0x6], $0x80, $0x38;
	[tilespmem:$0xDF00] =	vst v63  }
0x28d: {  	s29 =	sadd.s32 $0x50, s28;
	s31 =	simm.s32 $0xD928  }
0x28e: {  	[hbm4b:s29+s3] =	stream.linear.scatter [tilespmem:s31], [sflag:$0x6], $0x80, $0x38;
	[tilespmem:$0xDF00] =	vst v63  }
0x28f: {  	s1 =	sadd.s32 $0xE0000, s1;
	s29 =	sadd.s32 $0x60, s28;
	s31 =	simm.s32 $0xD9B0  }
0x290: {  	[hbm4b:s29+s3] =	stream.linear.scatter [tilespmem:s31], [sflag:$0x6], $0x80, $0x38;
	[tilespmem:$0xDF00] =	vst v63  }
0x291: {  	s1 =	sshrl.u32 s1, $0x3;
	s28 =	sadd.s32 $0x70, s28;
	s31 =	simm.s32 $0xDA38  }
0x292: {  	[hbm4b:s28+s3] =	stream.linear.scatter [tilespmem:s31], [sflag:$0x6], $0x80, $0x38;
	[tilespmem:$0xDF00] =	vst v63  }
0x293: {  	s1 =	sadd.s32 s2, s1;
	s31 =	simm.s32 $0xDAC0  }
0x294: {  	[hbm4b:s1+s3] =	stream.linear.scatter [tilespmem:s31], [sflag:$0x6], $0x80, $0x38;
	[tilespmem:$0xDF00] =	vst v63  }
0x295: {  	s28 =	sadd.s32 $0x10, s1;
	s31 =	simm.s32 $0xDB48  }
0x296: {  	[hbm4b:s28+s3] =	stream.linear.scatter [tilespmem:s31], [sflag:$0x6], $0x80, $0x38;
	[tilespmem:$0xDF00] =	vst v63  }
0x297: {  	s28 =	sadd.s32 $0x20, s1  }
0x298: {  	[hbm4b:s28+s3] =	stream.linear.scatter [tilespmem:s13], [sflag:$0x6], $0x80, $0x38;
	[tilespmem:$0xDF00] =	vst v63  }
0x299: {  	s28 =	sadd.s32 $0x30, s1  }
0x29a: {  	[hbm4b:s28+s3] =	stream.linear.scatter [tilespmem:s14], [sflag:$0x6], $0x80, $0x38;
	[tilespmem:$0xDF00] =	vst v63  }
0x29b: {  	p0 =	seq.s32 s23, $0x31;
	s28 =	sadd.s32 $0x40, s1  }
0x29c: {  	[hbm4b:s28+s3] =	stream.linear.scatter [tilespmem:s15], [sflag:$0x6], $0x80, $0x38;
	[tilespmem:$0xDF00] =	vst v63  }
0x29d: {  	s28 =	sadd.s32 @!p0 $0x4, s24  }
0x29e: {  	s29 =	sadd.s32 $0x50, s1;
	s30 =	smulhi.u32 @!p0 $0x51EB851F, s28  }
0x29f: {  	[hbm4b:s29+s3] =	stream.linear.scatter [tilespmem:s7], [sflag:$0x6], $0x80, $0x38;
	[tilespmem:$0xDF00] =	vst v63  }
0x2a0: {  	s29 =	sshrl.u32 @!p0 s30, $0x4  }
0x2a1: {  	s30 =	sadd.s32 $0x60, s1;
	s31 =	smul.u32 @!p0 $0xFFFFFFCE, s29  }
0x2a2: {  	[hbm4b:s30+s3] =	stream.linear.scatter [tilespmem:s11], [sflag:$0x6], $0x80, $0x38;
	[tilespmem:$0xDF00] =	vst v63  }
0x2a3: {  	s28 =	sadd.s32 @!p0 s28, s31  }
0x2a4: {  	p1 =	sne.s32 @!p0 s28, $0x0  }
0x2a5: {  	p1 =	por p1, p0  }
0x2a6: {  	s29 =	sshll.u32 @!p1 s29, $0x5  }
0x2a7: {  	s29 =	sor.u32 @!p1 s4, s29  }
0x2a8: {  	v28 =	vlaneseq.u32 @!p0;
	s1 =	sadd.s32 $0x70, s1;
	s29 =	smul.u32 @!p1 $0x320, s29  }
0x2a9: {  	v28 =	vmul.u32 @!p0 $0x32, v28;
	[hbm4b:s1+s3] =	stream.linear.scatter [tilespmem:s9], [sflag:$0x6], $0x80, $0x38;
	[tilespmem:$0xDF00] =	vst v63  }
0x2aa: {  	s1 =	sadd.s32 @!p1 s5, s29;
	s29 =	simm.s32 @!p1 $0x0  }
0x2ab: {  	v29 =	vadd.s32 @!p0 s28, v28;
	[tilespmem:s29], [sflag:$0x7] =	stream.linear.gather @!p1 [hbm4b:s1+s29], $0x1900, $0x38;
	[tilespmem:$0xDF00] =	vst v63  }
0x2ac: {  	s1 =	simm.s32 @!p1 $0x7  }
0x2ad: {  	_ =	swait.ge @!p1 [sflag:s1], $0x1900  }
0x2ae: {  	[sflag:s1] =	ssyncset.done @!p1 $0x0  }
0x2af: {  	[sflag:s1] =	ssyncadd.s32 @!p1 $0xFFFFE700;
	s1 =	simm.s32 @!p0 $0x0  }
0x2b0: {  	s29 =	sadd.s32 @!p0 $0x320, s28;
	v29 =	vld.idx.msk @!p0 [tilespmem:v29+s1+$0x0], $0xffff  }
0x2b1: {  	v30 =	vadd.s32 @!p0 s29, v28;
	_ =	sdelay $0x3  }
0x2b2: {  	[tilespmem:$0x1900] =	vst @!p0 v29  }
0x2b3: {  	s29 =	sadd.s32 @!p0 $0x640, s28;
	v29 =	vld.idx.msk @!p0 [tilespmem:v30+s1+$0x0], $0xffff  }
0x2b4: {  	v30 =	vadd.s32 @!p0 s29, v28;
	_ =	sdelay $0x3  }
0x2b5: {  	[tilespmem:$0x1910] =	vst @!p0 v29  }
0x2b6: {  	s29 =	sadd.s32 @!p0 $0x960, s28;
	v29 =	vld.idx.msk @!p0 [tilespmem:v30+s1+$0x0], $0xffff  }
0x2b7: {  	v30 =	vadd.s32 @!p0 s29, v28;
	_ =	sdelay $0x3  }
0x2b8: {  	[tilespmem:$0x1920] =	vst @!p0 v29  }
0x2b9: {  	s29 =	sadd.s32 @!p0 $0xC80, s28;
	v29 =	vld.idx.msk @!p0 [tilespmem:v30+s1+$0x0], $0xffff  }
0x2ba: {  	v30 =	vadd.s32 @!p0 s29, v28;
	_ =	sdelay $0x3  }
0x2bb: {  	[tilespmem:$0x1930] =	vst @!p0 v29  }
0x2bc: {  	s29 =	sadd.s32 @!p0 $0xFA0, s28;
	v29 =	vld.idx.msk @!p0 [tilespmem:v30+s1+$0x0], $0xffff  }
0x2bd: {  	v30 =	vadd.s32 @!p0 s29, v28;
	_ =	sdelay $0x3  }
0x2be: {  	[tilespmem:$0x1940] =	vst @!p0 v29  }
0x2bf: {  	s29 =	sadd.s32 @!p0 $0x12C0, s28;
	v29 =	vld.idx.msk @!p0 [tilespmem:v30+s1+$0x0], $0xffff  }
0x2c0: {  	v30 =	vadd.s32 @!p0 s29, v28;
	_ =	sdelay $0x3  }
0x2c1: {  	[tilespmem:$0x1950] =	vst @!p0 v29  }
0x2c2: {  	s28 =	sadd.s32 @!p0 $0x15E0, s28;
	v29 =	vld.idx.msk @!p0 [tilespmem:v30+s1+$0x0], $0xffff  }
0x2c3: {  	v28 =	vadd.s32 @!p0 s28, v28;
	_ =	sdelay $0x3  }
0x2c4: {  	[tilespmem:$0x1960] =	vst @!p0 v29  }
0x2c5: {  	v28 =	vld.idx.msk @!p0 [tilespmem:v28+s1+$0x0], $0xffff;
	_ =	sdelay $0x4  }
0x2c6: {  	s28 =	simm.s32 @!p0 $0x1900;
	s29 =	simm.s32 @!p0 $0x1B00;
	s1 =	simm.s32 @!p0 $0x80;
	[tilespmem:$0x1970] =	vst @!p0 v28  }
0x2c7: {  	[tilespmem:s29], [sflag:$0x1] =	stream.indirect.gather @!p0 [hbm4b:s6+s1], $0x40, s28, s1, $0xb8;
	[tilespmem:$0xDF00] =	vst v63  }
0x2c8: {  	_ =	swait.ge [sflag:s17], $0x2000  }
0x2c9: {  	[sflag:s17] =	ssyncset.done $0x0  }
0x2ca: {  	[sflag:s17] =	ssyncadd.s32 $0xFFFFE000  }
0x2cb: {  	_ =	swait.ge [sflag:s20], $0x400  }
0x2cc: {  	[sflag:s20] =	ssyncset.done $0x0  }
0x2cd: {  	[sflag:s20] =	ssyncadd.s32 $0xFFFFFC00  }
0x2ce: {  	_ =	swait.ge [sflag:s20], $0x400  }
0x2cf: {  	[sflag:s20] =	ssyncset.done $0x0  }
0x2d0: {  	[sflag:s20] =	ssyncadd.s32 $0xFFFFFC00  }
0x2d1: {  	_ =	swait.ge [sflag:s20], $0x400  }
0x2d2: {  	[sflag:s20] =	ssyncset.done $0x0  }
0x2d3: {  	[sflag:s20] =	ssyncadd.s32 $0xFFFFFC00  }
0x2d4: {  	_ =	swait.ge [sflag:s20], $0x400  }
0x2d5: {  	[sflag:s20] =	ssyncset.done $0x0  }
0x2d6: {  	[sflag:s20] =	ssyncadd.s32 $0xFFFFFC00  }
0x2d7: {  	_ =	swait.ge [sflag:s20], $0x400  }
0x2d8: {  	[sflag:s20] =	ssyncset.done $0x0  }
0x2d9: {  	[sflag:s20] =	ssyncadd.s32 $0xFFFFFC00  }
0x2da: {  	_ =	swait.ge [sflag:s20], $0x400  }
0x2db: {  	[sflag:s20] =	ssyncset.done $0x0  }
0x2dc: {  	[sflag:s20] =	ssyncadd.s32 $0xFFFFFC00  }
0x2dd: {  	_ =	swait.ge [sflag:s20], $0x400  }
0x2de: {  	[sflag:s20] =	ssyncset.done $0x0  }
0x2df: {  	s12 =	simm.s32 $0x0;
	[sflag:s20] =	ssyncadd.s32 $0xFFFFFC00  }
0x2e0: {  	v28 =	vmov s12;
	_ =	swait.ge [sflag:s20], $0x400  }
0x2e1: {  	v29 =	vand.u32 $0x78, v28;
	[sflag:s20] =	ssyncset.done $0x0  }
0x2e2: {  	s31 =	simm.s32 $0x0;
	v28 =	vand.u32 $0x4, v28;
	v30 =	vadd.s32 v21, v29;
	[sflag:s20] =	ssyncadd.s32 $0xFFFFFC00  }
0x2e3: {  	v50 =	vor.u32 v28, v30;
	v31 =	vld [tilespmem:s31+$0x5B00];
	_ =	sdelay $0x4  }
0x2e4: {  	[tilespmem:v50+s19+$0x0] =	vst.idx.msk $0xffff, v31;
	v31 =	vadd.s32 v25, v29  }
0x2e5: {  	v32 =	vld [tilespmem:s31+$0x5B10];
	v51 =	vor.u32 v28, v31;
	_ =	sdelay $0x4  }
0x2e6: {  	v52 =	vadd.s32 v26, v29;
	[tilespmem:v51+s19+$0x0] =	vst.idx.msk $0xffff, v32  }
0x2e7: {  	v53 =	vor.u32 v28, v52;
	v33 =	vld [tilespmem:s31+$0x5B20];
	_ =	sdelay $0x4  }
0x2e8: {  	v29 =	vadd.s32 v27, v29;
	[tilespmem:v53+s19+$0x0] =	vst.idx.msk $0xffff, v33  }
0x2e9: {  	v54 =	vor.u32 v28, v29;
	v33 =	vld [tilespmem:s31+$0x5B30];
	_ =	sdelay $0x4  }
0x2ea: {  	v55 =	vor.u32 $0x1, v28;
	[tilespmem:v54+s19+$0x0] =	vst.idx.msk $0xffff, v33  }
0x2eb: {  	v56 =	vor.u32 v55, v30;
	v34 =	vld [tilespmem:s31+$0x5B40];
	_ =	sdelay $0x4  }
0x2ec: {  	[tilespmem:v56+s19+$0x0] =	vst.idx.msk $0xffff, v34  }
0x2ed: {  	v57 =	vor.u32 v55, v31;
	v34 =	vld [tilespmem:s31+$0x5B50];
	_ =	sdelay $0x4  }
0x2ee: {  	[tilespmem:v57+s19+$0x0] =	vst.idx.msk $0xffff, v34  }
0x2ef: {  	v58 =	vor.u32 v55, v52;
	v34 =	vld [tilespmem:s31+$0x5B60];
	_ =	sdelay $0x4  }
0x2f0: {  	[tilespmem:v58+s19+$0x0] =	vst.idx.msk $0xffff, v34  }
0x2f1: {  	v33 =	vor.u32 v55, v29;
	v34 =	vld [tilespmem:s31+$0x5B70];
	_ =	sdelay $0x4  }
0x2f2: {  	v59 =	vor.u32 $0x2, v28;
	[tilespmem:v33+s19+$0x0] =	vst.idx.msk $0xffff, v34  }
0x2f3: {  	v60 =	vor.u32 v59, v30;
	v34 =	vld [tilespmem:s31+$0x5B80];
	_ =	sdelay $0x4  }
0x2f4: {  	[tilespmem:v60+s19+$0x0] =	vst.idx.msk $0xffff, v34  }
0x2f5: {  	v61 =	vor.u32 v59, v31;
	v34 =	vld [tilespmem:s31+$0x5B90];
	_ =	sdelay $0x4  }
0x2f6: {  	[tilespmem:v61+s19+$0x0] =	vst.idx.msk $0xffff, v34  }
0x2f7: {  	v62 =	vor.u32 v59, v52;
	v34 =	vld [tilespmem:s31+$0x5BA0];
	_ =	sdelay $0x4  }
0x2f8: {  	[tilespmem:v62+s19+$0x0] =	vst.idx.msk $0xffff, v34  }
0x2f9: {  	v33 =	vor.u32 v59, v29;
	v34 =	vld [tilespmem:s31+$0x5BB0];
	_ =	sdelay $0x4  }
0x2fa: {  	v63 =	vor.u32 $0x3, v28;
	[tilespmem:v33+s19+$0x0] =	vst.idx.msk $0xffff, v34  }
0x2fb: {  	v30 =	vor.u32 v63, v30;
	v28 =	vld [tilespmem:s31+$0x5BC0];
	_ =	sdelay $0x4  }
0x2fc: {  	[tilespmem:v30+s19+$0x0] =	vst.idx.msk $0xffff, v28  }
0x2fd: {  	v30 =	vor.u32 v63, v31;
	v28 =	vld [tilespmem:s31+$0x5BD0];
	_ =	sdelay $0x4  }
0x2fe: {  	[tilespmem:v30+s19+$0x0] =	vst.idx.msk $0xffff, v28  }
0x2ff: {  	v30 =	vor.u32 v63, v52;
	v28 =	vld [tilespmem:s31+$0x5BE0];
	_ =	sdelay $0x4  }
0x300: {  	[tilespmem:v30+s19+$0x0] =	vst.idx.msk $0xffff, v28  }
0x301: {  	v29 =	vor.u32 v63, v29;
	v28 =	vld [tilespmem:s31+$0x5BF0];
	_ =	sdelay $0x1  }
0x302: {  	s28 =	simm.s32 $0x4  }
0x303: {  	s30 =	simm.s32 $0x800;
	s29 =	simm.s32 $0x400;
	v30 =	vmov s28  }
.LBB2_7:
0x304: {  	p1 =	sne.s32 s30, $0x7C00;
	v31 =	vand.u32 $0x78, v30  }
0x305: {  	s1 =	sshra.s32 s29, $0x2;
	v30 =	vand.u32 $0x4, v30;
	s29 =	smov.u32 s30;
	v32 =	vadd.s32 v21, v31;
	[tilespmem:v29+s19+$0x0] =	vst.idx.msk $0xffff, v28  }
0x306: {  	v28 =	vld [tilespmem:s1+$0x5B00];
	v29 =	vor.u32 v30, v32;
	_ =	sdelay $0x4  }
0x307: {  	[tilespmem:v29+s19+$0x0] =	vst.idx.msk $0xffff, v28;
	v28 =	vadd.s32 v25, v31  }
0x308: {  	v29 =	vld [tilespmem:s1+$0x5B10];
	v33 =	vor.u32 v30, v28;
	_ =	sdelay $0x4  }
0x309: {  	[tilespmem:v33+s19+$0x0] =	vst.idx.msk $0xffff, v29;
	v29 =	vadd.s32 v26, v31  }
0x30a: {  	v33 =	vld [tilespmem:s1+$0x5B20];
	v34 =	vor.u32 v30, v29;
	_ =	sdelay $0x4  }
0x30b: {  	v31 =	vadd.s32 v27, v31;
	[tilespmem:v34+s19+$0x0] =	vst.idx.msk $0xffff, v33  }
0x30c: {  	v34 =	vor.u32 v30, v31;
	v33 =	vld [tilespmem:s1+$0x5B30];
	_ =	sdelay $0x4  }
0x30d: {  	[tilespmem:v34+s19+$0x0] =	vst.idx.msk $0xffff, v33;
	v33 =	vor.u32 $0x1, v30  }
0x30e: {  	v34 =	vld [tilespmem:s1+$0x5B40];
	v35 =	vor.u32 v33, v32;
	_ =	sdelay $0x4  }
0x30f: {  	[tilespmem:v35+s19+$0x0] =	vst.idx.msk $0xffff, v34  }
0x310: {  	v35 =	vor.u32 v33, v28;
	v34 =	vld [tilespmem:s1+$0x5B50];
	_ =	sdelay $0x4  }
0x311: {  	[tilespmem:v35+s19+$0x0] =	vst.idx.msk $0xffff, v34  }
0x312: {  	v35 =	vor.u32 v33, v29;
	v34 =	vld [tilespmem:s1+$0x5B60];
	_ =	sdelay $0x4  }
0x313: {  	[tilespmem:v35+s19+$0x0] =	vst.idx.msk $0xffff, v34  }
0x314: {  	v33 =	vor.u32 v33, v31;
	v34 =	vld [tilespmem:s1+$0x5B70];
	_ =	sdelay $0x4  }
0x315: {  	[tilespmem:v33+s19+$0x0] =	vst.idx.msk $0xffff, v34;
	v33 =	vor.u32 $0x2, v30  }
0x316: {  	v34 =	vld [tilespmem:s1+$0x5B80];
	v35 =	vor.u32 v33, v32;
	_ =	sdelay $0x4  }
0x317: {  	[tilespmem:v35+s19+$0x0] =	vst.idx.msk $0xffff, v34  }
0x318: {  	v35 =	vor.u32 v33, v28;
	v34 =	vld [tilespmem:s1+$0x5B90];
	_ =	sdelay $0x4  }
0x319: {  	[tilespmem:v35+s19+$0x0] =	vst.idx.msk $0xffff, v34  }
0x31a: {  	v35 =	vor.u32 v33, v29;
	v34 =	vld [tilespmem:s1+$0x5BA0];
	_ =	sdelay $0x4  }
0x31b: {  	[tilespmem:v35+s19+$0x0] =	vst.idx.msk $0xffff, v34  }
0x31c: {  	v33 =	vor.u32 v33, v31;
	v34 =	vld [tilespmem:s1+$0x5BB0];
	_ =	sdelay $0x4  }
0x31d: {  	v30 =	vor.u32 $0x3, v30;
	[tilespmem:v33+s19+$0x0] =	vst.idx.msk $0xffff, v34  }
0x31e: {  	v32 =	vor.u32 v30, v32;
	v33 =	vld [tilespmem:s1+$0x5BC0];
	_ =	sdelay $0x4  }
0x31f: {  	[tilespmem:v32+s19+$0x0] =	vst.idx.msk $0xffff, v33  }
0x320: {  	v28 =	vor.u32 v30, v28;
	v32 =	vld [tilespmem:s1+$0x5BD0];
	_ =	sdelay $0x4  }
0x321: {  	[tilespmem:v28+s19+$0x0] =	vst.idx.msk $0xffff, v32  }
0x322: {  	v29 =	vor.u32 v30, v29;
	v28 =	vld [tilespmem:s1+$0x5BE0];
	_ =	sdelay $0x4  }
.Ltmp4:
0x323: {  	[tilespmem:v29+s19+$0x0] =	vst.idx.msk $0xffff, v28;
	(pc) =	sbr.rel @p1 .LBB2_7-.Ltmp4, $3  }
0x324: {  	v29 =	vor.u32 v30, v31;
	v28 =	vld [tilespmem:s1+$0x5BF0];
	_ =	sdelay $0x1  }
0x325: {  	s28 =	sadd.s32 $0x4, s28  }
0x326: {  	s30 =	sadd.s32 $0x400, s30;
	v30 =	vmov s28  }
0x327: {  	_ =	sdelay $0x2  }
0x328: {  	v31 =	vand.u32 $0x78, v30  }
0x329: {  	s1 =	sshra.s32 s29, $0x2;
	v30 =	vand.u32 $0x4, v30;
	v32 =	vadd.s32 v21, v31;
	[tilespmem:v29+s19+$0x0] =	vst.idx.msk $0xffff, v28  }
0x32a: {  	v28 =	vld [tilespmem:s1+$0x5B00];
	v29 =	vor.u32 v30, v32;
	_ =	sdelay $0x4  }
0x32b: {  	[tilespmem:v29+s19+$0x0] =	vst.idx.msk $0xffff, v28;
	v28 =	vadd.s32 v25, v31  }
0x32c: {  	v29 =	vld [tilespmem:s1+$0x5B10];
	v33 =	vor.u32 v30, v28;
	_ =	sdelay $0x4  }
0x32d: {  	[tilespmem:v33+s19+$0x0] =	vst.idx.msk $0xffff, v29;
	v29 =	vadd.s32 v26, v31  }
0x32e: {  	v33 =	vld [tilespmem:s1+$0x5B20];
	v34 =	vor.u32 v30, v29;
	_ =	sdelay $0x4  }
0x32f: {  	v31 =	vadd.s32 v27, v31;
	[tilespmem:v34+s19+$0x0] =	vst.idx.msk $0xffff, v33  }
0x330: {  	v42 =	vor.u32 v30, v31;
	v33 =	vld [tilespmem:s1+$0x5B30];
	_ =	sdelay $0x4  }
0x331: {  	v43 =	vor.u32 $0x1, v30;
	[tilespmem:v42+s19+$0x0] =	vst.idx.msk $0xffff, v33  }
0x332: {  	v35 =	vor.u32 v43, v32;
	v34 =	vld [tilespmem:s1+$0x5B40];
	_ =	sdelay $0x4  }
0x333: {  	[tilespmem:v35+s19+$0x0] =	vst.idx.msk $0xffff, v34  }
0x334: {  	v44 =	vor.u32 v43, v28;
	v34 =	vld [tilespmem:s1+$0x5B50];
	_ =	sdelay $0x4  }
0x335: {  	[tilespmem:v44+s19+$0x0] =	vst.idx.msk $0xffff, v34  }
0x336: {  	v45 =	vor.u32 v43, v29;
	v34 =	vld [tilespmem:s1+$0x5B60];
	_ =	sdelay $0x4  }
0x337: {  	[tilespmem:v45+s19+$0x0] =	vst.idx.msk $0xffff, v34  }
0x338: {  	v33 =	vor.u32 v43, v31;
	v34 =	vld [tilespmem:s1+$0x5B70];
	_ =	sdelay $0x4  }
0x339: {  	v46 =	vor.u32 $0x2, v30;
	[tilespmem:v33+s19+$0x0] =	vst.idx.msk $0xffff, v34  }
0x33a: {  	v47 =	vor.u32 v46, v32;
	v34 =	vld [tilespmem:s1+$0x5B80];
	_ =	sdelay $0x4  }
0x33b: {  	[tilespmem:v47+s19+$0x0] =	vst.idx.msk $0xffff, v34  }
0x33c: {  	v48 =	vor.u32 v46, v28;
	v34 =	vld [tilespmem:s1+$0x5B90];
	_ =	sdelay $0x4  }
0x33d: {  	[tilespmem:v48+s19+$0x0] =	vst.idx.msk $0xffff, v34  }
0x33e: {  	v49 =	vor.u32 v46, v29;
	v34 =	vld [tilespmem:s1+$0x5BA0];
	_ =	sdelay $0x4  }
0x33f: {  	[tilespmem:v49+s19+$0x0] =	vst.idx.msk $0xffff, v34  }
0x340: {  	v33 =	vor.u32 v46, v31;
	v34 =	vld [tilespmem:s1+$0x5BB0];
	_ =	sdelay $0x4  }
0x341: {  	v30 =	vor.u32 $0x3, v30;
	[tilespmem:v33+s19+$0x0] =	vst.idx.msk $0xffff, v34  }
0x342: {  	v32 =	vor.u32 v30, v32;
	v33 =	vld [tilespmem:s1+$0x5BC0];
	_ =	sdelay $0x4  }
0x343: {  	[tilespmem:v32+s19+$0x0] =	vst.idx.msk $0xffff, v33  }
0x344: {  	v28 =	vor.u32 v30, v28;
	v32 =	vld [tilespmem:s1+$0x5BD0];
	_ =	sdelay $0x4  }
0x345: {  	[tilespmem:v28+s19+$0x0] =	vst.idx.msk $0xffff, v32  }
0x346: {  	s28 =	sor.u32 $0x2, s24;
	v29 =	vor.u32 v30, v29;
	v28 =	vld [tilespmem:s1+$0x5BE0]  }
0x347: {  	s29 =	smulhi.u32 $0x51EB851F, s28;
	_ =	sdelay $0x1  }
0x348: {  	s29 =	sshrl.u32 s29, $0x4  }
0x349: {  	s30 =	smul.u32 $0xFFFFFFCE, s29  }
0x34a: {  	[tilespmem:v29+s19+$0x0] =	vst.idx.msk $0xffff, v28  }
0x34b: {  	s12 =	sadd.s32 s28, s30;
	v29 =	vor.u32 v30, v31;
	v28 =	vld [tilespmem:s1+$0x5BF0]  }
0x34c: {  	s28 =	sshll.u32 s29, $0xF;
	s1 =	sshll.u32 s12, $0x14  }
0x34d: {  	s1 =	sadd.s32 s28, s1  }
0x34e: {  	s1 =	sor.u32 s8, s1  }
0x34f: {  	s28 =	sshrl.u32 s1, $0x3  }
0x350: {  	s28 =	sadd.s32 s2, s28;
	[tilespmem:v29+s19+$0x0] =	vst.idx.msk $0xffff, v28  }
0x351: {  	[hbm4b:s28+s3] =	stream.linear.scatter [tilespmem:s19], [sflag:$0x5], $0x80, $0x38;
	[tilespmem:$0xDF00] =	vst v63  }
0x352: {  	s31 =	simm.s32 $0x9B88;
	s29 =	sadd.s32 $0x10, s28  }
0x353: {  	[hbm4b:s29+s3] =	stream.linear.scatter [tilespmem:s31], [sflag:$0x5], $0x80, $0x38;
	[tilespmem:$0xDF00] =	vst v63  }
0x354: {  	s30 =	simm.s32 $0x9C10;
	s29 =	sadd.s32 $0x20, s28  }
0x355: {  	[hbm4b:s29+s3] =	stream.linear.scatter [tilespmem:s30], [sflag:$0x5], $0x80, $0x38;
	[tilespmem:$0xDF00] =	vst v63  }
0x356: {  	s29 =	sadd.s32 $0x30, s28;
	s30 =	simm.s32 $0x9C98  }
0x357: {  	[hbm4b:s29+s3] =	stream.linear.scatter [tilespmem:s30], [sflag:$0x5], $0x80, $0x38;
	[tilespmem:$0xDF00] =	vst v63  }
0x358: {  	s29 =	sadd.s32 $0x40, s28;
	s30 =	simm.s32 $0x9D20  }
0x359: {  	[hbm4b:s29+s3] =	stream.linear.scatter [tilespmem:s30], [sflag:$0x5], $0x80, $0x38;
	[tilespmem:$0xDF00] =	vst v63  }
0x35a: {  	s29 =	sadd.s32 $0x50, s28;
	s30 =	simm.s32 $0x9DA8  }
0x35b: {  	[hbm4b:s29+s3] =	stream.linear.scatter [tilespmem:s30], [sflag:$0x5], $0x80, $0x38;
	[tilespmem:$0xDF00] =	vst v63  }
0x35c: {  	s29 =	sadd.s32 $0x60, s28;
	s30 =	simm.s32 $0x9E30  }
0x35d: {  	[hbm4b:s29+s3] =	stream.linear.scatter [tilespmem:s30], [sflag:$0x5], $0x80, $0x38;
	[tilespmem:$0xDF00] =	vst v63  }
0x35e: {  	s28 =	sadd.s32 $0x70, s28;
	s29 =	simm.s32 $0x9EB8  }
0x35f: {  	[hbm4b:s28+s3] =	stream.linear.scatter [tilespmem:s29], [sflag:$0x5], $0x80, $0x38;
	[tilespmem:$0xDF00] =	vst v63  }
0x360: {  	s28 =	sadd.s32 $0x20000, s1  }
0x361: {  	s28 =	sshrl.u32 s28, $0x3  }
0x362: {  	s29 =	simm.s32 $0x9F40;
	s28 =	sadd.s32 s2, s28  }
0x363: {  	[hbm4b:s28+s3] =	stream.linear.scatter [tilespmem:s29], [sflag:$0x5], $0x80, $0x38;
	[tilespmem:$0xDF00] =	vst v63  }
0x364: {  	s30 =	simm.s32 $0x9FC8;
	s29 =	sadd.s32 $0x10, s28  }
0x365: {  	[hbm4b:s29+s3] =	stream.linear.scatter [tilespmem:s30], [sflag:$0x5], $0x80, $0x38;
	[tilespmem:$0xDF00] =	vst v63  }
0x366: {  	s29 =	sadd.s32 $0x20, s28;
	s30 =	simm.s32 $0xA050  }
0x367: {  	[hbm4b:s29+s3] =	stream.linear.scatter [tilespmem:s30], [sflag:$0x5], $0x80, $0x38;
	[tilespmem:$0xDF00] =	vst v63  }
0x368: {  	s29 =	sadd.s32 $0x30, s28;
	s30 =	simm.s32 $0xA0D8  }
0x369: {  	[hbm4b:s29+s3] =	stream.linear.scatter [tilespmem:s30], [sflag:$0x5], $0x80, $0x38;
	[tilespmem:$0xDF00] =	vst v63  }
0x36a: {  	s29 =	sadd.s32 $0x40, s28;
	s30 =	simm.s32 $0xA160  }
0x36b: {  	[hbm4b:s29+s3] =	stream.linear.scatter [tilespmem:s30], [sflag:$0x5], $0x80, $0x38;
	[tilespmem:$0xDF00] =	vst v63  }
0x36c: {  	s29 =	sadd.s32 $0x50, s28;
	s30 =	simm.s32 $0xA1E8  }
0x36d: {  	[hbm4b:s29+s3] =	stream.linear.scatter [tilespmem:s30], [sflag:$0x5], $0x80, $0x38;
	[tilespmem:$0xDF00] =	vst v63  }
0x36e: {  	s29 =	sadd.s32 $0x60, s28;
	s30 =	simm.s32 $0xA270  }
0x36f: {  	[hbm4b:s29+s3] =	stream.linear.scatter [tilespmem:s30], [sflag:$0x5], $0x80, $0x38;
	[tilespmem:$0xDF00] =	vst v63  }
0x370: {  	s28 =	sadd.s32 $0x70, s28;
	s29 =	simm.s32 $0xA2F8  }
0x371: {  	[hbm4b:s28+s3] =	stream.linear.scatter [tilespmem:s29], [sflag:$0x5], $0x80, $0x38;
	[tilespmem:$0xDF00] =	vst v63  }
0x372: {  	s28 =	sadd.s32 $0x40000, s1  }
0x373: {  	s28 =	sshrl.u32 s28, $0x3  }
0x374: {  	s29 =	simm.s32 $0xA380;
	s28 =	sadd.s32 s2, s28  }
0x375: {  	[hbm4b:s28+s3] =	stream.linear.scatter [tilespmem:s29], [sflag:$0x5], $0x80, $0x38;
	[tilespmem:$0xDF00] =	vst v63  }
0x376: {  	s30 =	simm.s32 $0xA408;
	s29 =	sadd.s32 $0x10, s28  }
0x377: {  	[hbm4b:s29+s3] =	stream.linear.scatter [tilespmem:s30], [sflag:$0x5], $0x80, $0x38;
	[tilespmem:$0xDF00] =	vst v63  }
0x378: {  	s29 =	sadd.s32 $0x20, s28;
	s30 =	simm.s32 $0xA490  }
0x379: {  	[hbm4b:s29+s3] =	stream.linear.scatter [tilespmem:s30], [sflag:$0x5], $0x80, $0x38;
	[tilespmem:$0xDF00] =	vst v63  }
0x37a: {  	s29 =	sadd.s32 $0x30, s28;
	s30 =	simm.s32 $0xA518  }
0x37b: {  	[hbm4b:s29+s3] =	stream.linear.scatter [tilespmem:s30], [sflag:$0x5], $0x80, $0x38;
	[tilespmem:$0xDF00] =	vst v63  }
0x37c: {  	s29 =	sadd.s32 $0x40, s28;
	s30 =	simm.s32 $0xA5A0  }
0x37d: {  	[hbm4b:s29+s3] =	stream.linear.scatter [tilespmem:s30], [sflag:$0x5], $0x80, $0x38;
	[tilespmem:$0xDF00] =	vst v63  }
0x37e: {  	s29 =	sadd.s32 $0x50, s28;
	s30 =	simm.s32 $0xA628  }
0x37f: {  	[hbm4b:s29+s3] =	stream.linear.scatter [tilespmem:s30], [sflag:$0x5], $0x80, $0x38;
	[tilespmem:$0xDF00] =	vst v63  }
0x380: {  	s29 =	sadd.s32 $0x60, s28;
	s30 =	simm.s32 $0xA6B0  }
0x381: {  	[hbm4b:s29+s3] =	stream.linear.scatter [tilespmem:s30], [sflag:$0x5], $0x80, $0x38;
	[tilespmem:$0xDF00] =	vst v63  }
0x382: {  	s28 =	sadd.s32 $0x70, s28;
	s29 =	simm.s32 $0xA738  }
0x383: {  	[hbm4b:s28+s3] =	stream.linear.scatter [tilespmem:s29], [sflag:$0x5], $0x80, $0x38;
	[tilespmem:$0xDF00] =	vst v63  }
0x384: {  	s28 =	sadd.s32 $0x60000, s1  }
0x385: {  	s28 =	sshrl.u32 s28, $0x3  }
0x386: {  	s29 =	simm.s32 $0xA7C0;
	s28 =	sadd.s32 s2, s28  }
0x387: {  	[hbm4b:s28+s3] =	stream.linear.scatter [tilespmem:s29], [sflag:$0x5], $0x80, $0x38;
	[tilespmem:$0xDF00] =	vst v63  }
0x388: {  	s30 =	simm.s32 $0xA848;
	s29 =	sadd.s32 $0x10, s28  }
0x389: {  	[hbm4b:s29+s3] =	stream.linear.scatter [tilespmem:s30], [sflag:$0x5], $0x80, $0x38;
	[tilespmem:$0xDF00] =	vst v63  }
0x38a: {  	s29 =	sadd.s32 $0x20, s28;
	s30 =	simm.s32 $0xA8D0  }
0x38b: {  	[hbm4b:s29+s3] =	stream.linear.scatter [tilespmem:s30], [sflag:$0x5], $0x80, $0x38;
	[tilespmem:$0xDF00] =	vst v63  }
0x38c: {  	s29 =	sadd.s32 $0x30, s28;
	s30 =	simm.s32 $0xA958  }
0x38d: {  	[hbm4b:s29+s3] =	stream.linear.scatter [tilespmem:s30], [sflag:$0x5], $0x80, $0x38;
	[tilespmem:$0xDF00] =	vst v63  }
0x38e: {  	s29 =	sadd.s32 $0x40, s28;
	s30 =	simm.s32 $0xA9E0  }
0x38f: {  	[hbm4b:s29+s3] =	stream.linear.scatter [tilespmem:s30], [sflag:$0x5], $0x80, $0x38;
	[tilespmem:$0xDF00] =	vst v63  }
0x390: {  	s29 =	sadd.s32 $0x50, s28;
	s30 =	simm.s32 $0xAA68  }
0x391: {  	[hbm4b:s29+s3] =	stream.linear.scatter [tilespmem:s30], [sflag:$0x5], $0x80, $0x38;
	[tilespmem:$0xDF00] =	vst v63  }
0x392: {  	s29 =	sadd.s32 $0x60, s28;
	s30 =	simm.s32 $0xAAF0  }
0x393: {  	[hbm4b:s29+s3] =	stream.linear.scatter [tilespmem:s30], [sflag:$0x5], $0x80, $0x38;
	[tilespmem:$0xDF00] =	vst v63  }
0x394: {  	s28 =	sadd.s32 $0x70, s28;
	s29 =	simm.s32 $0xAB78  }
0x395: {  	[hbm4b:s28+s3] =	stream.linear.scatter [tilespmem:s29], [sflag:$0x5], $0x80, $0x38;
	[tilespmem:$0xDF00] =	vst v63  }
0x396: {  	s28 =	sadd.s32 $0x80000, s1  }
0x397: {  	s28 =	sshrl.u32 s28, $0x3  }
0x398: {  	s29 =	simm.s32 $0xAC00;
	s28 =	sadd.s32 s2, s28  }
0x399: {  	[hbm4b:s28+s3] =	stream.linear.scatter [tilespmem:s29], [sflag:$0x5], $0x80, $0x38;
	[tilespmem:$0xDF00] =	vst v63  }
0x39a: {  	s30 =	simm.s32 $0xAC88;
	s29 =	sadd.s32 $0x10, s28  }
0x39b: {  	[hbm4b:s29+s3] =	stream.linear.scatter [tilespmem:s30], [sflag:$0x5], $0x80, $0x38;
	[tilespmem:$0xDF00] =	vst v63  }
0x39c: {  	s29 =	sadd.s32 $0x20, s28;
	s30 =	simm.s32 $0xAD10  }
0x39d: {  	[hbm4b:s29+s3] =	stream.linear.scatter [tilespmem:s30], [sflag:$0x5], $0x80, $0x38;
	[tilespmem:$0xDF00] =	vst v63  }
0x39e: {  	s29 =	sadd.s32 $0x30, s28;
	s30 =	simm.s32 $0xAD98  }
0x39f: {  	[hbm4b:s29+s3] =	stream.linear.scatter [tilespmem:s30], [sflag:$0x5], $0x80, $0x38;
	[tilespmem:$0xDF00] =	vst v63  }
0x3a0: {  	s29 =	sadd.s32 $0x40, s28;
	s30 =	simm.s32 $0xAE20  }
0x3a1: {  	[hbm4b:s29+s3] =	stream.linear.scatter [tilespmem:s30], [sflag:$0x5], $0x80, $0x38;
	[tilespmem:$0xDF00] =	vst v63  }
0x3a2: {  	s29 =	sadd.s32 $0x50, s28;
	s30 =	simm.s32 $0xAEA8  }
0x3a3: {  	[hbm4b:s29+s3] =	stream.linear.scatter [tilespmem:s30], [sflag:$0x5], $0x80, $0x38;
	[tilespmem:$0xDF00] =	vst v63  }
0x3a4: {  	s29 =	sadd.s32 $0x60, s28;
	s30 =	simm.s32 $0xAF30  }
0x3a5: {  	[hbm4b:s29+s3] =	stream.linear.scatter [tilespmem:s30], [sflag:$0x5], $0x80, $0x38;
	[tilespmem:$0xDF00] =	vst v63  }
0x3a6: {  	s28 =	sadd.s32 $0x70, s28;
	s29 =	simm.s32 $0xAFB8  }
0x3a7: {  	[hbm4b:s28+s3] =	stream.linear.scatter [tilespmem:s29], [sflag:$0x5], $0x80, $0x38;
	[tilespmem:$0xDF00] =	vst v63  }
0x3a8: {  	s28 =	sadd.s32 $0xA0000, s1  }
0x3a9: {  	s28 =	sshrl.u32 s28, $0x3  }
0x3aa: {  	s29 =	simm.s32 $0xB040;
	s28 =	sadd.s32 s2, s28  }
0x3ab: {  	[hbm4b:s28+s3] =	stream.linear.scatter [tilespmem:s29], [sflag:$0x5], $0x80, $0x38;
	[tilespmem:$0xDF00] =	vst v63  }
0x3ac: {  	s30 =	simm.s32 $0xB0C8;
	s29 =	sadd.s32 $0x10, s28  }
0x3ad: {  	[hbm4b:s29+s3] =	stream.linear.scatter [tilespmem:s30], [sflag:$0x5], $0x80, $0x38;
	[tilespmem:$0xDF00] =	vst v63  }
0x3ae: {  	s29 =	sadd.s32 $0x20, s28;
	s30 =	simm.s32 $0xB150  }
0x3af: {  	[hbm4b:s29+s3] =	stream.linear.scatter [tilespmem:s30], [sflag:$0x5], $0x80, $0x38;
	[tilespmem:$0xDF00] =	vst v63  }
0x3b0: {  	s29 =	sadd.s32 $0x30, s28;
	s30 =	simm.s32 $0xB1D8  }
0x3b1: {  	[hbm4b:s29+s3] =	stream.linear.scatter [tilespmem:s30], [sflag:$0x5], $0x80, $0x38;
	[tilespmem:$0xDF00] =	vst v63  }
0x3b2: {  	s29 =	sadd.s32 $0x40, s28;
	s30 =	simm.s32 $0xB260  }
0x3b3: {  	[hbm4b:s29+s3] =	stream.linear.scatter [tilespmem:s30], [sflag:$0x5], $0x80, $0x38;
	[tilespmem:$0xDF00] =	vst v63  }
0x3b4: {  	s29 =	sadd.s32 $0x50, s28;
	s30 =	simm.s32 $0xB2E8  }
0x3b5: {  	[hbm4b:s29+s3] =	stream.linear.scatter [tilespmem:s30], [sflag:$0x5], $0x80, $0x38;
	[tilespmem:$0xDF00] =	vst v63  }
0x3b6: {  	s29 =	sadd.s32 $0x60, s28;
	s30 =	simm.s32 $0xB370  }
0x3b7: {  	[hbm4b:s29+s3] =	stream.linear.scatter [tilespmem:s30], [sflag:$0x5], $0x80, $0x38;
	[tilespmem:$0xDF00] =	vst v63  }
0x3b8: {  	s28 =	sadd.s32 $0x70, s28;
	s29 =	simm.s32 $0xB3F8  }
0x3b9: {  	[hbm4b:s28+s3] =	stream.linear.scatter [tilespmem:s29], [sflag:$0x5], $0x80, $0x38;
	[tilespmem:$0xDF00] =	vst v63  }
0x3ba: {  	s28 =	sadd.s32 $0xC0000, s1  }
0x3bb: {  	s28 =	sshrl.u32 s28, $0x3  }
0x3bc: {  	s29 =	simm.s32 $0xB480;
	s28 =	sadd.s32 s2, s28  }
0x3bd: {  	[hbm4b:s28+s3] =	stream.linear.scatter [tilespmem:s29], [sflag:$0x5], $0x80, $0x38;
	[tilespmem:$0xDF00] =	vst v63  }
0x3be: {  	s30 =	simm.s32 $0xB508;
	s29 =	sadd.s32 $0x10, s28  }
0x3bf: {  	[hbm4b:s29+s3] =	stream.linear.scatter [tilespmem:s30], [sflag:$0x5], $0x80, $0x38;
	[tilespmem:$0xDF00] =	vst v63  }
0x3c0: {  	s29 =	sadd.s32 $0x20, s28;
	s30 =	simm.s32 $0xB590  }
0x3c1: {  	[hbm4b:s29+s3] =	stream.linear.scatter [tilespmem:s30], [sflag:$0x5], $0x80, $0x38;
	[tilespmem:$0xDF00] =	vst v63  }
0x3c2: {  	s29 =	sadd.s32 $0x30, s28;
	s30 =	simm.s32 $0xB618  }
0x3c3: {  	[hbm4b:s29+s3] =	stream.linear.scatter [tilespmem:s30], [sflag:$0x5], $0x80, $0x38;
	[tilespmem:$0xDF00] =	vst v63  }
0x3c4: {  	s29 =	sadd.s32 $0x40, s28;
	s30 =	simm.s32 $0xB6A0  }
0x3c5: {  	[hbm4b:s29+s3] =	stream.linear.scatter [tilespmem:s30], [sflag:$0x5], $0x80, $0x38;
	[tilespmem:$0xDF00] =	vst v63  }
0x3c6: {  	s29 =	sadd.s32 $0x50, s28;
	s30 =	simm.s32 $0xB728  }
0x3c7: {  	[hbm4b:s29+s3] =	stream.linear.scatter [tilespmem:s30], [sflag:$0x5], $0x80, $0x38;
	[tilespmem:$0xDF00] =	vst v63  }
0x3c8: {  	s1 =	sadd.s32 $0xE0000, s1;
	s29 =	sadd.s32 $0x60, s28;
	s30 =	simm.s32 $0xB7B0  }
0x3c9: {  	[hbm4b:s29+s3] =	stream.linear.scatter [tilespmem:s30], [sflag:$0x5], $0x80, $0x38;
	[tilespmem:$0xDF00] =	vst v63  }
0x3ca: {  	s1 =	sshrl.u32 s1, $0x3;
	s28 =	sadd.s32 $0x70, s28;
	s29 =	simm.s32 $0xB838  }
0x3cb: {  	[hbm4b:s28+s3] =	stream.linear.scatter [tilespmem:s29], [sflag:$0x5], $0x80, $0x38;
	[tilespmem:$0xDF00] =	vst v63  }
0x3cc: {  	s1 =	sadd.s32 s2, s1;
	s28 =	simm.s32 $0xB8C0  }
0x3cd: {  	[hbm4b:s1+s3] =	stream.linear.scatter [tilespmem:s28], [sflag:$0x5], $0x80, $0x38;
	[tilespmem:$0xDF00] =	vst v63  }
0x3ce: {  	s29 =	simm.s32 $0xB948;
	s28 =	sadd.s32 $0x10, s1  }
0x3cf: {  	[hbm4b:s28+s3] =	stream.linear.scatter [tilespmem:s29], [sflag:$0x5], $0x80, $0x38;
	[tilespmem:$0xDF00] =	vst v63  }
0x3d0: {  	s28 =	sadd.s32 $0x20, s1;
	s29 =	simm.s32 $0xB9D0  }
0x3d1: {  	[hbm4b:s28+s3] =	stream.linear.scatter [tilespmem:s29], [sflag:$0x5], $0x80, $0x38;
	[tilespmem:$0xDF00] =	vst v63  }
0x3d2: {  	s28 =	sadd.s32 $0x30, s1;
	s29 =	simm.s32 $0xBA58  }
0x3d3: {  	[hbm4b:s28+s3] =	stream.linear.scatter [tilespmem:s29], [sflag:$0x5], $0x80, $0x38;
	[tilespmem:$0xDF00] =	vst v63  }
0x3d4: {  	s28 =	sadd.s32 @!p0 $0x5, s24  }
0x3d5: {  	s12 =	simm.s32 $0xBAE0;
	s29 =	sadd.s32 $0x40, s1;
	s30 =	smulhi.u32 @!p0 $0x51EB851F, s28  }
0x3d6: {  	[hbm4b:s29+s3] =	stream.linear.scatter [tilespmem:s12], [sflag:$0x5], $0x80, $0x38;
	[tilespmem:$0xDF00] =	vst v63  }
0x3d7: {  	s29 =	sshrl.u32 @!p0 s30, $0x4  }
0x3d8: {  	v28 =	vlaneseq.u32 @!p0;
	s12 =	simm.s32 $0xBB68;
	s30 =	sadd.s32 $0x50, s1;
	s29 =	smul.u32 @!p0 $0x32, s29  }
0x3d9: {  	v28 =	vmul.u32 @!p0 $0x32, v28;
	[hbm4b:s30+s3] =	stream.linear.scatter [tilespmem:s12], [sflag:$0x5], $0x80, $0x38;
	[tilespmem:$0xDF00] =	vst v63  }
0x3da: {  	s28 =	ssub.s32 @!p0 s28, s29  }
0x3db: {  	s12 =	simm.s32 $0xBBF0;
	s29 =	sadd.s32 $0x60, s1;
	v29 =	vadd.s32 @!p0 s28, v28  }
0x3dc: {  	[hbm4b:s29+s3] =	stream.linear.scatter [tilespmem:s12], [sflag:$0x5], $0x80, $0x38;
	[tilespmem:$0xDF00] =	vst v63  }
0x3dd: {  	s1 =	sadd.s32 $0x70, s1;
	s12 =	simm.s32 $0xBC78  }
0x3de: {  	[hbm4b:s1+s3] =	stream.linear.scatter [tilespmem:s12], [sflag:$0x5], $0x80, $0x38;
	[tilespmem:$0xDF00] =	vst v63  }
0x3df: {  	s1 =	simm.s32 @!p0 $0x0  }
0x3e0: {  	s29 =	sadd.s32 @!p0 $0x320, s28;
	v29 =	vld.idx.msk @!p0 [tilespmem:v29+s1+$0x0], $0xffff  }
0x3e1: {  	v30 =	vadd.s32 @!p0 s29, v28;
	_ =	sdelay $0x3  }
0x3e2: {  	[tilespmem:$0x1980] =	vst @!p0 v29  }
0x3e3: {  	s29 =	sor.u32 @!p0 $0x640, s28;
	v29 =	vld.idx.msk @!p0 [tilespmem:v30+s1+$0x0], $0xffff  }
0x3e4: {  	v30 =	vadd.s32 @!p0 s29, v28;
	_ =	sdelay $0x3  }
0x3e5: {  	[tilespmem:$0x1990] =	vst @!p0 v29  }
0x3e6: {  	s29 =	sadd.s32 @!p0 $0x960, s28;
	v29 =	vld.idx.msk @!p0 [tilespmem:v30+s1+$0x0], $0xffff  }
0x3e7: {  	v30 =	vadd.s32 @!p0 s29, v28;
	_ =	sdelay $0x3  }
0x3e8: {  	[tilespmem:$0x19A0] =	vst @!p0 v29  }
0x3e9: {  	s29 =	sor.u32 @!p0 $0xC80, s28;
	v29 =	vld.idx.msk @!p0 [tilespmem:v30+s1+$0x0], $0xffff  }
0x3ea: {  	v30 =	vadd.s32 @!p0 s29, v28;
	_ =	sdelay $0x3  }
0x3eb: {  	[tilespmem:$0x19B0] =	vst @!p0 v29  }
0x3ec: {  	s29 =	sadd.s32 @!p0 $0xFA0, s28;
	v29 =	vld.idx.msk @!p0 [tilespmem:v30+s1+$0x0], $0xffff  }
0x3ed: {  	v30 =	vadd.s32 @!p0 s29, v28;
	_ =	sdelay $0x3  }
0x3ee: {  	[tilespmem:$0x19C0] =	vst @!p0 v29  }
0x3ef: {  	s29 =	sor.u32 @!p0 $0x12C0, s28;
	v29 =	vld.idx.msk @!p0 [tilespmem:v30+s1+$0x0], $0xffff  }
0x3f0: {  	v30 =	vadd.s32 @!p0 s29, v28;
	_ =	sdelay $0x3  }
0x3f1: {  	[tilespmem:$0x19D0] =	vst @!p0 v29  }
0x3f2: {  	s28 =	sadd.s32 @!p0 $0x15E0, s28;
	v29 =	vld.idx.msk @!p0 [tilespmem:v30+s1+$0x0], $0xffff  }
0x3f3: {  	v28 =	vadd.s32 @!p0 s28, v28;
	_ =	sdelay $0x3  }
0x3f4: {  	[tilespmem:$0x19E0] =	vst @!p0 v29  }
0x3f5: {  	v28 =	vld.idx.msk @!p0 [tilespmem:v28+s1+$0x0], $0xffff;
	_ =	sdelay $0x4  }
0x3f6: {  	s28 =	simm.s32 @!p0 $0x1980;
	s29 =	simm.s32 @!p0 $0x3B00;
	s1 =	simm.s32 @!p0 $0x80;
	[tilespmem:$0x19F0] =	vst @!p0 v28  }
0x3f7: {  	[tilespmem:s29], [sflag:$0x2] =	stream.indirect.gather @!p0 [hbm4b:s6+s1], $0x40, s28, s1, $0xb8;
	[tilespmem:$0xDF00] =	vst v63  }
0x3f8: {  	_ =	swait.ge [sflag:s21], $0x2000  }
0x3f9: {  	[sflag:s21] =	ssyncset.done $0x0  }
0x3fa: {  	[sflag:s21] =	ssyncadd.s32 $0xFFFFE000  }
0x3fb: {  	_ =	swait.ge [sflag:s22], $0x400  }
0x3fc: {  	[sflag:s22] =	ssyncset.done $0x0  }
0x3fd: {  	[sflag:s22] =	ssyncadd.s32 $0xFFFFFC00  }
0x3fe: {  	_ =	swait.ge [sflag:s22], $0x400  }
0x3ff: {  	[sflag:s22] =	ssyncset.done $0x0  }
0x400: {  	[sflag:s22] =	ssyncadd.s32 $0xFFFFFC00  }
0x401: {  	_ =	swait.ge [sflag:s22], $0x400  }
0x402: {  	[sflag:s22] =	ssyncset.done $0x0  }
0x403: {  	[sflag:s22] =	ssyncadd.s32 $0xFFFFFC00  }
0x404: {  	_ =	swait.ge [sflag:s22], $0x400  }
0x405: {  	[sflag:s22] =	ssyncset.done $0x0  }
0x406: {  	[sflag:s22] =	ssyncadd.s32 $0xFFFFFC00  }
0x407: {  	_ =	swait.ge [sflag:s22], $0x400  }
0x408: {  	[sflag:s22] =	ssyncset.done $0x0  }
0x409: {  	[sflag:s22] =	ssyncadd.s32 $0xFFFFFC00  }
0x40a: {  	_ =	swait.ge [sflag:s22], $0x400  }
0x40b: {  	[sflag:s22] =	ssyncset.done $0x0  }
0x40c: {  	[sflag:s22] =	ssyncadd.s32 $0xFFFFFC00  }
0x40d: {  	_ =	swait.ge [sflag:s22], $0x400  }
0x40e: {  	[sflag:s22] =	ssyncset.done $0x0  }
0x40f: {  	s12 =	simm.s32 $0x0;
	[sflag:s22] =	ssyncadd.s32 $0xFFFFFC00  }
0x410: {  	v28 =	vmov s12;
	_ =	swait.ge [sflag:s22], $0x400  }
0x411: {  	v29 =	vand.u32 $0x78, v28;
	[sflag:s22] =	ssyncset.done $0x0  }
0x412: {  	s12 =	simm.s32 $0x0;
	v28 =	vand.u32 $0x4, v28;
	v30 =	vadd.s32 v21, v29;
	[sflag:s22] =	ssyncadd.s32 $0xFFFFFC00  }
0x413: {  	v50 =	vor.u32 v28, v30;
	v31 =	vld [tilespmem:s12+$0x7B00];
	_ =	sdelay $0x4  }
0x414: {  	[tilespmem:v50+s16+$0x0] =	vst.idx.msk $0xffff, v31;
	v31 =	vadd.s32 v25, v29  }
0x415: {  	v32 =	vld [tilespmem:s12+$0x7B10];
	v51 =	vor.u32 v28, v31;
	_ =	sdelay $0x4  }
0x416: {  	v52 =	vadd.s32 v26, v29;
	[tilespmem:v51+s16+$0x0] =	vst.idx.msk $0xffff, v32  }
0x417: {  	v53 =	vor.u32 v28, v52;
	v33 =	vld [tilespmem:s12+$0x7B20];
	_ =	sdelay $0x4  }
0x418: {  	v29 =	vadd.s32 v27, v29;
	[tilespmem:v53+s16+$0x0] =	vst.idx.msk $0xffff, v33  }
0x419: {  	v54 =	vor.u32 v28, v29;
	v33 =	vld [tilespmem:s12+$0x7B30];
	_ =	sdelay $0x4  }
0x41a: {  	v55 =	vor.u32 $0x1, v28;
	[tilespmem:v54+s16+$0x0] =	vst.idx.msk $0xffff, v33  }
0x41b: {  	v56 =	vor.u32 v55, v30;
	v34 =	vld [tilespmem:s12+$0x7B40];
	_ =	sdelay $0x4  }
0x41c: {  	[tilespmem:v56+s16+$0x0] =	vst.idx.msk $0xffff, v34  }
0x41d: {  	v57 =	vor.u32 v55, v31;
	v34 =	vld [tilespmem:s12+$0x7B50];
	_ =	sdelay $0x4  }
0x41e: {  	[tilespmem:v57+s16+$0x0] =	vst.idx.msk $0xffff, v34  }
0x41f: {  	v58 =	vor.u32 v55, v52;
	v34 =	vld [tilespmem:s12+$0x7B60];
	_ =	sdelay $0x4  }
0x420: {  	[tilespmem:v58+s16+$0x0] =	vst.idx.msk $0xffff, v34  }
0x421: {  	v33 =	vor.u32 v55, v29;
	v34 =	vld [tilespmem:s12+$0x7B70];
	_ =	sdelay $0x4  }
0x422: {  	v59 =	vor.u32 $0x2, v28;
	[tilespmem:v33+s16+$0x0] =	vst.idx.msk $0xffff, v34  }
0x423: {  	v60 =	vor.u32 v59, v30;
	v34 =	vld [tilespmem:s12+$0x7B80];
	_ =	sdelay $0x4  }
0x424: {  	[tilespmem:v60+s16+$0x0] =	vst.idx.msk $0xffff, v34  }
0x425: {  	v61 =	vor.u32 v59, v31;
	v34 =	vld [tilespmem:s12+$0x7B90];
	_ =	sdelay $0x4  }
0x426: {  	[tilespmem:v61+s16+$0x0] =	vst.idx.msk $0xffff, v34  }
0x427: {  	v62 =	vor.u32 v59, v52;
	v34 =	vld [tilespmem:s12+$0x7BA0];
	_ =	sdelay $0x4  }
0x428: {  	[tilespmem:v62+s16+$0x0] =	vst.idx.msk $0xffff, v34  }
0x429: {  	v33 =	vor.u32 v59, v29;
	v34 =	vld [tilespmem:s12+$0x7BB0];
	_ =	sdelay $0x4  }
0x42a: {  	v63 =	vor.u32 $0x3, v28;
	[tilespmem:v33+s16+$0x0] =	vst.idx.msk $0xffff, v34  }
0x42b: {  	v30 =	vor.u32 v63, v30;
	v28 =	vld [tilespmem:s12+$0x7BC0];
	_ =	sdelay $0x4  }
0x42c: {  	[tilespmem:v30+s16+$0x0] =	vst.idx.msk $0xffff, v28  }
0x42d: {  	v30 =	vor.u32 v63, v31;
	v28 =	vld [tilespmem:s12+$0x7BD0];
	_ =	sdelay $0x4  }
0x42e: {  	[tilespmem:v30+s16+$0x0] =	vst.idx.msk $0xffff, v28  }
0x42f: {  	v30 =	vor.u32 v63, v52;
	v28 =	vld [tilespmem:s12+$0x7BE0];
	_ =	sdelay $0x4  }
0x430: {  	[tilespmem:v30+s16+$0x0] =	vst.idx.msk $0xffff, v28  }
0x431: {  	v29 =	vor.u32 v63, v29;
	v28 =	vld [tilespmem:s12+$0x7BF0];
	_ =	sdelay $0x1  }
0x432: {  	s28 =	simm.s32 $0x4  }
0x433: {  	s30 =	simm.s32 $0x800;
	s29 =	simm.s32 $0x400;
	v30 =	vmov s28  }
.LBB2_9:
0x434: {  	p1 =	sne.s32 s30, $0x7C00;
	v31 =	vand.u32 $0x78, v30  }
0x435: {  	s1 =	sshra.s32 s29, $0x2;
	v30 =	vand.u32 $0x4, v30;
	s29 =	smov.u32 s30;
	v32 =	vadd.s32 v21, v31;
	[tilespmem:v29+s16+$0x0] =	vst.idx.msk $0xffff, v28  }
0x436: {  	v28 =	vld [tilespmem:s1+$0x7B00];
	v29 =	vor.u32 v30, v32;
	_ =	sdelay $0x4  }
0x437: {  	[tilespmem:v29+s16+$0x0] =	vst.idx.msk $0xffff, v28;
	v28 =	vadd.s32 v25, v31  }
0x438: {  	v29 =	vld [tilespmem:s1+$0x7B10];
	v33 =	vor.u32 v30, v28;
	_ =	sdelay $0x4  }
0x439: {  	[tilespmem:v33+s16+$0x0] =	vst.idx.msk $0xffff, v29;
	v29 =	vadd.s32 v26, v31  }
0x43a: {  	v33 =	vld [tilespmem:s1+$0x7B20];
	v34 =	vor.u32 v30, v29;
	_ =	sdelay $0x4  }
0x43b: {  	v31 =	vadd.s32 v27, v31;
	[tilespmem:v34+s16+$0x0] =	vst.idx.msk $0xffff, v33  }
0x43c: {  	v34 =	vor.u32 v30, v31;
	v33 =	vld [tilespmem:s1+$0x7B30];
	_ =	sdelay $0x4  }
0x43d: {  	[tilespmem:v34+s16+$0x0] =	vst.idx.msk $0xffff, v33;
	v33 =	vor.u32 $0x1, v30  }
0x43e: {  	v34 =	vld [tilespmem:s1+$0x7B40];
	v35 =	vor.u32 v33, v32;
	_ =	sdelay $0x4  }
0x43f: {  	[tilespmem:v35+s16+$0x0] =	vst.idx.msk $0xffff, v34  }
0x440: {  	v35 =	vor.u32 v33, v28;
	v34 =	vld [tilespmem:s1+$0x7B50];
	_ =	sdelay $0x4  }
0x441: {  	[tilespmem:v35+s16+$0x0] =	vst.idx.msk $0xffff, v34  }
0x442: {  	v35 =	vor.u32 v33, v29;
	v34 =	vld [tilespmem:s1+$0x7B60];
	_ =	sdelay $0x4  }
0x443: {  	[tilespmem:v35+s16+$0x0] =	vst.idx.msk $0xffff, v34  }
0x444: {  	v33 =	vor.u32 v33, v31;
	v34 =	vld [tilespmem:s1+$0x7B70];
	_ =	sdelay $0x4  }
0x445: {  	[tilespmem:v33+s16+$0x0] =	vst.idx.msk $0xffff, v34;
	v33 =	vor.u32 $0x2, v30  }
0x446: {  	v34 =	vld [tilespmem:s1+$0x7B80];
	v35 =	vor.u32 v33, v32;
	_ =	sdelay $0x4  }
0x447: {  	[tilespmem:v35+s16+$0x0] =	vst.idx.msk $0xffff, v34  }
0x448: {  	v35 =	vor.u32 v33, v28;
	v34 =	vld [tilespmem:s1+$0x7B90];
	_ =	sdelay $0x4  }
0x449: {  	[tilespmem:v35+s16+$0x0] =	vst.idx.msk $0xffff, v34  }
0x44a: {  	v35 =	vor.u32 v33, v29;
	v34 =	vld [tilespmem:s1+$0x7BA0];
	_ =	sdelay $0x4  }
0x44b: {  	[tilespmem:v35+s16+$0x0] =	vst.idx.msk $0xffff, v34  }
0x44c: {  	v33 =	vor.u32 v33, v31;
	v34 =	vld [tilespmem:s1+$0x7BB0];
	_ =	sdelay $0x4  }
0x44d: {  	v30 =	vor.u32 $0x3, v30;
	[tilespmem:v33+s16+$0x0] =	vst.idx.msk $0xffff, v34  }
0x44e: {  	v32 =	vor.u32 v30, v32;
	v33 =	vld [tilespmem:s1+$0x7BC0];
	_ =	sdelay $0x4  }
0x44f: {  	[tilespmem:v32+s16+$0x0] =	vst.idx.msk $0xffff, v33  }
0x450: {  	v28 =	vor.u32 v30, v28;
	v32 =	vld [tilespmem:s1+$0x7BD0];
	_ =	sdelay $0x4  }
0x451: {  	[tilespmem:v28+s16+$0x0] =	vst.idx.msk $0xffff, v32  }
0x452: {  	v29 =	vor.u32 v30, v29;
	v28 =	vld [tilespmem:s1+$0x7BE0];
	_ =	sdelay $0x4  }
.Ltmp5:
0x453: {  	[tilespmem:v29+s16+$0x0] =	vst.idx.msk $0xffff, v28;
	(pc) =	sbr.rel @p1 .LBB2_9-.Ltmp5, $3  }
0x454: {  	v29 =	vor.u32 v30, v31;
	v28 =	vld [tilespmem:s1+$0x7BF0];
	_ =	sdelay $0x1  }
0x455: {  	s28 =	sadd.s32 $0x4, s28  }
0x456: {  	s30 =	sadd.s32 $0x400, s30;
	v30 =	vmov s28  }
0x457: {  	_ =	sdelay $0x2  }
0x458: {  	v31 =	vand.u32 $0x78, v30  }
0x459: {  	s1 =	sshra.s32 s29, $0x2;
	v55 =	vand.u32 $0x4, v30;
	v32 =	vadd.s32 v21, v31;
	[tilespmem:v29+s16+$0x0] =	vst.idx.msk $0xffff, v28  }
0x45a: {  	v28 =	vld [tilespmem:s1+$0x7B00];
	v29 =	vor.u32 v55, v32;
	_ =	sdelay $0x4  }
0x45b: {  	[tilespmem:v29+s16+$0x0] =	vst.idx.msk $0xffff, v28;
	v28 =	vadd.s32 v25, v31  }
0x45c: {  	v29 =	vld [tilespmem:s1+$0x7B10];
	v33 =	vor.u32 v55, v28;
	_ =	sdelay $0x4  }
0x45d: {  	[tilespmem:v33+s16+$0x0] =	vst.idx.msk $0xffff, v29;
	v29 =	vadd.s32 v26, v31  }
0x45e: {  	v33 =	vld [tilespmem:s1+$0x7B20];
	v34 =	vor.u32 v55, v29;
	_ =	sdelay $0x4  }
0x45f: {  	v31 =	vadd.s32 v27, v31;
	[tilespmem:v34+s16+$0x0] =	vst.idx.msk $0xffff, v33  }
0x460: {  	v56 =	vor.u32 v55, v31;
	v33 =	vld [tilespmem:s1+$0x7B30];
	_ =	sdelay $0x4  }
0x461: {  	v57 =	vor.u32 $0x1, v55;
	[tilespmem:v56+s16+$0x0] =	vst.idx.msk $0xffff, v33  }
0x462: {  	v35 =	vor.u32 v57, v32;
	v34 =	vld [tilespmem:s1+$0x7B40];
	_ =	sdelay $0x4  }
0x463: {  	[tilespmem:v35+s16+$0x0] =	vst.idx.msk $0xffff, v34  }
0x464: {  	v58 =	vor.u32 v57, v28;
	v34 =	vld [tilespmem:s1+$0x7B50];
	_ =	sdelay $0x4  }
0x465: {  	[tilespmem:v58+s16+$0x0] =	vst.idx.msk $0xffff, v34  }
0x466: {  	v59 =	vor.u32 v57, v29;
	v34 =	vld [tilespmem:s1+$0x7B60];
	_ =	sdelay $0x4  }
0x467: {  	[tilespmem:v59+s16+$0x0] =	vst.idx.msk $0xffff, v34  }
0x468: {  	v33 =	vor.u32 v57, v31;
	v34 =	vld [tilespmem:s1+$0x7B70];
	_ =	sdelay $0x4  }
0x469: {  	v60 =	vor.u32 $0x2, v55;
	[tilespmem:v33+s16+$0x0] =	vst.idx.msk $0xffff, v34  }
0x46a: {  	v61 =	vor.u32 v60, v32;
	v34 =	vld [tilespmem:s1+$0x7B80];
	_ =	sdelay $0x4  }
0x46b: {  	[tilespmem:v61+s16+$0x0] =	vst.idx.msk $0xffff, v34  }
0x46c: {  	v62 =	vor.u32 v60, v28;
	v34 =	vld [tilespmem:s1+$0x7B90];
	_ =	sdelay $0x4  }
0x46d: {  	[tilespmem:v62+s16+$0x0] =	vst.idx.msk $0xffff, v34  }
0x46e: {  	v63 =	vor.u32 v60, v29;
	v34 =	vld [tilespmem:s1+$0x7BA0];
	_ =	sdelay $0x4  }
0x46f: {  	[tilespmem:v63+s16+$0x0] =	vst.idx.msk $0xffff, v34  }
0x470: {  	v33 =	vor.u32 v60, v31;
	v34 =	vld [tilespmem:s1+$0x7BB0];
	_ =	sdelay $0x4  }
0x471: {  	v30 =	vor.u32 $0x3, v55;
	[tilespmem:v33+s16+$0x0] =	vst.idx.msk $0xffff, v34  }
0x472: {  	v32 =	vor.u32 v30, v32;
	v33 =	vld [tilespmem:s1+$0x7BC0];
	_ =	sdelay $0x4  }
0x473: {  	[tilespmem:v32+s16+$0x0] =	vst.idx.msk $0xffff, v33  }
0x474: {  	v28 =	vor.u32 v30, v28;
	v32 =	vld [tilespmem:s1+$0x7BD0];
	_ =	sdelay $0x4  }
0x475: {  	[tilespmem:v28+s16+$0x0] =	vst.idx.msk $0xffff, v32  }
0x476: {  	v29 =	vor.u32 v30, v29;
	v28 =	vld [tilespmem:s1+$0x7BE0];
	_ =	sdelay $0x3  }
0x477: {  	s28 =	smul.u32 $0xFFFFFFCE, s26  }
0x478: {  	[tilespmem:v29+s16+$0x0] =	vst.idx.msk $0xffff, v28  }
0x479: {  	s30 =	sadd.s32 s25, s28;
	v29 =	vor.u32 v30, v31;
	v28 =	vld [tilespmem:s1+$0x7BF0]  }
0x47a: {  	s12 =	sshll.u32 s26, $0xF;
	s1 =	sshll.u32 s30, $0x14  }
0x47b: {  	s1 =	sadd.s32 s12, s1  }
0x47c: {  	s1 =	sor.u32 s8, s1  }
0x47d: {  	s26 =	sshrl.u32 s1, $0x3  }
0x47e: {  	s25 =	sadd.s32 s2, s26;
	[tilespmem:v29+s16+$0x0] =	vst.idx.msk $0xffff, v28  }
0x47f: {  	[hbm4b:s25+s3] =	stream.linear.scatter [tilespmem:s16], [sflag:$0x6], $0x80, $0x38;
	[tilespmem:$0xDF00] =	vst v63  }
0x480: {  	s12 =	simm.s32 $0xBD88;
	s28 =	sadd.s32 $0x10, s25  }
0x481: {  	[hbm4b:s28+s3] =	stream.linear.scatter [tilespmem:s12], [sflag:$0x6], $0x80, $0x38;
	[tilespmem:$0xDF00] =	vst v63  }
0x482: {  	s30 =	simm.s32 $0xBE10;
	s29 =	sadd.s32 $0x20, s25  }
0x483: {  	[hbm4b:s29+s3] =	stream.linear.scatter [tilespmem:s30], [sflag:$0x6], $0x80, $0x38;
	[tilespmem:$0xDF00] =	vst v63  }
0x484: {  	s12 =	sadd.s32 $0x30, s25;
	s28 =	simm.s32 $0xBE98  }
0x485: {  	[hbm4b:s12+s3] =	stream.linear.scatter [tilespmem:s28], [sflag:$0x6], $0x80, $0x38;
	[tilespmem:$0xDF00] =	vst v63  }
0x486: {  	s29 =	sadd.s32 $0x40, s25;
	s30 =	simm.s32 $0xBF20  }
0x487: {  	[hbm4b:s29+s3] =	stream.linear.scatter [tilespmem:s30], [sflag:$0x6], $0x80, $0x38;
	[tilespmem:$0xDF00] =	vst v63  }
0x488: {  	s12 =	sadd.s32 $0x50, s25;
	s28 =	simm.s32 $0xBFA8  }
0x489: {  	[hbm4b:s12+s3] =	stream.linear.scatter [tilespmem:s28], [sflag:$0x6], $0x80, $0x38;
	[tilespmem:$0xDF00] =	vst v63  }
0x48a: {  	s29 =	sadd.s32 $0x60, s25;
	s30 =	simm.s32 $0xC030  }
0x48b: {  	[hbm4b:s29+s3] =	stream.linear.scatter [tilespmem:s30], [sflag:$0x6], $0x80, $0x38;
	[tilespmem:$0xDF00] =	vst v63  }
0x48c: {  	s25 =	sadd.s32 $0x70, s25;
	s28 =	simm.s32 $0xC0B8;
	s29 =	sadd.s32 $0x20000, s1  }
0x48d: {  	[hbm4b:s25+s3] =	stream.linear.scatter [tilespmem:s28], [sflag:$0x6], $0x80, $0x38;
	[tilespmem:$0xDF00] =	vst v63  }
0x48e: {  	s25 =	sshrl.u32 s29, $0x3  }
0x48f: {  	s30 =	simm.s32 $0xC140;
	s25 =	sadd.s32 s2, s25  }
0x490: {  	[hbm4b:s25+s3] =	stream.linear.scatter [tilespmem:s30], [sflag:$0x6], $0x80, $0x38;
	[tilespmem:$0xDF00] =	vst v63  }
0x491: {  	s28 =	simm.s32 $0xC1C8;
	s12 =	sadd.s32 $0x10, s25  }
0x492: {  	[hbm4b:s12+s3] =	stream.linear.scatter [tilespmem:s28], [sflag:$0x6], $0x80, $0x38;
	[tilespmem:$0xDF00] =	vst v63  }
0x493: {  	s29 =	sadd.s32 $0x20, s25;
	s30 =	simm.s32 $0xC250  }
0x494: {  	[hbm4b:s29+s3] =	stream.linear.scatter [tilespmem:s30], [sflag:$0x6], $0x80, $0x38;
	[tilespmem:$0xDF00] =	vst v63  }
0x495: {  	s12 =	sadd.s32 $0x30, s25;
	s28 =	simm.s32 $0xC2D8  }
0x496: {  	[hbm4b:s12+s3] =	stream.linear.scatter [tilespmem:s28], [sflag:$0x6], $0x80, $0x38;
	[tilespmem:$0xDF00] =	vst v63  }
0x497: {  	s29 =	sadd.s32 $0x40, s25;
	s30 =	simm.s32 $0xC360  }
0x498: {  	[hbm4b:s29+s3] =	stream.linear.scatter [tilespmem:s30], [sflag:$0x6], $0x80, $0x38;
	[tilespmem:$0xDF00] =	vst v63  }
0x499: {  	s12 =	sadd.s32 $0x50, s25;
	s28 =	simm.s32 $0xC3E8  }
0x49a: {  	[hbm4b:s12+s3] =	stream.linear.scatter [tilespmem:s28], [sflag:$0x6], $0x80, $0x38;
	[tilespmem:$0xDF00] =	vst v63  }
0x49b: {  	s29 =	sadd.s32 $0x60, s25;
	s30 =	simm.s32 $0xC470  }
0x49c: {  	[hbm4b:s29+s3] =	stream.linear.scatter [tilespmem:s30], [sflag:$0x6], $0x80, $0x38;
	[tilespmem:$0xDF00] =	vst v63  }
0x49d: {  	s25 =	sadd.s32 $0x70, s25;
	s28 =	simm.s32 $0xC4F8;
	s29 =	sadd.s32 $0x40000, s1  }
0x49e: {  	[hbm4b:s25+s3] =	stream.linear.scatter [tilespmem:s28], [sflag:$0x6], $0x80, $0x38;
	[tilespmem:$0xDF00] =	vst v63  }
0x49f: {  	s25 =	sshrl.u32 s29, $0x3  }
0x4a0: {  	s30 =	simm.s32 $0xC580;
	s25 =	sadd.s32 s2, s25  }
0x4a1: {  	[hbm4b:s25+s3] =	stream.linear.scatter [tilespmem:s30], [sflag:$0x6], $0x80, $0x38;
	[tilespmem:$0xDF00] =	vst v63  }
0x4a2: {  	s28 =	simm.s32 $0xC608;
	s12 =	sadd.s32 $0x10, s25  }
0x4a3: {  	[hbm4b:s12+s3] =	stream.linear.scatter [tilespmem:s28], [sflag:$0x6], $0x80, $0x38;
	[tilespmem:$0xDF00] =	vst v63  }
0x4a4: {  	s29 =	sadd.s32 $0x20, s25;
	s30 =	simm.s32 $0xC690  }
0x4a5: {  	[hbm4b:s29+s3] =	stream.linear.scatter [tilespmem:s30], [sflag:$0x6], $0x80, $0x38;
	[tilespmem:$0xDF00] =	vst v63  }
0x4a6: {  	s12 =	sadd.s32 $0x30, s25;
	s28 =	simm.s32 $0xC718  }
0x4a7: {  	[hbm4b:s12+s3] =	stream.linear.scatter [tilespmem:s28], [sflag:$0x6], $0x80, $0x38;
	[tilespmem:$0xDF00] =	vst v63  }
0x4a8: {  	s29 =	sadd.s32 $0x40, s25;
	s30 =	simm.s32 $0xC7A0  }
0x4a9: {  	[hbm4b:s29+s3] =	stream.linear.scatter [tilespmem:s30], [sflag:$0x6], $0x80, $0x38;
	[tilespmem:$0xDF00] =	vst v63  }
0x4aa: {  	s12 =	sadd.s32 $0x50, s25;
	s28 =	simm.s32 $0xC828  }
0x4ab: {  	[hbm4b:s12+s3] =	stream.linear.scatter [tilespmem:s28], [sflag:$0x6], $0x80, $0x38;
	[tilespmem:$0xDF00] =	vst v63  }
0x4ac: {  	s29 =	sadd.s32 $0x60, s25;
	s30 =	simm.s32 $0xC8B0  }
0x4ad: {  	[hbm4b:s29+s3] =	stream.linear.scatter [tilespmem:s30], [sflag:$0x6], $0x80, $0x38;
	[tilespmem:$0xDF00] =	vst v63  }
0x4ae: {  	s25 =	sadd.s32 $0x70, s25;
	s28 =	simm.s32 $0xC938;
	s29 =	sadd.s32 $0x60000, s1  }
0x4af: {  	[hbm4b:s25+s3] =	stream.linear.scatter [tilespmem:s28], [sflag:$0x6], $0x80, $0x38;
	[tilespmem:$0xDF00] =	vst v63  }
0x4b0: {  	s25 =	sshrl.u32 s29, $0x3  }
0x4b1: {  	s30 =	simm.s32 $0xC9C0;
	s25 =	sadd.s32 s2, s25  }
0x4b2: {  	[hbm4b:s25+s3] =	stream.linear.scatter [tilespmem:s30], [sflag:$0x6], $0x80, $0x38;
	[tilespmem:$0xDF00] =	vst v63  }
0x4b3: {  	s28 =	simm.s32 $0xCA48;
	s12 =	sadd.s32 $0x10, s25  }
0x4b4: {  	[hbm4b:s12+s3] =	stream.linear.scatter [tilespmem:s28], [sflag:$0x6], $0x80, $0x38;
	[tilespmem:$0xDF00] =	vst v63  }
0x4b5: {  	s29 =	sadd.s32 $0x20, s25;
	s30 =	simm.s32 $0xCAD0  }
0x4b6: {  	[hbm4b:s29+s3] =	stream.linear.scatter [tilespmem:s30], [sflag:$0x6], $0x80, $0x38;
	[tilespmem:$0xDF00] =	vst v63  }
0x4b7: {  	s12 =	sadd.s32 $0x30, s25;
	s28 =	simm.s32 $0xCB58  }
0x4b8: {  	[hbm4b:s12+s3] =	stream.linear.scatter [tilespmem:s28], [sflag:$0x6], $0x80, $0x38;
	[tilespmem:$0xDF00] =	vst v63  }
0x4b9: {  	s29 =	sadd.s32 $0x40, s25;
	s30 =	simm.s32 $0xCBE0  }
0x4ba: {  	[hbm4b:s29+s3] =	stream.linear.scatter [tilespmem:s30], [sflag:$0x6], $0x80, $0x38;
	[tilespmem:$0xDF00] =	vst v63  }
0x4bb: {  	s12 =	sadd.s32 $0x50, s25;
	s28 =	simm.s32 $0xCC68  }
0x4bc: {  	[hbm4b:s12+s3] =	stream.linear.scatter [tilespmem:s28], [sflag:$0x6], $0x80, $0x38;
	[tilespmem:$0xDF00] =	vst v63  }
0x4bd: {  	s29 =	sadd.s32 $0x60, s25;
	s30 =	simm.s32 $0xCCF0  }
0x4be: {  	[hbm4b:s29+s3] =	stream.linear.scatter [tilespmem:s30], [sflag:$0x6], $0x80, $0x38;
	[tilespmem:$0xDF00] =	vst v63  }
0x4bf: {  	s25 =	sadd.s32 $0x70, s25;
	s28 =	simm.s32 $0xCD78;
	s29 =	sadd.s32 $0x80000, s1  }
0x4c0: {  	[hbm4b:s25+s3] =	stream.linear.scatter [tilespmem:s28], [sflag:$0x6], $0x80, $0x38;
	[tilespmem:$0xDF00] =	vst v63  }
0x4c1: {  	s25 =	sshrl.u32 s29, $0x3  }
0x4c2: {  	s30 =	simm.s32 $0xCE00;
	s25 =	sadd.s32 s2, s25  }
0x4c3: {  	[hbm4b:s25+s3] =	stream.linear.scatter [tilespmem:s30], [sflag:$0x6], $0x80, $0x38;
	[tilespmem:$0xDF00] =	vst v63  }
0x4c4: {  	s28 =	simm.s32 $0xCE88;
	s12 =	sadd.s32 $0x10, s25  }
0x4c5: {  	[hbm4b:s12+s3] =	stream.linear.scatter [tilespmem:s28], [sflag:$0x6], $0x80, $0x38;
	[tilespmem:$0xDF00] =	vst v63  }
0x4c6: {  	s29 =	sadd.s32 $0x20, s25;
	s30 =	simm.s32 $0xCF10  }
0x4c7: {  	[hbm4b:s29+s3] =	stream.linear.scatter [tilespmem:s30], [sflag:$0x6], $0x80, $0x38;
	[tilespmem:$0xDF00] =	vst v63  }
0x4c8: {  	s12 =	sadd.s32 $0x30, s25;
	s28 =	simm.s32 $0xCF98  }
0x4c9: {  	[hbm4b:s12+s3] =	stream.linear.scatter [tilespmem:s28], [sflag:$0x6], $0x80, $0x38;
	[tilespmem:$0xDF00] =	vst v63  }
0x4ca: {  	s29 =	sadd.s32 $0x40, s25;
	s30 =	simm.s32 $0xD020  }
0x4cb: {  	[hbm4b:s29+s3] =	stream.linear.scatter [tilespmem:s30], [sflag:$0x6], $0x80, $0x38;
	[tilespmem:$0xDF00] =	vst v63  }
0x4cc: {  	s12 =	sadd.s32 $0x50, s25;
	s28 =	simm.s32 $0xD0A8  }
0x4cd: {  	[hbm4b:s12+s3] =	stream.linear.scatter [tilespmem:s28], [sflag:$0x6], $0x80, $0x38;
	[tilespmem:$0xDF00] =	vst v63  }
0x4ce: {  	s29 =	sadd.s32 $0x60, s25;
	s30 =	simm.s32 $0xD130  }
0x4cf: {  	[hbm4b:s29+s3] =	stream.linear.scatter [tilespmem:s30], [sflag:$0x6], $0x80, $0x38;
	[tilespmem:$0xDF00] =	vst v63  }
0x4d0: {  	s25 =	sadd.s32 $0x70, s25;
	s28 =	simm.s32 $0xD1B8;
	s29 =	sadd.s32 $0xA0000, s1  }
0x4d1: {  	[hbm4b:s25+s3] =	stream.linear.scatter [tilespmem:s28], [sflag:$0x6], $0x80, $0x38;
	[tilespmem:$0xDF00] =	vst v63  }
0x4d2: {  	s25 =	sshrl.u32 s29, $0x3  }
0x4d3: {  	s30 =	simm.s32 $0xD240;
	s25 =	sadd.s32 s2, s25  }
0x4d4: {  	[hbm4b:s25+s3] =	stream.linear.scatter [tilespmem:s30], [sflag:$0x6], $0x80, $0x38;
	[tilespmem:$0xDF00] =	vst v63  }
0x4d5: {  	s28 =	simm.s32 $0xD2C8;
	s12 =	sadd.s32 $0x10, s25  }
0x4d6: {  	[hbm4b:s12+s3] =	stream.linear.scatter [tilespmem:s28], [sflag:$0x6], $0x80, $0x38;
	[tilespmem:$0xDF00] =	vst v63  }
0x4d7: {  	s29 =	sadd.s32 $0x20, s25;
	s30 =	simm.s32 $0xD350  }
0x4d8: {  	[hbm4b:s29+s3] =	stream.linear.scatter [tilespmem:s30], [sflag:$0x6], $0x80, $0x38;
	[tilespmem:$0xDF00] =	vst v63  }
0x4d9: {  	s12 =	sadd.s32 $0x30, s25;
	s28 =	simm.s32 $0xD3D8  }
0x4da: {  	[hbm4b:s12+s3] =	stream.linear.scatter [tilespmem:s28], [sflag:$0x6], $0x80, $0x38;
	[tilespmem:$0xDF00] =	vst v63  }
0x4db: {  	s29 =	sadd.s32 $0x40, s25;
	s30 =	simm.s32 $0xD460  }
0x4dc: {  	[hbm4b:s29+s3] =	stream.linear.scatter [tilespmem:s30], [sflag:$0x6], $0x80, $0x38;
	[tilespmem:$0xDF00] =	vst v63  }
0x4dd: {  	s12 =	sadd.s32 $0x50, s25;
	s28 =	simm.s32 $0xD4E8  }
0x4de: {  	[hbm4b:s12+s3] =	stream.linear.scatter [tilespmem:s28], [sflag:$0x6], $0x80, $0x38;
	[tilespmem:$0xDF00] =	vst v63  }
0x4df: {  	s29 =	sadd.s32 $0x60, s25;
	s30 =	simm.s32 $0xD570  }
0x4e0: {  	[hbm4b:s29+s3] =	stream.linear.scatter [tilespmem:s30], [sflag:$0x6], $0x80, $0x38;
	[tilespmem:$0xDF00] =	vst v63  }
0x4e1: {  	s25 =	sadd.s32 $0x70, s25;
	s28 =	simm.s32 $0xD5F8;
	s29 =	sadd.s32 $0xC0000, s1  }
0x4e2: {  	[hbm4b:s25+s3] =	stream.linear.scatter [tilespmem:s28], [sflag:$0x6], $0x80, $0x38;
	[tilespmem:$0xDF00] =	vst v63  }
0x4e3: {  	s25 =	sshrl.u32 s29, $0x3  }
0x4e4: {  	s30 =	simm.s32 $0xD680;
	s25 =	sadd.s32 s2, s25  }
0x4e5: {  	[hbm4b:s25+s3] =	stream.linear.scatter [tilespmem:s30], [sflag:$0x6], $0x80, $0x38;
	[tilespmem:$0xDF00] =	vst v63  }
0x4e6: {  	s28 =	simm.s32 $0xD708;
	s12 =	sadd.s32 $0x10, s25  }
0x4e7: {  	[hbm4b:s12+s3] =	stream.linear.scatter [tilespmem:s28], [sflag:$0x6], $0x80, $0x38;
	[tilespmem:$0xDF00] =	vst v63  }
0x4e8: {  	s29 =	sadd.s32 $0x20, s25;
	s30 =	simm.s32 $0xD790  }
0x4e9: {  	[hbm4b:s29+s3] =	stream.linear.scatter [tilespmem:s30], [sflag:$0x6], $0x80, $0x38;
	[tilespmem:$0xDF00] =	vst v63  }
0x4ea: {  	s12 =	sadd.s32 $0x30, s25;
	s28 =	simm.s32 $0xD818  }
0x4eb: {  	[hbm4b:s12+s3] =	stream.linear.scatter [tilespmem:s28], [sflag:$0x6], $0x80, $0x38;
	[tilespmem:$0xDF00] =	vst v63  }
0x4ec: {  	s29 =	sadd.s32 $0x40, s25;
	s30 =	simm.s32 $0xD8A0  }
0x4ed: {  	[hbm4b:s29+s3] =	stream.linear.scatter [tilespmem:s30], [sflag:$0x6], $0x80, $0x38;
	[tilespmem:$0xDF00] =	vst v63  }
0x4ee: {  	s12 =	sadd.s32 $0x50, s25;
	s28 =	simm.s32 $0xD928  }
0x4ef: {  	[hbm4b:s12+s3] =	stream.linear.scatter [tilespmem:s28], [sflag:$0x6], $0x80, $0x38;
	[tilespmem:$0xDF00] =	vst v63  }
0x4f0: {  	s1 =	sadd.s32 $0xE0000, s1;
	s29 =	sadd.s32 $0x60, s25;
	s30 =	simm.s32 $0xD9B0  }
0x4f1: {  	[hbm4b:s29+s3] =	stream.linear.scatter [tilespmem:s30], [sflag:$0x6], $0x80, $0x38;
	[tilespmem:$0xDF00] =	vst v63  }
0x4f2: {  	s26 =	simm.s32 $0xDA38;
	s1 =	sshrl.u32 s1, $0x3;
	s25 =	sadd.s32 $0x70, s25  }
0x4f3: {  	[hbm4b:s25+s3] =	stream.linear.scatter [tilespmem:s26], [sflag:$0x6], $0x80, $0x38;
	[tilespmem:$0xDF00] =	vst v63  }
0x4f4: {  	s1 =	sadd.s32 s2, s1;
	s28 =	simm.s32 $0xDAC0  }
0x4f5: {  	[hbm4b:s1+s3] =	stream.linear.scatter [tilespmem:s28], [sflag:$0x6], $0x80, $0x38;
	[tilespmem:$0xDF00] =	vst v63  }
0x4f6: {  	s29 =	sadd.s32 $0x10, s1;
	s30 =	simm.s32 $0xDB48  }
0x4f7: {  	[hbm4b:s29+s3] =	stream.linear.scatter [tilespmem:s30], [sflag:$0x6], $0x80, $0x38;
	[tilespmem:$0xDF00] =	vst v63  }
0x4f8: {  	s12 =	sadd.s32 $0x20, s1  }
0x4f9: {  	[hbm4b:s12+s3] =	stream.linear.scatter [tilespmem:s13], [sflag:$0x6], $0x80, $0x38;
	[tilespmem:$0xDF00] =	vst v63  }
0x4fa: {  	s26 =	sadd.s32 $0x30, s1  }
0x4fb: {  	[hbm4b:s26+s3] =	stream.linear.scatter [tilespmem:s14], [sflag:$0x6], $0x80, $0x38;
	[tilespmem:$0xDF00] =	vst v63  }
0x4fc: {  	s28 =	sadd.s32 $0x40, s1  }
0x4fd: {  	[hbm4b:s28+s3] =	stream.linear.scatter [tilespmem:s15], [sflag:$0x6], $0x80, $0x38;
	[tilespmem:$0xDF00] =	vst v63  }
0x4fe: {  	s29 =	sadd.s32 $0x50, s1  }
0x4ff: {  	[hbm4b:s29+s3] =	stream.linear.scatter [tilespmem:s7], [sflag:$0x6], $0x80, $0x38;
	[tilespmem:$0xDF00] =	vst v63  }
.Ltmp6:
0x500: {  	_ = 	snop;
	(pc) =	sbr.rel @p0 .LBB2_12-.Ltmp6, $4  }
0x501: {  	s30 =	sadd.s32 $0x60, s1  }
0x502: {  	[hbm4b:s30+s3] =	stream.linear.scatter [tilespmem:s11], [sflag:$0x6], $0x80, $0x38;
	[tilespmem:$0xDF00] =	vst v63  }
0x503: {  	s1 =	sadd.s32 $0x70, s1  }
0x504: {  	[hbm4b:s1+s3] =	stream.linear.scatter [tilespmem:s9], [sflag:$0x6], $0x80, $0x38;
	[tilespmem:$0xDF00] =	vst v63  }
0x505: {  	s1 =	sadd.s32 $0x6, s24  }
0x506: {  	s24 =	smulhi.u32 $0x51EB851F, s1;
	_ =	sdelay $0x1  }
0x507: {  	s24 =	sshrl.u32 s24, $0x4  }
0x508: {  	s25 =	smul.u32 $0xFFFFFFCE, s24;
	_ =	sdelay $0x1  }
0x509: {  	s1 =	sadd.s32 s1, s25  }
0x50a: {  	p0 =	sne.s32 s1, $0x0  }
0x50b: {  	s24 =	sshll.u32 @!p0 s24, $0x5  }
0x50c: {  	s24 =	sor.u32 @!p0 s4, s24  }
0x50d: {  	s24 =	smul.u32 @!p0 $0x320, s24;
	_ =	sdelay $0x1  }
0x50e: {  	s25 =	simm.s32 @!p0 $0x0;
	s24 =	sadd.s32 @!p0 s5, s24  }
0x50f: {  	v28 =	vadd.s32 s1, v0;
	[tilespmem:s25], [sflag:$0x7] =	stream.linear.gather @!p0 [hbm4b:s24+s25], $0x1900, $0x38;
	[tilespmem:$0xDF00] =	vst v63  }
0x510: {  	s24 =	simm.s32 @!p0 $0x7  }
0x511: {  	_ =	swait.ge @!p0 [sflag:s24], $0x1900  }
0x512: {  	[sflag:s24] =	ssyncset.done @!p0 $0x0  }
0x513: {  	[sflag:s24] =	ssyncadd.s32 @!p0 $0xFFFFE700  }
0x514: {  	s29 =	sadd.s32 $0x320, s1;
	v28 =	vld.idx.msk [tilespmem:v28+s3+$0x0], $0xffff  }
0x515: {  	v29 =	vadd.s32 s29, v0;
	_ =	sdelay $0x3  }
0x516: {  	[tilespmem:$0x1A00] =	vst v28  }
0x517: {  	s30 =	sadd.s32 $0x640, s1;
	v28 =	vld.idx.msk [tilespmem:v29+s3+$0x0], $0xffff  }
0x518: {  	v29 =	vadd.s32 s30, v0;
	_ =	sdelay $0x3  }
0x519: {  	[tilespmem:$0x1A10] =	vst v28  }
0x51a: {  	s12 =	sadd.s32 $0x960, s1;
	v28 =	vld.idx.msk [tilespmem:v29+s3+$0x0], $0xffff  }
0x51b: {  	v29 =	vadd.s32 s12, v0;
	_ =	sdelay $0x3  }
0x51c: {  	[tilespmem:$0x1A20] =	vst v28  }
0x51d: {  	s25 =	sadd.s32 $0xC80, s1;
	v28 =	vld.idx.msk [tilespmem:v29+s3+$0x0], $0xffff  }
0x51e: {  	v29 =	vadd.s32 s25, v0;
	_ =	sdelay $0x3  }
0x51f: {  	[tilespmem:$0x1A30] =	vst v28  }
0x520: {  	s26 =	sadd.s32 $0xFA0, s1;
	v28 =	vld.idx.msk [tilespmem:v29+s3+$0x0], $0xffff  }
0x521: {  	v29 =	vadd.s32 s26, v0;
	_ =	sdelay $0x3  }
0x522: {  	[tilespmem:$0x1A40] =	vst v28  }
0x523: {  	s28 =	sadd.s32 $0x12C0, s1;
	v28 =	vld.idx.msk [tilespmem:v29+s3+$0x0], $0xffff  }
0x524: {  	v29 =	vadd.s32 s28, v0;
	_ =	sdelay $0x3  }
0x525: {  	[tilespmem:$0x1A50] =	vst v28  }
0x526: {  	s1 =	sadd.s32 $0x15E0, s1;
	v28 =	vld.idx.msk [tilespmem:v29+s3+$0x0], $0xffff  }
0x527: {  	v29 =	vadd.s32 s1, v0;
	_ =	sdelay $0x3  }
0x528: {  	[tilespmem:$0x1A60] =	vst v28  }
0x529: {  	v28 =	vld.idx.msk [tilespmem:v29+s3+$0x0], $0xffff;
	_ =	sdelay $0x1  }
.Ltmp7:
0x52a: {  	_ = 	snop;
	(pc) =	sbr.rel .LBB2_2-.Ltmp7, $3  }
0x52b: {  	_ =	sdelay $0x1  }
0x52c: {  	s23 =	sadd.s32 $0x1, s23;
	s29 =	simm.s32 $0x1A00;
	s30 =	simm.s32 $0x5B00;
	[tilespmem:$0x1A70] =	vst v28  }
0x52d: {  	[tilespmem:s30], [sflag:$0x3] =	stream.indirect.gather [hbm4b:s6+s0], $0x40, s29, s0, $0xb8;
	[tilespmem:$0xDF00] =	vst v63  }
.LBB2_13:
0x52e: {  	_ =	sfence.sel $0x180000  }
0x52f: {  	[bflag:$0x0] =	sbarrier.arrive $0xFFFF  }
0x530: {  	_ =	strace $0x90000047  }
0x531: {  	s0 =	stileid.u32;
	[bflag:$0x2] =	sbarrier.arrive $0xFFFF  }
0x532: {  	p0 =	sne.s32 s0, $0x0;
	s0 =	rddreg [dreg:$0x2]  }
0x533: {  	s0 =	sadd.s32 @!p0 $0x100000, s0  }
0x534: {  	[sflag:s0] =	ssyncadd.tile.s32 @!p0 $0x1;
	_ =	shalt  }
.Lfunc_end2:
_tile_overlayer_lowered:
.L_overlay_start_2:
0x535: {  	(tag) =	ssettag $0x2  }
0x536: {  	s0 =	rddreg [dreg:$0x0];
	s2 =	stileid.u32  }
0x537: {  	s1 =	rddreg [dreg:$0x1];
	p0 =	sne.s32 s2, $0x0  }
0x538: {  	s3 =	rddreg [dreg:$0x2];
	[bflag:$0x3] =	sbarrier.arrive $0xFFFF;
	s2 =	simm.s32 @!p0 $0x1C07  }
0x539: {  	[timem:s3], [sflag:s2] =	dma.local @!p0 [hbm:s0], s1  }
0x53a: {  	s0 =	simm.s32 @!p0 $0x7  }
0x53b: {  	_ =	swait.ge @!p0 [sflag:s0], s1  }
0x53c: {  	s1 =	ssub.s32 @!p0 $0x0, s1;
	[sflag:s0] =	ssyncset.done @!p0 $0x0  }
0x53d: {  	[sflag:s0] =	ssyncadd.s32 @!p0 s1  }
0x53e: {  	[bflag:$0x3] =	sbarrier.arrive $0xFFFF  }
0x53f: {  	_ =	shalt  }

</sc_bundles>
